<compile_context>
chip_gen: v7x
topology: tpu7x:2x2x1
jax: 0.10.2.dev20260603
libtpu: 0.0.44.dev20260713+nightly
codegen_flags: <defaults>
</compile_context>

<pallas_src>
import functools

import jax
import jax.numpy as jnp
from jax import lax
from jax.experimental import pallas as pl
from jax.experimental.pallas import tpu as pltpu
from jax.experimental.pallas import tpu_sc as plsc

N = 10000
E = 320000
D = 128
NC = 2
NS = 16
L = 16
NW = NC * NS
CH = 128
N_CHUNKS = E // CH
N_PAD = 10240
RPT = N_PAD // NS

_mesh = plsc.VectorSubcoreMesh(core_axis_name="c", subcore_axis_name="s",
                               num_cores=NC, num_subcores=NS)


def _worker_chunk_range(wid):
    c0 = (wid * N_CHUNKS) // NW
    c1 = ((wid + 1) * N_CHUNKS) // NW
    return c0, c1


def _fill_rows(ref, value):
    vec = jnp.full((L,), value, dtype=jnp.float32)
    width = ref.shape[-1]

    def body(r, _):
        for j in range(width // L):
            ref[r, pl.ds(j * L, L)] = vec
        return _

    lax.fori_loop(0, ref.shape[0], body, None)


CPW = 80
SEG = 32
C0 = 96
C1 = 64
NB = 2
ND = 4


@functools.partial(
    pl.kernel,
    out_type=jax.ShapeDtypeStruct((NC, N_PAD, D), jnp.float32),
    mesh=_mesh,
    scratch_types=[
        pltpu.VMEM((CPW, CH), jnp.int32),
        pltpu.VMEM((CH, D), jnp.float32),
        pltpu.VMEM_SHARED((N_PAD, D), jnp.float32),
        pltpu.SemaphoreType.DMA((ND,)),
    ],
)
def _deg_kernel(idxm_hbm, out_hbm, idx_all, cbuf, tab, ssem):
    cid = lax.axis_index("c")
    tid = lax.axis_index("s")
    wid = tid * NC + cid
    base = tid * RPT

    _fill_rows(cbuf, 0.0)
    for j in range(RPT // CH):
        pltpu.sync_copy(cbuf, tab.at[pl.ds(base + j * CH, CH)])
    _fill_rows(cbuf, 1.0)
    plsc.subcore_barrier()

    pltpu.sync_copy(idxm_hbm.at[wid], idx_all)

    def body(j, _):
        b = lax.bitwise_and(j, ND - 1)

        @pl.when(j >= ND)
        def _drain():
            pltpu.make_async_copy(cbuf, tab.at[idx_all.at[j - ND]],
                                  ssem.at[b]).wait()

        pltpu.async_copy(cbuf, tab.at[idx_all.at[j]], ssem.at[b], add=True)
        return _

    lax.fori_loop(0, CPW, body, None)
    for d in range(ND):
        pltpu.make_async_copy(cbuf, tab.at[idx_all.at[CPW - ND + d]],
                              ssem.at[d]).wait()
    plsc.subcore_barrier()

    pltpu.sync_copy(tab.at[pl.ds(base, RPT)],
                    out_hbm.at[cid, pl.ds(base, RPT)])




@functools.partial(
    pl.kernel,
    out_type=jax.ShapeDtypeStruct((NC, N_PAD, D), jnp.float32),
    mesh=_mesh,
    scratch_types=[
        pltpu.VMEM((SEG, CH), jnp.int32),
        pltpu.VMEM((SEG, CH), jnp.int32),
        pltpu.VMEM((NB, CH, D), jnp.float32),
        pltpu.VMEM_SHARED((N_PAD, D), jnp.float32),
        pltpu.SemaphoreType.DMA((NB,)),
    ],
)
def _agg_kernel(y_hbm, s0_hbm, d0_hbm, s1_hbm, d1_hbm, out_hbm,
                sidx, didx, rows, acc, gsem):
    cid = lax.axis_index("c")
    tid = lax.axis_index("s")
    base = tid * RPT

    _fill_rows(rows.at[0], 0.0)
    for j in range(RPT // CH):
        pltpu.sync_copy(rows.at[0], acc.at[pl.ds(base + j * CH, CH)])
    plsc.subcore_barrier()

    def run(sm, dm, n_seg):
        for g in range(n_seg):
            pltpu.sync_copy(sm.at[tid, pl.ds(g * SEG, SEG)], sidx)
            pltpu.sync_copy(dm.at[tid, pl.ds(g * SEG, SEG)], didx)
            for b in range(NB):
                pltpu.async_copy(y_hbm.at[sidx.at[b]], rows.at[b], gsem.at[b])

            def body(j, _):
                b = lax.bitwise_and(j, NB - 1)
                pltpu.make_async_copy(y_hbm.at[sidx.at[j]], rows.at[b],
                                      gsem.at[b]).wait()
                pltpu.sync_copy(rows.at[b], acc.at[didx.at[j]], add=True)
                nxt = j + NB

                @pl.when(nxt < SEG)
                def _issue():
                    pltpu.async_copy(y_hbm.at[sidx.at[nxt]], rows.at[b],
                                     gsem.at[b])

                return _

            lax.fori_loop(0, SEG, body, None)

    @pl.when(cid == 0)
    def _c0():
        run(s0_hbm, d0_hbm, C0 // SEG)

    @pl.when(cid == 1)
    def _c1():
        run(s1_hbm, d1_hbm, C1 // SEG)

    plsc.subcore_barrier()

    pltpu.sync_copy(acc.at[pl.ds(base, RPT)],
                    out_hbm.at[cid, pl.ds(base, RPT)])


def _norm_from_deg(deg_cols):
    deg = deg_cols[:, 0:1] + deg_cols[:, 1:2]
    return lax.rsqrt(jnp.where(deg > 0, deg, 1.0))


_MB = 2000


def _prescale_body(x_ref, dsrc_ref, o_ref):
    o_ref[...] = x_ref[...] * _norm_from_deg(dsrc_ref[...])


def _prescale(x, dsrc_t):
    grid = N // _MB
    return pl.pallas_call(
        _prescale_body,
        grid=(grid,),
        in_specs=[
            pl.BlockSpec((_MB, D), lambda i: (i, 0)),
            pl.BlockSpec((_MB, 2), lambda i: (i, 0)),
        ],
        out_specs=pl.BlockSpec((_MB, D), lambda i: (i, 0)),
        out_shape=jax.ShapeDtypeStruct((N, D), jnp.float32),
    )(x, dsrc_t)


def _make_mm_body(scale_out):
    def body(p_ref, ddst_ref, dsrc_ref, w_ref, b_ref, o_ref):
        agg = (p_ref[0] + p_ref[1]) * _norm_from_deg(ddst_ref[...])
        h = jnp.dot(agg, w_ref[...], preferred_element_type=jnp.float32)
        h = h + b_ref[...]
        if scale_out:
            h = h * _norm_from_deg(dsrc_ref[...])
        o_ref[...] = h
    return body


def _mm(p, ddst_t, dsrc_t, w, b, scale_out):
    grid = N // _MB
    return pl.pallas_call(
        _make_mm_body(scale_out),
        grid=(grid,),
        in_specs=[
            pl.BlockSpec((NC, _MB, D), lambda i: (0, i, 0)),
            pl.BlockSpec((_MB, 2), lambda i: (i, 0)),
            pl.BlockSpec((_MB, 2), lambda i: (i, 0)),
            pl.BlockSpec((D, D), lambda i: (0, 0)),
            pl.BlockSpec((1, D), lambda i: (0, 0)),
        ],
        out_specs=pl.BlockSpec((_MB, D), lambda i: (i, 0)),
        out_shape=jax.ShapeDtypeStruct((N, D), jnp.float32),
    )(p, ddst_t, dsrc_t, w, b)


def kernel(in_feat, edge_index, W1, b1, W2, b2):
    src = edge_index[0].astype(jnp.int32)
    dst = edge_index[1].astype(jnp.int32)
    pad = NW * CPW * CH - E
    trash = N + jnp.arange(pad, dtype=jnp.int32) % (N_PAD - N)
    gpad = jnp.arange(pad, dtype=jnp.int32) % N
    srcf = jnp.concatenate([src, gpad])
    dstf = jnp.concatenate([dst, trash])
    ne0 = NS * C0 * CH
    s0 = srcf[:ne0].reshape(NS, C0, CH)
    d0 = dstf[:ne0].reshape(NS, C0, CH)
    s1 = srcf[ne0:].reshape(NS, C1, CH)
    d1 = dstf[ne0:].reshape(NS, C1, CH)
    srcd = jnp.concatenate([src, trash]).reshape(NW, CPW, CH)
    dstm = dstf.reshape(NW, CPW, CH)

    dsrc_t = _deg_kernel(srcd)[:, :N, 0].T
    ddst_t = _deg_kernel(dstm)[:, :N, 0].T

    y0 = _prescale(in_feat, dsrc_t)
    p1 = _agg_kernel(y0, s0, d0, s1, d1)
    y1 = _mm(p1, ddst_t, dsrc_t, W1, b1.reshape(1, D), scale_out=True)
    p2 = _agg_kernel(y1, s0, d0, s1, d1)
    h2 = _mm(p2, ddst_t, dsrc_t, W2, b2.reshape(1, D), scale_out=False)
    return h2

# --- scband reference (transcript-rebuilt; emitter-appended) ---
"""Pipeline reference for scband-gcn-with-feature-64914135712500 (READ-ONLY COPY).

The authoritative reference and input builder live on the scoring server;
editing this copy changes nothing except your own understanding.
"""

import jax, jax.numpy as jnp
import numpy as np

N_NODES = 10000
N_EDGES = 320000
D_IN = 128
D_H = 128


def setup_inputs(seed: int = 0) -> dict:
    key = jax.random.key(seed)
    k1, k2, k3, k4 = jax.random.split(key, 4)
    x = jax.random.normal(k1, (N_NODES, D_IN), dtype=jnp.float32)
    edge_index = jax.random.randint(k2, (2, N_EDGES), 0, N_NODES)
    W1 = jax.random.normal(k3, (D_IN, D_H), dtype=jnp.float32) * (1.0 / np.sqrt(D_IN))
    b1 = jnp.zeros((D_H,), dtype=jnp.float32)
    W2 = jax.random.normal(k4, (D_H, D_H), dtype=jnp.float32) * (1.0 / np.sqrt(D_H))
    b2 = jnp.zeros((D_H,), dtype=jnp.float32)
    return {"in_feat": x, "edge_index": edge_index, "W1": W1, "b1": b1, "W2": W2, "b2": b2}


def _graph_conv(x, W, b, src, dst, n_nodes):
    # DGL GraphConv with norm='both': D_dst^{-1/2} A D_src^{-1/2} X W + b
    ones = jnp.ones((src.shape[0],), dtype=jnp.float32)
    deg_out = jnp.zeros((n_nodes,), dtype=jnp.float32).at[src].add(ones)
    deg_in = jnp.zeros((n_nodes,), dtype=jnp.float32).at[dst].add(ones)
    norm_src = jnp.where(deg_out > 0, deg_out, 1.0) ** -0.5
    norm_dst = jnp.where(deg_in > 0, deg_in, 1.0) ** -0.5
    h = x * norm_src[:, None]
    msgs = jnp.take(h, src, axis=0)
    agg = jax.ops.segment_sum(msgs, dst, num_segments=n_nodes)
    agg = agg * norm_dst[:, None]
    return agg @ W + b


def reference(in_feat, edge_index, W1, b1, W2, b2):
    src = edge_index[0]
    dst = edge_index[1]
    n = in_feat.shape[0]
    # conv1
    h = _graph_conv(in_feat, W1, b1, src, dst, n)
    # prop_step=2, relu=False, so no relu/dropout between layers; eval mode
    h = _graph_conv(h, W2, b2, src, dst, n)
    return h

if __name__ == "__main__":
    import jax
    _d = setup_inputs()
    print(jax.jit(kernel)(*tuple(_d.values())))

</pallas_src>

<mosaic_0001>
#map = affine_map<(d0, d1) -> (0, 0)>
#map1 = affine_map<(d0, d1) -> (0, 0, 0)>
module attributes {stable_mosaic.version = 14 : i64} {
  func.func @_agg_kernel(%arg0: i32, %arg1: i32, %arg2: memref<10000x128xf32, #tpu.memory_space<hbm>>, %arg3: memref<16x96x128xi32, #tpu.memory_space<hbm>>, %arg4: memref<16x96x128xi32, #tpu.memory_space<hbm>>, %arg5: memref<16x64x128xi32, #tpu.memory_space<hbm>>, %arg6: memref<16x64x128xi32, #tpu.memory_space<hbm>>, %arg7: memref<2x10240x128xf32, #tpu.memory_space<hbm>>, %arg8: memref<32x128xi32, #tpu.memory_space<vmem>>, %arg9: memref<32x128xi32, #tpu.memory_space<vmem>>, %arg10: memref<2x128x128xf32, #tpu.memory_space<vmem>>, %arg11: memref<10240x128xf32, #tpu.memory_space<vmem_shared>>, %arg12: memref<2x!tpu.dma_semaphore, #tpu.memory_space<semaphore_mem>>) attributes {dimension_semantics = [#tpu.dimension_semantics<core_parallel>, #tpu.dimension_semantics<subcore_parallel>], iteration_bounds = array<i64: 2, 16>, scalar_prefetch = 0 : i64, scratch_operands = 5 : i64, tpu.core_type = #tpu.core_type<sc_vector_subcore>, window_params = [{transform_indices = #map}, {transform_indices = #map1}, {transform_indices = #map1}, {transform_indices = #map1}, {transform_indices = #map1}, {transform_indices = #map1}]} {
    %mul3A = arith.constant 640 : i32
    %mul3A_0 = arith.muli %arg1, %mul3A : i32
    %broadcast_in_dim3A = arith.constant 0.000000e+00 : f32
    %broadcast_in_dim3A_1 = vector.broadcast %broadcast_in_dim3A : f32 to vector<16xf32>
    %scan3A = arith.constant 0 : i32
    %scan3A_2 = arith.constant 0 : i32
    %scan3A_3 = arith.constant 128 : i32
    %scan3A_4 = arith.addi %scan3A_2, %scan3A_3 : i32
    %scan3A_5 = arith.constant 1 : i32
    scf.for %scan3A_28 = %scan3A_2 to %scan3A_4 step %scan3A_5  : i32 {
      %swap3A = arith.constant 0 : i32
      %swap3A_29 = arith.constant 0 : i32
      %swap3A_30 = tpu.memref_slice %arg10[%scan3A, %swap3A, %swap3A_29] : memref<2x128x128xf32, #tpu.memory_space<vmem>> -> memref<1x128x128xf32, #tpu.memory_space<vmem>>
      %swap3A_31 = tpu.memref_squeeze %swap3A_30 : memref<1x128x128xf32, #tpu.memory_space<vmem>> -> memref<128x128xf32, #tpu.memory_space<vmem>>
      %swap3A_32 = arith.index_cast %scan3A_28 : i32 to index
      %swap3A_33 = arith.constant 0 : index
      %swap3A_34 = tpu.vector_load %swap3A_31[%swap3A_32, %swap3A_33] {strides = array<i32>} : memref<128x128xf32, #tpu.memory_space<vmem>>, vector<1x16xf32>,
      %swap3A_35 = vector.shape_cast %swap3A_34 : vector<1x16xf32> to vector<16xf32>
      %swap3A_36 = vector.shape_cast %broadcast_in_dim3A_1 : vector<16xf32> to vector<1x16xf32>
      tpu.vector_store %swap3A_31[%swap3A_32, %swap3A_33], %swap3A_36 {strides = array<i32>} : memref<128x128xf32, #tpu.memory_space<vmem>>, vector<1x16xf32>,
      %swap3A_37 = arith.constant 0 : i32
      %swap3A_38 = arith.constant 0 : i32
      %swap3A_39 = tpu.memref_slice %arg10[%scan3A, %swap3A_37, %swap3A_38] : memref<2x128x128xf32, #tpu.memory_space<vmem>> -> memref<1x128x128xf32, #tpu.memory_space<vmem>>
      %swap3A_40 = tpu.memref_squeeze %swap3A_39 : memref<1x128x128xf32, #tpu.memory_space<vmem>> -> memref<128x128xf32, #tpu.memory_space<vmem>>
      %swap3A_41 = arith.index_cast %scan3A_28 : i32 to index
      %swap3A_42 = arith.constant 16 : index
      %swap3A_43 = tpu.vector_load %swap3A_40[%swap3A_41, %swap3A_42] {strides = array<i32>} : memref<128x128xf32, #tpu.memory_space<vmem>>, vector<1x16xf32>,
      %swap3A_44 = vector.shape_cast %swap3A_43 : vector<1x16xf32> to vector<16xf32>
      %swap3A_45 = vector.shape_cast %broadcast_in_dim3A_1 : vector<16xf32> to vector<1x16xf32>
      tpu.vector_store %swap3A_40[%swap3A_41, %swap3A_42], %swap3A_45 {strides = array<i32>} : memref<128x128xf32, #tpu.memory_space<vmem>>, vector<1x16xf32>,
      %swap3A_46 = arith.constant 0 : i32
      %swap3A_47 = arith.constant 0 : i32
      %swap3A_48 = tpu.memref_slice %arg10[%scan3A, %swap3A_46, %swap3A_47] : memref<2x128x128xf32, #tpu.memory_space<vmem>> -> memref<1x128x128xf32, #tpu.memory_space<vmem>>
      %swap3A_49 = tpu.memref_squeeze %swap3A_48 : memref<1x128x128xf32, #tpu.memory_space<vmem>> -> memref<128x128xf32, #tpu.memory_space<vmem>>
      %swap3A_50 = arith.index_cast %scan3A_28 : i32 to index
      %swap3A_51 = arith.constant 32 : index
      %swap3A_52 = tpu.vector_load %swap3A_49[%swap3A_50, %swap3A_51] {strides = array<i32>} : memref<128x128xf32, #tpu.memory_space<vmem>>, vector<1x16xf32>,
      %swap3A_53 = vector.shape_cast %swap3A_52 : vector<1x16xf32> to vector<16xf32>
      %swap3A_54 = vector.shape_cast %broadcast_in_dim3A_1 : vector<16xf32> to vector<1x16xf32>
      tpu.vector_store %swap3A_49[%swap3A_50, %swap3A_51], %swap3A_54 {strides = array<i32>} : memref<128x128xf32, #tpu.memory_space<vmem>>, vector<1x16xf32>,
      %swap3A_55 = arith.constant 0 : i32
      %swap3A_56 = arith.constant 0 : i32
      %swap3A_57 = tpu.memref_slice %arg10[%scan3A, %swap3A_55, %swap3A_56] : memref<2x128x128xf32, #tpu.memory_space<vmem>> -> memref<1x128x128xf32, #tpu.memory_space<vmem>>
      %swap3A_58 = tpu.memref_squeeze %swap3A_57 : memref<1x128x128xf32, #tpu.memory_space<vmem>> -> memref<128x128xf32, #tpu.memory_space<vmem>>
      %swap3A_59 = arith.index_cast %scan3A_28 : i32 to index
      %swap3A_60 = arith.constant 48 : index
      %swap3A_61 = tpu.vector_load %swap3A_58[%swap3A_59, %swap3A_60] {strides = array<i32>} : memref<128x128xf32, #tpu.memory_space<vmem>>, vector<1x16xf32>,
      %swap3A_62 = vector.shape_cast %swap3A_61 : vector<1x16xf32> to vector<16xf32>
      %swap3A_63 = vector.shape_cast %broadcast_in_dim3A_1 : vector<16xf32> to vector<1x16xf32>
      tpu.vector_store %swap3A_58[%swap3A_59, %swap3A_60], %swap3A_63 {strides = array<i32>} : memref<128x128xf32, #tpu.memory_space<vmem>>, vector<1x16xf32>,
      %swap3A_64 = arith.constant 0 : i32
      %swap3A_65 = arith.constant 0 : i32
      %swap3A_66 = tpu.memref_slice %arg10[%scan3A, %swap3A_64, %swap3A_65] : memref<2x128x128xf32, #tpu.memory_space<vmem>> -> memref<1x128x128xf32, #tpu.memory_space<vmem>>
      %swap3A_67 = tpu.memref_squeeze %swap3A_66 : memref<1x128x128xf32, #tpu.memory_space<vmem>> -> memref<128x128xf32, #tpu.memory_space<vmem>>
      %swap3A_68 = arith.index_cast %scan3A_28 : i32 to index
      %swap3A_69 = arith.constant 64 : index
      %swap3A_70 = tpu.vector_load %swap3A_67[%swap3A_68, %swap3A_69] {strides = array<i32>} : memref<128x128xf32, #tpu.memory_space<vmem>>, vector<1x16xf32>,
      %swap3A_71 = vector.shape_cast %swap3A_70 : vector<1x16xf32> to vector<16xf32>
      %swap3A_72 = vector.shape_cast %broadcast_in_dim3A_1 : vector<16xf32> to vector<1x16xf32>
      tpu.vector_store %swap3A_67[%swap3A_68, %swap3A_69], %swap3A_72 {strides = array<i32>} : memref<128x128xf32, #tpu.memory_space<vmem>>, vector<1x16xf32>,
      %swap3A_73 = arith.constant 0 : i32
      %swap3A_74 = arith.constant 0 : i32
      %swap3A_75 = tpu.memref_slice %arg10[%scan3A, %swap3A_73, %swap3A_74] : memref<2x128x128xf32, #tpu.memory_space<vmem>> -> memref<1x128x128xf32, #tpu.memory_space<vmem>>
      %swap3A_76 = tpu.memref_squeeze %swap3A_75 : memref<1x128x128xf32, #tpu.memory_space<vmem>> -> memref<128x128xf32, #tpu.memory_space<vmem>>
      %swap3A_77 = arith.index_cast %scan3A_28 : i32 to index
      %swap3A_78 = arith.constant 80 : index
      %swap3A_79 = tpu.vector_load %swap3A_76[%swap3A_77, %swap3A_78] {strides = array<i32>} : memref<128x128xf32, #tpu.memory_space<vmem>>, vector<1x16xf32>,
      %swap3A_80 = vector.shape_cast %swap3A_79 : vector<1x16xf32> to vector<16xf32>
      %swap3A_81 = vector.shape_cast %broadcast_in_dim3A_1 : vector<16xf32> to vector<1x16xf32>
      tpu.vector_store %swap3A_76[%swap3A_77, %swap3A_78], %swap3A_81 {strides = array<i32>} : memref<128x128xf32, #tpu.memory_space<vmem>>, vector<1x16xf32>,
      %swap3A_82 = arith.constant 0 : i32
      %swap3A_83 = arith.constant 0 : i32
      %swap3A_84 = tpu.memref_slice %arg10[%scan3A, %swap3A_82, %swap3A_83] : memref<2x128x128xf32, #tpu.memory_space<vmem>> -> memref<1x128x128xf32, #tpu.memory_space<vmem>>
      %swap3A_85 = tpu.memref_squeeze %swap3A_84 : memref<1x128x128xf32, #tpu.memory_space<vmem>> -> memref<128x128xf32, #tpu.memory_space<vmem>>
      %swap3A_86 = arith.index_cast %scan3A_28 : i32 to index
      %swap3A_87 = arith.constant 96 : index
      %swap3A_88 = tpu.vector_load %swap3A_85[%swap3A_86, %swap3A_87] {strides = array<i32>} : memref<128x128xf32, #tpu.memory_space<vmem>>, vector<1x16xf32>,
      %swap3A_89 = vector.shape_cast %swap3A_88 : vector<1x16xf32> to vector<16xf32>
      %swap3A_90 = vector.shape_cast %broadcast_in_dim3A_1 : vector<16xf32> to vector<1x16xf32>
      tpu.vector_store %swap3A_85[%swap3A_86, %swap3A_87], %swap3A_90 {strides = array<i32>} : memref<128x128xf32, #tpu.memory_space<vmem>>, vector<1x16xf32>,
      %swap3A_91 = arith.constant 0 : i32
      %swap3A_92 = arith.constant 0 : i32
      %swap3A_93 = tpu.memref_slice %arg10[%scan3A, %swap3A_91, %swap3A_92] : memref<2x128x128xf32, #tpu.memory_space<vmem>> -> memref<1x128x128xf32, #tpu.memory_space<vmem>>
      %swap3A_94 = tpu.memref_squeeze %swap3A_93 : memref<1x128x128xf32, #tpu.memory_space<vmem>> -> memref<128x128xf32, #tpu.memory_space<vmem>>
      %swap3A_95 = arith.index_cast %scan3A_28 : i32 to index
      %swap3A_96 = arith.constant 112 : index
      %swap3A_97 = tpu.vector_load %swap3A_94[%swap3A_95, %swap3A_96] {strides = array<i32>} : memref<128x128xf32, #tpu.memory_space<vmem>>, vector<1x16xf32>,
      %swap3A_98 = vector.shape_cast %swap3A_97 : vector<1x16xf32> to vector<16xf32>
      %swap3A_99 = vector.shape_cast %broadcast_in_dim3A_1 : vector<16xf32> to vector<1x16xf32>
      tpu.vector_store %swap3A_94[%swap3A_95, %swap3A_96], %swap3A_99 {strides = array<i32>} : memref<128x128xf32, #tpu.memory_space<vmem>>, vector<1x16xf32>,
    }
    %scan3A_6 = arith.constant 128 : i32
    %add3A = arith.constant 0 : i32
    %add3A_7 = arith.addi %mul3A_0, %add3A : i32
    %run_scoped3A = arith.constant 0 : i32
    "tpu.region"() ({
      %run_scoped3A_28 = tpu.sem_alloc : memref<!tpu.dma_semaphore, #tpu.memory_space<semaphore_mem>>
      %dma_start3A = arith.constant 0 : i32
      %dma_start3A_29 = arith.constant 0 : i32
      %dma_start3A_30 = tpu.memref_slice %arg10[%run_scoped3A, %dma_start3A, %dma_start3A_29] : memref<2x128x128xf32, #tpu.memory_space<vmem>> -> memref<1x128x128xf32, #tpu.memory_space<vmem>>
      %dma_start3A_31 = tpu.memref_squeeze %dma_start3A_30 : memref<1x128x128xf32, #tpu.memory_space<vmem>> -> memref<128x128xf32, #tpu.memory_space<vmem>>
      %dma_start3A_32 = arith.constant 0 : i32
      %dma_start3A_33 = tpu.memref_slice %arg11[%add3A_7, %dma_start3A_32] : memref<10240x128xf32, #tpu.memory_space<vmem_shared>> -> memref<128x128xf32, #tpu.memory_space<vmem_shared>>
      %dma_start3A_34 = arith.constant 0 : i32
      %dma_start3A_35 = tpu.memref_slice %arg11[%add3A_7, %dma_start3A_34] : memref<10240x128xf32, #tpu.memory_space<vmem_shared>> -> memref<128x128xf32, #tpu.memory_space<vmem_shared>>
      %dma_start3A_36 = arith.constant 0 : i32
      %dma_start3A_37 = arith.constant 0 : i32
      %dma_start3A_38 = tpu.memref_slice %arg10[%run_scoped3A, %dma_start3A_36, %dma_start3A_37] : memref<2x128x128xf32, #tpu.memory_space<vmem>> -> memref<1x128x128xf32, #tpu.memory_space<vmem>>
      %dma_start3A_39 = tpu.memref_squeeze %dma_start3A_38 : memref<1x128x128xf32, #tpu.memory_space<vmem>> -> memref<128x128xf32, #tpu.memory_space<vmem>>
      tpu.enqueue_dma source(%dma_start3A_39 : memref<128x128xf32, #tpu.memory_space<vmem>>) target(%dma_start3A_35 : memref<128x128xf32, #tpu.memory_space<vmem_shared>>) target_semaphore(%run_scoped3A_28 : memref<!tpu.dma_semaphore, #tpu.memory_space<semaphore_mem>>)
      %dma_wait3A = arith.constant 0 : i32
      %dma_wait3A_40 = arith.constant 0 : i32
      %dma_wait3A_41 = tpu.memref_slice %arg10[%run_scoped3A, %dma_wait3A, %dma_wait3A_40] : memref<2x128x128xf32, #tpu.memory_space<vmem>> -> memref<1x128x128xf32, #tpu.memory_space<vmem>>
      %dma_wait3A_42 = tpu.memref_squeeze %dma_wait3A_41 : memref<1x128x128xf32, #tpu.memory_space<vmem>> -> memref<128x128xf32, #tpu.memory_space<vmem>>
      %dma_wait3A_43 = arith.constant 0 : i32
      %dma_wait3A_44 = tpu.memref_slice %arg11[%add3A_7, %dma_wait3A_43] : memref<10240x128xf32, #tpu.memory_space<vmem_shared>> -> memref<128x128xf32, #tpu.memory_space<vmem_shared>>
      %dma_wait3A_45 = arith.constant 0 : i32
      %dma_wait3A_46 = tpu.memref_slice %arg11[%add3A_7, %dma_wait3A_45] : memref<10240x128xf32, #tpu.memory_space<vmem_shared>> -> memref<128x128xf32, #tpu.memory_space<vmem_shared>>
      %dma_wait3A_47 = arith.constant 0 : i32
      %dma_wait3A_48 = arith.constant 0 : i32
      %dma_wait3A_49 = tpu.memref_slice %arg10[%run_scoped3A, %dma_wait3A_47, %dma_wait3A_48] : memref<2x128x128xf32, #tpu.memory_space<vmem>> -> memref<1x128x128xf32, #tpu.memory_space<vmem>>
      %dma_wait3A_50 = tpu.memref_squeeze %dma_wait3A_49 : memref<1x128x128xf32, #tpu.memory_space<vmem>> -> memref<128x128xf32, #tpu.memory_space<vmem>>
      tpu.wait_dma2 semaphore(%run_scoped3A_28 : memref<!tpu.dma_semaphore, #tpu.memory_space<semaphore_mem>>) src(%dma_wait3A_50 : memref<128x128xf32, #tpu.memory_space<vmem>>) dst(%dma_wait3A_46 : memref<128x128xf32, #tpu.memory_space<vmem_shared>>)
      tpu.yield
    }) : () -> ()
    %add3A_8 = arith.constant 128 : i32
    %add3A_9 = arith.addi %mul3A_0, %add3A_8 : i32
    %run_scoped3A_10 = arith.constant 0 : i32
    "tpu.region"() ({
      %run_scoped3A_28 = tpu.sem_alloc : memref<!tpu.dma_semaphore, #tpu.memory_space<semaphore_mem>>
      %dma_start3A = arith.constant 0 : i32
      %dma_start3A_29 = arith.constant 0 : i32
      %dma_start3A_30 = tpu.memref_slice %arg10[%run_scoped3A_10, %dma_start3A, %dma_start3A_29] : memref<2x128x128xf32, #tpu.memory_space<vmem>> -> memref<1x128x128xf32, #tpu.memory_space<vmem>>
      %dma_start3A_31 = tpu.memref_squeeze %dma_start3A_30 : memref<1x128x128xf32, #tpu.memory_space<vmem>> -> memref<128x128xf32, #tpu.memory_space<vmem>>
      %dma_start3A_32 = arith.constant 0 : i32
      %dma_start3A_33 = tpu.memref_slice %arg11[%add3A_9, %dma_start3A_32] : memref<10240x128xf32, #tpu.memory_space<vmem_shared>> -> memref<128x128xf32, #tpu.memory_space<vmem_shared>>
      %dma_start3A_34 = arith.constant 0 : i32
      %dma_start3A_35 = tpu.memref_slice %arg11[%add3A_9, %dma_start3A_34] : memref<10240x128xf32, #tpu.memory_space<vmem_shared>> -> memref<128x128xf32, #tpu.memory_space<vmem_shared>>
      %dma_start3A_36 = arith.constant 0 : i32
      %dma_start3A_37 = arith.constant 0 : i32
      %dma_start3A_38 = tpu.memref_slice %arg10[%run_scoped3A_10, %dma_start3A_36, %dma_start3A_37] : memref<2x128x128xf32, #tpu.memory_space<vmem>> -> memref<1x128x128xf32, #tpu.memory_space<vmem>>
      %dma_start3A_39 = tpu.memref_squeeze %dma_start3A_38 : memref<1x128x128xf32, #tpu.memory_space<vmem>> -> memref<128x128xf32, #tpu.memory_space<vmem>>
      tpu.enqueue_dma source(%dma_start3A_39 : memref<128x128xf32, #tpu.memory_space<vmem>>) target(%dma_start3A_35 : memref<128x128xf32, #tpu.memory_space<vmem_shared>>) target_semaphore(%run_scoped3A_28 : memref<!tpu.dma_semaphore, #tpu.memory_space<semaphore_mem>>)
      %dma_wait3A = arith.constant 0 : i32
      %dma_wait3A_40 = arith.constant 0 : i32
      %dma_wait3A_41 = tpu.memref_slice %arg10[%run_scoped3A_10, %dma_wait3A, %dma_wait3A_40] : memref<2x128x128xf32, #tpu.memory_space<vmem>> -> memref<1x128x128xf32, #tpu.memory_space<vmem>>
      %dma_wait3A_42 = tpu.memref_squeeze %dma_wait3A_41 : memref<1x128x128xf32, #tpu.memory_space<vmem>> -> memref<128x128xf32, #tpu.memory_space<vmem>>
      %dma_wait3A_43 = arith.constant 0 : i32
      %dma_wait3A_44 = tpu.memref_slice %arg11[%add3A_9, %dma_wait3A_43] : memref<10240x128xf32, #tpu.memory_space<vmem_shared>> -> memref<128x128xf32, #tpu.memory_space<vmem_shared>>
      %dma_wait3A_45 = arith.constant 0 : i32
      %dma_wait3A_46 = tpu.memref_slice %arg11[%add3A_9, %dma_wait3A_45] : memref<10240x128xf32, #tpu.memory_space<vmem_shared>> -> memref<128x128xf32, #tpu.memory_space<vmem_shared>>
      %dma_wait3A_47 = arith.constant 0 : i32
      %dma_wait3A_48 = arith.constant 0 : i32
      %dma_wait3A_49 = tpu.memref_slice %arg10[%run_scoped3A_10, %dma_wait3A_47, %dma_wait3A_48] : memref<2x128x128xf32, #tpu.memory_space<vmem>> -> memref<1x128x128xf32, #tpu.memory_space<vmem>>
      %dma_wait3A_50 = tpu.memref_squeeze %dma_wait3A_49 : memref<1x128x128xf32, #tpu.memory_space<vmem>> -> memref<128x128xf32, #tpu.memory_space<vmem>>
      tpu.wait_dma2 semaphore(%run_scoped3A_28 : memref<!tpu.dma_semaphore, #tpu.memory_space<semaphore_mem>>) src(%dma_wait3A_50 : memref<128x128xf32, #tpu.memory_space<vmem>>) dst(%dma_wait3A_46 : memref<128x128xf32, #tpu.memory_space<vmem_shared>>)
      tpu.yield
    }) : () -> ()
    %add3A_11 = arith.constant 256 : i32
    %add3A_12 = arith.addi %mul3A_0, %add3A_11 : i32
    %run_scoped3A_13 = arith.constant 0 : i32
    "tpu.region"() ({
      %run_scoped3A_28 = tpu.sem_alloc : memref<!tpu.dma_semaphore, #tpu.memory_space<semaphore_mem>>
      %dma_start3A = arith.constant 0 : i32
      %dma_start3A_29 = arith.constant 0 : i32
      %dma_start3A_30 = tpu.memref_slice %arg10[%run_scoped3A_13, %dma_start3A, %dma_start3A_29] : memref<2x128x128xf32, #tpu.memory_space<vmem>> -> memref<1x128x128xf32, #tpu.memory_space<vmem>>
      %dma_start3A_31 = tpu.memref_squeeze %dma_start3A_30 : memref<1x128x128xf32, #tpu.memory_space<vmem>> -> memref<128x128xf32, #tpu.memory_space<vmem>>
      %dma_start3A_32 = arith.constant 0 : i32
      %dma_start3A_33 = tpu.memref_slice %arg11[%add3A_12, %dma_start3A_32] : memref<10240x128xf32, #tpu.memory_space<vmem_shared>> -> memref<128x128xf32, #tpu.memory_space<vmem_shared>>
      %dma_start3A_34 = arith.constant 0 : i32
      %dma_start3A_35 = tpu.memref_slice %arg11[%add3A_12, %dma_start3A_34] : memref<10240x128xf32, #tpu.memory_space<vmem_shared>> -> memref<128x128xf32, #tpu.memory_space<vmem_shared>>
      %dma_start3A_36 = arith.constant 0 : i32
      %dma_start3A_37 = arith.constant 0 : i32
      %dma_start3A_38 = tpu.memref_slice %arg10[%run_scoped3A_13, %dma_start3A_36, %dma_start3A_37] : memref<2x128x128xf32, #tpu.memory_space<vmem>> -> memref<1x128x128xf32, #tpu.memory_space<vmem>>
      %dma_start3A_39 = tpu.memref_squeeze %dma_start3A_38 : memref<1x128x128xf32, #tpu.memory_space<vmem>> -> memref<128x128xf32, #tpu.memory_space<vmem>>
      tpu.enqueue_dma source(%dma_start3A_39 : memref<128x128xf32, #tpu.memory_space<vmem>>) target(%dma_start3A_35 : memref<128x128xf32, #tpu.memory_space<vmem_shared>>) target_semaphore(%run_scoped3A_28 : memref<!tpu.dma_semaphore, #tpu.memory_space<semaphore_mem>>)
      %dma_wait3A = arith.constant 0 : i32
      %dma_wait3A_40 = arith.constant 0 : i32
      %dma_wait3A_41 = tpu.memref_slice %arg10[%run_scoped3A_13, %dma_wait3A, %dma_wait3A_40] : memref<2x128x128xf32, #tpu.memory_space<vmem>> -> memref<1x128x128xf32, #tpu.memory_space<vmem>>
      %dma_wait3A_42 = tpu.memref_squeeze %dma_wait3A_41 : memref<1x128x128xf32, #tpu.memory_space<vmem>> -> memref<128x128xf32, #tpu.memory_space<vmem>>
      %dma_wait3A_43 = arith.constant 0 : i32
      %dma_wait3A_44 = tpu.memref_slice %arg11[%add3A_12, %dma_wait3A_43] : memref<10240x128xf32, #tpu.memory_space<vmem_shared>> -> memref<128x128xf32, #tpu.memory_space<vmem_shared>>
      %dma_wait3A_45 = arith.constant 0 : i32
      %dma_wait3A_46 = tpu.memref_slice %arg11[%add3A_12, %dma_wait3A_45] : memref<10240x128xf32, #tpu.memory_space<vmem_shared>> -> memref<128x128xf32, #tpu.memory_space<vmem_shared>>
      %dma_wait3A_47 = arith.constant 0 : i32
      %dma_wait3A_48 = arith.constant 0 : i32
      %dma_wait3A_49 = tpu.memref_slice %arg10[%run_scoped3A_13, %dma_wait3A_47, %dma_wait3A_48] : memref<2x128x128xf32, #tpu.memory_space<vmem>> -> memref<1x128x128xf32, #tpu.memory_space<vmem>>
      %dma_wait3A_50 = tpu.memref_squeeze %dma_wait3A_49 : memref<1x128x128xf32, #tpu.memory_space<vmem>> -> memref<128x128xf32, #tpu.memory_space<vmem>>
      tpu.wait_dma2 semaphore(%run_scoped3A_28 : memref<!tpu.dma_semaphore, #tpu.memory_space<semaphore_mem>>) src(%dma_wait3A_50 : memref<128x128xf32, #tpu.memory_space<vmem>>) dst(%dma_wait3A_46 : memref<128x128xf32, #tpu.memory_space<vmem_shared>>)
      tpu.yield
    }) : () -> ()
    %add3A_14 = arith.constant 384 : i32
    %add3A_15 = arith.addi %mul3A_0, %add3A_14 : i32
    %run_scoped3A_16 = arith.constant 0 : i32
    "tpu.region"() ({
      %run_scoped3A_28 = tpu.sem_alloc : memref<!tpu.dma_semaphore, #tpu.memory_space<semaphore_mem>>
      %dma_start3A = arith.constant 0 : i32
      %dma_start3A_29 = arith.constant 0 : i32
      %dma_start3A_30 = tpu.memref_slice %arg10[%run_scoped3A_16, %dma_start3A, %dma_start3A_29] : memref<2x128x128xf32, #tpu.memory_space<vmem>> -> memref<1x128x128xf32, #tpu.memory_space<vmem>>
      %dma_start3A_31 = tpu.memref_squeeze %dma_start3A_30 : memref<1x128x128xf32, #tpu.memory_space<vmem>> -> memref<128x128xf32, #tpu.memory_space<vmem>>
      %dma_start3A_32 = arith.constant 0 : i32
      %dma_start3A_33 = tpu.memref_slice %arg11[%add3A_15, %dma_start3A_32] : memref<10240x128xf32, #tpu.memory_space<vmem_shared>> -> memref<128x128xf32, #tpu.memory_space<vmem_shared>>
      %dma_start3A_34 = arith.constant 0 : i32
      %dma_start3A_35 = tpu.memref_slice %arg11[%add3A_15, %dma_start3A_34] : memref<10240x128xf32, #tpu.memory_space<vmem_shared>> -> memref<128x128xf32, #tpu.memory_space<vmem_shared>>
      %dma_start3A_36 = arith.constant 0 : i32
      %dma_start3A_37 = arith.constant 0 : i32
      %dma_start3A_38 = tpu.memref_slice %arg10[%run_scoped3A_16, %dma_start3A_36, %dma_start3A_37] : memref<2x128x128xf32, #tpu.memory_space<vmem>> -> memref<1x128x128xf32, #tpu.memory_space<vmem>>
      %dma_start3A_39 = tpu.memref_squeeze %dma_start3A_38 : memref<1x128x128xf32, #tpu.memory_space<vmem>> -> memref<128x128xf32, #tpu.memory_space<vmem>>
      tpu.enqueue_dma source(%dma_start3A_39 : memref<128x128xf32, #tpu.memory_space<vmem>>) target(%dma_start3A_35 : memref<128x128xf32, #tpu.memory_space<vmem_shared>>) target_semaphore(%run_scoped3A_28 : memref<!tpu.dma_semaphore, #tpu.memory_space<semaphore_mem>>)
      %dma_wait3A = arith.constant 0 : i32
      %dma_wait3A_40 = arith.constant 0 : i32
      %dma_wait3A_41 = tpu.memref_slice %arg10[%run_scoped3A_16, %dma_wait3A, %dma_wait3A_40] : memref<2x128x128xf32, #tpu.memory_space<vmem>> -> memref<1x128x128xf32, #tpu.memory_space<vmem>>
      %dma_wait3A_42 = tpu.memref_squeeze %dma_wait3A_41 : memref<1x128x128xf32, #tpu.memory_space<vmem>> -> memref<128x128xf32, #tpu.memory_space<vmem>>
      %dma_wait3A_43 = arith.constant 0 : i32
      %dma_wait3A_44 = tpu.memref_slice %arg11[%add3A_15, %dma_wait3A_43] : memref<10240x128xf32, #tpu.memory_space<vmem_shared>> -> memref<128x128xf32, #tpu.memory_space<vmem_shared>>
      %dma_wait3A_45 = arith.constant 0 : i32
      %dma_wait3A_46 = tpu.memref_slice %arg11[%add3A_15, %dma_wait3A_45] : memref<10240x128xf32, #tpu.memory_space<vmem_shared>> -> memref<128x128xf32, #tpu.memory_space<vmem_shared>>
      %dma_wait3A_47 = arith.constant 0 : i32
      %dma_wait3A_48 = arith.constant 0 : i32
      %dma_wait3A_49 = tpu.memref_slice %arg10[%run_scoped3A_16, %dma_wait3A_47, %dma_wait3A_48] : memref<2x128x128xf32, #tpu.memory_space<vmem>> -> memref<1x128x128xf32, #tpu.memory_space<vmem>>
      %dma_wait3A_50 = tpu.memref_squeeze %dma_wait3A_49 : memref<1x128x128xf32, #tpu.memory_space<vmem>> -> memref<128x128xf32, #tpu.memory_space<vmem>>
      tpu.wait_dma2 semaphore(%run_scoped3A_28 : memref<!tpu.dma_semaphore, #tpu.memory_space<semaphore_mem>>) src(%dma_wait3A_50 : memref<128x128xf32, #tpu.memory_space<vmem>>) dst(%dma_wait3A_46 : memref<128x128xf32, #tpu.memory_space<vmem_shared>>)
      tpu.yield
    }) : () -> ()
    %add3A_17 = arith.constant 512 : i32
    %add3A_18 = arith.addi %mul3A_0, %add3A_17 : i32
    %run_scoped3A_19 = arith.constant 0 : i32
    "tpu.region"() ({
      %run_scoped3A_28 = tpu.sem_alloc : memref<!tpu.dma_semaphore, #tpu.memory_space<semaphore_mem>>
      %dma_start3A = arith.constant 0 : i32
      %dma_start3A_29 = arith.constant 0 : i32
      %dma_start3A_30 = tpu.memref_slice %arg10[%run_scoped3A_19, %dma_start3A, %dma_start3A_29] : memref<2x128x128xf32, #tpu.memory_space<vmem>> -> memref<1x128x128xf32, #tpu.memory_space<vmem>>
      %dma_start3A_31 = tpu.memref_squeeze %dma_start3A_30 : memref<1x128x128xf32, #tpu.memory_space<vmem>> -> memref<128x128xf32, #tpu.memory_space<vmem>>
      %dma_start3A_32 = arith.constant 0 : i32
      %dma_start3A_33 = tpu.memref_slice %arg11[%add3A_18, %dma_start3A_32] : memref<10240x128xf32, #tpu.memory_space<vmem_shared>> -> memref<128x128xf32, #tpu.memory_space<vmem_shared>>
      %dma_start3A_34 = arith.constant 0 : i32
      %dma_start3A_35 = tpu.memref_slice %arg11[%add3A_18, %dma_start3A_34] : memref<10240x128xf32, #tpu.memory_space<vmem_shared>> -> memref<128x128xf32, #tpu.memory_space<vmem_shared>>
      %dma_start3A_36 = arith.constant 0 : i32
      %dma_start3A_37 = arith.constant 0 : i32
      %dma_start3A_38 = tpu.memref_slice %arg10[%run_scoped3A_19, %dma_start3A_36, %dma_start3A_37] : memref<2x128x128xf32, #tpu.memory_space<vmem>> -> memref<1x128x128xf32, #tpu.memory_space<vmem>>
      %dma_start3A_39 = tpu.memref_squeeze %dma_start3A_38 : memref<1x128x128xf32, #tpu.memory_space<vmem>> -> memref<128x128xf32, #tpu.memory_space<vmem>>
      tpu.enqueue_dma source(%dma_start3A_39 : memref<128x128xf32, #tpu.memory_space<vmem>>) target(%dma_start3A_35 : memref<128x128xf32, #tpu.memory_space<vmem_shared>>) target_semaphore(%run_scoped3A_28 : memref<!tpu.dma_semaphore, #tpu.memory_space<semaphore_mem>>)
      %dma_wait3A = arith.constant 0 : i32
      %dma_wait3A_40 = arith.constant 0 : i32
      %dma_wait3A_41 = tpu.memref_slice %arg10[%run_scoped3A_19, %dma_wait3A, %dma_wait3A_40] : memref<2x128x128xf32, #tpu.memory_space<vmem>> -> memref<1x128x128xf32, #tpu.memory_space<vmem>>
      %dma_wait3A_42 = tpu.memref_squeeze %dma_wait3A_41 : memref<1x128x128xf32, #tpu.memory_space<vmem>> -> memref<128x128xf32, #tpu.memory_space<vmem>>
      %dma_wait3A_43 = arith.constant 0 : i32
      %dma_wait3A_44 = tpu.memref_slice %arg11[%add3A_18, %dma_wait3A_43] : memref<10240x128xf32, #tpu.memory_space<vmem_shared>> -> memref<128x128xf32, #tpu.memory_space<vmem_shared>>
      %dma_wait3A_45 = arith.constant 0 : i32
      %dma_wait3A_46 = tpu.memref_slice %arg11[%add3A_18, %dma_wait3A_45] : memref<10240x128xf32, #tpu.memory_space<vmem_shared>> -> memref<128x128xf32, #tpu.memory_space<vmem_shared>>
      %dma_wait3A_47 = arith.constant 0 : i32
      %dma_wait3A_48 = arith.constant 0 : i32
      %dma_wait3A_49 = tpu.memref_slice %arg10[%run_scoped3A_19, %dma_wait3A_47, %dma_wait3A_48] : memref<2x128x128xf32, #tpu.memory_space<vmem>> -> memref<1x128x128xf32, #tpu.memory_space<vmem>>
      %dma_wait3A_50 = tpu.memref_squeeze %dma_wait3A_49 : memref<1x128x128xf32, #tpu.memory_space<vmem>> -> memref<128x128xf32, #tpu.memory_space<vmem>>
      tpu.wait_dma2 semaphore(%run_scoped3A_28 : memref<!tpu.dma_semaphore, #tpu.memory_space<semaphore_mem>>) src(%dma_wait3A_50 : memref<128x128xf32, #tpu.memory_space<vmem>>) dst(%dma_wait3A_46 : memref<128x128xf32, #tpu.memory_space<vmem_shared>>)
      tpu.yield
    }) : () -> ()
    %barrier3A = arith.constant 0 : index
    tpu.barrier barrier_id(%barrier3A)
    %eq3A = arith.constant 0 : i32
    %eq3A_20 = arith.cmpi eq, %arg0, %eq3A : i32
    %convert_element_type3A = arith.extui %eq3A_20 : i1 to i32
    %cond3A = arith.constant 0 : i32
    %cond3A_21 = arith.cmpi ne, %convert_element_type3A, %cond3A : i32
    scf.if %cond3A_21 {
      "tpu.region"() ({
        %run_scoped3A_132 = tpu.sem_alloc : memref<!tpu.dma_semaphore, #tpu.memory_space<semaphore_mem>>
        %dma_start3A_133 = arith.constant 0 : i32
        %dma_start3A_134 = arith.constant 0 : i32
        %dma_start3A_135 = tpu.memref_slice %arg3[%arg1, %dma_start3A_133, %dma_start3A_134] : memref<16x96x128xi32, #tpu.memory_space<hbm>> -> memref<1x32x128xi32, #tpu.memory_space<hbm>>
        %dma_start3A_136 = tpu.memref_squeeze %dma_start3A_135 : memref<1x32x128xi32, #tpu.memory_space<hbm>> -> memref<32x128xi32, #tpu.memory_space<hbm>>
        %dma_start3A_137 = arith.constant 0 : i32
        %dma_start3A_138 = arith.constant 0 : i32
        %dma_start3A_139 = tpu.memref_slice %arg3[%arg1, %dma_start3A_137, %dma_start3A_138] : memref<16x96x128xi32, #tpu.memory_space<hbm>> -> memref<1x32x128xi32, #tpu.memory_space<hbm>>
        %dma_start3A_140 = tpu.memref_squeeze %dma_start3A_139 : memref<1x32x128xi32, #tpu.memory_space<hbm>> -> memref<32x128xi32, #tpu.memory_space<hbm>>
        tpu.enqueue_dma source(%dma_start3A_140 : memref<32x128xi32, #tpu.memory_space<hbm>>) target(%arg8 : memref<32x128xi32, #tpu.memory_space<vmem>>) target_semaphore(%run_scoped3A_132 : memref<!tpu.dma_semaphore, #tpu.memory_space<semaphore_mem>>)
        %dma_wait3A = arith.constant 0 : i32
        %dma_wait3A_141 = arith.constant 0 : i32
        %dma_wait3A_142 = tpu.memref_slice %arg3[%arg1, %dma_wait3A, %dma_wait3A_141] : memref<16x96x128xi32, #tpu.memory_space<hbm>> -> memref<1x32x128xi32, #tpu.memory_space<hbm>>
        %dma_wait3A_143 = tpu.memref_squeeze %dma_wait3A_142 : memref<1x32x128xi32, #tpu.memory_space<hbm>> -> memref<32x128xi32, #tpu.memory_space<hbm>>
        %dma_wait3A_144 = arith.constant 0 : i32
        %dma_wait3A_145 = arith.constant 0 : i32
        %dma_wait3A_146 = tpu.memref_slice %arg3[%arg1, %dma_wait3A_144, %dma_wait3A_145] : memref<16x96x128xi32, #tpu.memory_space<hbm>> -> memref<1x32x128xi32, #tpu.memory_space<hbm>>
        %dma_wait3A_147 = tpu.memref_squeeze %dma_wait3A_146 : memref<1x32x128xi32, #tpu.memory_space<hbm>> -> memref<32x128xi32, #tpu.memory_space<hbm>>
        tpu.wait_dma2 semaphore(%run_scoped3A_132 : memref<!tpu.dma_semaphore, #tpu.memory_space<semaphore_mem>>) src(%dma_wait3A_147 : memref<32x128xi32, #tpu.memory_space<hbm>>) dst(%arg8 : memref<32x128xi32, #tpu.memory_space<vmem>>)
        tpu.yield
      }) : () -> ()
      "tpu.region"() ({
        %run_scoped3A_132 = tpu.sem_alloc : memref<!tpu.dma_semaphore, #tpu.memory_space<semaphore_mem>>
        %dma_start3A_133 = arith.constant 0 : i32
        %dma_start3A_134 = arith.constant 0 : i32
        %dma_start3A_135 = tpu.memref_slice %arg4[%arg1, %dma_start3A_133, %dma_start3A_134] : memref<16x96x128xi32, #tpu.memory_space<hbm>> -> memref<1x32x128xi32, #tpu.memory_space<hbm>>
        %dma_start3A_136 = tpu.memref_squeeze %dma_start3A_135 : memref<1x32x128xi32, #tpu.memory_space<hbm>> -> memref<32x128xi32, #tpu.memory_space<hbm>>
        %dma_start3A_137 = arith.constant 0 : i32
        %dma_start3A_138 = arith.constant 0 : i32
        %dma_start3A_139 = tpu.memref_slice %arg4[%arg1, %dma_start3A_137, %dma_start3A_138] : memref<16x96x128xi32, #tpu.memory_space<hbm>> -> memref<1x32x128xi32, #tpu.memory_space<hbm>>
        %dma_start3A_140 = tpu.memref_squeeze %dma_start3A_139 : memref<1x32x128xi32, #tpu.memory_space<hbm>> -> memref<32x128xi32, #tpu.memory_space<hbm>>
        tpu.enqueue_dma source(%dma_start3A_140 : memref<32x128xi32, #tpu.memory_space<hbm>>) target(%arg9 : memref<32x128xi32, #tpu.memory_space<vmem>>) target_semaphore(%run_scoped3A_132 : memref<!tpu.dma_semaphore, #tpu.memory_space<semaphore_mem>>)
        %dma_wait3A = arith.constant 0 : i32
        %dma_wait3A_141 = arith.constant 0 : i32
        %dma_wait3A_142 = tpu.memref_slice %arg4[%arg1, %dma_wait3A, %dma_wait3A_141] : memref<16x96x128xi32, #tpu.memory_space<hbm>> -> memref<1x32x128xi32, #tpu.memory_space<hbm>>
        %dma_wait3A_143 = tpu.memref_squeeze %dma_wait3A_142 : memref<1x32x128xi32, #tpu.memory_space<hbm>> -> memref<32x128xi32, #tpu.memory_space<hbm>>
        %dma_wait3A_144 = arith.constant 0 : i32
        %dma_wait3A_145 = arith.constant 0 : i32
        %dma_wait3A_146 = tpu.memref_slice %arg4[%arg1, %dma_wait3A_144, %dma_wait3A_145] : memref<16x96x128xi32, #tpu.memory_space<hbm>> -> memref<1x32x128xi32, #tpu.memory_space<hbm>>
        %dma_wait3A_147 = tpu.memref_squeeze %dma_wait3A_146 : memref<1x32x128xi32, #tpu.memory_space<hbm>> -> memref<32x128xi32, #tpu.memory_space<hbm>>
        tpu.wait_dma2 semaphore(%run_scoped3A_132 : memref<!tpu.dma_semaphore, #tpu.memory_space<semaphore_mem>>) src(%dma_wait3A_147 : memref<32x128xi32, #tpu.memory_space<hbm>>) dst(%arg9 : memref<32x128xi32, #tpu.memory_space<vmem>>)
        tpu.yield
      }) : () -> ()
      %dma_start3A = arith.constant 0 : i32
      %dma_start3A_28 = arith.constant 0 : i32
      %dma_start3A_29 = arith.constant 0 : i32
      %dma_start3A_30 = arith.constant 0 : i32
      %dma_start3A_31 = arith.constant 0 : i32
      %dma_start3A_32 = tpu.memref_slice %arg10[%dma_start3A_28, %dma_start3A_30, %dma_start3A_31] : memref<2x128x128xf32, #tpu.memory_space<vmem>> -> memref<1x128x128xf32, #tpu.memory_space<vmem>>
      %dma_start3A_33 = tpu.memref_squeeze %dma_start3A_32 : memref<1x128x128xf32, #tpu.memory_space<vmem>> -> memref<128x128xf32, #tpu.memory_space<vmem>>
      %dma_start3A_34 = arith.constant 0 : i32
      %dma_start3A_35 = tpu.memref_slice %arg8[%dma_start3A, %dma_start3A_34] : memref<32x128xi32, #tpu.memory_space<vmem>> -> memref<1x128xi32, #tpu.memory_space<vmem>>
      %dma_start3A_36 = tpu.memref_squeeze %dma_start3A_35 : memref<1x128xi32, #tpu.memory_space<vmem>> -> memref<128xi32, #tpu.memory_space<vmem>>
      %dma_start3A_37 = arith.constant 0 : i32
      %dma_start3A_38 = arith.constant 0 : i32
      %dma_start3A_39 = tpu.memref_slice %arg2[%dma_start3A_37, %dma_start3A_38] : memref<10000x128xf32, #tpu.memory_space<hbm>> -> memref<10000x128xf32, #tpu.memory_space<hbm>>
      %dma_start3A_40 = tpu.memref_slice %arg12[%dma_start3A_29] : memref<2x!tpu.dma_semaphore, #tpu.memory_space<semaphore_mem>> -> memref<1x!tpu.dma_semaphore, #tpu.memory_space<semaphore_mem>>
      %dma_start3A_41 = tpu.memref_squeeze %dma_start3A_40 : memref<1x!tpu.dma_semaphore, #tpu.memory_space<semaphore_mem>> -> memref<!tpu.dma_semaphore, #tpu.memory_space<semaphore_mem>>
      tpu.enqueue_indirect_dma source(%dma_start3A_39 : memref<10000x128xf32, #tpu.memory_space<hbm>>) target(%dma_start3A_33 : memref<128x128xf32, #tpu.memory_space<vmem>>) offsets(%dma_start3A_36 : memref<128xi32, #tpu.memory_space<vmem>>) semaphore(%dma_start3A_41 : memref<!tpu.dma_semaphore, #tpu.memory_space<semaphore_mem>>)
      %dma_start3A_42 = arith.constant 1 : i32
      %dma_start3A_43 = arith.constant 1 : i32
      %dma_start3A_44 = arith.constant 1 : i32
      %dma_start3A_45 = arith.constant 0 : i32
      %dma_start3A_46 = arith.constant 0 : i32
      %dma_start3A_47 = tpu.memref_slice %arg10[%dma_start3A_43, %dma_start3A_45, %dma_start3A_46] : memref<2x128x128xf32, #tpu.memory_space<vmem>> -> memref<1x128x128xf32, #tpu.memory_space<vmem>>
      %dma_start3A_48 = tpu.memref_squeeze %dma_start3A_47 : memref<1x128x128xf32, #tpu.memory_space<vmem>> -> memref<128x128xf32, #tpu.memory_space<vmem>>
      %dma_start3A_49 = arith.constant 0 : i32
      %dma_start3A_50 = tpu.memref_slice %arg8[%dma_start3A_42, %dma_start3A_49] : memref<32x128xi32, #tpu.memory_space<vmem>> -> memref<1x128xi32, #tpu.memory_space<vmem>>
      %dma_start3A_51 = tpu.memref_squeeze %dma_start3A_50 : memref<1x128xi32, #tpu.memory_space<vmem>> -> memref<128xi32, #tpu.memory_space<vmem>>
      %dma_start3A_52 = arith.constant 0 : i32
      %dma_start3A_53 = arith.constant 0 : i32
      %dma_start3A_54 = tpu.memref_slice %arg2[%dma_start3A_52, %dma_start3A_53] : memref<10000x128xf32, #tpu.memory_space<hbm>> -> memref<10000x128xf32, #tpu.memory_space<hbm>>
      %dma_start3A_55 = tpu.memref_slice %arg12[%dma_start3A_44] : memref<2x!tpu.dma_semaphore, #tpu.memory_space<semaphore_mem>> -> memref<1x!tpu.dma_semaphore, #tpu.memory_space<semaphore_mem>>
      %dma_start3A_56 = tpu.memref_squeeze %dma_start3A_55 : memref<1x!tpu.dma_semaphore, #tpu.memory_space<semaphore_mem>> -> memref<!tpu.dma_semaphore, #tpu.memory_space<semaphore_mem>>
      tpu.enqueue_indirect_dma source(%dma_start3A_54 : memref<10000x128xf32, #tpu.memory_space<hbm>>) target(%dma_start3A_48 : memref<128x128xf32, #tpu.memory_space<vmem>>) offsets(%dma_start3A_51 : memref<128xi32, #tpu.memory_space<vmem>>) semaphore(%dma_start3A_56 : memref<!tpu.dma_semaphore, #tpu.memory_space<semaphore_mem>>)
      %scan3A_57 = arith.constant 0 : i32
      %scan3A_58 = arith.constant 32 : i32
      %scan3A_59 = arith.addi %scan3A_57, %scan3A_58 : i32
      %scan3A_60 = arith.constant 1 : i32
      scf.for %scan3A_132 = %scan3A_57 to %scan3A_59 step %scan3A_60  : i32 {
        %and3A = arith.constant 1 : i32
        %and3A_133 = arith.andi %scan3A_132, %and3A : i32
        %dma_wait3A = arith.constant 0 : i32
        %dma_wait3A_134 = arith.constant 0 : i32
        %dma_wait3A_135 = tpu.memref_slice %arg10[%and3A_133, %dma_wait3A, %dma_wait3A_134] : memref<2x128x128xf32, #tpu.memory_space<vmem>> -> memref<1x128x128xf32, #tpu.memory_space<vmem>>
        %dma_wait3A_136 = tpu.memref_squeeze %dma_wait3A_135 : memref<1x128x128xf32, #tpu.memory_space<vmem>> -> memref<128x128xf32, #tpu.memory_space<vmem>>
        %dma_wait3A_137 = arith.constant 0 : i32
        %dma_wait3A_138 = tpu.memref_slice %arg8[%scan3A_132, %dma_wait3A_137] : memref<32x128xi32, #tpu.memory_space<vmem>> -> memref<1x128xi32, #tpu.memory_space<vmem>>
        %dma_wait3A_139 = tpu.memref_squeeze %dma_wait3A_138 : memref<1x128xi32, #tpu.memory_space<vmem>> -> memref<128xi32, #tpu.memory_space<vmem>>
        %dma_wait3A_140 = arith.constant 0 : i32
        %dma_wait3A_141 = arith.constant 0 : i32
        %dma_wait3A_142 = tpu.memref_slice %arg2[%dma_wait3A_140, %dma_wait3A_141] : memref<10000x128xf32, #tpu.memory_space<hbm>> -> memref<10000x128xf32, #tpu.memory_space<hbm>>
        %dma_wait3A_143 = tpu.memref_slice %arg12[%and3A_133] : memref<2x!tpu.dma_semaphore, #tpu.memory_space<semaphore_mem>> -> memref<1x!tpu.dma_semaphore, #tpu.memory_space<semaphore_mem>>
        %dma_wait3A_144 = tpu.memref_squeeze %dma_wait3A_143 : memref<1x!tpu.dma_semaphore, #tpu.memory_space<semaphore_mem>> -> memref<!tpu.dma_semaphore, #tpu.memory_space<semaphore_mem>>
        tpu.wait_indirect_dma semaphore(%dma_wait3A_144 : memref<!tpu.dma_semaphore, #tpu.memory_space<semaphore_mem>>) src(%dma_wait3A_142 : memref<10000x128xf32, #tpu.memory_space<hbm>>) dst(%dma_wait3A_136 : memref<128x128xf32, #tpu.memory_space<vmem>>)
        "tpu.region"() ({
          %run_scoped3A_151 = tpu.sem_alloc : memref<!tpu.dma_semaphore, #tpu.memory_space<semaphore_mem>>
          %dma_start3A_152 = arith.constant 0 : i32
          %dma_start3A_153 = arith.constant 0 : i32
          %dma_start3A_154 = tpu.memref_slice %arg10[%and3A_133, %dma_start3A_152, %dma_start3A_153] : memref<2x128x128xf32, #tpu.memory_space<vmem>> -> memref<1x128x128xf32, #tpu.memory_space<vmem>>
          %dma_start3A_155 = tpu.memref_squeeze %dma_start3A_154 : memref<1x128x128xf32, #tpu.memory_space<vmem>> -> memref<128x128xf32, #tpu.memory_space<vmem>>
          %dma_start3A_156 = arith.constant 0 : i32
          %dma_start3A_157 = tpu.memref_slice %arg9[%scan3A_132, %dma_start3A_156] : memref<32x128xi32, #tpu.memory_space<vmem>> -> memref<1x128xi32, #tpu.memory_space<vmem>>
          %dma_start3A_158 = tpu.memref_squeeze %dma_start3A_157 : memref<1x128xi32, #tpu.memory_space<vmem>> -> memref<128xi32, #tpu.memory_space<vmem>>
          %dma_start3A_159 = arith.constant 0 : i32
          %dma_start3A_160 = arith.constant 0 : i32
          %dma_start3A_161 = tpu.memref_slice %arg11[%dma_start3A_159, %dma_start3A_160] : memref<10240x128xf32, #tpu.memory_space<vmem_shared>> -> memref<10240x128xf32, #tpu.memory_space<vmem_shared>>
          tpu.enqueue_indirect_dma source(%dma_start3A_155 : memref<128x128xf32, #tpu.memory_space<vmem>>) target(%dma_start3A_161 : memref<10240x128xf32, #tpu.memory_space<vmem_shared>>) offsets(%dma_start3A_158 : memref<128xi32, #tpu.memory_space<vmem>>) semaphore(%run_scoped3A_151 : memref<!tpu.dma_semaphore, #tpu.memory_space<semaphore_mem>>) {add = true}
          %dma_wait3A_162 = arith.constant 0 : i32
          %dma_wait3A_163 = arith.constant 0 : i32
          %dma_wait3A_164 = tpu.memref_slice %arg10[%and3A_133, %dma_wait3A_162, %dma_wait3A_163] : memref<2x128x128xf32, #tpu.memory_space<vmem>> -> memref<1x128x128xf32, #tpu.memory_space<vmem>>
          %dma_wait3A_165 = tpu.memref_squeeze %dma_wait3A_164 : memref<1x128x128xf32, #tpu.memory_space<vmem>> -> memref<128x128xf32, #tpu.memory_space<vmem>>
          %dma_wait3A_166 = arith.constant 0 : i32
          %dma_wait3A_167 = tpu.memref_slice %arg9[%scan3A_132, %dma_wait3A_166] : memref<32x128xi32, #tpu.memory_space<vmem>> -> memref<1x128xi32, #tpu.memory_space<vmem>>
          %dma_wait3A_168 = tpu.memref_squeeze %dma_wait3A_167 : memref<1x128xi32, #tpu.memory_space<vmem>> -> memref<128xi32, #tpu.memory_space<vmem>>
          %dma_wait3A_169 = arith.constant 0 : i32
          %dma_wait3A_170 = arith.constant 0 : i32
          %dma_wait3A_171 = tpu.memref_slice %arg11[%dma_wait3A_169, %dma_wait3A_170] : memref<10240x128xf32, #tpu.memory_space<vmem_shared>> -> memref<10240x128xf32, #tpu.memory_space<vmem_shared>>
          tpu.wait_indirect_dma semaphore(%run_scoped3A_151 : memref<!tpu.dma_semaphore, #tpu.memory_space<semaphore_mem>>) src(%dma_wait3A_165 : memref<128x128xf32, #tpu.memory_space<vmem>>) dst(%dma_wait3A_171 : memref<10240x128xf32, #tpu.memory_space<vmem_shared>>)
          tpu.yield
        }) : () -> ()
        %add3A_145 = arith.constant 2 : i32
        %add3A_146 = arith.addi %scan3A_132, %add3A_145 : i32
        %lt3A = arith.constant 32 : i32
        %lt3A_147 = arith.cmpi slt, %add3A_146, %lt3A : i32
        %convert_element_type3A_148 = arith.extui %lt3A_147 : i1 to i32
        %cond3A_149 = arith.constant 0 : i32
        %cond3A_150 = arith.cmpi ne, %convert_element_type3A_148, %cond3A_149 : i32
        scf.if %cond3A_150 {
          %dma_start3A_151 = arith.constant 0 : i32
          %dma_start3A_152 = arith.constant 0 : i32
          %dma_start3A_153 = tpu.memref_slice %arg10[%and3A_133, %dma_start3A_151, %dma_start3A_152] : memref<2x128x128xf32, #tpu.memory_space<vmem>> -> memref<1x128x128xf32, #tpu.memory_space<vmem>>
          %dma_start3A_154 = tpu.memref_squeeze %dma_start3A_153 : memref<1x128x128xf32, #tpu.memory_space<vmem>> -> memref<128x128xf32, #tpu.memory_space<vmem>>
          %dma_start3A_155 = arith.constant 0 : i32
          %dma_start3A_156 = tpu.memref_slice %arg8[%add3A_146, %dma_start3A_155] : memref<32x128xi32, #tpu.memory_space<vmem>> -> memref<1x128xi32, #tpu.memory_space<vmem>>
          %dma_start3A_157 = tpu.memref_squeeze %dma_start3A_156 : memref<1x128xi32, #tpu.memory_space<vmem>> -> memref<128xi32, #tpu.memory_space<vmem>>
          %dma_start3A_158 = arith.constant 0 : i32
          %dma_start3A_159 = arith.constant 0 : i32
          %dma_start3A_160 = tpu.memref_slice %arg2[%dma_start3A_158, %dma_start3A_159] : memref<10000x128xf32, #tpu.memory_space<hbm>> -> memref<10000x128xf32, #tpu.memory_space<hbm>>
          %dma_start3A_161 = tpu.memref_slice %arg12[%and3A_133] : memref<2x!tpu.dma_semaphore, #tpu.memory_space<semaphore_mem>> -> memref<1x!tpu.dma_semaphore, #tpu.memory_space<semaphore_mem>>
          %dma_start3A_162 = tpu.memref_squeeze %dma_start3A_161 : memref<1x!tpu.dma_semaphore, #tpu.memory_space<semaphore_mem>> -> memref<!tpu.dma_semaphore, #tpu.memory_space<semaphore_mem>>
          tpu.enqueue_indirect_dma source(%dma_start3A_160 : memref<10000x128xf32, #tpu.memory_space<hbm>>) target(%dma_start3A_154 : memref<128x128xf32, #tpu.memory_space<vmem>>) offsets(%dma_start3A_157 : memref<128xi32, #tpu.memory_space<vmem>>) semaphore(%dma_start3A_162 : memref<!tpu.dma_semaphore, #tpu.memory_space<semaphore_mem>>)
        } else {
        }
      }
      %scan3A_61 = arith.constant 32 : i32
      "tpu.region"() ({
        %run_scoped3A_132 = tpu.sem_alloc : memref<!tpu.dma_semaphore, #tpu.memory_space<semaphore_mem>>
        %dma_start3A_133 = arith.constant 32 : i32
        %dma_start3A_134 = arith.constant 0 : i32
        %dma_start3A_135 = tpu.memref_slice %arg3[%arg1, %dma_start3A_133, %dma_start3A_134] : memref<16x96x128xi32, #tpu.memory_space<hbm>> -> memref<1x32x128xi32, #tpu.memory_space<hbm>>
        %dma_start3A_136 = tpu.memref_squeeze %dma_start3A_135 : memref<1x32x128xi32, #tpu.memory_space<hbm>> -> memref<32x128xi32, #tpu.memory_space<hbm>>
        %dma_start3A_137 = arith.constant 32 : i32
        %dma_start3A_138 = arith.constant 0 : i32
        %dma_start3A_139 = tpu.memref_slice %arg3[%arg1, %dma_start3A_137, %dma_start3A_138] : memref<16x96x128xi32, #tpu.memory_space<hbm>> -> memref<1x32x128xi32, #tpu.memory_space<hbm>>
        %dma_start3A_140 = tpu.memref_squeeze %dma_start3A_139 : memref<1x32x128xi32, #tpu.memory_space<hbm>> -> memref<32x128xi32, #tpu.memory_space<hbm>>
        tpu.enqueue_dma source(%dma_start3A_140 : memref<32x128xi32, #tpu.memory_space<hbm>>) target(%arg8 : memref<32x128xi32, #tpu.memory_space<vmem>>) target_semaphore(%run_scoped3A_132 : memref<!tpu.dma_semaphore, #tpu.memory_space<semaphore_mem>>)
        %dma_wait3A = arith.constant 32 : i32
        %dma_wait3A_141 = arith.constant 0 : i32
        %dma_wait3A_142 = tpu.memref_slice %arg3[%arg1, %dma_wait3A, %dma_wait3A_141] : memref<16x96x128xi32, #tpu.memory_space<hbm>> -> memref<1x32x128xi32, #tpu.memory_space<hbm>>
        %dma_wait3A_143 = tpu.memref_squeeze %dma_wait3A_142 : memref<1x32x128xi32, #tpu.memory_space<hbm>> -> memref<32x128xi32, #tpu.memory_space<hbm>>
        %dma_wait3A_144 = arith.constant 32 : i32
        %dma_wait3A_145 = arith.constant 0 : i32
        %dma_wait3A_146 = tpu.memref_slice %arg3[%arg1, %dma_wait3A_144, %dma_wait3A_145] : memref<16x96x128xi32, #tpu.memory_space<hbm>> -> memref<1x32x128xi32, #tpu.memory_space<hbm>>
        %dma_wait3A_147 = tpu.memref_squeeze %dma_wait3A_146 : memref<1x32x128xi32, #tpu.memory_space<hbm>> -> memref<32x128xi32, #tpu.memory_space<hbm>>
        tpu.wait_dma2 semaphore(%run_scoped3A_132 : memref<!tpu.dma_semaphore, #tpu.memory_space<semaphore_mem>>) src(%dma_wait3A_147 : memref<32x128xi32, #tpu.memory_space<hbm>>) dst(%arg8 : memref<32x128xi32, #tpu.memory_space<vmem>>)
        tpu.yield
      }) : () -> ()
      "tpu.region"() ({
        %run_scoped3A_132 = tpu.sem_alloc : memref<!tpu.dma_semaphore, #tpu.memory_space<semaphore_mem>>
        %dma_start3A_133 = arith.constant 32 : i32
        %dma_start3A_134 = arith.constant 0 : i32
        %dma_start3A_135 = tpu.memref_slice %arg4[%arg1, %dma_start3A_133, %dma_start3A_134] : memref<16x96x128xi32, #tpu.memory_space<hbm>> -> memref<1x32x128xi32, #tpu.memory_space<hbm>>
        %dma_start3A_136 = tpu.memref_squeeze %dma_start3A_135 : memref<1x32x128xi32, #tpu.memory_space<hbm>> -> memref<32x128xi32, #tpu.memory_space<hbm>>
        %dma_start3A_137 = arith.constant 32 : i32
        %dma_start3A_138 = arith.constant 0 : i32
        %dma_start3A_139 = tpu.memref_slice %arg4[%arg1, %dma_start3A_137, %dma_start3A_138] : memref<16x96x128xi32, #tpu.memory_space<hbm>> -> memref<1x32x128xi32, #tpu.memory_space<hbm>>
        %dma_start3A_140 = tpu.memref_squeeze %dma_start3A_139 : memref<1x32x128xi32, #tpu.memory_space<hbm>> -> memref<32x128xi32, #tpu.memory_space<hbm>>
        tpu.enqueue_dma source(%dma_start3A_140 : memref<32x128xi32, #tpu.memory_space<hbm>>) target(%arg9 : memref<32x128xi32, #tpu.memory_space<vmem>>) target_semaphore(%run_scoped3A_132 : memref<!tpu.dma_semaphore, #tpu.memory_space<semaphore_mem>>)
        %dma_wait3A = arith.constant 32 : i32
        %dma_wait3A_141 = arith.constant 0 : i32
        %dma_wait3A_142 = tpu.memref_slice %arg4[%arg1, %dma_wait3A, %dma_wait3A_141] : memref<16x96x128xi32, #tpu.memory_space<hbm>> -> memref<1x32x128xi32, #tpu.memory_space<hbm>>
        %dma_wait3A_143 = tpu.memref_squeeze %dma_wait3A_142 : memref<1x32x128xi32, #tpu.memory_space<hbm>> -> memref<32x128xi32, #tpu.memory_space<hbm>>
        %dma_wait3A_144 = arith.constant 32 : i32
        %dma_wait3A_145 = arith.constant 0 : i32
        %dma_wait3A_146 = tpu.memref_slice %arg4[%arg1, %dma_wait3A_144, %dma_wait3A_145] : memref<16x96x128xi32, #tpu.memory_space<hbm>> -> memref<1x32x128xi32, #tpu.memory_space<hbm>>
        %dma_wait3A_147 = tpu.memref_squeeze %dma_wait3A_146 : memref<1x32x128xi32, #tpu.memory_space<hbm>> -> memref<32x128xi32, #tpu.memory_space<hbm>>
        tpu.wait_dma2 semaphore(%run_scoped3A_132 : memref<!tpu.dma_semaphore, #tpu.memory_space<semaphore_mem>>) src(%dma_wait3A_147 : memref<32x128xi32, #tpu.memory_space<hbm>>) dst(%arg9 : memref<32x128xi32, #tpu.memory_space<vmem>>)
        tpu.yield
      }) : () -> ()
      %dma_start3A_62 = arith.constant 0 : i32
      %dma_start3A_63 = arith.constant 0 : i32
      %dma_start3A_64 = arith.constant 0 : i32
      %dma_start3A_65 = arith.constant 0 : i32
      %dma_start3A_66 = arith.constant 0 : i32
      %dma_start3A_67 = tpu.memref_slice %arg10[%dma_start3A_63, %dma_start3A_65, %dma_start3A_66] : memref<2x128x128xf32, #tpu.memory_space<vmem>> -> memref<1x128x128xf32, #tpu.memory_space<vmem>>
      %dma_start3A_68 = tpu.memref_squeeze %dma_start3A_67 : memref<1x128x128xf32, #tpu.memory_space<vmem>> -> memref<128x128xf32, #tpu.memory_space<vmem>>
      %dma_start3A_69 = arith.constant 0 : i32
      %dma_start3A_70 = tpu.memref_slice %arg8[%dma_start3A_62, %dma_start3A_69] : memref<32x128xi32, #tpu.memory_space<vmem>> -> memref<1x128xi32, #tpu.memory_space<vmem>>
      %dma_start3A_71 = tpu.memref_squeeze %dma_start3A_70 : memref<1x128xi32, #tpu.memory_space<vmem>> -> memref<128xi32, #tpu.memory_space<vmem>>
      %dma_start3A_72 = arith.constant 0 : i32
      %dma_start3A_73 = arith.constant 0 : i32
      %dma_start3A_74 = tpu.memref_slice %arg2[%dma_start3A_72, %dma_start3A_73] : memref<10000x128xf32, #tpu.memory_space<hbm>> -> memref<10000x128xf32, #tpu.memory_space<hbm>>
      %dma_start3A_75 = tpu.memref_slice %arg12[%dma_start3A_64] : memref<2x!tpu.dma_semaphore, #tpu.memory_space<semaphore_mem>> -> memref<1x!tpu.dma_semaphore, #tpu.memory_space<semaphore_mem>>
      %dma_start3A_76 = tpu.memref_squeeze %dma_start3A_75 : memref<1x!tpu.dma_semaphore, #tpu.memory_space<semaphore_mem>> -> memref<!tpu.dma_semaphore, #tpu.memory_space<semaphore_mem>>
      tpu.enqueue_indirect_dma source(%dma_start3A_74 : memref<10000x128xf32, #tpu.memory_space<hbm>>) target(%dma_start3A_68 : memref<128x128xf32, #tpu.memory_space<vmem>>) offsets(%dma_start3A_71 : memref<128xi32, #tpu.memory_space<vmem>>) semaphore(%dma_start3A_76 : memref<!tpu.dma_semaphore, #tpu.memory_space<semaphore_mem>>)
      %dma_start3A_77 = arith.constant 1 : i32
      %dma_start3A_78 = arith.constant 1 : i32
      %dma_start3A_79 = arith.constant 1 : i32
      %dma_start3A_80 = arith.constant 0 : i32
      %dma_start3A_81 = arith.constant 0 : i32
      %dma_start3A_82 = tpu.memref_slice %arg10[%dma_start3A_78, %dma_start3A_80, %dma_start3A_81] : memref<2x128x128xf32, #tpu.memory_space<vmem>> -> memref<1x128x128xf32, #tpu.memory_space<vmem>>
      %dma_start3A_83 = tpu.memref_squeeze %dma_start3A_82 : memref<1x128x128xf32, #tpu.memory_space<vmem>> -> memref<128x128xf32, #tpu.memory_space<vmem>>
      %dma_start3A_84 = arith.constant 0 : i32
      %dma_start3A_85 = tpu.memref_slice %arg8[%dma_start3A_77, %dma_start3A_84] : memref<32x128xi32, #tpu.memory_space<vmem>> -> memref<1x128xi32, #tpu.memory_space<vmem>>
      %dma_start3A_86 = tpu.memref_squeeze %dma_start3A_85 : memref<1x128xi32, #tpu.memory_space<vmem>> -> memref<128xi32, #tpu.memory_space<vmem>>
      %dma_start3A_87 = arith.constant 0 : i32
      %dma_start3A_88 = arith.constant 0 : i32
      %dma_start3A_89 = tpu.memref_slice %arg2[%dma_start3A_87, %dma_start3A_88] : memref<10000x128xf32, #tpu.memory_space<hbm>> -> memref<10000x128xf32, #tpu.memory_space<hbm>>
      %dma_start3A_90 = tpu.memref_slice %arg12[%dma_start3A_79] : memref<2x!tpu.dma_semaphore, #tpu.memory_space<semaphore_mem>> -> memref<1x!tpu.dma_semaphore, #tpu.memory_space<semaphore_mem>>
      %dma_start3A_91 = tpu.memref_squeeze %dma_start3A_90 : memref<1x!tpu.dma_semaphore, #tpu.memory_space<semaphore_mem>> -> memref<!tpu.dma_semaphore, #tpu.memory_space<semaphore_mem>>
      tpu.enqueue_indirect_dma source(%dma_start3A_89 : memref<10000x128xf32, #tpu.memory_space<hbm>>) target(%dma_start3A_83 : memref<128x128xf32, #tpu.memory_space<vmem>>) offsets(%dma_start3A_86 : memref<128xi32, #tpu.memory_space<vmem>>) semaphore(%dma_start3A_91 : memref<!tpu.dma_semaphore, #tpu.memory_space<semaphore_mem>>)
      %scan3A_92 = arith.constant 0 : i32
      %scan3A_93 = arith.constant 32 : i32
      %scan3A_94 = arith.addi %scan3A_92, %scan3A_93 : i32
      %scan3A_95 = arith.constant 1 : i32
      scf.for %scan3A_132 = %scan3A_92 to %scan3A_94 step %scan3A_95  : i32 {
        %and3A = arith.constant 1 : i32
        %and3A_133 = arith.andi %scan3A_132, %and3A : i32
        %dma_wait3A = arith.constant 0 : i32
        %dma_wait3A_134 = arith.constant 0 : i32
        %dma_wait3A_135 = tpu.memref_slice %arg10[%and3A_133, %dma_wait3A, %dma_wait3A_134] : memref<2x128x128xf32, #tpu.memory_space<vmem>> -> memref<1x128x128xf32, #tpu.memory_space<vmem>>
        %dma_wait3A_136 = tpu.memref_squeeze %dma_wait3A_135 : memref<1x128x128xf32, #tpu.memory_space<vmem>> -> memref<128x128xf32, #tpu.memory_space<vmem>>
        %dma_wait3A_137 = arith.constant 0 : i32
        %dma_wait3A_138 = tpu.memref_slice %arg8[%scan3A_132, %dma_wait3A_137] : memref<32x128xi32, #tpu.memory_space<vmem>> -> memref<1x128xi32, #tpu.memory_space<vmem>>
        %dma_wait3A_139 = tpu.memref_squeeze %dma_wait3A_138 : memref<1x128xi32, #tpu.memory_space<vmem>> -> memref<128xi32, #tpu.memory_space<vmem>>
        %dma_wait3A_140 = arith.constant 0 : i32
        %dma_wait3A_141 = arith.constant 0 : i32
        %dma_wait3A_142 = tpu.memref_slice %arg2[%dma_wait3A_140, %dma_wait3A_141] : memref<10000x128xf32, #tpu.memory_space<hbm>> -> memref<10000x128xf32, #tpu.memory_space<hbm>>
        %dma_wait3A_143 = tpu.memref_slice %arg12[%and3A_133] : memref<2x!tpu.dma_semaphore, #tpu.memory_space<semaphore_mem>> -> memref<1x!tpu.dma_semaphore, #tpu.memory_space<semaphore_mem>>
        %dma_wait3A_144 = tpu.memref_squeeze %dma_wait3A_143 : memref<1x!tpu.dma_semaphore, #tpu.memory_space<semaphore_mem>> -> memref<!tpu.dma_semaphore, #tpu.memory_space<semaphore_mem>>
        tpu.wait_indirect_dma semaphore(%dma_wait3A_144 : memref<!tpu.dma_semaphore, #tpu.memory_space<semaphore_mem>>) src(%dma_wait3A_142 : memref<10000x128xf32, #tpu.memory_space<hbm>>) dst(%dma_wait3A_136 : memref<128x128xf32, #tpu.memory_space<vmem>>)
        "tpu.region"() ({
          %run_scoped3A_151 = tpu.sem_alloc : memref<!tpu.dma_semaphore, #tpu.memory_space<semaphore_mem>>
          %dma_start3A_152 = arith.constant 0 : i32
          %dma_start3A_153 = arith.constant 0 : i32
          %dma_start3A_154 = tpu.memref_slice %arg10[%and3A_133, %dma_start3A_152, %dma_start3A_153] : memref<2x128x128xf32, #tpu.memory_space<vmem>> -> memref<1x128x128xf32, #tpu.memory_space<vmem>>
          %dma_start3A_155 = tpu.memref_squeeze %dma_start3A_154 : memref<1x128x128xf32, #tpu.memory_space<vmem>> -> memref<128x128xf32, #tpu.memory_space<vmem>>
          %dma_start3A_156 = arith.constant 0 : i32
          %dma_start3A_157 = tpu.memref_slice %arg9[%scan3A_132, %dma_start3A_156] : memref<32x128xi32, #tpu.memory_space<vmem>> -> memref<1x128xi32, #tpu.memory_space<vmem>>
          %dma_start3A_158 = tpu.memref_squeeze %dma_start3A_157 : memref<1x128xi32, #tpu.memory_space<vmem>> -> memref<128xi32, #tpu.memory_space<vmem>>
          %dma_start3A_159 = arith.constant 0 : i32
          %dma_start3A_160 = arith.constant 0 : i32
          %dma_start3A_161 = tpu.memref_slice %arg11[%dma_start3A_159, %dma_start3A_160] : memref<10240x128xf32, #tpu.memory_space<vmem_shared>> -> memref<10240x128xf32, #tpu.memory_space<vmem_shared>>
          tpu.enqueue_indirect_dma source(%dma_start3A_155 : memref<128x128xf32, #tpu.memory_space<vmem>>) target(%dma_start3A_161 : memref<10240x128xf32, #tpu.memory_space<vmem_shared>>) offsets(%dma_start3A_158 : memref<128xi32, #tpu.memory_space<vmem>>) semaphore(%run_scoped3A_151 : memref<!tpu.dma_semaphore, #tpu.memory_space<semaphore_mem>>) {add = true}
          %dma_wait3A_162 = arith.constant 0 : i32
          %dma_wait3A_163 = arith.constant 0 : i32
          %dma_wait3A_164 = tpu.memref_slice %arg10[%and3A_133, %dma_wait3A_162, %dma_wait3A_163] : memref<2x128x128xf32, #tpu.memory_space<vmem>> -> memref<1x128x128xf32, #tpu.memory_space<vmem>>
          %dma_wait3A_165 = tpu.memref_squeeze %dma_wait3A_164 : memref<1x128x128xf32, #tpu.memory_space<vmem>> -> memref<128x128xf32, #tpu.memory_space<vmem>>
          %dma_wait3A_166 = arith.constant 0 : i32
          %dma_wait3A_167 = tpu.memref_slice %arg9[%scan3A_132, %dma_wait3A_166] : memref<32x128xi32, #tpu.memory_space<vmem>> -> memref<1x128xi32, #tpu.memory_space<vmem>>
          %dma_wait3A_168 = tpu.memref_squeeze %dma_wait3A_167 : memref<1x128xi32, #tpu.memory_space<vmem>> -> memref<128xi32, #tpu.memory_space<vmem>>
          %dma_wait3A_169 = arith.constant 0 : i32
          %dma_wait3A_170 = arith.constant 0 : i32
          %dma_wait3A_171 = tpu.memref_slice %arg11[%dma_wait3A_169, %dma_wait3A_170] : memref<10240x128xf32, #tpu.memory_space<vmem_shared>> -> memref<10240x128xf32, #tpu.memory_space<vmem_shared>>
          tpu.wait_indirect_dma semaphore(%run_scoped3A_151 : memref<!tpu.dma_semaphore, #tpu.memory_space<semaphore_mem>>) src(%dma_wait3A_165 : memref<128x128xf32, #tpu.memory_space<vmem>>) dst(%dma_wait3A_171 : memref<10240x128xf32, #tpu.memory_space<vmem_shared>>)
          tpu.yield
        }) : () -> ()
        %add3A_145 = arith.constant 2 : i32
        %add3A_146 = arith.addi %scan3A_132, %add3A_145 : i32
        %lt3A = arith.constant 32 : i32
        %lt3A_147 = arith.cmpi slt, %add3A_146, %lt3A : i32
        %convert_element_type3A_148 = arith.extui %lt3A_147 : i1 to i32
        %cond3A_149 = arith.constant 0 : i32
        %cond3A_150 = arith.cmpi ne, %convert_element_type3A_148, %cond3A_149 : i32
        scf.if %cond3A_150 {
          %dma_start3A_151 = arith.constant 0 : i32
          %dma_start3A_152 = arith.constant 0 : i32
          %dma_start3A_153 = tpu.memref_slice %arg10[%and3A_133, %dma_start3A_151, %dma_start3A_152] : memref<2x128x128xf32, #tpu.memory_space<vmem>> -> memref<1x128x128xf32, #tpu.memory_space<vmem>>
          %dma_start3A_154 = tpu.memref_squeeze %dma_start3A_153 : memref<1x128x128xf32, #tpu.memory_space<vmem>> -> memref<128x128xf32, #tpu.memory_space<vmem>>
          %dma_start3A_155 = arith.constant 0 : i32
          %dma_start3A_156 = tpu.memref_slice %arg8[%add3A_146, %dma_start3A_155] : memref<32x128xi32, #tpu.memory_space<vmem>> -> memref<1x128xi32, #tpu.memory_space<vmem>>
          %dma_start3A_157 = tpu.memref_squeeze %dma_start3A_156 : memref<1x128xi32, #tpu.memory_space<vmem>> -> memref<128xi32, #tpu.memory_space<vmem>>
          %dma_start3A_158 = arith.constant 0 : i32
          %dma_start3A_159 = arith.constant 0 : i32
          %dma_start3A_160 = tpu.memref_slice %arg2[%dma_start3A_158, %dma_start3A_159] : memref<10000x128xf32, #tpu.memory_space<hbm>> -> memref<10000x128xf32, #tpu.memory_space<hbm>>
          %dma_start3A_161 = tpu.memref_slice %arg12[%and3A_133] : memref<2x!tpu.dma_semaphore, #tpu.memory_space<semaphore_mem>> -> memref<1x!tpu.dma_semaphore, #tpu.memory_space<semaphore_mem>>
          %dma_start3A_162 = tpu.memref_squeeze %dma_start3A_161 : memref<1x!tpu.dma_semaphore, #tpu.memory_space<semaphore_mem>> -> memref<!tpu.dma_semaphore, #tpu.memory_space<semaphore_mem>>
          tpu.enqueue_indirect_dma source(%dma_start3A_160 : memref<10000x128xf32, #tpu.memory_space<hbm>>) target(%dma_start3A_154 : memref<128x128xf32, #tpu.memory_space<vmem>>) offsets(%dma_start3A_157 : memref<128xi32, #tpu.memory_space<vmem>>) semaphore(%dma_start3A_162 : memref<!tpu.dma_semaphore, #tpu.memory_space<semaphore_mem>>)
        } else {
        }
      }
      %scan3A_96 = arith.constant 32 : i32
      "tpu.region"() ({
        %run_scoped3A_132 = tpu.sem_alloc : memref<!tpu.dma_semaphore, #tpu.memory_space<semaphore_mem>>
        %dma_start3A_133 = arith.constant 64 : i32
        %dma_start3A_134 = arith.constant 0 : i32
        %dma_start3A_135 = tpu.memref_slice %arg3[%arg1, %dma_start3A_133, %dma_start3A_134] : memref<16x96x128xi32, #tpu.memory_space<hbm>> -> memref<1x32x128xi32, #tpu.memory_space<hbm>>
        %dma_start3A_136 = tpu.memref_squeeze %dma_start3A_135 : memref<1x32x128xi32, #tpu.memory_space<hbm>> -> memref<32x128xi32, #tpu.memory_space<hbm>>
        %dma_start3A_137 = arith.constant 64 : i32
        %dma_start3A_138 = arith.constant 0 : i32
        %dma_start3A_139 = tpu.memref_slice %arg3[%arg1, %dma_start3A_137, %dma_start3A_138] : memref<16x96x128xi32, #tpu.memory_space<hbm>> -> memref<1x32x128xi32, #tpu.memory_space<hbm>>
        %dma_start3A_140 = tpu.memref_squeeze %dma_start3A_139 : memref<1x32x128xi32, #tpu.memory_space<hbm>> -> memref<32x128xi32, #tpu.memory_space<hbm>>
        tpu.enqueue_dma source(%dma_start3A_140 : memref<32x128xi32, #tpu.memory_space<hbm>>) target(%arg8 : memref<32x128xi32, #tpu.memory_space<vmem>>) target_semaphore(%run_scoped3A_132 : memref<!tpu.dma_semaphore, #tpu.memory_space<semaphore_mem>>)
        %dma_wait3A = arith.constant 64 : i32
        %dma_wait3A_141 = arith.constant 0 : i32
        %dma_wait3A_142 = tpu.memref_slice %arg3[%arg1, %dma_wait3A, %dma_wait3A_141] : memref<16x96x128xi32, #tpu.memory_space<hbm>> -> memref<1x32x128xi32, #tpu.memory_space<hbm>>
        %dma_wait3A_143 = tpu.memref_squeeze %dma_wait3A_142 : memref<1x32x128xi32, #tpu.memory_space<hbm>> -> memref<32x128xi32, #tpu.memory_space<hbm>>
        %dma_wait3A_144 = arith.constant 64 : i32
        %dma_wait3A_145 = arith.constant 0 : i32
        %dma_wait3A_146 = tpu.memref_slice %arg3[%arg1, %dma_wait3A_144, %dma_wait3A_145] : memref<16x96x128xi32, #tpu.memory_space<hbm>> -> memref<1x32x128xi32, #tpu.memory_space<hbm>>
        %dma_wait3A_147 = tpu.memref_squeeze %dma_wait3A_146 : memref<1x32x128xi32, #tpu.memory_space<hbm>> -> memref<32x128xi32, #tpu.memory_space<hbm>>
        tpu.wait_dma2 semaphore(%run_scoped3A_132 : memref<!tpu.dma_semaphore, #tpu.memory_space<semaphore_mem>>) src(%dma_wait3A_147 : memref<32x128xi32, #tpu.memory_space<hbm>>) dst(%arg8 : memref<32x128xi32, #tpu.memory_space<vmem>>)
        tpu.yield
      }) : () -> ()
      "tpu.region"() ({
        %run_scoped3A_132 = tpu.sem_alloc : memref<!tpu.dma_semaphore, #tpu.memory_space<semaphore_mem>>
        %dma_start3A_133 = arith.constant 64 : i32
        %dma_start3A_134 = arith.constant 0 : i32
        %dma_start3A_135 = tpu.memref_slice %arg4[%arg1, %dma_start3A_133, %dma_start3A_134] : memref<16x96x128xi32, #tpu.memory_space<hbm>> -> memref<1x32x128xi32, #tpu.memory_space<hbm>>
        %dma_start3A_136 = tpu.memref_squeeze %dma_start3A_135 : memref<1x32x128xi32, #tpu.memory_space<hbm>> -> memref<32x128xi32, #tpu.memory_space<hbm>>
        %dma_start3A_137 = arith.constant 64 : i32
        %dma_start3A_138 = arith.constant 0 : i32
        %dma_start3A_139 = tpu.memref_slice %arg4[%arg1, %dma_start3A_137, %dma_start3A_138] : memref<16x96x128xi32, #tpu.memory_space<hbm>> -> memref<1x32x128xi32, #tpu.memory_space<hbm>>
        %dma_start3A_140 = tpu.memref_squeeze %dma_start3A_139 : memref<1x32x128xi32, #tpu.memory_space<hbm>> -> memref<32x128xi32, #tpu.memory_space<hbm>>
        tpu.enqueue_dma source(%dma_start3A_140 : memref<32x128xi32, #tpu.memory_space<hbm>>) target(%arg9 : memref<32x128xi32, #tpu.memory_space<vmem>>) target_semaphore(%run_scoped3A_132 : memref<!tpu.dma_semaphore, #tpu.memory_space<semaphore_mem>>)
        %dma_wait3A = arith.constant 64 : i32
        %dma_wait3A_141 = arith.constant 0 : i32
        %dma_wait3A_142 = tpu.memref_slice %arg4[%arg1, %dma_wait3A, %dma_wait3A_141] : memref<16x96x128xi32, #tpu.memory_space<hbm>> -> memref<1x32x128xi32, #tpu.memory_space<hbm>>
        %dma_wait3A_143 = tpu.memref_squeeze %dma_wait3A_142 : memref<1x32x128xi32, #tpu.memory_space<hbm>> -> memref<32x128xi32, #tpu.memory_space<hbm>>
        %dma_wait3A_144 = arith.constant 64 : i32
        %dma_wait3A_145 = arith.constant 0 : i32
        %dma_wait3A_146 = tpu.memref_slice %arg4[%arg1, %dma_wait3A_144, %dma_wait3A_145] : memref<16x96x128xi32, #tpu.memory_space<hbm>> -> memref<1x32x128xi32, #tpu.memory_space<hbm>>
        %dma_wait3A_147 = tpu.memref_squeeze %dma_wait3A_146 : memref<1x32x128xi32, #tpu.memory_space<hbm>> -> memref<32x128xi32, #tpu.memory_space<hbm>>
        tpu.wait_dma2 semaphore(%run_scoped3A_132 : memref<!tpu.dma_semaphore, #tpu.memory_space<semaphore_mem>>) src(%dma_wait3A_147 : memref<32x128xi32, #tpu.memory_space<hbm>>) dst(%arg9 : memref<32x128xi32, #tpu.memory_space<vmem>>)
        tpu.yield
      }) : () -> ()
      %dma_start3A_97 = arith.constant 0 : i32
      %dma_start3A_98 = arith.constant 0 : i32
      %dma_start3A_99 = arith.constant 0 : i32
      %dma_start3A_100 = arith.constant 0 : i32
      %dma_start3A_101 = arith.constant 0 : i32
      %dma_start3A_102 = tpu.memref_slice %arg10[%dma_start3A_98, %dma_start3A_100, %dma_start3A_101] : memref<2x128x128xf32, #tpu.memory_space<vmem>> -> memref<1x128x128xf32, #tpu.memory_space<vmem>>
      %dma_start3A_103 = tpu.memref_squeeze %dma_start3A_102 : memref<1x128x128xf32, #tpu.memory_space<vmem>> -> memref<128x128xf32, #tpu.memory_space<vmem>>
      %dma_start3A_104 = arith.constant 0 : i32
      %dma_start3A_105 = tpu.memref_slice %arg8[%dma_start3A_97, %dma_start3A_104] : memref<32x128xi32, #tpu.memory_space<vmem>> -> memref<1x128xi32, #tpu.memory_space<vmem>>
      %dma_start3A_106 = tpu.memref_squeeze %dma_start3A_105 : memref<1x128xi32, #tpu.memory_space<vmem>> -> memref<128xi32, #tpu.memory_space<vmem>>
      %dma_start3A_107 = arith.constant 0 : i32
      %dma_start3A_108 = arith.constant 0 : i32
      %dma_start3A_109 = tpu.memref_slice %arg2[%dma_start3A_107, %dma_start3A_108] : memref<10000x128xf32, #tpu.memory_space<hbm>> -> memref<10000x128xf32, #tpu.memory_space<hbm>>
      %dma_start3A_110 = tpu.memref_slice %arg12[%dma_start3A_99] : memref<2x!tpu.dma_semaphore, #tpu.memory_space<semaphore_mem>> -> memref<1x!tpu.dma_semaphore, #tpu.memory_space<semaphore_mem>>
      %dma_start3A_111 = tpu.memref_squeeze %dma_start3A_110 : memref<1x!tpu.dma_semaphore, #tpu.memory_space<semaphore_mem>> -> memref<!tpu.dma_semaphore, #tpu.memory_space<semaphore_mem>>
      tpu.enqueue_indirect_dma source(%dma_start3A_109 : memref<10000x128xf32, #tpu.memory_space<hbm>>) target(%dma_start3A_103 : memref<128x128xf32, #tpu.memory_space<vmem>>) offsets(%dma_start3A_106 : memref<128xi32, #tpu.memory_space<vmem>>) semaphore(%dma_start3A_111 : memref<!tpu.dma_semaphore, #tpu.memory_space<semaphore_mem>>)
      %dma_start3A_112 = arith.constant 1 : i32
      %dma_start3A_113 = arith.constant 1 : i32
      %dma_start3A_114 = arith.constant 1 : i32
      %dma_start3A_115 = arith.constant 0 : i32
      %dma_start3A_116 = arith.constant 0 : i32
      %dma_start3A_117 = tpu.memref_slice %arg10[%dma_start3A_113, %dma_start3A_115, %dma_start3A_116] : memref<2x128x128xf32, #tpu.memory_space<vmem>> -> memref<1x128x128xf32, #tpu.memory_space<vmem>>
      %dma_start3A_118 = tpu.memref_squeeze %dma_start3A_117 : memref<1x128x128xf32, #tpu.memory_space<vmem>> -> memref<128x128xf32, #tpu.memory_space<vmem>>
      %dma_start3A_119 = arith.constant 0 : i32
      %dma_start3A_120 = tpu.memref_slice %arg8[%dma_start3A_112, %dma_start3A_119] : memref<32x128xi32, #tpu.memory_space<vmem>> -> memref<1x128xi32, #tpu.memory_space<vmem>>
      %dma_start3A_121 = tpu.memref_squeeze %dma_start3A_120 : memref<1x128xi32, #tpu.memory_space<vmem>> -> memref<128xi32, #tpu.memory_space<vmem>>
      %dma_start3A_122 = arith.constant 0 : i32
      %dma_start3A_123 = arith.constant 0 : i32
      %dma_start3A_124 = tpu.memref_slice %arg2[%dma_start3A_122, %dma_start3A_123] : memref<10000x128xf32, #tpu.memory_space<hbm>> -> memref<10000x128xf32, #tpu.memory_space<hbm>>
      %dma_start3A_125 = tpu.memref_slice %arg12[%dma_start3A_114] : memref<2x!tpu.dma_semaphore, #tpu.memory_space<semaphore_mem>> -> memref<1x!tpu.dma_semaphore, #tpu.memory_space<semaphore_mem>>
      %dma_start3A_126 = tpu.memref_squeeze %dma_start3A_125 : memref<1x!tpu.dma_semaphore, #tpu.memory_space<semaphore_mem>> -> memref<!tpu.dma_semaphore, #tpu.memory_space<semaphore_mem>>
      tpu.enqueue_indirect_dma source(%dma_start3A_124 : memref<10000x128xf32, #tpu.memory_space<hbm>>) target(%dma_start3A_118 : memref<128x128xf32, #tpu.memory_space<vmem>>) offsets(%dma_start3A_121 : memref<128xi32, #tpu.memory_space<vmem>>) semaphore(%dma_start3A_126 : memref<!tpu.dma_semaphore, #tpu.memory_space<semaphore_mem>>)
      %scan3A_127 = arith.constant 0 : i32
      %scan3A_128 = arith.constant 32 : i32
      %scan3A_129 = arith.addi %scan3A_127, %scan3A_128 : i32
      %scan3A_130 = arith.constant 1 : i32
      scf.for %scan3A_132 = %scan3A_127 to %scan3A_129 step %scan3A_130  : i32 {
        %and3A = arith.constant 1 : i32
        %and3A_133 = arith.andi %scan3A_132, %and3A : i32
        %dma_wait3A = arith.constant 0 : i32
        %dma_wait3A_134 = arith.constant 0 : i32
        %dma_wait3A_135 = tpu.memref_slice %arg10[%and3A_133, %dma_wait3A, %dma_wait3A_134] : memref<2x128x128xf32, #tpu.memory_space<vmem>> -> memref<1x128x128xf32, #tpu.memory_space<vmem>>
        %dma_wait3A_136 = tpu.memref_squeeze %dma_wait3A_135 : memref<1x128x128xf32, #tpu.memory_space<vmem>> -> memref<128x128xf32, #tpu.memory_space<vmem>>
        %dma_wait3A_137 = arith.constant 0 : i32
        %dma_wait3A_138 = tpu.memref_slice %arg8[%scan3A_132, %dma_wait3A_137] : memref<32x128xi32, #tpu.memory_space<vmem>> -> memref<1x128xi32, #tpu.memory_space<vmem>>
        %dma_wait3A_139 = tpu.memref_squeeze %dma_wait3A_138 : memref<1x128xi32, #tpu.memory_space<vmem>> -> memref<128xi32, #tpu.memory_space<vmem>>
        %dma_wait3A_140 = arith.constant 0 : i32
        %dma_wait3A_141 = arith.constant 0 : i32
        %dma_wait3A_142 = tpu.memref_slice %arg2[%dma_wait3A_140, %dma_wait3A_141] : memref<10000x128xf32, #tpu.memory_space<hbm>> -> memref<10000x128xf32, #tpu.memory_space<hbm>>
        %dma_wait3A_143 = tpu.memref_slice %arg12[%and3A_133] : memref<2x!tpu.dma_semaphore, #tpu.memory_space<semaphore_mem>> -> memref<1x!tpu.dma_semaphore, #tpu.memory_space<semaphore_mem>>
        %dma_wait3A_144 = tpu.memref_squeeze %dma_wait3A_143 : memref<1x!tpu.dma_semaphore, #tpu.memory_space<semaphore_mem>> -> memref<!tpu.dma_semaphore, #tpu.memory_space<semaphore_mem>>
        tpu.wait_indirect_dma semaphore(%dma_wait3A_144 : memref<!tpu.dma_semaphore, #tpu.memory_space<semaphore_mem>>) src(%dma_wait3A_142 : memref<10000x128xf32, #tpu.memory_space<hbm>>) dst(%dma_wait3A_136 : memref<128x128xf32, #tpu.memory_space<vmem>>)
        "tpu.region"() ({
          %run_scoped3A_151 = tpu.sem_alloc : memref<!tpu.dma_semaphore, #tpu.memory_space<semaphore_mem>>
          %dma_start3A_152 = arith.constant 0 : i32
          %dma_start3A_153 = arith.constant 0 : i32
          %dma_start3A_154 = tpu.memref_slice %arg10[%and3A_133, %dma_start3A_152, %dma_start3A_153] : memref<2x128x128xf32, #tpu.memory_space<vmem>> -> memref<1x128x128xf32, #tpu.memory_space<vmem>>
          %dma_start3A_155 = tpu.memref_squeeze %dma_start3A_154 : memref<1x128x128xf32, #tpu.memory_space<vmem>> -> memref<128x128xf32, #tpu.memory_space<vmem>>
          %dma_start3A_156 = arith.constant 0 : i32
          %dma_start3A_157 = tpu.memref_slice %arg9[%scan3A_132, %dma_start3A_156] : memref<32x128xi32, #tpu.memory_space<vmem>> -> memref<1x128xi32, #tpu.memory_space<vmem>>
          %dma_start3A_158 = tpu.memref_squeeze %dma_start3A_157 : memref<1x128xi32, #tpu.memory_space<vmem>> -> memref<128xi32, #tpu.memory_space<vmem>>
          %dma_start3A_159 = arith.constant 0 : i32
          %dma_start3A_160 = arith.constant 0 : i32
          %dma_start3A_161 = tpu.memref_slice %arg11[%dma_start3A_159, %dma_start3A_160] : memref<10240x128xf32, #tpu.memory_space<vmem_shared>> -> memref<10240x128xf32, #tpu.memory_space<vmem_shared>>
          tpu.enqueue_indirect_dma source(%dma_start3A_155 : memref<128x128xf32, #tpu.memory_space<vmem>>) target(%dma_start3A_161 : memref<10240x128xf32, #tpu.memory_space<vmem_shared>>) offsets(%dma_start3A_158 : memref<128xi32, #tpu.memory_space<vmem>>) semaphore(%run_scoped3A_151 : memref<!tpu.dma_semaphore, #tpu.memory_space<semaphore_mem>>) {add = true}
          %dma_wait3A_162 = arith.constant 0 : i32
          %dma_wait3A_163 = arith.constant 0 : i32
          %dma_wait3A_164 = tpu.memref_slice %arg10[%and3A_133, %dma_wait3A_162, %dma_wait3A_163] : memref<2x128x128xf32, #tpu.memory_space<vmem>> -> memref<1x128x128xf32, #tpu.memory_space<vmem>>
          %dma_wait3A_165 = tpu.memref_squeeze %dma_wait3A_164 : memref<1x128x128xf32, #tpu.memory_space<vmem>> -> memref<128x128xf32, #tpu.memory_space<vmem>>
          %dma_wait3A_166 = arith.constant 0 : i32
          %dma_wait3A_167 = tpu.memref_slice %arg9[%scan3A_132, %dma_wait3A_166] : memref<32x128xi32, #tpu.memory_space<vmem>> -> memref<1x128xi32, #tpu.memory_space<vmem>>
          %dma_wait3A_168 = tpu.memref_squeeze %dma_wait3A_167 : memref<1x128xi32, #tpu.memory_space<vmem>> -> memref<128xi32, #tpu.memory_space<vmem>>
          %dma_wait3A_169 = arith.constant 0 : i32
          %dma_wait3A_170 = arith.constant 0 : i32
          %dma_wait3A_171 = tpu.memref_slice %arg11[%dma_wait3A_169, %dma_wait3A_170] : memref<10240x128xf32, #tpu.memory_space<vmem_shared>> -> memref<10240x128xf32, #tpu.memory_space<vmem_shared>>
          tpu.wait_indirect_dma semaphore(%run_scoped3A_151 : memref<!tpu.dma_semaphore, #tpu.memory_space<semaphore_mem>>) src(%dma_wait3A_165 : memref<128x128xf32, #tpu.memory_space<vmem>>) dst(%dma_wait3A_171 : memref<10240x128xf32, #tpu.memory_space<vmem_shared>>)
          tpu.yield
        }) : () -> ()
        %add3A_145 = arith.constant 2 : i32
        %add3A_146 = arith.addi %scan3A_132, %add3A_145 : i32
        %lt3A = arith.constant 32 : i32
        %lt3A_147 = arith.cmpi slt, %add3A_146, %lt3A : i32
        %convert_element_type3A_148 = arith.extui %lt3A_147 : i1 to i32
        %cond3A_149 = arith.constant 0 : i32
        %cond3A_150 = arith.cmpi ne, %convert_element_type3A_148, %cond3A_149 : i32
        scf.if %cond3A_150 {
          %dma_start3A_151 = arith.constant 0 : i32
          %dma_start3A_152 = arith.constant 0 : i32
          %dma_start3A_153 = tpu.memref_slice %arg10[%and3A_133, %dma_start3A_151, %dma_start3A_152] : memref<2x128x128xf32, #tpu.memory_space<vmem>> -> memref<1x128x128xf32, #tpu.memory_space<vmem>>
          %dma_start3A_154 = tpu.memref_squeeze %dma_start3A_153 : memref<1x128x128xf32, #tpu.memory_space<vmem>> -> memref<128x128xf32, #tpu.memory_space<vmem>>
          %dma_start3A_155 = arith.constant 0 : i32
          %dma_start3A_156 = tpu.memref_slice %arg8[%add3A_146, %dma_start3A_155] : memref<32x128xi32, #tpu.memory_space<vmem>> -> memref<1x128xi32, #tpu.memory_space<vmem>>
          %dma_start3A_157 = tpu.memref_squeeze %dma_start3A_156 : memref<1x128xi32, #tpu.memory_space<vmem>> -> memref<128xi32, #tpu.memory_space<vmem>>
          %dma_start3A_158 = arith.constant 0 : i32
          %dma_start3A_159 = arith.constant 0 : i32
          %dma_start3A_160 = tpu.memref_slice %arg2[%dma_start3A_158, %dma_start3A_159] : memref<10000x128xf32, #tpu.memory_space<hbm>> -> memref<10000x128xf32, #tpu.memory_space<hbm>>
          %dma_start3A_161 = tpu.memref_slice %arg12[%and3A_133] : memref<2x!tpu.dma_semaphore, #tpu.memory_space<semaphore_mem>> -> memref<1x!tpu.dma_semaphore, #tpu.memory_space<semaphore_mem>>
          %dma_start3A_162 = tpu.memref_squeeze %dma_start3A_161 : memref<1x!tpu.dma_semaphore, #tpu.memory_space<semaphore_mem>> -> memref<!tpu.dma_semaphore, #tpu.memory_space<semaphore_mem>>
          tpu.enqueue_indirect_dma source(%dma_start3A_160 : memref<10000x128xf32, #tpu.memory_space<hbm>>) target(%dma_start3A_154 : memref<128x128xf32, #tpu.memory_space<vmem>>) offsets(%dma_start3A_157 : memref<128xi32, #tpu.memory_space<vmem>>) semaphore(%dma_start3A_162 : memref<!tpu.dma_semaphore, #tpu.memory_space<semaphore_mem>>)
        } else {
        }
      }
      %scan3A_131 = arith.constant 32 : i32
    } else {
    }
    %eq3A_22 = arith.constant 1 : i32
    %eq3A_23 = arith.cmpi eq, %arg0, %eq3A_22 : i32
    %convert_element_type3A_24 = arith.extui %eq3A_23 : i1 to i32
    %cond3A_25 = arith.constant 0 : i32
    %cond3A_26 = arith.cmpi ne, %convert_element_type3A_24, %cond3A_25 : i32
    scf.if %cond3A_26 {
      "tpu.region"() ({
        %run_scoped3A_97 = tpu.sem_alloc : memref<!tpu.dma_semaphore, #tpu.memory_space<semaphore_mem>>
        %dma_start3A_98 = arith.constant 0 : i32
        %dma_start3A_99 = arith.constant 0 : i32
        %dma_start3A_100 = tpu.memref_slice %arg5[%arg1, %dma_start3A_98, %dma_start3A_99] : memref<16x64x128xi32, #tpu.memory_space<hbm>> -> memref<1x32x128xi32, #tpu.memory_space<hbm>>
        %dma_start3A_101 = tpu.memref_squeeze %dma_start3A_100 : memref<1x32x128xi32, #tpu.memory_space<hbm>> -> memref<32x128xi32, #tpu.memory_space<hbm>>
        %dma_start3A_102 = arith.constant 0 : i32
        %dma_start3A_103 = arith.constant 0 : i32
        %dma_start3A_104 = tpu.memref_slice %arg5[%arg1, %dma_start3A_102, %dma_start3A_103] : memref<16x64x128xi32, #tpu.memory_space<hbm>> -> memref<1x32x128xi32, #tpu.memory_space<hbm>>
        %dma_start3A_105 = tpu.memref_squeeze %dma_start3A_104 : memref<1x32x128xi32, #tpu.memory_space<hbm>> -> memref<32x128xi32, #tpu.memory_space<hbm>>
        tpu.enqueue_dma source(%dma_start3A_105 : memref<32x128xi32, #tpu.memory_space<hbm>>) target(%arg8 : memref<32x128xi32, #tpu.memory_space<vmem>>) target_semaphore(%run_scoped3A_97 : memref<!tpu.dma_semaphore, #tpu.memory_space<semaphore_mem>>)
        %dma_wait3A = arith.constant 0 : i32
        %dma_wait3A_106 = arith.constant 0 : i32
        %dma_wait3A_107 = tpu.memref_slice %arg5[%arg1, %dma_wait3A, %dma_wait3A_106] : memref<16x64x128xi32, #tpu.memory_space<hbm>> -> memref<1x32x128xi32, #tpu.memory_space<hbm>>
        %dma_wait3A_108 = tpu.memref_squeeze %dma_wait3A_107 : memref<1x32x128xi32, #tpu.memory_space<hbm>> -> memref<32x128xi32, #tpu.memory_space<hbm>>
        %dma_wait3A_109 = arith.constant 0 : i32
        %dma_wait3A_110 = arith.constant 0 : i32
        %dma_wait3A_111 = tpu.memref_slice %arg5[%arg1, %dma_wait3A_109, %dma_wait3A_110] : memref<16x64x128xi32, #tpu.memory_space<hbm>> -> memref<1x32x128xi32, #tpu.memory_space<hbm>>
        %dma_wait3A_112 = tpu.memref_squeeze %dma_wait3A_111 : memref<1x32x128xi32, #tpu.memory_space<hbm>> -> memref<32x128xi32, #tpu.memory_space<hbm>>
        tpu.wait_dma2 semaphore(%run_scoped3A_97 : memref<!tpu.dma_semaphore, #tpu.memory_space<semaphore_mem>>) src(%dma_wait3A_112 : memref<32x128xi32, #tpu.memory_space<hbm>>) dst(%arg8 : memref<32x128xi32, #tpu.memory_space<vmem>>)
        tpu.yield
      }) : () -> ()
      "tpu.region"() ({
        %run_scoped3A_97 = tpu.sem_alloc : memref<!tpu.dma_semaphore, #tpu.memory_space<semaphore_mem>>
        %dma_start3A_98 = arith.constant 0 : i32
        %dma_start3A_99 = arith.constant 0 : i32
        %dma_start3A_100 = tpu.memref_slice %arg6[%arg1, %dma_start3A_98, %dma_start3A_99] : memref<16x64x128xi32, #tpu.memory_space<hbm>> -> memref<1x32x128xi32, #tpu.memory_space<hbm>>
        %dma_start3A_101 = tpu.memref_squeeze %dma_start3A_100 : memref<1x32x128xi32, #tpu.memory_space<hbm>> -> memref<32x128xi32, #tpu.memory_space<hbm>>
        %dma_start3A_102 = arith.constant 0 : i32
        %dma_start3A_103 = arith.constant 0 : i32
        %dma_start3A_104 = tpu.memref_slice %arg6[%arg1, %dma_start3A_102, %dma_start3A_103] : memref<16x64x128xi32, #tpu.memory_space<hbm>> -> memref<1x32x128xi32, #tpu.memory_space<hbm>>
        %dma_start3A_105 = tpu.memref_squeeze %dma_start3A_104 : memref<1x32x128xi32, #tpu.memory_space<hbm>> -> memref<32x128xi32, #tpu.memory_space<hbm>>
        tpu.enqueue_dma source(%dma_start3A_105 : memref<32x128xi32, #tpu.memory_space<hbm>>) target(%arg9 : memref<32x128xi32, #tpu.memory_space<vmem>>) target_semaphore(%run_scoped3A_97 : memref<!tpu.dma_semaphore, #tpu.memory_space<semaphore_mem>>)
        %dma_wait3A = arith.constant 0 : i32
        %dma_wait3A_106 = arith.constant 0 : i32
        %dma_wait3A_107 = tpu.memref_slice %arg6[%arg1, %dma_wait3A, %dma_wait3A_106] : memref<16x64x128xi32, #tpu.memory_space<hbm>> -> memref<1x32x128xi32, #tpu.memory_space<hbm>>
        %dma_wait3A_108 = tpu.memref_squeeze %dma_wait3A_107 : memref<1x32x128xi32, #tpu.memory_space<hbm>> -> memref<32x128xi32, #tpu.memory_space<hbm>>
        %dma_wait3A_109 = arith.constant 0 : i32
        %dma_wait3A_110 = arith.constant 0 : i32
        %dma_wait3A_111 = tpu.memref_slice %arg6[%arg1, %dma_wait3A_109, %dma_wait3A_110] : memref<16x64x128xi32, #tpu.memory_space<hbm>> -> memref<1x32x128xi32, #tpu.memory_space<hbm>>
        %dma_wait3A_112 = tpu.memref_squeeze %dma_wait3A_111 : memref<1x32x128xi32, #tpu.memory_space<hbm>> -> memref<32x128xi32, #tpu.memory_space<hbm>>
        tpu.wait_dma2 semaphore(%run_scoped3A_97 : memref<!tpu.dma_semaphore, #tpu.memory_space<semaphore_mem>>) src(%dma_wait3A_112 : memref<32x128xi32, #tpu.memory_space<hbm>>) dst(%arg9 : memref<32x128xi32, #tpu.memory_space<vmem>>)
        tpu.yield
      }) : () -> ()
      %dma_start3A = arith.constant 0 : i32
      %dma_start3A_28 = arith.constant 0 : i32
      %dma_start3A_29 = arith.constant 0 : i32
      %dma_start3A_30 = arith.constant 0 : i32
      %dma_start3A_31 = arith.constant 0 : i32
      %dma_start3A_32 = tpu.memref_slice %arg10[%dma_start3A_28, %dma_start3A_30, %dma_start3A_31] : memref<2x128x128xf32, #tpu.memory_space<vmem>> -> memref<1x128x128xf32, #tpu.memory_space<vmem>>
      %dma_start3A_33 = tpu.memref_squeeze %dma_start3A_32 : memref<1x128x128xf32, #tpu.memory_space<vmem>> -> memref<128x128xf32, #tpu.memory_space<vmem>>
      %dma_start3A_34 = arith.constant 0 : i32
      %dma_start3A_35 = tpu.memref_slice %arg8[%dma_start3A, %dma_start3A_34] : memref<32x128xi32, #tpu.memory_space<vmem>> -> memref<1x128xi32, #tpu.memory_space<vmem>>
      %dma_start3A_36 = tpu.memref_squeeze %dma_start3A_35 : memref<1x128xi32, #tpu.memory_space<vmem>> -> memref<128xi32, #tpu.memory_space<vmem>>
      %dma_start3A_37 = arith.constant 0 : i32
      %dma_start3A_38 = arith.constant 0 : i32
      %dma_start3A_39 = tpu.memref_slice %arg2[%dma_start3A_37, %dma_start3A_38] : memref<10000x128xf32, #tpu.memory_space<hbm>> -> memref<10000x128xf32, #tpu.memory_space<hbm>>
      %dma_start3A_40 = tpu.memref_slice %arg12[%dma_start3A_29] : memref<2x!tpu.dma_semaphore, #tpu.memory_space<semaphore_mem>> -> memref<1x!tpu.dma_semaphore, #tpu.memory_space<semaphore_mem>>
      %dma_start3A_41 = tpu.memref_squeeze %dma_start3A_40 : memref<1x!tpu.dma_semaphore, #tpu.memory_space<semaphore_mem>> -> memref<!tpu.dma_semaphore, #tpu.memory_space<semaphore_mem>>
      tpu.enqueue_indirect_dma source(%dma_start3A_39 : memref<10000x128xf32, #tpu.memory_space<hbm>>) target(%dma_start3A_33 : memref<128x128xf32, #tpu.memory_space<vmem>>) offsets(%dma_start3A_36 : memref<128xi32, #tpu.memory_space<vmem>>) semaphore(%dma_start3A_41 : memref<!tpu.dma_semaphore, #tpu.memory_space<semaphore_mem>>)
      %dma_start3A_42 = arith.constant 1 : i32
      %dma_start3A_43 = arith.constant 1 : i32
      %dma_start3A_44 = arith.constant 1 : i32
      %dma_start3A_45 = arith.constant 0 : i32
      %dma_start3A_46 = arith.constant 0 : i32
      %dma_start3A_47 = tpu.memref_slice %arg10[%dma_start3A_43, %dma_start3A_45, %dma_start3A_46] : memref<2x128x128xf32, #tpu.memory_space<vmem>> -> memref<1x128x128xf32, #tpu.memory_space<vmem>>
      %dma_start3A_48 = tpu.memref_squeeze %dma_start3A_47 : memref<1x128x128xf32, #tpu.memory_space<vmem>> -> memref<128x128xf32, #tpu.memory_space<vmem>>
      %dma_start3A_49 = arith.constant 0 : i32
      %dma_start3A_50 = tpu.memref_slice %arg8[%dma_start3A_42, %dma_start3A_49] : memref<32x128xi32, #tpu.memory_space<vmem>> -> memref<1x128xi32, #tpu.memory_space<vmem>>
      %dma_start3A_51 = tpu.memref_squeeze %dma_start3A_50 : memref<1x128xi32, #tpu.memory_space<vmem>> -> memref<128xi32, #tpu.memory_space<vmem>>
      %dma_start3A_52 = arith.constant 0 : i32
      %dma_start3A_53 = arith.constant 0 : i32
      %dma_start3A_54 = tpu.memref_slice %arg2[%dma_start3A_52, %dma_start3A_53] : memref<10000x128xf32, #tpu.memory_space<hbm>> -> memref<10000x128xf32, #tpu.memory_space<hbm>>
      %dma_start3A_55 = tpu.memref_slice %arg12[%dma_start3A_44] : memref<2x!tpu.dma_semaphore, #tpu.memory_space<semaphore_mem>> -> memref<1x!tpu.dma_semaphore, #tpu.memory_space<semaphore_mem>>
      %dma_start3A_56 = tpu.memref_squeeze %dma_start3A_55 : memref<1x!tpu.dma_semaphore, #tpu.memory_space<semaphore_mem>> -> memref<!tpu.dma_semaphore, #tpu.memory_space<semaphore_mem>>
      tpu.enqueue_indirect_dma source(%dma_start3A_54 : memref<10000x128xf32, #tpu.memory_space<hbm>>) target(%dma_start3A_48 : memref<128x128xf32, #tpu.memory_space<vmem>>) offsets(%dma_start3A_51 : memref<128xi32, #tpu.memory_space<vmem>>) semaphore(%dma_start3A_56 : memref<!tpu.dma_semaphore, #tpu.memory_space<semaphore_mem>>)
      %scan3A_57 = arith.constant 0 : i32
      %scan3A_58 = arith.constant 32 : i32
      %scan3A_59 = arith.addi %scan3A_57, %scan3A_58 : i32
      %scan3A_60 = arith.constant 1 : i32
      scf.for %scan3A_97 = %scan3A_57 to %scan3A_59 step %scan3A_60  : i32 {
        %and3A = arith.constant 1 : i32
        %and3A_98 = arith.andi %scan3A_97, %and3A : i32
        %dma_wait3A = arith.constant 0 : i32
        %dma_wait3A_99 = arith.constant 0 : i32
        %dma_wait3A_100 = tpu.memref_slice %arg10[%and3A_98, %dma_wait3A, %dma_wait3A_99] : memref<2x128x128xf32, #tpu.memory_space<vmem>> -> memref<1x128x128xf32, #tpu.memory_space<vmem>>
        %dma_wait3A_101 = tpu.memref_squeeze %dma_wait3A_100 : memref<1x128x128xf32, #tpu.memory_space<vmem>> -> memref<128x128xf32, #tpu.memory_space<vmem>>
        %dma_wait3A_102 = arith.constant 0 : i32
        %dma_wait3A_103 = tpu.memref_slice %arg8[%scan3A_97, %dma_wait3A_102] : memref<32x128xi32, #tpu.memory_space<vmem>> -> memref<1x128xi32, #tpu.memory_space<vmem>>
        %dma_wait3A_104 = tpu.memref_squeeze %dma_wait3A_103 : memref<1x128xi32, #tpu.memory_space<vmem>> -> memref<128xi32, #tpu.memory_space<vmem>>
        %dma_wait3A_105 = arith.constant 0 : i32
        %dma_wait3A_106 = arith.constant 0 : i32
        %dma_wait3A_107 = tpu.memref_slice %arg2[%dma_wait3A_105, %dma_wait3A_106] : memref<10000x128xf32, #tpu.memory_space<hbm>> -> memref<10000x128xf32, #tpu.memory_space<hbm>>
        %dma_wait3A_108 = tpu.memref_slice %arg12[%and3A_98] : memref<2x!tpu.dma_semaphore, #tpu.memory_space<semaphore_mem>> -> memref<1x!tpu.dma_semaphore, #tpu.memory_space<semaphore_mem>>
        %dma_wait3A_109 = tpu.memref_squeeze %dma_wait3A_108 : memref<1x!tpu.dma_semaphore, #tpu.memory_space<semaphore_mem>> -> memref<!tpu.dma_semaphore, #tpu.memory_space<semaphore_mem>>
        tpu.wait_indirect_dma semaphore(%dma_wait3A_109 : memref<!tpu.dma_semaphore, #tpu.memory_space<semaphore_mem>>) src(%dma_wait3A_107 : memref<10000x128xf32, #tpu.memory_space<hbm>>) dst(%dma_wait3A_101 : memref<128x128xf32, #tpu.memory_space<vmem>>)
        "tpu.region"() ({
          %run_scoped3A_116 = tpu.sem_alloc : memref<!tpu.dma_semaphore, #tpu.memory_space<semaphore_mem>>
          %dma_start3A_117 = arith.constant 0 : i32
          %dma_start3A_118 = arith.constant 0 : i32
          %dma_start3A_119 = tpu.memref_slice %arg10[%and3A_98, %dma_start3A_117, %dma_start3A_118] : memref<2x128x128xf32, #tpu.memory_space<vmem>> -> memref<1x128x128xf32, #tpu.memory_space<vmem>>
          %dma_start3A_120 = tpu.memref_squeeze %dma_start3A_119 : memref<1x128x128xf32, #tpu.memory_space<vmem>> -> memref<128x128xf32, #tpu.memory_space<vmem>>
          %dma_start3A_121 = arith.constant 0 : i32
          %dma_start3A_122 = tpu.memref_slice %arg9[%scan3A_97, %dma_start3A_121] : memref<32x128xi32, #tpu.memory_space<vmem>> -> memref<1x128xi32, #tpu.memory_space<vmem>>
          %dma_start3A_123 = tpu.memref_squeeze %dma_start3A_122 : memref<1x128xi32, #tpu.memory_space<vmem>> -> memref<128xi32, #tpu.memory_space<vmem>>
          %dma_start3A_124 = arith.constant 0 : i32
          %dma_start3A_125 = arith.constant 0 : i32
          %dma_start3A_126 = tpu.memref_slice %arg11[%dma_start3A_124, %dma_start3A_125] : memref<10240x128xf32, #tpu.memory_space<vmem_shared>> -> memref<10240x128xf32, #tpu.memory_space<vmem_shared>>
          tpu.enqueue_indirect_dma source(%dma_start3A_120 : memref<128x128xf32, #tpu.memory_space<vmem>>) target(%dma_start3A_126 : memref<10240x128xf32, #tpu.memory_space<vmem_shared>>) offsets(%dma_start3A_123 : memref<128xi32, #tpu.memory_space<vmem>>) semaphore(%run_scoped3A_116 : memref<!tpu.dma_semaphore, #tpu.memory_space<semaphore_mem>>) {add = true}
          %dma_wait3A_127 = arith.constant 0 : i32
          %dma_wait3A_128 = arith.constant 0 : i32
          %dma_wait3A_129 = tpu.memref_slice %arg10[%and3A_98, %dma_wait3A_127, %dma_wait3A_128] : memref<2x128x128xf32, #tpu.memory_space<vmem>> -> memref<1x128x128xf32, #tpu.memory_space<vmem>>
          %dma_wait3A_130 = tpu.memref_squeeze %dma_wait3A_129 : memref<1x128x128xf32, #tpu.memory_space<vmem>> -> memref<128x128xf32, #tpu.memory_space<vmem>>
          %dma_wait3A_131 = arith.constant 0 : i32
          %dma_wait3A_132 = tpu.memref_slice %arg9[%scan3A_97, %dma_wait3A_131] : memref<32x128xi32, #tpu.memory_space<vmem>> -> memref<1x128xi32, #tpu.memory_space<vmem>>
          %dma_wait3A_133 = tpu.memref_squeeze %dma_wait3A_132 : memref<1x128xi32, #tpu.memory_space<vmem>> -> memref<128xi32, #tpu.memory_space<vmem>>
          %dma_wait3A_134 = arith.constant 0 : i32
          %dma_wait3A_135 = arith.constant 0 : i32
          %dma_wait3A_136 = tpu.memref_slice %arg11[%dma_wait3A_134, %dma_wait3A_135] : memref<10240x128xf32, #tpu.memory_space<vmem_shared>> -> memref<10240x128xf32, #tpu.memory_space<vmem_shared>>
          tpu.wait_indirect_dma semaphore(%run_scoped3A_116 : memref<!tpu.dma_semaphore, #tpu.memory_space<semaphore_mem>>) src(%dma_wait3A_130 : memref<128x128xf32, #tpu.memory_space<vmem>>) dst(%dma_wait3A_136 : memref<10240x128xf32, #tpu.memory_space<vmem_shared>>)
          tpu.yield
        }) : () -> ()
        %add3A_110 = arith.constant 2 : i32
        %add3A_111 = arith.addi %scan3A_97, %add3A_110 : i32
        %lt3A = arith.constant 32 : i32
        %lt3A_112 = arith.cmpi slt, %add3A_111, %lt3A : i32
        %convert_element_type3A_113 = arith.extui %lt3A_112 : i1 to i32
        %cond3A_114 = arith.constant 0 : i32
        %cond3A_115 = arith.cmpi ne, %convert_element_type3A_113, %cond3A_114 : i32
        scf.if %cond3A_115 {
          %dma_start3A_116 = arith.constant 0 : i32
          %dma_start3A_117 = arith.constant 0 : i32
          %dma_start3A_118 = tpu.memref_slice %arg10[%and3A_98, %dma_start3A_116, %dma_start3A_117] : memref<2x128x128xf32, #tpu.memory_space<vmem>> -> memref<1x128x128xf32, #tpu.memory_space<vmem>>
          %dma_start3A_119 = tpu.memref_squeeze %dma_start3A_118 : memref<1x128x128xf32, #tpu.memory_space<vmem>> -> memref<128x128xf32, #tpu.memory_space<vmem>>
          %dma_start3A_120 = arith.constant 0 : i32
          %dma_start3A_121 = tpu.memref_slice %arg8[%add3A_111, %dma_start3A_120] : memref<32x128xi32, #tpu.memory_space<vmem>> -> memref<1x128xi32, #tpu.memory_space<vmem>>
          %dma_start3A_122 = tpu.memref_squeeze %dma_start3A_121 : memref<1x128xi32, #tpu.memory_space<vmem>> -> memref<128xi32, #tpu.memory_space<vmem>>
          %dma_start3A_123 = arith.constant 0 : i32
          %dma_start3A_124 = arith.constant 0 : i32
          %dma_start3A_125 = tpu.memref_slice %arg2[%dma_start3A_123, %dma_start3A_124] : memref<10000x128xf32, #tpu.memory_space<hbm>> -> memref<10000x128xf32, #tpu.memory_space<hbm>>
          %dma_start3A_126 = tpu.memref_slice %arg12[%and3A_98] : memref<2x!tpu.dma_semaphore, #tpu.memory_space<semaphore_mem>> -> memref<1x!tpu.dma_semaphore, #tpu.memory_space<semaphore_mem>>
          %dma_start3A_127 = tpu.memref_squeeze %dma_start3A_126 : memref<1x!tpu.dma_semaphore, #tpu.memory_space<semaphore_mem>> -> memref<!tpu.dma_semaphore, #tpu.memory_space<semaphore_mem>>
          tpu.enqueue_indirect_dma source(%dma_start3A_125 : memref<10000x128xf32, #tpu.memory_space<hbm>>) target(%dma_start3A_119 : memref<128x128xf32, #tpu.memory_space<vmem>>) offsets(%dma_start3A_122 : memref<128xi32, #tpu.memory_space<vmem>>) semaphore(%dma_start3A_127 : memref<!tpu.dma_semaphore, #tpu.memory_space<semaphore_mem>>)
        } else {
        }
      }
      %scan3A_61 = arith.constant 32 : i32
      "tpu.region"() ({
        %run_scoped3A_97 = tpu.sem_alloc : memref<!tpu.dma_semaphore, #tpu.memory_space<semaphore_mem>>
        %dma_start3A_98 = arith.constant 32 : i32
        %dma_start3A_99 = arith.constant 0 : i32
        %dma_start3A_100 = tpu.memref_slice %arg5[%arg1, %dma_start3A_98, %dma_start3A_99] : memref<16x64x128xi32, #tpu.memory_space<hbm>> -> memref<1x32x128xi32, #tpu.memory_space<hbm>>
        %dma_start3A_101 = tpu.memref_squeeze %dma_start3A_100 : memref<1x32x128xi32, #tpu.memory_space<hbm>> -> memref<32x128xi32, #tpu.memory_space<hbm>>
        %dma_start3A_102 = arith.constant 32 : i32
        %dma_start3A_103 = arith.constant 0 : i32
        %dma_start3A_104 = tpu.memref_slice %arg5[%arg1, %dma_start3A_102, %dma_start3A_103] : memref<16x64x128xi32, #tpu.memory_space<hbm>> -> memref<1x32x128xi32, #tpu.memory_space<hbm>>
        %dma_start3A_105 = tpu.memref_squeeze %dma_start3A_104 : memref<1x32x128xi32, #tpu.memory_space<hbm>> -> memref<32x128xi32, #tpu.memory_space<hbm>>
        tpu.enqueue_dma source(%dma_start3A_105 : memref<32x128xi32, #tpu.memory_space<hbm>>) target(%arg8 : memref<32x128xi32, #tpu.memory_space<vmem>>) target_semaphore(%run_scoped3A_97 : memref<!tpu.dma_semaphore, #tpu.memory_space<semaphore_mem>>)
        %dma_wait3A = arith.constant 32 : i32
        %dma_wait3A_106 = arith.constant 0 : i32
        %dma_wait3A_107 = tpu.memref_slice %arg5[%arg1, %dma_wait3A, %dma_wait3A_106] : memref<16x64x128xi32, #tpu.memory_space<hbm>> -> memref<1x32x128xi32, #tpu.memory_space<hbm>>
        %dma_wait3A_108 = tpu.memref_squeeze %dma_wait3A_107 : memref<1x32x128xi32, #tpu.memory_space<hbm>> -> memref<32x128xi32, #tpu.memory_space<hbm>>
        %dma_wait3A_109 = arith.constant 32 : i32
        %dma_wait3A_110 = arith.constant 0 : i32
        %dma_wait3A_111 = tpu.memref_slice %arg5[%arg1, %dma_wait3A_109, %dma_wait3A_110] : memref<16x64x128xi32, #tpu.memory_space<hbm>> -> memref<1x32x128xi32, #tpu.memory_space<hbm>>
        %dma_wait3A_112 = tpu.memref_squeeze %dma_wait3A_111 : memref<1x32x128xi32, #tpu.memory_space<hbm>> -> memref<32x128xi32, #tpu.memory_space<hbm>>
        tpu.wait_dma2 semaphore(%run_scoped3A_97 : memref<!tpu.dma_semaphore, #tpu.memory_space<semaphore_mem>>) src(%dma_wait3A_112 : memref<32x128xi32, #tpu.memory_space<hbm>>) dst(%arg8 : memref<32x128xi32, #tpu.memory_space<vmem>>)
        tpu.yield
      }) : () -> ()
      "tpu.region"() ({
        %run_scoped3A_97 = tpu.sem_alloc : memref<!tpu.dma_semaphore, #tpu.memory_space<semaphore_mem>>
        %dma_start3A_98 = arith.constant 32 : i32
        %dma_start3A_99 = arith.constant 0 : i32
        %dma_start3A_100 = tpu.memref_slice %arg6[%arg1, %dma_start3A_98, %dma_start3A_99] : memref<16x64x128xi32, #tpu.memory_space<hbm>> -> memref<1x32x128xi32, #tpu.memory_space<hbm>>
        %dma_start3A_101 = tpu.memref_squeeze %dma_start3A_100 : memref<1x32x128xi32, #tpu.memory_space<hbm>> -> memref<32x128xi32, #tpu.memory_space<hbm>>
        %dma_start3A_102 = arith.constant 32 : i32
        %dma_start3A_103 = arith.constant 0 : i32
        %dma_start3A_104 = tpu.memref_slice %arg6[%arg1, %dma_start3A_102, %dma_start3A_103] : memref<16x64x128xi32, #tpu.memory_space<hbm>> -> memref<1x32x128xi32, #tpu.memory_space<hbm>>
        %dma_start3A_105 = tpu.memref_squeeze %dma_start3A_104 : memref<1x32x128xi32, #tpu.memory_space<hbm>> -> memref<32x128xi32, #tpu.memory_space<hbm>>
        tpu.enqueue_dma source(%dma_start3A_105 : memref<32x128xi32, #tpu.memory_space<hbm>>) target(%arg9 : memref<32x128xi32, #tpu.memory_space<vmem>>) target_semaphore(%run_scoped3A_97 : memref<!tpu.dma_semaphore, #tpu.memory_space<semaphore_mem>>)
        %dma_wait3A = arith.constant 32 : i32
        %dma_wait3A_106 = arith.constant 0 : i32
        %dma_wait3A_107 = tpu.memref_slice %arg6[%arg1, %dma_wait3A, %dma_wait3A_106] : memref<16x64x128xi32, #tpu.memory_space<hbm>> -> memref<1x32x128xi32, #tpu.memory_space<hbm>>
        %dma_wait3A_108 = tpu.memref_squeeze %dma_wait3A_107 : memref<1x32x128xi32, #tpu.memory_space<hbm>> -> memref<32x128xi32, #tpu.memory_space<hbm>>
        %dma_wait3A_109 = arith.constant 32 : i32
        %dma_wait3A_110 = arith.constant 0 : i32
        %dma_wait3A_111 = tpu.memref_slice %arg6[%arg1, %dma_wait3A_109, %dma_wait3A_110] : memref<16x64x128xi32, #tpu.memory_space<hbm>> -> memref<1x32x128xi32, #tpu.memory_space<hbm>>
        %dma_wait3A_112 = tpu.memref_squeeze %dma_wait3A_111 : memref<1x32x128xi32, #tpu.memory_space<hbm>> -> memref<32x128xi32, #tpu.memory_space<hbm>>
        tpu.wait_dma2 semaphore(%run_scoped3A_97 : memref<!tpu.dma_semaphore, #tpu.memory_space<semaphore_mem>>) src(%dma_wait3A_112 : memref<32x128xi32, #tpu.memory_space<hbm>>) dst(%arg9 : memref<32x128xi32, #tpu.memory_space<vmem>>)
        tpu.yield
      }) : () -> ()
      %dma_start3A_62 = arith.constant 0 : i32
      %dma_start3A_63 = arith.constant 0 : i32
      %dma_start3A_64 = arith.constant 0 : i32
      %dma_start3A_65 = arith.constant 0 : i32
      %dma_start3A_66 = arith.constant 0 : i32
      %dma_start3A_67 = tpu.memref_slice %arg10[%dma_start3A_63, %dma_start3A_65, %dma_start3A_66] : memref<2x128x128xf32, #tpu.memory_space<vmem>> -> memref<1x128x128xf32, #tpu.memory_space<vmem>>
      %dma_start3A_68 = tpu.memref_squeeze %dma_start3A_67 : memref<1x128x128xf32, #tpu.memory_space<vmem>> -> memref<128x128xf32, #tpu.memory_space<vmem>>
      %dma_start3A_69 = arith.constant 0 : i32
      %dma_start3A_70 = tpu.memref_slice %arg8[%dma_start3A_62, %dma_start3A_69] : memref<32x128xi32, #tpu.memory_space<vmem>> -> memref<1x128xi32, #tpu.memory_space<vmem>>
      %dma_start3A_71 = tpu.memref_squeeze %dma_start3A_70 : memref<1x128xi32, #tpu.memory_space<vmem>> -> memref<128xi32, #tpu.memory_space<vmem>>
      %dma_start3A_72 = arith.constant 0 : i32
      %dma_start3A_73 = arith.constant 0 : i32
      %dma_start3A_74 = tpu.memref_slice %arg2[%dma_start3A_72, %dma_start3A_73] : memref<10000x128xf32, #tpu.memory_space<hbm>> -> memref<10000x128xf32, #tpu.memory_space<hbm>>
      %dma_start3A_75 = tpu.memref_slice %arg12[%dma_start3A_64] : memref<2x!tpu.dma_semaphore, #tpu.memory_space<semaphore_mem>> -> memref<1x!tpu.dma_semaphore, #tpu.memory_space<semaphore_mem>>
      %dma_start3A_76 = tpu.memref_squeeze %dma_start3A_75 : memref<1x!tpu.dma_semaphore, #tpu.memory_space<semaphore_mem>> -> memref<!tpu.dma_semaphore, #tpu.memory_space<semaphore_mem>>
      tpu.enqueue_indirect_dma source(%dma_start3A_74 : memref<10000x128xf32, #tpu.memory_space<hbm>>) target(%dma_start3A_68 : memref<128x128xf32, #tpu.memory_space<vmem>>) offsets(%dma_start3A_71 : memref<128xi32, #tpu.memory_space<vmem>>) semaphore(%dma_start3A_76 : memref<!tpu.dma_semaphore, #tpu.memory_space<semaphore_mem>>)
      %dma_start3A_77 = arith.constant 1 : i32
      %dma_start3A_78 = arith.constant 1 : i32
      %dma_start3A_79 = arith.constant 1 : i32
      %dma_start3A_80 = arith.constant 0 : i32
      %dma_start3A_81 = arith.constant 0 : i32
      %dma_start3A_82 = tpu.memref_slice %arg10[%dma_start3A_78, %dma_start3A_80, %dma_start3A_81] : memref<2x128x128xf32, #tpu.memory_space<vmem>> -> memref<1x128x128xf32, #tpu.memory_space<vmem>>
      %dma_start3A_83 = tpu.memref_squeeze %dma_start3A_82 : memref<1x128x128xf32, #tpu.memory_space<vmem>> -> memref<128x128xf32, #tpu.memory_space<vmem>>
      %dma_start3A_84 = arith.constant 0 : i32
      %dma_start3A_85 = tpu.memref_slice %arg8[%dma_start3A_77, %dma_start3A_84] : memref<32x128xi32, #tpu.memory_space<vmem>> -> memref<1x128xi32, #tpu.memory_space<vmem>>
      %dma_start3A_86 = tpu.memref_squeeze %dma_start3A_85 : memref<1x128xi32, #tpu.memory_space<vmem>> -> memref<128xi32, #tpu.memory_space<vmem>>
      %dma_start3A_87 = arith.constant 0 : i32
      %dma_start3A_88 = arith.constant 0 : i32
      %dma_start3A_89 = tpu.memref_slice %arg2[%dma_start3A_87, %dma_start3A_88] : memref<10000x128xf32, #tpu.memory_space<hbm>> -> memref<10000x128xf32, #tpu.memory_space<hbm>>
      %dma_start3A_90 = tpu.memref_slice %arg12[%dma_start3A_79] : memref<2x!tpu.dma_semaphore, #tpu.memory_space<semaphore_mem>> -> memref<1x!tpu.dma_semaphore, #tpu.memory_space<semaphore_mem>>
      %dma_start3A_91 = tpu.memref_squeeze %dma_start3A_90 : memref<1x!tpu.dma_semaphore, #tpu.memory_space<semaphore_mem>> -> memref<!tpu.dma_semaphore, #tpu.memory_space<semaphore_mem>>
      tpu.enqueue_indirect_dma source(%dma_start3A_89 : memref<10000x128xf32, #tpu.memory_space<hbm>>) target(%dma_start3A_83 : memref<128x128xf32, #tpu.memory_space<vmem>>) offsets(%dma_start3A_86 : memref<128xi32, #tpu.memory_space<vmem>>) semaphore(%dma_start3A_91 : memref<!tpu.dma_semaphore, #tpu.memory_space<semaphore_mem>>)
      %scan3A_92 = arith.constant 0 : i32
      %scan3A_93 = arith.constant 32 : i32
      %scan3A_94 = arith.addi %scan3A_92, %scan3A_93 : i32
      %scan3A_95 = arith.constant 1 : i32
      scf.for %scan3A_97 = %scan3A_92 to %scan3A_94 step %scan3A_95  : i32 {
        %and3A = arith.constant 1 : i32
        %and3A_98 = arith.andi %scan3A_97, %and3A : i32
        %dma_wait3A = arith.constant 0 : i32
        %dma_wait3A_99 = arith.constant 0 : i32
        %dma_wait3A_100 = tpu.memref_slice %arg10[%and3A_98, %dma_wait3A, %dma_wait3A_99] : memref<2x128x128xf32, #tpu.memory_space<vmem>> -> memref<1x128x128xf32, #tpu.memory_space<vmem>>
        %dma_wait3A_101 = tpu.memref_squeeze %dma_wait3A_100 : memref<1x128x128xf32, #tpu.memory_space<vmem>> -> memref<128x128xf32, #tpu.memory_space<vmem>>
        %dma_wait3A_102 = arith.constant 0 : i32
        %dma_wait3A_103 = tpu.memref_slice %arg8[%scan3A_97, %dma_wait3A_102] : memref<32x128xi32, #tpu.memory_space<vmem>> -> memref<1x128xi32, #tpu.memory_space<vmem>>
        %dma_wait3A_104 = tpu.memref_squeeze %dma_wait3A_103 : memref<1x128xi32, #tpu.memory_space<vmem>> -> memref<128xi32, #tpu.memory_space<vmem>>
        %dma_wait3A_105 = arith.constant 0 : i32
        %dma_wait3A_106 = arith.constant 0 : i32
        %dma_wait3A_107 = tpu.memref_slice %arg2[%dma_wait3A_105, %dma_wait3A_106] : memref<10000x128xf32, #tpu.memory_space<hbm>> -> memref<10000x128xf32, #tpu.memory_space<hbm>>
        %dma_wait3A_108 = tpu.memref_slice %arg12[%and3A_98] : memref<2x!tpu.dma_semaphore, #tpu.memory_space<semaphore_mem>> -> memref<1x!tpu.dma_semaphore, #tpu.memory_space<semaphore_mem>>
        %dma_wait3A_109 = tpu.memref_squeeze %dma_wait3A_108 : memref<1x!tpu.dma_semaphore, #tpu.memory_space<semaphore_mem>> -> memref<!tpu.dma_semaphore, #tpu.memory_space<semaphore_mem>>
        tpu.wait_indirect_dma semaphore(%dma_wait3A_109 : memref<!tpu.dma_semaphore, #tpu.memory_space<semaphore_mem>>) src(%dma_wait3A_107 : memref<10000x128xf32, #tpu.memory_space<hbm>>) dst(%dma_wait3A_101 : memref<128x128xf32, #tpu.memory_space<vmem>>)
        "tpu.region"() ({
          %run_scoped3A_116 = tpu.sem_alloc : memref<!tpu.dma_semaphore, #tpu.memory_space<semaphore_mem>>
          %dma_start3A_117 = arith.constant 0 : i32
          %dma_start3A_118 = arith.constant 0 : i32
          %dma_start3A_119 = tpu.memref_slice %arg10[%and3A_98, %dma_start3A_117, %dma_start3A_118] : memref<2x128x128xf32, #tpu.memory_space<vmem>> -> memref<1x128x128xf32, #tpu.memory_space<vmem>>
          %dma_start3A_120 = tpu.memref_squeeze %dma_start3A_119 : memref<1x128x128xf32, #tpu.memory_space<vmem>> -> memref<128x128xf32, #tpu.memory_space<vmem>>
          %dma_start3A_121 = arith.constant 0 : i32
          %dma_start3A_122 = tpu.memref_slice %arg9[%scan3A_97, %dma_start3A_121] : memref<32x128xi32, #tpu.memory_space<vmem>> -> memref<1x128xi32, #tpu.memory_space<vmem>>
          %dma_start3A_123 = tpu.memref_squeeze %dma_start3A_122 : memref<1x128xi32, #tpu.memory_space<vmem>> -> memref<128xi32, #tpu.memory_space<vmem>>
          %dma_start3A_124 = arith.constant 0 : i32
          %dma_start3A_125 = arith.constant 0 : i32
          %dma_start3A_126 = tpu.memref_slice %arg11[%dma_start3A_124, %dma_start3A_125] : memref<10240x128xf32, #tpu.memory_space<vmem_shared>> -> memref<10240x128xf32, #tpu.memory_space<vmem_shared>>
          tpu.enqueue_indirect_dma source(%dma_start3A_120 : memref<128x128xf32, #tpu.memory_space<vmem>>) target(%dma_start3A_126 : memref<10240x128xf32, #tpu.memory_space<vmem_shared>>) offsets(%dma_start3A_123 : memref<128xi32, #tpu.memory_space<vmem>>) semaphore(%run_scoped3A_116 : memref<!tpu.dma_semaphore, #tpu.memory_space<semaphore_mem>>) {add = true}
          %dma_wait3A_127 = arith.constant 0 : i32
          %dma_wait3A_128 = arith.constant 0 : i32
          %dma_wait3A_129 = tpu.memref_slice %arg10[%and3A_98, %dma_wait3A_127, %dma_wait3A_128] : memref<2x128x128xf32, #tpu.memory_space<vmem>> -> memref<1x128x128xf32, #tpu.memory_space<vmem>>
          %dma_wait3A_130 = tpu.memref_squeeze %dma_wait3A_129 : memref<1x128x128xf32, #tpu.memory_space<vmem>> -> memref<128x128xf32, #tpu.memory_space<vmem>>
          %dma_wait3A_131 = arith.constant 0 : i32
          %dma_wait3A_132 = tpu.memref_slice %arg9[%scan3A_97, %dma_wait3A_131] : memref<32x128xi32, #tpu.memory_space<vmem>> -> memref<1x128xi32, #tpu.memory_space<vmem>>
          %dma_wait3A_133 = tpu.memref_squeeze %dma_wait3A_132 : memref<1x128xi32, #tpu.memory_space<vmem>> -> memref<128xi32, #tpu.memory_space<vmem>>
          %dma_wait3A_134 = arith.constant 0 : i32
          %dma_wait3A_135 = arith.constant 0 : i32
          %dma_wait3A_136 = tpu.memref_slice %arg11[%dma_wait3A_134, %dma_wait3A_135] : memref<10240x128xf32, #tpu.memory_space<vmem_shared>> -> memref<10240x128xf32, #tpu.memory_space<vmem_shared>>
          tpu.wait_indirect_dma semaphore(%run_scoped3A_116 : memref<!tpu.dma_semaphore, #tpu.memory_space<semaphore_mem>>) src(%dma_wait3A_130 : memref<128x128xf32, #tpu.memory_space<vmem>>) dst(%dma_wait3A_136 : memref<10240x128xf32, #tpu.memory_space<vmem_shared>>)
          tpu.yield
        }) : () -> ()
        %add3A_110 = arith.constant 2 : i32
        %add3A_111 = arith.addi %scan3A_97, %add3A_110 : i32
        %lt3A = arith.constant 32 : i32
        %lt3A_112 = arith.cmpi slt, %add3A_111, %lt3A : i32
        %convert_element_type3A_113 = arith.extui %lt3A_112 : i1 to i32
        %cond3A_114 = arith.constant 0 : i32
        %cond3A_115 = arith.cmpi ne, %convert_element_type3A_113, %cond3A_114 : i32
        scf.if %cond3A_115 {
          %dma_start3A_116 = arith.constant 0 : i32
          %dma_start3A_117 = arith.constant 0 : i32
          %dma_start3A_118 = tpu.memref_slice %arg10[%and3A_98, %dma_start3A_116, %dma_start3A_117] : memref<2x128x128xf32, #tpu.memory_space<vmem>> -> memref<1x128x128xf32, #tpu.memory_space<vmem>>
          %dma_start3A_119 = tpu.memref_squeeze %dma_start3A_118 : memref<1x128x128xf32, #tpu.memory_space<vmem>> -> memref<128x128xf32, #tpu.memory_space<vmem>>
          %dma_start3A_120 = arith.constant 0 : i32
          %dma_start3A_121 = tpu.memref_slice %arg8[%add3A_111, %dma_start3A_120] : memref<32x128xi32, #tpu.memory_space<vmem>> -> memref<1x128xi32, #tpu.memory_space<vmem>>
          %dma_start3A_122 = tpu.memref_squeeze %dma_start3A_121 : memref<1x128xi32, #tpu.memory_space<vmem>> -> memref<128xi32, #tpu.memory_space<vmem>>
          %dma_start3A_123 = arith.constant 0 : i32
          %dma_start3A_124 = arith.constant 0 : i32
          %dma_start3A_125 = tpu.memref_slice %arg2[%dma_start3A_123, %dma_start3A_124] : memref<10000x128xf32, #tpu.memory_space<hbm>> -> memref<10000x128xf32, #tpu.memory_space<hbm>>
          %dma_start3A_126 = tpu.memref_slice %arg12[%and3A_98] : memref<2x!tpu.dma_semaphore, #tpu.memory_space<semaphore_mem>> -> memref<1x!tpu.dma_semaphore, #tpu.memory_space<semaphore_mem>>
          %dma_start3A_127 = tpu.memref_squeeze %dma_start3A_126 : memref<1x!tpu.dma_semaphore, #tpu.memory_space<semaphore_mem>> -> memref<!tpu.dma_semaphore, #tpu.memory_space<semaphore_mem>>
          tpu.enqueue_indirect_dma source(%dma_start3A_125 : memref<10000x128xf32, #tpu.memory_space<hbm>>) target(%dma_start3A_119 : memref<128x128xf32, #tpu.memory_space<vmem>>) offsets(%dma_start3A_122 : memref<128xi32, #tpu.memory_space<vmem>>) semaphore(%dma_start3A_127 : memref<!tpu.dma_semaphore, #tpu.memory_space<semaphore_mem>>)
        } else {
        }
      }
      %scan3A_96 = arith.constant 32 : i32
    } else {
    }
    %barrier3A_27 = arith.constant 0 : index
    tpu.barrier barrier_id(%barrier3A_27)
    "tpu.region"() ({
      %run_scoped3A_28 = tpu.sem_alloc : memref<!tpu.dma_semaphore, #tpu.memory_space<semaphore_mem>>
      %dma_start3A = arith.constant 0 : i32
      %dma_start3A_29 = tpu.memref_slice %arg7[%arg0, %mul3A_0, %dma_start3A] : memref<2x10240x128xf32, #tpu.memory_space<hbm>> -> memref<1x640x128xf32, #tpu.memory_space<hbm>>
      %dma_start3A_30 = tpu.memref_squeeze %dma_start3A_29 : memref<1x640x128xf32, #tpu.memory_space<hbm>> -> memref<640x128xf32, #tpu.memory_space<hbm>>
      %dma_start3A_31 = arith.constant 0 : i32
      %dma_start3A_32 = tpu.memref_slice %arg11[%mul3A_0, %dma_start3A_31] : memref<10240x128xf32, #tpu.memory_space<vmem_shared>> -> memref<640x128xf32, #tpu.memory_space<vmem_shared>>
      tpu.enqueue_dma source(%dma_start3A_32 : memref<640x128xf32, #tpu.memory_space<vmem_shared>>) target(%dma_start3A_30 : memref<640x128xf32, #tpu.memory_space<hbm>>) target_semaphore(%run_scoped3A_28 : memref<!tpu.dma_semaphore, #tpu.memory_space<semaphore_mem>>)
      %dma_wait3A = arith.constant 0 : i32
      %dma_wait3A_33 = tpu.memref_slice %arg7[%arg0, %mul3A_0, %dma_wait3A] : memref<2x10240x128xf32, #tpu.memory_space<hbm>> -> memref<1x640x128xf32, #tpu.memory_space<hbm>>
      %dma_wait3A_34 = tpu.memref_squeeze %dma_wait3A_33 : memref<1x640x128xf32, #tpu.memory_space<hbm>> -> memref<640x128xf32, #tpu.memory_space<hbm>>
      %dma_wait3A_35 = arith.constant 0 : i32
      %dma_wait3A_36 = tpu.memref_slice %arg11[%mul3A_0, %dma_wait3A_35] : memref<10240x128xf32, #tpu.memory_space<vmem_shared>> -> memref<640x128xf32, #tpu.memory_space<vmem_shared>>
      tpu.wait_dma2 semaphore(%run_scoped3A_28 : memref<!tpu.dma_semaphore, #tpu.memory_space<semaphore_mem>>) src(%dma_wait3A_36 : memref<640x128xf32, #tpu.memory_space<vmem_shared>>) dst(%dma_wait3A_34 : memref<640x128xf32, #tpu.memory_space<hbm>>)
      tpu.yield
    }) : () -> ()
    return
  }
}

#map = affine_map<(d0, d1) -> (0, 0)>
#map1 = affine_map<(d0, d1) -> (0, 0, 0)>
module attributes {stable_mosaic.version = 14 : i64} {
  func.func @_agg_kernel(%arg0: i32, %arg1: i32, %arg2: memref<10000x128xf32, #tpu.memory_space<hbm>>, %arg3: memref<16x96x128xi32, #tpu.memory_space<hbm>>, %arg4: memref<16x96x128xi32, #tpu.memory_space<hbm>>, %arg5: memref<16x64x128xi32, #tpu.memory_space<hbm>>, %arg6: memref<16x64x128xi32, #tpu.memory_space<hbm>>, %arg7: memref<2x10240x128xf32, #tpu.memory_space<hbm>>, %arg8: memref<32x128xi32, #tpu.memory_space<vmem>>, %arg9: memref<32x128xi32, #tpu.memory_space<vmem>>, %arg10: memref<2x128x128xf32, #tpu.memory_space<vmem>>, %arg11: memref<10240x128xf32, #tpu.memory_space<vmem_shared>>, %arg12: memref<2x!tpu.dma_semaphore, #tpu.memory_space<semaphore_mem>>) attributes {dimension_semantics = [#tpu.dimension_semantics<core_parallel>, #tpu.dimension_semantics<subcore_parallel>], iteration_bounds = array<i64: 2, 16>, scalar_prefetch = 0 : i64, scratch_operands = 5 : i64, tpu.core_type = #tpu.core_type<sc_vector_subcore>, window_params = [{transform_indices = #map}, {transform_indices = #map1}, {transform_indices = #map1}, {transform_indices = #map1}, {transform_indices = #map1}, {transform_indices = #map1}]} {
    %mul3A = arith.constant 640 : i32
    %mul3A_0 = arith.muli %arg1, %mul3A : i32
    %broadcast_in_dim3A = arith.constant 0.000000e+00 : f32
    %broadcast_in_dim3A_1 = vector.broadcast %broadcast_in_dim3A : f32 to vector<16xf32>
    %scan3A = arith.constant 0 : i32
    %scan3A_2 = arith.constant 0 : i32
    %scan3A_3 = arith.constant 128 : i32
    %scan3A_4 = arith.addi %scan3A_2, %scan3A_3 : i32
    %scan3A_5 = arith.constant 1 : i32
    scf.for %scan3A_28 = %scan3A_2 to %scan3A_4 step %scan3A_5  : i32 {
      %swap3A = arith.constant 0 : i32
      %swap3A_29 = arith.constant 0 : i32
      %swap3A_30 = tpu.memref_slice %arg10[%scan3A, %swap3A, %swap3A_29] : memref<2x128x128xf32, #tpu.memory_space<vmem>> -> memref<1x128x128xf32, #tpu.memory_space<vmem>>
      %swap3A_31 = tpu.memref_squeeze %swap3A_30 : memref<1x128x128xf32, #tpu.memory_space<vmem>> -> memref<128x128xf32, #tpu.memory_space<vmem>>
      %swap3A_32 = arith.index_cast %scan3A_28 : i32 to index
      %swap3A_33 = arith.constant 0 : index
      %swap3A_34 = tpu.vector_load %swap3A_31[%swap3A_32, %swap3A_33] {strides = array<i32>} : memref<128x128xf32, #tpu.memory_space<vmem>>, vector<1x16xf32>,
      %swap3A_35 = vector.shape_cast %swap3A_34 : vector<1x16xf32> to vector<16xf32>
      %swap3A_36 = vector.shape_cast %broadcast_in_dim3A_1 : vector<16xf32> to vector<1x16xf32>
      tpu.vector_store %swap3A_31[%swap3A_32, %swap3A_33], %swap3A_36 {strides = array<i32>} : memref<128x128xf32, #tpu.memory_space<vmem>>, vector<1x16xf32>,
      %swap3A_37 = arith.constant 0 : i32
      %swap3A_38 = arith.constant 0 : i32
      %swap3A_39 = tpu.memref_slice %arg10[%scan3A, %swap3A_37, %swap3A_38] : memref<2x128x128xf32, #tpu.memory_space<vmem>> -> memref<1x128x128xf32, #tpu.memory_space<vmem>>
      %swap3A_40 = tpu.memref_squeeze %swap3A_39 : memref<1x128x128xf32, #tpu.memory_space<vmem>> -> memref<128x128xf32, #tpu.memory_space<vmem>>
      %swap3A_41 = arith.index_cast %scan3A_28 : i32 to index
      %swap3A_42 = arith.constant 16 : index
      %swap3A_43 = tpu.vector_load %swap3A_40[%swap3A_41, %swap3A_42] {strides = array<i32>} : memref<128x128xf32, #tpu.memory_space<vmem>>, vector<1x16xf32>,
      %swap3A_44 = vector.shape_cast %swap3A_43 : vector<1x16xf32> to vector<16xf32>
      %swap3A_45 = vector.shape_cast %broadcast_in_dim3A_1 : vector<16xf32> to vector<1x16xf32>
      tpu.vector_store %swap3A_40[%swap3A_41, %swap3A_42], %swap3A_45 {strides = array<i32>} : memref<128x128xf32, #tpu.memory_space<vmem>>, vector<1x16xf32>,
      %swap3A_46 = arith.constant 0 : i32
      %swap3A_47 = arith.constant 0 : i32
      %swap3A_48 = tpu.memref_slice %arg10[%scan3A, %swap3A_46, %swap3A_47] : memref<2x128x128xf32, #tpu.memory_space<vmem>> -> memref<1x128x128xf32, #tpu.memory_space<vmem>>
      %swap3A_49 = tpu.memref_squeeze %swap3A_48 : memref<1x128x128xf32, #tpu.memory_space<vmem>> -> memref<128x128xf32, #tpu.memory_space<vmem>>
      %swap3A_50 = arith.index_cast %scan3A_28 : i32 to index
      %swap3A_51 = arith.constant 32 : index
      %swap3A_52 = tpu.vector_load %swap3A_49[%swap3A_50, %swap3A_51] {strides = array<i32>} : memref<128x128xf32, #tpu.memory_space<vmem>>, vector<1x16xf32>,
      %swap3A_53 = vector.shape_cast %swap3A_52 : vector<1x16xf32> to vector<16xf32>
      %swap3A_54 = vector.shape_cast %broadcast_in_dim3A_1 : vector<16xf32> to vector<1x16xf32>
      tpu.vector_store %swap3A_49[%swap3A_50, %swap3A_51], %swap3A_54 {strides = array<i32>} : memref<128x128xf32, #tpu.memory_space<vmem>>, vector<1x16xf32>,
      %swap3A_55 = arith.constant 0 : i32
      %swap3A_56 = arith.constant 0 : i32
      %swap3A_57 = tpu.memref_slice %arg10[%scan3A, %swap3A_55, %swap3A_56] : memref<2x128x128xf32, #tpu.memory_space<vmem>> -> memref<1x128x128xf32, #tpu.memory_space<vmem>>
      %swap3A_58 = tpu.memref_squeeze %swap3A_57 : memref<1x128x128xf32, #tpu.memory_space<vmem>> -> memref<128x128xf32, #tpu.memory_space<vmem>>
      %swap3A_59 = arith.index_cast %scan3A_28 : i32 to index
      %swap3A_60 = arith.constant 48 : index
      %swap3A_61 = tpu.vector_load %swap3A_58[%swap3A_59, %swap3A_60] {strides = array<i32>} : memref<128x128xf32, #tpu.memory_space<vmem>>, vector<1x16xf32>,
      %swap3A_62 = vector.shape_cast %swap3A_61 : vector<1x16xf32> to vector<16xf32>
      %swap3A_63 = vector.shape_cast %broadcast_in_dim3A_1 : vector<16xf32> to vector<1x16xf32>
      tpu.vector_store %swap3A_58[%swap3A_59, %swap3A_60], %swap3A_63 {strides = array<i32>} : memref<128x128xf32, #tpu.memory_space<vmem>>, vector<1x16xf32>,
      %swap3A_64 = arith.constant 0 : i32
      %swap3A_65 = arith.constant 0 : i32
      %swap3A_66 = tpu.memref_slice %arg10[%scan3A, %swap3A_64, %swap3A_65] : memref<2x128x128xf32, #tpu.memory_space<vmem>> -> memref<1x128x128xf32, #tpu.memory_space<vmem>>
      %swap3A_67 = tpu.memref_squeeze %swap3A_66 : memref<1x128x128xf32, #tpu.memory_space<vmem>> -> memref<128x128xf32, #tpu.memory_space<vmem>>
      %swap3A_68 = arith.index_cast %scan3A_28 : i32 to index
      %swap3A_69 = arith.constant 64 : index
      %swap3A_70 = tpu.vector_load %swap3A_67[%swap3A_68, %swap3A_69] {strides = array<i32>} : memref<128x128xf32, #tpu.memory_space<vmem>>, vector<1x16xf32>,
      %swap3A_71 = vector.shape_cast %swap3A_70 : vector<1x16xf32> to vector<16xf32>
      %swap3A_72 = vector.shape_cast %broadcast_in_dim3A_1 : vector<16xf32> to vector<1x16xf32>
      tpu.vector_store %swap3A_67[%swap3A_68, %swap3A_69], %swap3A_72 {strides = array<i32>} : memref<128x128xf32, #tpu.memory_space<vmem>>, vector<1x16xf32>,
      %swap3A_73 = arith.constant 0 : i32
      %swap3A_74 = arith.constant 0 : i32
      %swap3A_75 = tpu.memref_slice %arg10[%scan3A, %swap3A_73, %swap3A_74] : memref<2x128x128xf32, #tpu.memory_space<vmem>> -> memref<1x128x128xf32, #tpu.memory_space<vmem>>
      %swap3A_76 = tpu.memref_squeeze %swap3A_75 : memref<1x128x128xf32, #tpu.memory_space<vmem>> -> memref<128x128xf32, #tpu.memory_space<vmem>>
      %swap3A_77 = arith.index_cast %scan3A_28 : i32 to index
      %swap3A_78 = arith.constant 80 : index
      %swap3A_79 = tpu.vector_load %swap3A_76[%swap3A_77, %swap3A_78] {strides = array<i32>} : memref<128x128xf32, #tpu.memory_space<vmem>>, vector<1x16xf32>,
      %swap3A_80 = vector.shape_cast %swap3A_79 : vector<1x16xf32> to vector<16xf32>
      %swap3A_81 = vector.shape_cast %broadcast_in_dim3A_1 : vector<16xf32> to vector<1x16xf32>
      tpu.vector_store %swap3A_76[%swap3A_77, %swap3A_78], %swap3A_81 {strides = array<i32>} : memref<128x128xf32, #tpu.memory_space<vmem>>, vector<1x16xf32>,
      %swap3A_82 = arith.constant 0 : i32
      %swap3A_83 = arith.constant 0 : i32
      %swap3A_84 = tpu.memref_slice %arg10[%scan3A, %swap3A_82, %swap3A_83] : memref<2x128x128xf32, #tpu.memory_space<vmem>> -> memref<1x128x128xf32, #tpu.memory_space<vmem>>
      %swap3A_85 = tpu.memref_squeeze %swap3A_84 : memref<1x128x128xf32, #tpu.memory_space<vmem>> -> memref<128x128xf32, #tpu.memory_space<vmem>>
      %swap3A_86 = arith.index_cast %scan3A_28 : i32 to index
      %swap3A_87 = arith.constant 96 : index
      %swap3A_88 = tpu.vector_load %swap3A_85[%swap3A_86, %swap3A_87] {strides = array<i32>} : memref<128x128xf32, #tpu.memory_space<vmem>>, vector<1x16xf32>,
      %swap3A_89 = vector.shape_cast %swap3A_88 : vector<1x16xf32> to vector<16xf32>
      %swap3A_90 = vector.shape_cast %broadcast_in_dim3A_1 : vector<16xf32> to vector<1x16xf32>
      tpu.vector_store %swap3A_85[%swap3A_86, %swap3A_87], %swap3A_90 {strides = array<i32>} : memref<128x128xf32, #tpu.memory_space<vmem>>, vector<1x16xf32>,
      %swap3A_91 = arith.constant 0 : i32
      %swap3A_92 = arith.constant 0 : i32
      %swap3A_93 = tpu.memref_slice %arg10[%scan3A, %swap3A_91, %swap3A_92] : memref<2x128x128xf32, #tpu.memory_space<vmem>> -> memref<1x128x128xf32, #tpu.memory_space<vmem>>
      %swap3A_94 = tpu.memref_squeeze %swap3A_93 : memref<1x128x128xf32, #tpu.memory_space<vmem>> -> memref<128x128xf32, #tpu.memory_space<vmem>>
      %swap3A_95 = arith.index_cast %scan3A_28 : i32 to index
      %swap3A_96 = arith.constant 112 : index
      %swap3A_97 = tpu.vector_load %swap3A_94[%swap3A_95, %swap3A_96] {strides = array<i32>} : memref<128x128xf32, #tpu.memory_space<vmem>>, vector<1x16xf32>,
      %swap3A_98 = vector.shape_cast %swap3A_97 : vector<1x16xf32> to vector<16xf32>
      %swap3A_99 = vector.shape_cast %broadcast_in_dim3A_1 : vector<16xf32> to vector<1x16xf32>
      tpu.vector_store %swap3A_94[%swap3A_95, %swap3A_96], %swap3A_99 {strides = array<i32>} : memref<128x128xf32, #tpu.memory_space<vmem>>, vector<1x16xf32>,
    }
    %scan3A_6 = arith.constant 128 : i32
    %add3A = arith.constant 0 : i32
    %add3A_7 = arith.addi %mul3A_0, %add3A : i32
    %run_scoped3A = arith.constant 0 : i32
    "tpu.region"() ({
      %run_scoped3A_28 = tpu.sem_alloc : memref<!tpu.dma_semaphore, #tpu.memory_space<semaphore_mem>>
      %dma_start3A = arith.constant 0 : i32
      %dma_start3A_29 = arith.constant 0 : i32
      %dma_start3A_30 = tpu.memref_slice %arg10[%run_scoped3A, %dma_start3A, %dma_start3A_29] : memref<2x128x128xf32, #tpu.memory_space<vmem>> -> memref<1x128x128xf32, #tpu.memory_space<vmem>>
      %dma_start3A_31 = tpu.memref_squeeze %dma_start3A_30 : memref<1x128x128xf32, #tpu.memory_space<vmem>> -> memref<128x128xf32, #tpu.memory_space<vmem>>
      %dma_start3A_32 = arith.constant 0 : i32
      %dma_start3A_33 = tpu.memref_slice %arg11[%add3A_7, %dma_start3A_32] : memref<10240x128xf32, #tpu.memory_space<vmem_shared>> -> memref<128x128xf32, #tpu.memory_space<vmem_shared>>
      %dma_start3A_34 = arith.constant 0 : i32
      %dma_start3A_35 = tpu.memref_slice %arg11[%add3A_7, %dma_start3A_34] : memref<10240x128xf32, #tpu.memory_space<vmem_shared>> -> memref<128x128xf32, #tpu.memory_space<vmem_shared>>
      %dma_start3A_36 = arith.constant 0 : i32
      %dma_start3A_37 = arith.constant 0 : i32
      %dma_start3A_38 = tpu.memref_slice %arg10[%run_scoped3A, %dma_start3A_36, %dma_start3A_37] : memref<2x128x128xf32, #tpu.memory_space<vmem>> -> memref<1x128x128xf32, #tpu.memory_space<vmem>>
      %dma_start3A_39 = tpu.memref_squeeze %dma_start3A_38 : memref<1x128x128xf32, #tpu.memory_space<vmem>> -> memref<128x128xf32, #tpu.memory_space<vmem>>
      tpu.enqueue_dma source(%dma_start3A_39 : memref<128x128xf32, #tpu.memory_space<vmem>>) target(%dma_start3A_35 : memref<128x128xf32, #tpu.memory_space<vmem_shared>>) target_semaphore(%run_scoped3A_28 : memref<!tpu.dma_semaphore, #tpu.memory_space<semaphore_mem>>)
      %dma_wait3A = arith.constant 0 : i32
      %dma_wait3A_40 = arith.constant 0 : i32
      %dma_wait3A_41 = tpu.memref_slice %arg10[%run_scoped3A, %dma_wait3A, %dma_wait3A_40] : memref<2x128x128xf32, #tpu.memory_space<vmem>> -> memref<1x128x128xf32, #tpu.memory_space<vmem>>
      %dma_wait3A_42 = tpu.memref_squeeze %dma_wait3A_41 : memref<1x128x128xf32, #tpu.memory_space<vmem>> -> memref<128x128xf32, #tpu.memory_space<vmem>>
      %dma_wait3A_43 = arith.constant 0 : i32
      %dma_wait3A_44 = tpu.memref_slice %arg11[%add3A_7, %dma_wait3A_43] : memref<10240x128xf32, #tpu.memory_space<vmem_shared>> -> memref<128x128xf32, #tpu.memory_space<vmem_shared>>
      %dma_wait3A_45 = arith.constant 0 : i32
      %dma_wait3A_46 = tpu.memref_slice %arg11[%add3A_7, %dma_wait3A_45] : memref<10240x128xf32, #tpu.memory_space<vmem_shared>> -> memref<128x128xf32, #tpu.memory_space<vmem_shared>>
      %dma_wait3A_47 = arith.constant 0 : i32
      %dma_wait3A_48 = arith.constant 0 : i32
      %dma_wait3A_49 = tpu.memref_slice %arg10[%run_scoped3A, %dma_wait3A_47, %dma_wait3A_48] : memref<2x128x128xf32, #tpu.memory_space<vmem>> -> memref<1x128x128xf32, #tpu.memory_space<vmem>>
      %dma_wait3A_50 = tpu.memref_squeeze %dma_wait3A_49 : memref<1x128x128xf32, #tpu.memory_space<vmem>> -> memref<128x128xf32, #tpu.memory_space<vmem>>
      tpu.wait_dma2 semaphore(%run_scoped3A_28 : memref<!tpu.dma_semaphore, #tpu.memory_space<semaphore_mem>>) src(%dma_wait3A_50 : memref<128x128xf32, #tpu.memory_space<vmem>>) dst(%dma_wait3A_46 : memref<128x128xf32, #tpu.memory_space<vmem_shared>>)
      tpu.yield
    }) : () -> ()
    %add3A_8 = arith.constant 128 : i32
    %add3A_9 = arith.addi %mul3A_0, %add3A_8 : i32
    %run_scoped3A_10 = arith.constant 0 : i32
    "tpu.region"() ({
      %run_scoped3A_28 = tpu.sem_alloc : memref<!tpu.dma_semaphore, #tpu.memory_space<semaphore_mem>>
      %dma_start3A = arith.constant 0 : i32
      %dma_start3A_29 = arith.constant 0 : i32
      %dma_start3A_30 = tpu.memref_slice %arg10[%run_scoped3A_10, %dma_start3A, %dma_start3A_29] : memref<2x128x128xf32, #tpu.memory_space<vmem>> -> memref<1x128x128xf32, #tpu.memory_space<vmem>>
      %dma_start3A_31 = tpu.memref_squeeze %dma_start3A_30 : memref<1x128x128xf32, #tpu.memory_space<vmem>> -> memref<128x128xf32, #tpu.memory_space<vmem>>
      %dma_start3A_32 = arith.constant 0 : i32
      %dma_start3A_33 = tpu.memref_slice %arg11[%add3A_9, %dma_start3A_32] : memref<10240x128xf32, #tpu.memory_space<vmem_shared>> -> memref<128x128xf32, #tpu.memory_space<vmem_shared>>
      %dma_start3A_34 = arith.constant 0 : i32
      %dma_start3A_35 = tpu.memref_slice %arg11[%add3A_9, %dma_start3A_34] : memref<10240x128xf32, #tpu.memory_space<vmem_shared>> -> memref<128x128xf32, #tpu.memory_space<vmem_shared>>
      %dma_start3A_36 = arith.constant 0 : i32
      %dma_start3A_37 = arith.constant 0 : i32
      %dma_start3A_38 = tpu.memref_slice %arg10[%run_scoped3A_10, %dma_start3A_36, %dma_start3A_37] : memref<2x128x128xf32, #tpu.memory_space<vmem>> -> memref<1x128x128xf32, #tpu.memory_space<vmem>>
      %dma_start3A_39 = tpu.memref_squeeze %dma_start3A_38 : memref<1x128x128xf32, #tpu.memory_space<vmem>> -> memref<128x128xf32, #tpu.memory_space<vmem>>
      tpu.enqueue_dma source(%dma_start3A_39 : memref<128x128xf32, #tpu.memory_space<vmem>>) target(%dma_start3A_35 : memref<128x128xf32, #tpu.memory_space<vmem_shared>>) target_semaphore(%run_scoped3A_28 : memref<!tpu.dma_semaphore, #tpu.memory_space<semaphore_mem>>)
      %dma_wait3A = arith.constant 0 : i32
      %dma_wait3A_40 = arith.constant 0 : i32
      %dma_wait3A_41 = tpu.memref_slice %arg10[%run_scoped3A_10, %dma_wait3A, %dma_wait3A_40] : memref<2x128x128xf32, #tpu.memory_space<vmem>> -> memref<1x128x128xf32, #tpu.memory_space<vmem>>
      %dma_wait3A_42 = tpu.memref_squeeze %dma_wait3A_41 : memref<1x128x128xf32, #tpu.memory_space<vmem>> -> memref<128x128xf32, #tpu.memory_space<vmem>>
      %dma_wait3A_43 = arith.constant 0 : i32
      %dma_wait3A_44 = tpu.memref_slice %arg11[%add3A_9, %dma_wait3A_43] : memref<10240x128xf32, #tpu.memory_space<vmem_shared>> -> memref<128x128xf32, #tpu.memory_space<vmem_shared>>
      %dma_wait3A_45 = arith.constant 0 : i32
      %dma_wait3A_46 = tpu.memref_slice %arg11[%add3A_9, %dma_wait3A_45] : memref<10240x128xf32, #tpu.memory_space<vmem_shared>> -> memref<128x128xf32, #tpu.memory_space<vmem_shared>>
      %dma_wait3A_47 = arith.constant 0 : i32
      %dma_wait3A_48 = arith.constant 0 : i32
      %dma_wait3A_49 = tpu.memref_slice %arg10[%run_scoped3A_10, %dma_wait3A_47, %dma_wait3A_48] : memref<2x128x128xf32, #tpu.memory_space<vmem>> -> memref<1x128x128xf32, #tpu.memory_space<vmem>>
      %dma_wait3A_50 = tpu.memref_squeeze %dma_wait3A_49 : memref<1x128x128xf32, #tpu.memory_space<vmem>> -> memref<128x128xf32, #tpu.memory_space<vmem>>
      tpu.wait_dma2 semaphore(%run_scoped3A_28 : memref<!tpu.dma_semaphore, #tpu.memory_space<semaphore_mem>>) src(%dma_wait3A_50 : memref<128x128xf32, #tpu.memory_space<vmem>>) dst(%dma_wait3A_46 : memref<128x128xf32, #tpu.memory_space<vmem_shared>>)
      tpu.yield
    }) : () -> ()
    %add3A_11 = arith.constant 256 : i32
    %add3A_12 = arith.addi %mul3A_0, %add3A_11 : i32
    %run_scoped3A_13 = arith.constant 0 : i32
    "tpu.region"() ({
      %run_scoped3A_28 = tpu.sem_alloc : memref<!tpu.dma_semaphore, #tpu.memory_space<semaphore_mem>>
      %dma_start3A = arith.constant 0 : i32
      %dma_start3A_29 = arith.constant 0 : i32
      %dma_start3A_30 = tpu.memref_slice %arg10[%run_scoped3A_13, %dma_start3A, %dma_start3A_29] : memref<2x128x128xf32, #tpu.memory_space<vmem>> -> memref<1x128x128xf32, #tpu.memory_space<vmem>>
      %dma_start3A_31 = tpu.memref_squeeze %dma_start3A_30 : memref<1x128x128xf32, #tpu.memory_space<vmem>> -> memref<128x128xf32, #tpu.memory_space<vmem>>
      %dma_start3A_32 = arith.constant 0 : i32
      %dma_start3A_33 = tpu.memref_slice %arg11[%add3A_12, %dma_start3A_32] : memref<10240x128xf32, #tpu.memory_space<vmem_shared>> -> memref<128x128xf32, #tpu.memory_space<vmem_shared>>
      %dma_start3A_34 = arith.constant 0 : i32
      %dma_start3A_35 = tpu.memref_slice %arg11[%add3A_12, %dma_start3A_34] : memref<10240x128xf32, #tpu.memory_space<vmem_shared>> -> memref<128x128xf32, #tpu.memory_space<vmem_shared>>
      %dma_start3A_36 = arith.constant 0 : i32
      %dma_start3A_37 = arith.constant 0 : i32
      %dma_start3A_38 = tpu.memref_slice %arg10[%run_scoped3A_13, %dma_start3A_36, %dma_start3A_37] : memref<2x128x128xf32, #tpu.memory_space<vmem>> -> memref<1x128x128xf32, #tpu.memory_space<vmem>>
      %dma_start3A_39 = tpu.memref_squeeze %dma_start3A_38 : memref<1x128x128xf32, #tpu.memory_space<vmem>> -> memref<128x128xf32, #tpu.memory_space<vmem>>
      tpu.enqueue_dma source(%dma_start3A_39 : memref<128x128xf32, #tpu.memory_space<vmem>>) target(%dma_start3A_35 : memref<128x128xf32, #tpu.memory_space<vmem_shared>>) target_semaphore(%run_scoped3A_28 : memref<!tpu.dma_semaphore, #tpu.memory_space<semaphore_mem>>)
      %dma_wait3A = arith.constant 0 : i32
      %dma_wait3A_40 = arith.constant 0 : i32
      %dma_wait3A_41 = tpu.memref_slice %arg10[%run_scoped3A_13, %dma_wait3A, %dma_wait3A_40] : memref<2x128x128xf32, #tpu.memory_space<vmem>> -> memref<1x128x128xf32, #tpu.memory_space<vmem>>
      %dma_wait3A_42 = tpu.memref_squeeze %dma_wait3A_41 : memref<1x128x128xf32, #tpu.memory_space<vmem>> -> memref<128x128xf32, #tpu.memory_space<vmem>>
      %dma_wait3A_43 = arith.constant 0 : i32
      %dma_wait3A_44 = tpu.memref_slice %arg11[%add3A_12, %dma_wait3A_43] : memref<10240x128xf32, #tpu.memory_space<vmem_shared>> -> memref<128x128xf32, #tpu.memory_space<vmem_shared>>
      %dma_wait3A_45 = arith.constant 0 : i32
      %dma_wait3A_46 = tpu.memref_slice %arg11[%add3A_12, %dma_wait3A_45] : memref<10240x128xf32, #tpu.memory_space<vmem_shared>> -> memref<128x128xf32, #tpu.memory_space<vmem_shared>>
      %dma_wait3A_47 = arith.constant 0 : i32
      %dma_wait3A_48 = arith.constant 0 : i32
      %dma_wait3A_49 = tpu.memref_slice %arg10[%run_scoped3A_13, %dma_wait3A_47, %dma_wait3A_48] : memref<2x128x128xf32, #tpu.memory_space<vmem>> -> memref<1x128x128xf32, #tpu.memory_space<vmem>>
      %dma_wait3A_50 = tpu.memref_squeeze %dma_wait3A_49 : memref<1x128x128xf32, #tpu.memory_space<vmem>> -> memref<128x128xf32, #tpu.memory_space<vmem>>
      tpu.wait_dma2 semaphore(%run_scoped3A_28 : memref<!tpu.dma_semaphore, #tpu.memory_space<semaphore_mem>>) src(%dma_wait3A_50 : memref<128x128xf32, #tpu.memory_space<vmem>>) dst(%dma_wait3A_46 : memref<128x128xf32, #tpu.memory_space<vmem_shared>>)
      tpu.yield
    }) : () -> ()
    %add3A_14 = arith.constant 384 : i32
    %add3A_15 = arith.addi %mul3A_0, %add3A_14 : i32
    %run_scoped3A_16 = arith.constant 0 : i32
    "tpu.region"() ({
      %run_scoped3A_28 = tpu.sem_alloc : memref<!tpu.dma_semaphore, #tpu.memory_space<semaphore_mem>>
      %dma_start3A = arith.constant 0 : i32
      %dma_start3A_29 = arith.constant 0 : i32
      %dma_start3A_30 = tpu.memref_slice %arg10[%run_scoped3A_16, %dma_start3A, %dma_start3A_29] : memref<2x128x128xf32, #tpu.memory_space<vmem>> -> memref<1x128x128xf32, #tpu.memory_space<vmem>>
      %dma_start3A_31 = tpu.memref_squeeze %dma_start3A_30 : memref<1x128x128xf32, #tpu.memory_space<vmem>> -> memref<128x128xf32, #tpu.memory_space<vmem>>
      %dma_start3A_32 = arith.constant 0 : i32
      %dma_start3A_33 = tpu.memref_slice %arg11[%add3A_15, %dma_start3A_32] : memref<10240x128xf32, #tpu.memory_space<vmem_shared>> -> memref<128x128xf32, #tpu.memory_space<vmem_shared>>
      %dma_start3A_34 = arith.constant 0 : i32
      %dma_start3A_35 = tpu.memref_slice %arg11[%add3A_15, %dma_start3A_34] : memref<10240x128xf32, #tpu.memory_space<vmem_shared>> -> memref<128x128xf32, #tpu.memory_space<vmem_shared>>
      %dma_start3A_36 = arith.constant 0 : i32
      %dma_start3A_37 = arith.constant 0 : i32
      %dma_start3A_38 = tpu.memref_slice %arg10[%run_scoped3A_16, %dma_start3A_36, %dma_start3A_37] : memref<2x128x128xf32, #tpu.memory_space<vmem>> -> memref<1x128x128xf32, #tpu.memory_space<vmem>>
      %dma_start3A_39 = tpu.memref_squeeze %dma_start3A_38 : memref<1x128x128xf32, #tpu.memory_space<vmem>> -> memref<128x128xf32, #tpu.memory_space<vmem>>
      tpu.enqueue_dma source(%dma_start3A_39 : memref<128x128xf32, #tpu.memory_space<vmem>>) target(%dma_start3A_35 : memref<128x128xf32, #tpu.memory_space<vmem_shared>>) target_semaphore(%run_scoped3A_28 : memref<!tpu.dma_semaphore, #tpu.memory_space<semaphore_mem>>)
      %dma_wait3A = arith.constant 0 : i32
      %dma_wait3A_40 = arith.constant 0 : i32
      %dma_wait3A_41 = tpu.memref_slice %arg10[%run_scoped3A_16, %dma_wait3A, %dma_wait3A_40] : memref<2x128x128xf32, #tpu.memory_space<vmem>> -> memref<1x128x128xf32, #tpu.memory_space<vmem>>
      %dma_wait3A_42 = tpu.memref_squeeze %dma_wait3A_41 : memref<1x128x128xf32, #tpu.memory_space<vmem>> -> memref<128x128xf32, #tpu.memory_space<vmem>>
      %dma_wait3A_43 = arith.constant 0 : i32
      %dma_wait3A_44 = tpu.memref_slice %arg11[%add3A_15, %dma_wait3A_43] : memref<10240x128xf32, #tpu.memory_space<vmem_shared>> -> memref<128x128xf32, #tpu.memory_space<vmem_shared>>
      %dma_wait3A_45 = arith.constant 0 : i32
      %dma_wait3A_46 = tpu.memref_slice %arg11[%add3A_15, %dma_wait3A_45] : memref<10240x128xf32, #tpu.memory_space<vmem_shared>> -> memref<128x128xf32, #tpu.memory_space<vmem_shared>>
      %dma_wait3A_47 = arith.constant 0 : i32
      %dma_wait3A_48 = arith.constant 0 : i32
      %dma_wait3A_49 = tpu.memref_slice %arg10[%run_scoped3A_16, %dma_wait3A_47, %dma_wait3A_48] : memref<2x128x128xf32, #tpu.memory_space<vmem>> -> memref<1x128x128xf32, #tpu.memory_space<vmem>>
      %dma_wait3A_50 = tpu.memref_squeeze %dma_wait3A_49 : memref<1x128x128xf32, #tpu.memory_space<vmem>> -> memref<128x128xf32, #tpu.memory_space<vmem>>
      tpu.wait_dma2 semaphore(%run_scoped3A_28 : memref<!tpu.dma_semaphore, #tpu.memory_space<semaphore_mem>>) src(%dma_wait3A_50 : memref<128x128xf32, #tpu.memory_space<vmem>>) dst(%dma_wait3A_46 : memref<128x128xf32, #tpu.memory_space<vmem_shared>>)
      tpu.yield
    }) : () -> ()
    %add3A_17 = arith.constant 512 : i32
    %add3A_18 = arith.addi %mul3A_0, %add3A_17 : i32
    %run_scoped3A_19 = arith.constant 0 : i32
    "tpu.region"() ({
      %run_scoped3A_28 = tpu.sem_alloc : memref<!tpu.dma_semaphore, #tpu.memory_space<semaphore_mem>>
      %dma_start3A = arith.constant 0 : i32
      %dma_start3A_29 = arith.constant 0 : i32
      %dma_start3A_30 = tpu.memref_slice %arg10[%run_scoped3A_19, %dma_start3A, %dma_start3A_29] : memref<2x128x128xf32, #tpu.memory_space<vmem>> -> memref<1x128x128xf32, #tpu.memory_space<vmem>>
      %dma_start3A_31 = tpu.memref_squeeze %dma_start3A_30 : memref<1x128x128xf32, #tpu.memory_space<vmem>> -> memref<128x128xf32, #tpu.memory_space<vmem>>
      %dma_start3A_32 = arith.constant 0 : i32
      %dma_start3A_33 = tpu.memref_slice %arg11[%add3A_18, %dma_start3A_32] : memref<10240x128xf32, #tpu.memory_space<vmem_shared>> -> memref<128x128xf32, #tpu.memory_space<vmem_shared>>
      %dma_start3A_34 = arith.constant 0 : i32
      %dma_start3A_35 = tpu.memref_slice %arg11[%add3A_18, %dma_start3A_34] : memref<10240x128xf32, #tpu.memory_space<vmem_shared>> -> memref<128x128xf32, #tpu.memory_space<vmem_shared>>
      %dma_start3A_36 = arith.constant 0 : i32
      %dma_start3A_37 = arith.constant 0 : i32
      %dma_start3A_38 = tpu.memref_slice %arg10[%run_scoped3A_19, %dma_start3A_36, %dma_start3A_37] : memref<2x128x128xf32, #tpu.memory_space<vmem>> -> memref<1x128x128xf32, #tpu.memory_space<vmem>>
      %dma_start3A_39 = tpu.memref_squeeze %dma_start3A_38 : memref<1x128x128xf32, #tpu.memory_space<vmem>> -> memref<128x128xf32, #tpu.memory_space<vmem>>
      tpu.enqueue_dma source(%dma_start3A_39 : memref<128x128xf32, #tpu.memory_space<vmem>>) target(%dma_start3A_35 : memref<128x128xf32, #tpu.memory_space<vmem_shared>>) target_semaphore(%run_scoped3A_28 : memref<!tpu.dma_semaphore, #tpu.memory_space<semaphore_mem>>)
      %dma_wait3A = arith.constant 0 : i32
      %dma_wait3A_40 = arith.constant 0 : i32
      %dma_wait3A_41 = tpu.memref_slice %arg10[%run_scoped3A_19, %dma_wait3A, %dma_wait3A_40] : memref<2x128x128xf32, #tpu.memory_space<vmem>> -> memref<1x128x128xf32, #tpu.memory_space<vmem>>
      %dma_wait3A_42 = tpu.memref_squeeze %dma_wait3A_41 : memref<1x128x128xf32, #tpu.memory_space<vmem>> -> memref<128x128xf32, #tpu.memory_space<vmem>>
      %dma_wait3A_43 = arith.constant 0 : i32
      %dma_wait3A_44 = tpu.memref_slice %arg11[%add3A_18, %dma_wait3A_43] : memref<10240x128xf32, #tpu.memory_space<vmem_shared>> -> memref<128x128xf32, #tpu.memory_space<vmem_shared>>
      %dma_wait3A_45 = arith.constant 0 : i32
      %dma_wait3A_46 = tpu.memref_slice %arg11[%add3A_18, %dma_wait3A_45] : memref<10240x128xf32, #tpu.memory_space<vmem_shared>> -> memref<128x128xf32, #tpu.memory_space<vmem_shared>>
      %dma_wait3A_47 = arith.constant 0 : i32
      %dma_wait3A_48 = arith.constant 0 : i32
      %dma_wait3A_49 = tpu.memref_slice %arg10[%run_scoped3A_19, %dma_wait3A_47, %dma_wait3A_48] : memref<2x128x128xf32, #tpu.memory_space<vmem>> -> memref<1x128x128xf32, #tpu.memory_space<vmem>>
      %dma_wait3A_50 = tpu.memref_squeeze %dma_wait3A_49 : memref<1x128x128xf32, #tpu.memory_space<vmem>> -> memref<128x128xf32, #tpu.memory_space<vmem>>
      tpu.wait_dma2 semaphore(%run_scoped3A_28 : memref<!tpu.dma_semaphore, #tpu.memory_space<semaphore_mem>>) src(%dma_wait3A_50 : memref<128x128xf32, #tpu.memory_space<vmem>>) dst(%dma_wait3A_46 : memref<128x128xf32, #tpu.memory_space<vmem_shared>>)
      tpu.yield
    }) : () -> ()
    %barrier3A = arith.constant 0 : index
    tpu.barrier barrier_id(%barrier3A)
    %eq3A = arith.constant 0 : i32
    %eq3A_20 = arith.cmpi eq, %arg0, %eq3A : i32
    %convert_element_type3A = arith.extui %eq3A_20 : i1 to i32
    %cond3A = arith.constant 0 : i32
    %cond3A_21 = arith.cmpi ne, %convert_element_type3A, %cond3A : i32
    scf.if %cond3A_21 {
      "tpu.region"() ({
        %run_scoped3A_132 = tpu.sem_alloc : memref<!tpu.dma_semaphore, #tpu.memory_space<semaphore_mem>>
        %dma_start3A_133 = arith.constant 0 : i32
        %dma_start3A_134 = arith.constant 0 : i32
        %dma_start3A_135 = tpu.memref_slice %arg3[%arg1, %dma_start3A_133, %dma_start3A_134] : memref<16x96x128xi32, #tpu.memory_space<hbm>> -> memref<1x32x128xi32, #tpu.memory_space<hbm>>
        %dma_start3A_136 = tpu.memref_squeeze %dma_start3A_135 : memref<1x32x128xi32, #tpu.memory_space<hbm>> -> memref<32x128xi32, #tpu.memory_space<hbm>>
        %dma_start3A_137 = arith.constant 0 : i32
        %dma_start3A_138 = arith.constant 0 : i32
        %dma_start3A_139 = tpu.memref_slice %arg3[%arg1, %dma_start3A_137, %dma_start3A_138] : memref<16x96x128xi32, #tpu.memory_space<hbm>> -> memref<1x32x128xi32, #tpu.memory_space<hbm>>
        %dma_start3A_140 = tpu.memref_squeeze %dma_start3A_139 : memref<1x32x128xi32, #tpu.memory_space<hbm>> -> memref<32x128xi32, #tpu.memory_space<hbm>>
        tpu.enqueue_dma source(%dma_start3A_140 : memref<32x128xi32, #tpu.memory_space<hbm>>) target(%arg8 : memref<32x128xi32, #tpu.memory_space<vmem>>) target_semaphore(%run_scoped3A_132 : memref<!tpu.dma_semaphore, #tpu.memory_space<semaphore_mem>>)
        %dma_wait3A = arith.constant 0 : i32
        %dma_wait3A_141 = arith.constant 0 : i32
        %dma_wait3A_142 = tpu.memref_slice %arg3[%arg1, %dma_wait3A, %dma_wait3A_141] : memref<16x96x128xi32, #tpu.memory_space<hbm>> -> memref<1x32x128xi32, #tpu.memory_space<hbm>>
        %dma_wait3A_143 = tpu.memref_squeeze %dma_wait3A_142 : memref<1x32x128xi32, #tpu.memory_space<hbm>> -> memref<32x128xi32, #tpu.memory_space<hbm>>
        %dma_wait3A_144 = arith.constant 0 : i32
        %dma_wait3A_145 = arith.constant 0 : i32
        %dma_wait3A_146 = tpu.memref_slice %arg3[%arg1, %dma_wait3A_144, %dma_wait3A_145] : memref<16x96x128xi32, #tpu.memory_space<hbm>> -> memref<1x32x128xi32, #tpu.memory_space<hbm>>
        %dma_wait3A_147 = tpu.memref_squeeze %dma_wait3A_146 : memref<1x32x128xi32, #tpu.memory_space<hbm>> -> memref<32x128xi32, #tpu.memory_space<hbm>>
        tpu.wait_dma2 semaphore(%run_scoped3A_132 : memref<!tpu.dma_semaphore, #tpu.memory_space<semaphore_mem>>) src(%dma_wait3A_147 : memref<32x128xi32, #tpu.memory_space<hbm>>) dst(%arg8 : memref<32x128xi32, #tpu.memory_space<vmem>>)
        tpu.yield
      }) : () -> ()
      "tpu.region"() ({
        %run_scoped3A_132 = tpu.sem_alloc : memref<!tpu.dma_semaphore, #tpu.memory_space<semaphore_mem>>
        %dma_start3A_133 = arith.constant 0 : i32
        %dma_start3A_134 = arith.constant 0 : i32
        %dma_start3A_135 = tpu.memref_slice %arg4[%arg1, %dma_start3A_133, %dma_start3A_134] : memref<16x96x128xi32, #tpu.memory_space<hbm>> -> memref<1x32x128xi32, #tpu.memory_space<hbm>>
        %dma_start3A_136 = tpu.memref_squeeze %dma_start3A_135 : memref<1x32x128xi32, #tpu.memory_space<hbm>> -> memref<32x128xi32, #tpu.memory_space<hbm>>
        %dma_start3A_137 = arith.constant 0 : i32
        %dma_start3A_138 = arith.constant 0 : i32
        %dma_start3A_139 = tpu.memref_slice %arg4[%arg1, %dma_start3A_137, %dma_start3A_138] : memref<16x96x128xi32, #tpu.memory_space<hbm>> -> memref<1x32x128xi32, #tpu.memory_space<hbm>>
        %dma_start3A_140 = tpu.memref_squeeze %dma_start3A_139 : memref<1x32x128xi32, #tpu.memory_space<hbm>> -> memref<32x128xi32, #tpu.memory_space<hbm>>
        tpu.enqueue_dma source(%dma_start3A_140 : memref<32x128xi32, #tpu.memory_space<hbm>>) target(%arg9 : memref<32x128xi32, #tpu.memory_space<vmem>>) target_semaphore(%run_scoped3A_132 : memref<!tpu.dma_semaphore, #tpu.memory_space<semaphore_mem>>)
        %dma_wait3A = arith.constant 0 : i32
        %dma_wait3A_141 = arith.constant 0 : i32
        %dma_wait3A_142 = tpu.memref_slice %arg4[%arg1, %dma_wait3A, %dma_wait3A_141] : memref<16x96x128xi32, #tpu.memory_space<hbm>> -> memref<1x32x128xi32, #tpu.memory_space<hbm>>
        %dma_wait3A_143 = tpu.memref_squeeze %dma_wait3A_142 : memref<1x32x128xi32, #tpu.memory_space<hbm>> -> memref<32x128xi32, #tpu.memory_space<hbm>>
        %dma_wait3A_144 = arith.constant 0 : i32
        %dma_wait3A_145 = arith.constant 0 : i32
        %dma_wait3A_146 = tpu.memref_slice %arg4[%arg1, %dma_wait3A_144, %dma_wait3A_145] : memref<16x96x128xi32, #tpu.memory_space<hbm>> -> memref<1x32x128xi32, #tpu.memory_space<hbm>>
        %dma_wait3A_147 = tpu.memref_squeeze %dma_wait3A_146 : memref<1x32x128xi32, #tpu.memory_space<hbm>> -> memref<32x128xi32, #tpu.memory_space<hbm>>
        tpu.wait_dma2 semaphore(%run_scoped3A_132 : memref<!tpu.dma_semaphore, #tpu.memory_space<semaphore_mem>>) src(%dma_wait3A_147 : memref<32x128xi32, #tpu.memory_space<hbm>>) dst(%arg9 : memref<32x128xi32, #tpu.memory_space<vmem>>)
        tpu.yield
      }) : () -> ()
      %dma_start3A = arith.constant 0 : i32
      %dma_start3A_28 = arith.constant 0 : i32
      %dma_start3A_29 = arith.constant 0 : i32
      %dma_start3A_30 = arith.constant 0 : i32
      %dma_start3A_31 = arith.constant 0 : i32
      %dma_start3A_32 = tpu.memref_slice %arg10[%dma_start3A_28, %dma_start3A_30, %dma_start3A_31] : memref<2x128x128xf32, #tpu.memory_space<vmem>> -> memref<1x128x128xf32, #tpu.memory_space<vmem>>
      %dma_start3A_33 = tpu.memref_squeeze %dma_start3A_32 : memref<1x128x128xf32, #tpu.memory_space<vmem>> -> memref<128x128xf32, #tpu.memory_space<vmem>>
      %dma_start3A_34 = arith.constant 0 : i32
      %dma_start3A_35 = tpu.memref_slice %arg8[%dma_start3A, %dma_start3A_34] : memref<32x128xi32, #tpu.memory_space<vmem>> -> memref<1x128xi32, #tpu.memory_space<vmem>>
      %dma_start3A_36 = tpu.memref_squeeze %dma_start3A_35 : memref<1x128xi32, #tpu.memory_space<vmem>> -> memref<128xi32, #tpu.memory_space<vmem>>
      %dma_start3A_37 = arith.constant 0 : i32
      %dma_start3A_38 = arith.constant 0 : i32
      %dma_start3A_39 = tpu.memref_slice %arg2[%dma_start3A_37, %dma_start3A_38] : memref<10000x128xf32, #tpu.memory_space<hbm>> -> memref<10000x128xf32, #tpu.memory_space<hbm>>
      %dma_start3A_40 = tpu.memref_slice %arg12[%dma_start3A_29] : memref<2x!tpu.dma_semaphore, #tpu.memory_space<semaphore_mem>> -> memref<1x!tpu.dma_semaphore, #tpu.memory_space<semaphore_mem>>
      %dma_start3A_41 = tpu.memref_squeeze %dma_start3A_40 : memref<1x!tpu.dma_semaphore, #tpu.memory_space<semaphore_mem>> -> memref<!tpu.dma_semaphore, #tpu.memory_space<semaphore_mem>>
      tpu.enqueue_indirect_dma source(%dma_start3A_39 : memref<10000x128xf32, #tpu.memory_space<hbm>>) target(%dma_start3A_33 : memref<128x128xf32, #tpu.memory_space<vmem>>) offsets(%dma_start3A_36 : memref<128xi32, #tpu.memory_space<vmem>>) semaphore(%dma_start3A_41 : memref<!tpu.dma_semaphore, #tpu.memory_space<semaphore_mem>>)
      %dma_start3A_42 = arith.constant 1 : i32
      %dma_start3A_43 = arith.constant 1 : i32
      %dma_start3A_44 = arith.constant 1 : i32
      %dma_start3A_45 = arith.constant 0 : i32
      %dma_start3A_46 = arith.constant 0 : i32
      %dma_start3A_47 = tpu.memref_slice %arg10[%dma_start3A_43, %dma_start3A_45, %dma_start3A_46] : memref<2x128x128xf32, #tpu.memory_space<vmem>> -> memref<1x128x128xf32, #tpu.memory_space<vmem>>
      %dma_start3A_48 = tpu.memref_squeeze %dma_start3A_47 : memref<1x128x128xf32, #tpu.memory_space<vmem>> -> memref<128x128xf32, #tpu.memory_space<vmem>>
      %dma_start3A_49 = arith.constant 0 : i32
      %dma_start3A_50 = tpu.memref_slice %arg8[%dma_start3A_42, %dma_start3A_49] : memref<32x128xi32, #tpu.memory_space<vmem>> -> memref<1x128xi32, #tpu.memory_space<vmem>>
      %dma_start3A_51 = tpu.memref_squeeze %dma_start3A_50 : memref<1x128xi32, #tpu.memory_space<vmem>> -> memref<128xi32, #tpu.memory_space<vmem>>
      %dma_start3A_52 = arith.constant 0 : i32
      %dma_start3A_53 = arith.constant 0 : i32
      %dma_start3A_54 = tpu.memref_slice %arg2[%dma_start3A_52, %dma_start3A_53] : memref<10000x128xf32, #tpu.memory_space<hbm>> -> memref<10000x128xf32, #tpu.memory_space<hbm>>
      %dma_start3A_55 = tpu.memref_slice %arg12[%dma_start3A_44] : memref<2x!tpu.dma_semaphore, #tpu.memory_space<semaphore_mem>> -> memref<1x!tpu.dma_semaphore, #tpu.memory_space<semaphore_mem>>
      %dma_start3A_56 = tpu.memref_squeeze %dma_start3A_55 : memref<1x!tpu.dma_semaphore, #tpu.memory_space<semaphore_mem>> -> memref<!tpu.dma_semaphore, #tpu.memory_space<semaphore_mem>>
      tpu.enqueue_indirect_dma source(%dma_start3A_54 : memref<10000x128xf32, #tpu.memory_space<hbm>>) target(%dma_start3A_48 : memref<128x128xf32, #tpu.memory_space<vmem>>) offsets(%dma_start3A_51 : memref<128xi32, #tpu.memory_space<vmem>>) semaphore(%dma_start3A_56 : memref<!tpu.dma_semaphore, #tpu.memory_space<semaphore_mem>>)
      %scan3A_57 = arith.constant 0 : i32
      %scan3A_58 = arith.constant 32 : i32
      %scan3A_59 = arith.addi %scan3A_57, %scan3A_58 : i32
      %scan3A_60 = arith.constant 1 : i32
      scf.for %scan3A_132 = %scan3A_57 to %scan3A_59 step %scan3A_60  : i32 {
        %and3A = arith.constant 1 : i32
        %and3A_133 = arith.andi %scan3A_132, %and3A : i32
        %dma_wait3A = arith.constant 0 : i32
        %dma_wait3A_134 = arith.constant 0 : i32
        %dma_wait3A_135 = tpu.memref_slice %arg10[%and3A_133, %dma_wait3A, %dma_wait3A_134] : memref<2x128x128xf32, #tpu.memory_space<vmem>> -> memref<1x128x128xf32, #tpu.memory_space<vmem>>
        %dma_wait3A_136 = tpu.memref_squeeze %dma_wait3A_135 : memref<1x128x128xf32, #tpu.memory_space<vmem>> -> memref<128x128xf32, #tpu.memory_space<vmem>>
        %dma_wait3A_137 = arith.constant 0 : i32
        %dma_wait3A_138 = tpu.memref_slice %arg8[%scan3A_132, %dma_wait3A_137] : memref<32x128xi32, #tpu.memory_space<vmem>> -> memref<1x128xi32, #tpu.memory_space<vmem>>
        %dma_wait3A_139 = tpu.memref_squeeze %dma_wait3A_138 : memref<1x128xi32, #tpu.memory_space<vmem>> -> memref<128xi32, #tpu.memory_space<vmem>>
        %dma_wait3A_140 = arith.constant 0 : i32
        %dma_wait3A_141 = arith.constant 0 : i32
        %dma_wait3A_142 = tpu.memref_slice %arg2[%dma_wait3A_140, %dma_wait3A_141] : memref<10000x128xf32, #tpu.memory_space<hbm>> -> memref<10000x128xf32, #tpu.memory_space<hbm>>
        %dma_wait3A_143 = tpu.memref_slice %arg12[%and3A_133] : memref<2x!tpu.dma_semaphore, #tpu.memory_space<semaphore_mem>> -> memref<1x!tpu.dma_semaphore, #tpu.memory_space<semaphore_mem>>
        %dma_wait3A_144 = tpu.memref_squeeze %dma_wait3A_143 : memref<1x!tpu.dma_semaphore, #tpu.memory_space<semaphore_mem>> -> memref<!tpu.dma_semaphore, #tpu.memory_space<semaphore_mem>>
        tpu.wait_indirect_dma semaphore(%dma_wait3A_144 : memref<!tpu.dma_semaphore, #tpu.memory_space<semaphore_mem>>) src(%dma_wait3A_142 : memref<10000x128xf32, #tpu.memory_space<hbm>>) dst(%dma_wait3A_136 : memref<128x128xf32, #tpu.memory_space<vmem>>)
        "tpu.region"() ({
          %run_scoped3A_151 = tpu.sem_alloc : memref<!tpu.dma_semaphore, #tpu.memory_space<semaphore_mem>>
          %dma_start3A_152 = arith.constant 0 : i32
          %dma_start3A_153 = arith.constant 0 : i32
          %dma_start3A_154 = tpu.memref_slice %arg10[%and3A_133, %dma_start3A_152, %dma_start3A_153] : memref<2x128x128xf32, #tpu.memory_space<vmem>> -> memref<1x128x128xf32, #tpu.memory_space<vmem>>
          %dma_start3A_155 = tpu.memref_squeeze %dma_start3A_154 : memref<1x128x128xf32, #tpu.memory_space<vmem>> -> memref<128x128xf32, #tpu.memory_space<vmem>>
          %dma_start3A_156 = arith.constant 0 : i32
          %dma_start3A_157 = tpu.memref_slice %arg9[%scan3A_132, %dma_start3A_156] : memref<32x128xi32, #tpu.memory_space<vmem>> -> memref<1x128xi32, #tpu.memory_space<vmem>>
          %dma_start3A_158 = tpu.memref_squeeze %dma_start3A_157 : memref<1x128xi32, #tpu.memory_space<vmem>> -> memref<128xi32, #tpu.memory_space<vmem>>
          %dma_start3A_159 = arith.constant 0 : i32
          %dma_start3A_160 = arith.constant 0 : i32
          %dma_start3A_161 = tpu.memref_slice %arg11[%dma_start3A_159, %dma_start3A_160] : memref<10240x128xf32, #tpu.memory_space<vmem_shared>> -> memref<10240x128xf32, #tpu.memory_space<vmem_shared>>
          tpu.enqueue_indirect_dma source(%dma_start3A_155 : memref<128x128xf32, #tpu.memory_space<vmem>>) target(%dma_start3A_161 : memref<10240x128xf32, #tpu.memory_space<vmem_shared>>) offsets(%dma_start3A_158 : memref<128xi32, #tpu.memory_space<vmem>>) semaphore(%run_scoped3A_151 : memref<!tpu.dma_semaphore, #tpu.memory_space<semaphore_mem>>) {add = true}
          %dma_wait3A_162 = arith.constant 0 : i32
          %dma_wait3A_163 = arith.constant 0 : i32
          %dma_wait3A_164 = tpu.memref_slice %arg10[%and3A_133, %dma_wait3A_162, %dma_wait3A_163] : memref<2x128x128xf32, #tpu.memory_space<vmem>> -> memref<1x128x128xf32, #tpu.memory_space<vmem>>
          %dma_wait3A_165 = tpu.memref_squeeze %dma_wait3A_164 : memref<1x128x128xf32, #tpu.memory_space<vmem>> -> memref<128x128xf32, #tpu.memory_space<vmem>>
          %dma_wait3A_166 = arith.constant 0 : i32
          %dma_wait3A_167 = tpu.memref_slice %arg9[%scan3A_132, %dma_wait3A_166] : memref<32x128xi32, #tpu.memory_space<vmem>> -> memref<1x128xi32, #tpu.memory_space<vmem>>
          %dma_wait3A_168 = tpu.memref_squeeze %dma_wait3A_167 : memref<1x128xi32, #tpu.memory_space<vmem>> -> memref<128xi32, #tpu.memory_space<vmem>>
          %dma_wait3A_169 = arith.constant 0 : i32
          %dma_wait3A_170 = arith.constant 0 : i32
          %dma_wait3A_171 = tpu.memref_slice %arg11[%dma_wait3A_169, %dma_wait3A_170] : memref<10240x128xf32, #tpu.memory_space<vmem_shared>> -> memref<10240x128xf32, #tpu.memory_space<vmem_shared>>
          tpu.wait_indirect_dma semaphore(%run_scoped3A_151 : memref<!tpu.dma_semaphore, #tpu.memory_space<semaphore_mem>>) src(%dma_wait3A_165 : memref<128x128xf32, #tpu.memory_space<vmem>>) dst(%dma_wait3A_171 : memref<10240x128xf32, #tpu.memory_space<vmem_shared>>)
          tpu.yield
        }) : () -> ()
        %add3A_145 = arith.constant 2 : i32
        %add3A_146 = arith.addi %scan3A_132, %add3A_145 : i32
        %lt3A = arith.constant 32 : i32
        %lt3A_147 = arith.cmpi slt, %add3A_146, %lt3A : i32
        %convert_element_type3A_148 = arith.extui %lt3A_147 : i1 to i32
        %cond3A_149 = arith.constant 0 : i32
        %cond3A_150 = arith.cmpi ne, %convert_element_type3A_148, %cond3A_149 : i32
        scf.if %cond3A_150 {
          %dma_start3A_151 = arith.constant 0 : i32
          %dma_start3A_152 = arith.constant 0 : i32
          %dma_start3A_153 = tpu.memref_slice %arg10[%and3A_133, %dma_start3A_151, %dma_start3A_152] : memref<2x128x128xf32, #tpu.memory_space<vmem>> -> memref<1x128x128xf32, #tpu.memory_space<vmem>>
          %dma_start3A_154 = tpu.memref_squeeze %dma_start3A_153 : memref<1x128x128xf32, #tpu.memory_space<vmem>> -> memref<128x128xf32, #tpu.memory_space<vmem>>
          %dma_start3A_155 = arith.constant 0 : i32
          %dma_start3A_156 = tpu.memref_slice %arg8[%add3A_146, %dma_start3A_155] : memref<32x128xi32, #tpu.memory_space<vmem>> -> memref<1x128xi32, #tpu.memory_space<vmem>>
          %dma_start3A_157 = tpu.memref_squeeze %dma_start3A_156 : memref<1x128xi32, #tpu.memory_space<vmem>> -> memref<128xi32, #tpu.memory_space<vmem>>
          %dma_start3A_158 = arith.constant 0 : i32
          %dma_start3A_159 = arith.constant 0 : i32
          %dma_start3A_160 = tpu.memref_slice %arg2[%dma_start3A_158, %dma_start3A_159] : memref<10000x128xf32, #tpu.memory_space<hbm>> -> memref<10000x128xf32, #tpu.memory_space<hbm>>
          %dma_start3A_161 = tpu.memref_slice %arg12[%and3A_133] : memref<2x!tpu.dma_semaphore, #tpu.memory_space<semaphore_mem>> -> memref<1x!tpu.dma_semaphore, #tpu.memory_space<semaphore_mem>>
          %dma_start3A_162 = tpu.memref_squeeze %dma_start3A_161 : memref<1x!tpu.dma_semaphore, #tpu.memory_space<semaphore_mem>> -> memref<!tpu.dma_semaphore, #tpu.memory_space<semaphore_mem>>
          tpu.enqueue_indirect_dma source(%dma_start3A_160 : memref<10000x128xf32, #tpu.memory_space<hbm>>) target(%dma_start3A_154 : memref<128x128xf32, #tpu.memory_space<vmem>>) offsets(%dma_start3A_157 : memref<128xi32, #tpu.memory_space<vmem>>) semaphore(%dma_start3A_162 : memref<!tpu.dma_semaphore, #tpu.memory_space<semaphore_mem>>)
        } else {
        }
      }
      %scan3A_61 = arith.constant 32 : i32
      "tpu.region"() ({
        %run_scoped3A_132 = tpu.sem_alloc : memref<!tpu.dma_semaphore, #tpu.memory_space<semaphore_mem>>
        %dma_start3A_133 = arith.constant 32 : i32
        %dma_start3A_134 = arith.constant 0 : i32
        %dma_start3A_135 = tpu.memref_slice %arg3[%arg1, %dma_start3A_133, %dma_start3A_134] : memref<16x96x128xi32, #tpu.memory_space<hbm>> -> memref<1x32x128xi32, #tpu.memory_space<hbm>>
        %dma_start3A_136 = tpu.memref_squeeze %dma_start3A_135 : memref<1x32x128xi32, #tpu.memory_space<hbm>> -> memref<32x128xi32, #tpu.memory_space<hbm>>
        %dma_start3A_137 = arith.constant 32 : i32
        %dma_start3A_138 = arith.constant 0 : i32
        %dma_start3A_139 = tpu.memref_slice %arg3[%arg1, %dma_start3A_137, %dma_start3A_138] : memref<16x96x128xi32, #tpu.memory_space<hbm>> -> memref<1x32x128xi32, #tpu.memory_space<hbm>>
        %dma_start3A_140 = tpu.memref_squeeze %dma_start3A_139 : memref<1x32x128xi32, #tpu.memory_space<hbm>> -> memref<32x128xi32, #tpu.memory_space<hbm>>
        tpu.enqueue_dma source(%dma_start3A_140 : memref<32x128xi32, #tpu.memory_space<hbm>>) target(%arg8 : memref<32x128xi32, #tpu.memory_space<vmem>>) target_semaphore(%run_scoped3A_132 : memref<!tpu.dma_semaphore, #tpu.memory_space<semaphore_mem>>)
        %dma_wait3A = arith.constant 32 : i32
        %dma_wait3A_141 = arith.constant 0 : i32
        %dma_wait3A_142 = tpu.memref_slice %arg3[%arg1, %dma_wait3A, %dma_wait3A_141] : memref<16x96x128xi32, #tpu.memory_space<hbm>> -> memref<1x32x128xi32, #tpu.memory_space<hbm>>
        %dma_wait3A_143 = tpu.memref_squeeze %dma_wait3A_142 : memref<1x32x128xi32, #tpu.memory_space<hbm>> -> memref<32x128xi32, #tpu.memory_space<hbm>>
        %dma_wait3A_144 = arith.constant 32 : i32
        %dma_wait3A_145 = arith.constant 0 : i32
        %dma_wait3A_146 = tpu.memref_slice %arg3[%arg1, %dma_wait3A_144, %dma_wait3A_145] : memref<16x96x128xi32, #tpu.memory_space<hbm>> -> memref<1x32x128xi32, #tpu.memory_space<hbm>>
        %dma_wait3A_147 = tpu.memref_squeeze %dma_wait3A_146 : memref<1x32x128xi32, #tpu.memory_space<hbm>> -> memref<32x128xi32, #tpu.memory_space<hbm>>
        tpu.wait_dma2 semaphore(%run_scoped3A_132 : memref<!tpu.dma_semaphore, #tpu.memory_space<semaphore_mem>>) src(%dma_wait3A_147 : memref<32x128xi32, #tpu.memory_space<hbm>>) dst(%arg8 : memref<32x128xi32, #tpu.memory_space<vmem>>)
        tpu.yield
      }) : () -> ()
      "tpu.region"() ({
        %run_scoped3A_132 = tpu.sem_alloc : memref<!tpu.dma_semaphore, #tpu.memory_space<semaphore_mem>>
        %dma_start3A_133 = arith.constant 32 : i32
        %dma_start3A_134 = arith.constant 0 : i32
        %dma_start3A_135 = tpu.memref_slice %arg4[%arg1, %dma_start3A_133, %dma_start3A_134] : memref<16x96x128xi32, #tpu.memory_space<hbm>> -> memref<1x32x128xi32, #tpu.memory_space<hbm>>
        %dma_start3A_136 = tpu.memref_squeeze %dma_start3A_135 : memref<1x32x128xi32, #tpu.memory_space<hbm>> -> memref<32x128xi32, #tpu.memory_space<hbm>>
        %dma_start3A_137 = arith.constant 32 : i32
        %dma_start3A_138 = arith.constant 0 : i32
        %dma_start3A_139 = tpu.memref_slice %arg4[%arg1, %dma_start3A_137, %dma_start3A_138] : memref<16x96x128xi32, #tpu.memory_space<hbm>> -> memref<1x32x128xi32, #tpu.memory_space<hbm>>
        %dma_start3A_140 = tpu.memref_squeeze %dma_start3A_139 : memref<1x32x128xi32, #tpu.memory_space<hbm>> -> memref<32x128xi32, #tpu.memory_space<hbm>>
        tpu.enqueue_dma source(%dma_start3A_140 : memref<32x128xi32, #tpu.memory_space<hbm>>) target(%arg9 : memref<32x128xi32, #tpu.memory_space<vmem>>) target_semaphore(%run_scoped3A_132 : memref<!tpu.dma_semaphore, #tpu.memory_space<semaphore_mem>>)
        %dma_wait3A = arith.constant 32 : i32
        %dma_wait3A_141 = arith.constant 0 : i32
        %dma_wait3A_142 = tpu.memref_slice %arg4[%arg1, %dma_wait3A, %dma_wait3A_141] : memref<16x96x128xi32, #tpu.memory_space<hbm>> -> memref<1x32x128xi32, #tpu.memory_space<hbm>>
        %dma_wait3A_143 = tpu.memref_squeeze %dma_wait3A_142 : memref<1x32x128xi32, #tpu.memory_space<hbm>> -> memref<32x128xi32, #tpu.memory_space<hbm>>
        %dma_wait3A_144 = arith.constant 32 : i32
        %dma_wait3A_145 = arith.constant 0 : i32
        %dma_wait3A_146 = tpu.memref_slice %arg4[%arg1, %dma_wait3A_144, %dma_wait3A_145] : memref<16x96x128xi32, #tpu.memory_space<hbm>> -> memref<1x32x128xi32, #tpu.memory_space<hbm>>
        %dma_wait3A_147 = tpu.memref_squeeze %dma_wait3A_146 : memref<1x32x128xi32, #tpu.memory_space<hbm>> -> memref<32x128xi32, #tpu.memory_space<hbm>>
        tpu.wait_dma2 semaphore(%run_scoped3A_132 : memref<!tpu.dma_semaphore, #tpu.memory_space<semaphore_mem>>) src(%dma_wait3A_147 : memref<32x128xi32, #tpu.memory_space<hbm>>) dst(%arg9 : memref<32x128xi32, #tpu.memory_space<vmem>>)
        tpu.yield
      }) : () -> ()
      %dma_start3A_62 = arith.constant 0 : i32
      %dma_start3A_63 = arith.constant 0 : i32
      %dma_start3A_64 = arith.constant 0 : i32
      %dma_start3A_65 = arith.constant 0 : i32
      %dma_start3A_66 = arith.constant 0 : i32
      %dma_start3A_67 = tpu.memref_slice %arg10[%dma_start3A_63, %dma_start3A_65, %dma_start3A_66] : memref<2x128x128xf32, #tpu.memory_space<vmem>> -> memref<1x128x128xf32, #tpu.memory_space<vmem>>
      %dma_start3A_68 = tpu.memref_squeeze %dma_start3A_67 : memref<1x128x128xf32, #tpu.memory_space<vmem>> -> memref<128x128xf32, #tpu.memory_space<vmem>>
      %dma_start3A_69 = arith.constant 0 : i32
      %dma_start3A_70 = tpu.memref_slice %arg8[%dma_start3A_62, %dma_start3A_69] : memref<32x128xi32, #tpu.memory_space<vmem>> -> memref<1x128xi32, #tpu.memory_space<vmem>>
      %dma_start3A_71 = tpu.memref_squeeze %dma_start3A_70 : memref<1x128xi32, #tpu.memory_space<vmem>> -> memref<128xi32, #tpu.memory_space<vmem>>
      %dma_start3A_72 = arith.constant 0 : i32
      %dma_start3A_73 = arith.constant 0 : i32
      %dma_start3A_74 = tpu.memref_slice %arg2[%dma_start3A_72, %dma_start3A_73] : memref<10000x128xf32, #tpu.memory_space<hbm>> -> memref<10000x128xf32, #tpu.memory_space<hbm>>
      %dma_start3A_75 = tpu.memref_slice %arg12[%dma_start3A_64] : memref<2x!tpu.dma_semaphore, #tpu.memory_space<semaphore_mem>> -> memref<1x!tpu.dma_semaphore, #tpu.memory_space<semaphore_mem>>
      %dma_start3A_76 = tpu.memref_squeeze %dma_start3A_75 : memref<1x!tpu.dma_semaphore, #tpu.memory_space<semaphore_mem>> -> memref<!tpu.dma_semaphore, #tpu.memory_space<semaphore_mem>>
      tpu.enqueue_indirect_dma source(%dma_start3A_74 : memref<10000x128xf32, #tpu.memory_space<hbm>>) target(%dma_start3A_68 : memref<128x128xf32, #tpu.memory_space<vmem>>) offsets(%dma_start3A_71 : memref<128xi32, #tpu.memory_space<vmem>>) semaphore(%dma_start3A_76 : memref<!tpu.dma_semaphore, #tpu.memory_space<semaphore_mem>>)
      %dma_start3A_77 = arith.constant 1 : i32
      %dma_start3A_78 = arith.constant 1 : i32
      %dma_start3A_79 = arith.constant 1 : i32
      %dma_start3A_80 = arith.constant 0 : i32
      %dma_start3A_81 = arith.constant 0 : i32
      %dma_start3A_82 = tpu.memref_slice %arg10[%dma_start3A_78, %dma_start3A_80, %dma_start3A_81] : memref<2x128x128xf32, #tpu.memory_space<vmem>> -> memref<1x128x128xf32, #tpu.memory_space<vmem>>
      %dma_start3A_83 = tpu.memref_squeeze %dma_start3A_82 : memref<1x128x128xf32, #tpu.memory_space<vmem>> -> memref<128x128xf32, #tpu.memory_space<vmem>>
      %dma_start3A_84 = arith.constant 0 : i32
      %dma_start3A_85 = tpu.memref_slice %arg8[%dma_start3A_77, %dma_start3A_84] : memref<32x128xi32, #tpu.memory_space<vmem>> -> memref<1x128xi32, #tpu.memory_space<vmem>>
      %dma_start3A_86 = tpu.memref_squeeze %dma_start3A_85 : memref<1x128xi32, #tpu.memory_space<vmem>> -> memref<128xi32, #tpu.memory_space<vmem>>
      %dma_start3A_87 = arith.constant 0 : i32
      %dma_start3A_88 = arith.constant 0 : i32
      %dma_start3A_89 = tpu.memref_slice %arg2[%dma_start3A_87, %dma_start3A_88] : memref<10000x128xf32, #tpu.memory_space<hbm>> -> memref<10000x128xf32, #tpu.memory_space<hbm>>
      %dma_start3A_90 = tpu.memref_slice %arg12[%dma_start3A_79] : memref<2x!tpu.dma_semaphore, #tpu.memory_space<semaphore_mem>> -> memref<1x!tpu.dma_semaphore, #tpu.memory_space<semaphore_mem>>
      %dma_start3A_91 = tpu.memref_squeeze %dma_start3A_90 : memref<1x!tpu.dma_semaphore, #tpu.memory_space<semaphore_mem>> -> memref<!tpu.dma_semaphore, #tpu.memory_space<semaphore_mem>>
      tpu.enqueue_indirect_dma source(%dma_start3A_89 : memref<10000x128xf32, #tpu.memory_space<hbm>>) target(%dma_start3A_83 : memref<128x128xf32, #tpu.memory_space<vmem>>) offsets(%dma_start3A_86 : memref<128xi32, #tpu.memory_space<vmem>>) semaphore(%dma_start3A_91 : memref<!tpu.dma_semaphore, #tpu.memory_space<semaphore_mem>>)
      %scan3A_92 = arith.constant 0 : i32
      %scan3A_93 = arith.constant 32 : i32
      %scan3A_94 = arith.addi %scan3A_92, %scan3A_93 : i32
      %scan3A_95 = arith.constant 1 : i32
      scf.for %scan3A_132 = %scan3A_92 to %scan3A_94 step %scan3A_95  : i32 {
        %and3A = arith.constant 1 : i32
        %and3A_133 = arith.andi %scan3A_132, %and3A : i32
        %dma_wait3A = arith.constant 0 : i32
        %dma_wait3A_134 = arith.constant 0 : i32
        %dma_wait3A_135 = tpu.memref_slice %arg10[%and3A_133, %dma_wait3A, %dma_wait3A_134] : memref<2x128x128xf32, #tpu.memory_space<vmem>> -> memref<1x128x128xf32, #tpu.memory_space<vmem>>
        %dma_wait3A_136 = tpu.memref_squeeze %dma_wait3A_135 : memref<1x128x128xf32, #tpu.memory_space<vmem>> -> memref<128x128xf32, #tpu.memory_space<vmem>>
        %dma_wait3A_137 = arith.constant 0 : i32
        %dma_wait3A_138 = tpu.memref_slice %arg8[%scan3A_132, %dma_wait3A_137] : memref<32x128xi32, #tpu.memory_space<vmem>> -> memref<1x128xi32, #tpu.memory_space<vmem>>
        %dma_wait3A_139 = tpu.memref_squeeze %dma_wait3A_138 : memref<1x128xi32, #tpu.memory_space<vmem>> -> memref<128xi32, #tpu.memory_space<vmem>>
        %dma_wait3A_140 = arith.constant 0 : i32
        %dma_wait3A_141 = arith.constant 0 : i32
        %dma_wait3A_142 = tpu.memref_slice %arg2[%dma_wait3A_140, %dma_wait3A_141] : memref<10000x128xf32, #tpu.memory_space<hbm>> -> memref<10000x128xf32, #tpu.memory_space<hbm>>
        %dma_wait3A_143 = tpu.memref_slice %arg12[%and3A_133] : memref<2x!tpu.dma_semaphore, #tpu.memory_space<semaphore_mem>> -> memref<1x!tpu.dma_semaphore, #tpu.memory_space<semaphore_mem>>
        %dma_wait3A_144 = tpu.memref_squeeze %dma_wait3A_143 : memref<1x!tpu.dma_semaphore, #tpu.memory_space<semaphore_mem>> -> memref<!tpu.dma_semaphore, #tpu.memory_space<semaphore_mem>>
        tpu.wait_indirect_dma semaphore(%dma_wait3A_144 : memref<!tpu.dma_semaphore, #tpu.memory_space<semaphore_mem>>) src(%dma_wait3A_142 : memref<10000x128xf32, #tpu.memory_space<hbm>>) dst(%dma_wait3A_136 : memref<128x128xf32, #tpu.memory_space<vmem>>)
        "tpu.region"() ({
          %run_scoped3A_151 = tpu.sem_alloc : memref<!tpu.dma_semaphore, #tpu.memory_space<semaphore_mem>>
          %dma_start3A_152 = arith.constant 0 : i32
          %dma_start3A_153 = arith.constant 0 : i32
          %dma_start3A_154 = tpu.memref_slice %arg10[%and3A_133, %dma_start3A_152, %dma_start3A_153] : memref<2x128x128xf32, #tpu.memory_space<vmem>> -> memref<1x128x128xf32, #tpu.memory_space<vmem>>
          %dma_start3A_155 = tpu.memref_squeeze %dma_start3A_154 : memref<1x128x128xf32, #tpu.memory_space<vmem>> -> memref<128x128xf32, #tpu.memory_space<vmem>>
          %dma_start3A_156 = arith.constant 0 : i32
          %dma_start3A_157 = tpu.memref_slice %arg9[%scan3A_132, %dma_start3A_156] : memref<32x128xi32, #tpu.memory_space<vmem>> -> memref<1x128xi32, #tpu.memory_space<vmem>>
          %dma_start3A_158 = tpu.memref_squeeze %dma_start3A_157 : memref<1x128xi32, #tpu.memory_space<vmem>> -> memref<128xi32, #tpu.memory_space<vmem>>
          %dma_start3A_159 = arith.constant 0 : i32
          %dma_start3A_160 = arith.constant 0 : i32
          %dma_start3A_161 = tpu.memref_slice %arg11[%dma_start3A_159, %dma_start3A_160] : memref<10240x128xf32, #tpu.memory_space<vmem_shared>> -> memref<10240x128xf32, #tpu.memory_space<vmem_shared>>
          tpu.enqueue_indirect_dma source(%dma_start3A_155 : memref<128x128xf32, #tpu.memory_space<vmem>>) target(%dma_start3A_161 : memref<10240x128xf32, #tpu.memory_space<vmem_shared>>) offsets(%dma_start3A_158 : memref<128xi32, #tpu.memory_space<vmem>>) semaphore(%run_scoped3A_151 : memref<!tpu.dma_semaphore, #tpu.memory_space<semaphore_mem>>) {add = true}
          %dma_wait3A_162 = arith.constant 0 : i32
          %dma_wait3A_163 = arith.constant 0 : i32
          %dma_wait3A_164 = tpu.memref_slice %arg10[%and3A_133, %dma_wait3A_162, %dma_wait3A_163] : memref<2x128x128xf32, #tpu.memory_space<vmem>> -> memref<1x128x128xf32, #tpu.memory_space<vmem>>
          %dma_wait3A_165 = tpu.memref_squeeze %dma_wait3A_164 : memref<1x128x128xf32, #tpu.memory_space<vmem>> -> memref<128x128xf32, #tpu.memory_space<vmem>>
          %dma_wait3A_166 = arith.constant 0 : i32
          %dma_wait3A_167 = tpu.memref_slice %arg9[%scan3A_132, %dma_wait3A_166] : memref<32x128xi32, #tpu.memory_space<vmem>> -> memref<1x128xi32, #tpu.memory_space<vmem>>
          %dma_wait3A_168 = tpu.memref_squeeze %dma_wait3A_167 : memref<1x128xi32, #tpu.memory_space<vmem>> -> memref<128xi32, #tpu.memory_space<vmem>>
          %dma_wait3A_169 = arith.constant 0 : i32
          %dma_wait3A_170 = arith.constant 0 : i32
          %dma_wait3A_171 = tpu.memref_slice %arg11[%dma_wait3A_169, %dma_wait3A_170] : memref<10240x128xf32, #tpu.memory_space<vmem_shared>> -> memref<10240x128xf32, #tpu.memory_space<vmem_shared>>
          tpu.wait_indirect_dma semaphore(%run_scoped3A_151 : memref<!tpu.dma_semaphore, #tpu.memory_space<semaphore_mem>>) src(%dma_wait3A_165 : memref<128x128xf32, #tpu.memory_space<vmem>>) dst(%dma_wait3A_171 : memref<10240x128xf32, #tpu.memory_space<vmem_shared>>)
          tpu.yield
        }) : () -> ()
        %add3A_145 = arith.constant 2 : i32
        %add3A_146 = arith.addi %scan3A_132, %add3A_145 : i32
        %lt3A = arith.constant 32 : i32
        %lt3A_147 = arith.cmpi slt, %add3A_146, %lt3A : i32
        %convert_element_type3A_148 = arith.extui %lt3A_147 : i1 to i32
        %cond3A_149 = arith.constant 0 : i32
        %cond3A_150 = arith.cmpi ne, %convert_element_type3A_148, %cond3A_149 : i32
        scf.if %cond3A_150 {
          %dma_start3A_151 = arith.constant 0 : i32
          %dma_start3A_152 = arith.constant 0 : i32
          %dma_start3A_153 = tpu.memref_slice %arg10[%and3A_133, %dma_start3A_151, %dma_start3A_152] : memref<2x128x128xf32, #tpu.memory_space<vmem>> -> memref<1x128x128xf32, #tpu.memory_space<vmem>>
          %dma_start3A_154 = tpu.memref_squeeze %dma_start3A_153 : memref<1x128x128xf32, #tpu.memory_space<vmem>> -> memref<128x128xf32, #tpu.memory_space<vmem>>
          %dma_start3A_155 = arith.constant 0 : i32
          %dma_start3A_156 = tpu.memref_slice %arg8[%add3A_146, %dma_start3A_155] : memref<32x128xi32, #tpu.memory_space<vmem>> -> memref<1x128xi32, #tpu.memory_space<vmem>>
          %dma_start3A_157 = tpu.memref_squeeze %dma_start3A_156 : memref<1x128xi32, #tpu.memory_space<vmem>> -> memref<128xi32, #tpu.memory_space<vmem>>
          %dma_start3A_158 = arith.constant 0 : i32
          %dma_start3A_159 = arith.constant 0 : i32
          %dma_start3A_160 = tpu.memref_slice %arg2[%dma_start3A_158, %dma_start3A_159] : memref<10000x128xf32, #tpu.memory_space<hbm>> -> memref<10000x128xf32, #tpu.memory_space<hbm>>
          %dma_start3A_161 = tpu.memref_slice %arg12[%and3A_133] : memref<2x!tpu.dma_semaphore, #tpu.memory_space<semaphore_mem>> -> memref<1x!tpu.dma_semaphore, #tpu.memory_space<semaphore_mem>>
          %dma_start3A_162 = tpu.memref_squeeze %dma_start3A_161 : memref<1x!tpu.dma_semaphore, #tpu.memory_space<semaphore_mem>> -> memref<!tpu.dma_semaphore, #tpu.memory_space<semaphore_mem>>
          tpu.enqueue_indirect_dma source(%dma_start3A_160 : memref<10000x128xf32, #tpu.memory_space<hbm>>) target(%dma_start3A_154 : memref<128x128xf32, #tpu.memory_space<vmem>>) offsets(%dma_start3A_157 : memref<128xi32, #tpu.memory_space<vmem>>) semaphore(%dma_start3A_162 : memref<!tpu.dma_semaphore, #tpu.memory_space<semaphore_mem>>)
        } else {
        }
      }
      %scan3A_96 = arith.constant 32 : i32
      "tpu.region"() ({
        %run_scoped3A_132 = tpu.sem_alloc : memref<!tpu.dma_semaphore, #tpu.memory_space<semaphore_mem>>
        %dma_start3A_133 = arith.constant 64 : i32
        %dma_start3A_134 = arith.constant 0 : i32
        %dma_start3A_135 = tpu.memref_slice %arg3[%arg1, %dma_start3A_133, %dma_start3A_134] : memref<16x96x128xi32, #tpu.memory_space<hbm>> -> memref<1x32x128xi32, #tpu.memory_space<hbm>>
        %dma_start3A_136 = tpu.memref_squeeze %dma_start3A_135 : memref<1x32x128xi32, #tpu.memory_space<hbm>> -> memref<32x128xi32, #tpu.memory_space<hbm>>
        %dma_start3A_137 = arith.constant 64 : i32
        %dma_start3A_138 = arith.constant 0 : i32
        %dma_start3A_139 = tpu.memref_slice %arg3[%arg1, %dma_start3A_137, %dma_start3A_138] : memref<16x96x128xi32, #tpu.memory_space<hbm>> -> memref<1x32x128xi32, #tpu.memory_space<hbm>>
        %dma_start3A_140 = tpu.memref_squeeze %dma_start3A_139 : memref<1x32x128xi32, #tpu.memory_space<hbm>> -> memref<32x128xi32, #tpu.memory_space<hbm>>
        tpu.enqueue_dma source(%dma_start3A_140 : memref<32x128xi32, #tpu.memory_space<hbm>>) target(%arg8 : memref<32x128xi32, #tpu.memory_space<vmem>>) target_semaphore(%run_scoped3A_132 : memref<!tpu.dma_semaphore, #tpu.memory_space<semaphore_mem>>)
        %dma_wait3A = arith.constant 64 : i32
        %dma_wait3A_141 = arith.constant 0 : i32
        %dma_wait3A_142 = tpu.memref_slice %arg3[%arg1, %dma_wait3A, %dma_wait3A_141] : memref<16x96x128xi32, #tpu.memory_space<hbm>> -> memref<1x32x128xi32, #tpu.memory_space<hbm>>
        %dma_wait3A_143 = tpu.memref_squeeze %dma_wait3A_142 : memref<1x32x128xi32, #tpu.memory_space<hbm>> -> memref<32x128xi32, #tpu.memory_space<hbm>>
        %dma_wait3A_144 = arith.constant 64 : i32
        %dma_wait3A_145 = arith.constant 0 : i32
        %dma_wait3A_146 = tpu.memref_slice %arg3[%arg1, %dma_wait3A_144, %dma_wait3A_145] : memref<16x96x128xi32, #tpu.memory_space<hbm>> -> memref<1x32x128xi32, #tpu.memory_space<hbm>>
        %dma_wait3A_147 = tpu.memref_squeeze %dma_wait3A_146 : memref<1x32x128xi32, #tpu.memory_space<hbm>> -> memref<32x128xi32, #tpu.memory_space<hbm>>
        tpu.wait_dma2 semaphore(%run_scoped3A_132 : memref<!tpu.dma_semaphore, #tpu.memory_space<semaphore_mem>>) src(%dma_wait3A_147 : memref<32x128xi32, #tpu.memory_space<hbm>>) dst(%arg8 : memref<32x128xi32, #tpu.memory_space<vmem>>)
        tpu.yield
      }) : () -> ()
      "tpu.region"() ({
        %run_scoped3A_132 = tpu.sem_alloc : memref<!tpu.dma_semaphore, #tpu.memory_space<semaphore_mem>>
        %dma_start3A_133 = arith.constant 64 : i32
        %dma_start3A_134 = arith.constant 0 : i32
        %dma_start3A_135 = tpu.memref_slice %arg4[%arg1, %dma_start3A_133, %dma_start3A_134] : memref<16x96x128xi32, #tpu.memory_space<hbm>> -> memref<1x32x128xi32, #tpu.memory_space<hbm>>
        %dma_start3A_136 = tpu.memref_squeeze %dma_start3A_135 : memref<1x32x128xi32, #tpu.memory_space<hbm>> -> memref<32x128xi32, #tpu.memory_space<hbm>>
        %dma_start3A_137 = arith.constant 64 : i32
        %dma_start3A_138 = arith.constant 0 : i32
        %dma_start3A_139 = tpu.memref_slice %arg4[%arg1, %dma_start3A_137, %dma_start3A_138] : memref<16x96x128xi32, #tpu.memory_space<hbm>> -> memref<1x32x128xi32, #tpu.memory_space<hbm>>
        %dma_start3A_140 = tpu.memref_squeeze %dma_start3A_139 : memref<1x32x128xi32, #tpu.memory_space<hbm>> -> memref<32x128xi32, #tpu.memory_space<hbm>>
        tpu.enqueue_dma source(%dma_start3A_140 : memref<32x128xi32, #tpu.memory_space<hbm>>) target(%arg9 : memref<32x128xi32, #tpu.memory_space<vmem>>) target_semaphore(%run_scoped3A_132 : memref<!tpu.dma_semaphore, #tpu.memory_space<semaphore_mem>>)
        %dma_wait3A = arith.constant 64 : i32
        %dma_wait3A_141 = arith.constant 0 : i32
        %dma_wait3A_142 = tpu.memref_slice %arg4[%arg1, %dma_wait3A, %dma_wait3A_141] : memref<16x96x128xi32, #tpu.memory_space<hbm>> -> memref<1x32x128xi32, #tpu.memory_space<hbm>>
        %dma_wait3A_143 = tpu.memref_squeeze %dma_wait3A_142 : memref<1x32x128xi32, #tpu.memory_space<hbm>> -> memref<32x128xi32, #tpu.memory_space<hbm>>
        %dma_wait3A_144 = arith.constant 64 : i32
        %dma_wait3A_145 = arith.constant 0 : i32
        %dma_wait3A_146 = tpu.memref_slice %arg4[%arg1, %dma_wait3A_144, %dma_wait3A_145] : memref<16x96x128xi32, #tpu.memory_space<hbm>> -> memref<1x32x128xi32, #tpu.memory_space<hbm>>
        %dma_wait3A_147 = tpu.memref_squeeze %dma_wait3A_146 : memref<1x32x128xi32, #tpu.memory_space<hbm>> -> memref<32x128xi32, #tpu.memory_space<hbm>>
        tpu.wait_dma2 semaphore(%run_scoped3A_132 : memref<!tpu.dma_semaphore, #tpu.memory_space<semaphore_mem>>) src(%dma_wait3A_147 : memref<32x128xi32, #tpu.memory_space<hbm>>) dst(%arg9 : memref<32x128xi32, #tpu.memory_space<vmem>>)
        tpu.yield
      }) : () -> ()
      %dma_start3A_97 = arith.constant 0 : i32
      %dma_start3A_98 = arith.constant 0 : i32
      %dma_start3A_99 = arith.constant 0 : i32
      %dma_start3A_100 = arith.constant 0 : i32
      %dma_start3A_101 = arith.constant 0 : i32
      %dma_start3A_102 = tpu.memref_slice %arg10[%dma_start3A_98, %dma_start3A_100, %dma_start3A_101] : memref<2x128x128xf32, #tpu.memory_space<vmem>> -> memref<1x128x128xf32, #tpu.memory_space<vmem>>
      %dma_start3A_103 = tpu.memref_squeeze %dma_start3A_102 : memref<1x128x128xf32, #tpu.memory_space<vmem>> -> memref<128x128xf32, #tpu.memory_space<vmem>>
      %dma_start3A_104 = arith.constant 0 : i32
      %dma_start3A_105 = tpu.memref_slice %arg8[%dma_start3A_97, %dma_start3A_104] : memref<32x128xi32, #tpu.memory_space<vmem>> -> memref<1x128xi32, #tpu.memory_space<vmem>>
      %dma_start3A_106 = tpu.memref_squeeze %dma_start3A_105 : memref<1x128xi32, #tpu.memory_space<vmem>> -> memref<128xi32, #tpu.memory_space<vmem>>
      %dma_start3A_107 = arith.constant 0 : i32
      %dma_start3A_108 = arith.constant 0 : i32
      %dma_start3A_109 = tpu.memref_slice %arg2[%dma_start3A_107, %dma_start3A_108] : memref<10000x128xf32, #tpu.memory_space<hbm>> -> memref<10000x128xf32, #tpu.memory_space<hbm>>
      %dma_start3A_110 = tpu.memref_slice %arg12[%dma_start3A_99] : memref<2x!tpu.dma_semaphore, #tpu.memory_space<semaphore_mem>> -> memref<1x!tpu.dma_semaphore, #tpu.memory_space<semaphore_mem>>
      %dma_start3A_111 = tpu.memref_squeeze %dma_start3A_110 : memref<1x!tpu.dma_semaphore, #tpu.memory_space<semaphore_mem>> -> memref<!tpu.dma_semaphore, #tpu.memory_space<semaphore_mem>>
      tpu.enqueue_indirect_dma source(%dma_start3A_109 : memref<10000x128xf32, #tpu.memory_space<hbm>>) target(%dma_start3A_103 : memref<128x128xf32, #tpu.memory_space<vmem>>) offsets(%dma_start3A_106 : memref<128xi32, #tpu.memory_space<vmem>>) semaphore(%dma_start3A_111 : memref<!tpu.dma_semaphore, #tpu.memory_space<semaphore_mem>>)
      %dma_start3A_112 = arith.constant 1 : i32
      %dma_start3A_113 = arith.constant 1 : i32
      %dma_start3A_114 = arith.constant 1 : i32
      %dma_start3A_115 = arith.constant 0 : i32
      %dma_start3A_116 = arith.constant 0 : i32
      %dma_start3A_117 = tpu.memref_slice %arg10[%dma_start3A_113, %dma_start3A_115, %dma_start3A_116] : memref<2x128x128xf32, #tpu.memory_space<vmem>> -> memref<1x128x128xf32, #tpu.memory_space<vmem>>
      %dma_start3A_118 = tpu.memref_squeeze %dma_start3A_117 : memref<1x128x128xf32, #tpu.memory_space<vmem>> -> memref<128x128xf32, #tpu.memory_space<vmem>>
      %dma_start3A_119 = arith.constant 0 : i32
      %dma_start3A_120 = tpu.memref_slice %arg8[%dma_start3A_112, %dma_start3A_119] : memref<32x128xi32, #tpu.memory_space<vmem>> -> memref<1x128xi32, #tpu.memory_space<vmem>>
      %dma_start3A_121 = tpu.memref_squeeze %dma_start3A_120 : memref<1x128xi32, #tpu.memory_space<vmem>> -> memref<128xi32, #tpu.memory_space<vmem>>
      %dma_start3A_122 = arith.constant 0 : i32
      %dma_start3A_123 = arith.constant 0 : i32
      %dma_start3A_124 = tpu.memref_slice %arg2[%dma_start3A_122, %dma_start3A_123] : memref<10000x128xf32, #tpu.memory_space<hbm>> -> memref<10000x128xf32, #tpu.memory_space<hbm>>
      %dma_start3A_125 = tpu.memref_slice %arg12[%dma_start3A_114] : memref<2x!tpu.dma_semaphore, #tpu.memory_space<semaphore_mem>> -> memref<1x!tpu.dma_semaphore, #tpu.memory_space<semaphore_mem>>
      %dma_start3A_126 = tpu.memref_squeeze %dma_start3A_125 : memref<1x!tpu.dma_semaphore, #tpu.memory_space<semaphore_mem>> -> memref<!tpu.dma_semaphore, #tpu.memory_space<semaphore_mem>>
      tpu.enqueue_indirect_dma source(%dma_start3A_124 : memref<10000x128xf32, #tpu.memory_space<hbm>>) target(%dma_start3A_118 : memref<128x128xf32, #tpu.memory_space<vmem>>) offsets(%dma_start3A_121 : memref<128xi32, #tpu.memory_space<vmem>>) semaphore(%dma_start3A_126 : memref<!tpu.dma_semaphore, #tpu.memory_space<semaphore_mem>>)
      %scan3A_127 = arith.constant 0 : i32
      %scan3A_128 = arith.constant 32 : i32
      %scan3A_129 = arith.addi %scan3A_127, %scan3A_128 : i32
      %scan3A_130 = arith.constant 1 : i32
      scf.for %scan3A_132 = %scan3A_127 to %scan3A_129 step %scan3A_130  : i32 {
        %and3A = arith.constant 1 : i32
        %and3A_133 = arith.andi %scan3A_132, %and3A : i32
        %dma_wait3A = arith.constant 0 : i32
        %dma_wait3A_134 = arith.constant 0 : i32
        %dma_wait3A_135 = tpu.memref_slice %arg10[%and3A_133, %dma_wait3A, %dma_wait3A_134] : memref<2x128x128xf32, #tpu.memory_space<vmem>> -> memref<1x128x128xf32, #tpu.memory_space<vmem>>
        %dma_wait3A_136 = tpu.memref_squeeze %dma_wait3A_135 : memref<1x128x128xf32, #tpu.memory_space<vmem>> -> memref<128x128xf32, #tpu.memory_space<vmem>>
        %dma_wait3A_137 = arith.constant 0 : i32
        %dma_wait3A_138 = tpu.memref_slice %arg8[%scan3A_132, %dma_wait3A_137] : memref<32x128xi32, #tpu.memory_space<vmem>> -> memref<1x128xi32, #tpu.memory_space<vmem>>
        %dma_wait3A_139 = tpu.memref_squeeze %dma_wait3A_138 : memref<1x128xi32, #tpu.memory_space<vmem>> -> memref<128xi32, #tpu.memory_space<vmem>>
        %dma_wait3A_140 = arith.constant 0 : i32
        %dma_wait3A_141 = arith.constant 0 : i32
        %dma_wait3A_142 = tpu.memref_slice %arg2[%dma_wait3A_140, %dma_wait3A_141] : memref<10000x128xf32, #tpu.memory_space<hbm>> -> memref<10000x128xf32, #tpu.memory_space<hbm>>
        %dma_wait3A_143 = tpu.memref_slice %arg12[%and3A_133] : memref<2x!tpu.dma_semaphore, #tpu.memory_space<semaphore_mem>> -> memref<1x!tpu.dma_semaphore, #tpu.memory_space<semaphore_mem>>
        %dma_wait3A_144 = tpu.memref_squeeze %dma_wait3A_143 : memref<1x!tpu.dma_semaphore, #tpu.memory_space<semaphore_mem>> -> memref<!tpu.dma_semaphore, #tpu.memory_space<semaphore_mem>>
        tpu.wait_indirect_dma semaphore(%dma_wait3A_144 : memref<!tpu.dma_semaphore, #tpu.memory_space<semaphore_mem>>) src(%dma_wait3A_142 : memref<10000x128xf32, #tpu.memory_space<hbm>>) dst(%dma_wait3A_136 : memref<128x128xf32, #tpu.memory_space<vmem>>)
        "tpu.region"() ({
          %run_scoped3A_151 = tpu.sem_alloc : memref<!tpu.dma_semaphore, #tpu.memory_space<semaphore_mem>>
          %dma_start3A_152 = arith.constant 0 : i32
          %dma_start3A_153 = arith.constant 0 : i32
          %dma_start3A_154 = tpu.memref_slice %arg10[%and3A_133, %dma_start3A_152, %dma_start3A_153] : memref<2x128x128xf32, #tpu.memory_space<vmem>> -> memref<1x128x128xf32, #tpu.memory_space<vmem>>
          %dma_start3A_155 = tpu.memref_squeeze %dma_start3A_154 : memref<1x128x128xf32, #tpu.memory_space<vmem>> -> memref<128x128xf32, #tpu.memory_space<vmem>>
          %dma_start3A_156 = arith.constant 0 : i32
          %dma_start3A_157 = tpu.memref_slice %arg9[%scan3A_132, %dma_start3A_156] : memref<32x128xi32, #tpu.memory_space<vmem>> -> memref<1x128xi32, #tpu.memory_space<vmem>>
          %dma_start3A_158 = tpu.memref_squeeze %dma_start3A_157 : memref<1x128xi32, #tpu.memory_space<vmem>> -> memref<128xi32, #tpu.memory_space<vmem>>
          %dma_start3A_159 = arith.constant 0 : i32
          %dma_start3A_160 = arith.constant 0 : i32
          %dma_start3A_161 = tpu.memref_slice %arg11[%dma_start3A_159, %dma_start3A_160] : memref<10240x128xf32, #tpu.memory_space<vmem_shared>> -> memref<10240x128xf32, #tpu.memory_space<vmem_shared>>
          tpu.enqueue_indirect_dma source(%dma_start3A_155 : memref<128x128xf32, #tpu.memory_space<vmem>>) target(%dma_start3A_161 : memref<10240x128xf32, #tpu.memory_space<vmem_shared>>) offsets(%dma_start3A_158 : memref<128xi32, #tpu.memory_space<vmem>>) semaphore(%run_scoped3A_151 : memref<!tpu.dma_semaphore, #tpu.memory_space<semaphore_mem>>) {add = true}
          %dma_wait3A_162 = arith.constant 0 : i32
          %dma_wait3A_163 = arith.constant 0 : i32
          %dma_wait3A_164 = tpu.memref_slice %arg10[%and3A_133, %dma_wait3A_162, %dma_wait3A_163] : memref<2x128x128xf32, #tpu.memory_space<vmem>> -> memref<1x128x128xf32, #tpu.memory_space<vmem>>
          %dma_wait3A_165 = tpu.memref_squeeze %dma_wait3A_164 : memref<1x128x128xf32, #tpu.memory_space<vmem>> -> memref<128x128xf32, #tpu.memory_space<vmem>>
          %dma_wait3A_166 = arith.constant 0 : i32
          %dma_wait3A_167 = tpu.memref_slice %arg9[%scan3A_132, %dma_wait3A_166] : memref<32x128xi32, #tpu.memory_space<vmem>> -> memref<1x128xi32, #tpu.memory_space<vmem>>
          %dma_wait3A_168 = tpu.memref_squeeze %dma_wait3A_167 : memref<1x128xi32, #tpu.memory_space<vmem>> -> memref<128xi32, #tpu.memory_space<vmem>>
          %dma_wait3A_169 = arith.constant 0 : i32
          %dma_wait3A_170 = arith.constant 0 : i32
          %dma_wait3A_171 = tpu.memref_slice %arg11[%dma_wait3A_169, %dma_wait3A_170] : memref<10240x128xf32, #tpu.memory_space<vmem_shared>> -> memref<10240x128xf32, #tpu.memory_space<vmem_shared>>
          tpu.wait_indirect_dma semaphore(%run_scoped3A_151 : memref<!tpu.dma_semaphore, #tpu.memory_space<semaphore_mem>>) src(%dma_wait3A_165 : memref<128x128xf32, #tpu.memory_space<vmem>>) dst(%dma_wait3A_171 : memref<10240x128xf32, #tpu.memory_space<vmem_shared>>)
          tpu.yield
        }) : () -> ()
        %add3A_145 = arith.constant 2 : i32
        %add3A_146 = arith.addi %scan3A_132, %add3A_145 : i32
        %lt3A = arith.constant 32 : i32
        %lt3A_147 = arith.cmpi slt, %add3A_146, %lt3A : i32
        %convert_element_type3A_148 = arith.extui %lt3A_147 : i1 to i32
        %cond3A_149 = arith.constant 0 : i32
        %cond3A_150 = arith.cmpi ne, %convert_element_type3A_148, %cond3A_149 : i32
        scf.if %cond3A_150 {
          %dma_start3A_151 = arith.constant 0 : i32
          %dma_start3A_152 = arith.constant 0 : i32
          %dma_start3A_153 = tpu.memref_slice %arg10[%and3A_133, %dma_start3A_151, %dma_start3A_152] : memref<2x128x128xf32, #tpu.memory_space<vmem>> -> memref<1x128x128xf32, #tpu.memory_space<vmem>>
          %dma_start3A_154 = tpu.memref_squeeze %dma_start3A_153 : memref<1x128x128xf32, #tpu.memory_space<vmem>> -> memref<128x128xf32, #tpu.memory_space<vmem>>
          %dma_start3A_155 = arith.constant 0 : i32
          %dma_start3A_156 = tpu.memref_slice %arg8[%add3A_146, %dma_start3A_155] : memref<32x128xi32, #tpu.memory_space<vmem>> -> memref<1x128xi32, #tpu.memory_space<vmem>>
          %dma_start3A_157 = tpu.memref_squeeze %dma_start3A_156 : memref<1x128xi32, #tpu.memory_space<vmem>> -> memref<128xi32, #tpu.memory_space<vmem>>
          %dma_start3A_158 = arith.constant 0 : i32
          %dma_start3A_159 = arith.constant 0 : i32
          %dma_start3A_160 = tpu.memref_slice %arg2[%dma_start3A_158, %dma_start3A_159] : memref<10000x128xf32, #tpu.memory_space<hbm>> -> memref<10000x128xf32, #tpu.memory_space<hbm>>
          %dma_start3A_161 = tpu.memref_slice %arg12[%and3A_133] : memref<2x!tpu.dma_semaphore, #tpu.memory_space<semaphore_mem>> -> memref<1x!tpu.dma_semaphore, #tpu.memory_space<semaphore_mem>>
          %dma_start3A_162 = tpu.memref_squeeze %dma_start3A_161 : memref<1x!tpu.dma_semaphore, #tpu.memory_space<semaphore_mem>> -> memref<!tpu.dma_semaphore, #tpu.memory_space<semaphore_mem>>
          tpu.enqueue_indirect_dma source(%dma_start3A_160 : memref<10000x128xf32, #tpu.memory_space<hbm>>) target(%dma_start3A_154 : memref<128x128xf32, #tpu.memory_space<vmem>>) offsets(%dma_start3A_157 : memref<128xi32, #tpu.memory_space<vmem>>) semaphore(%dma_start3A_162 : memref<!tpu.dma_semaphore, #tpu.memory_space<semaphore_mem>>)
        } else {
        }
      }
      %scan3A_131 = arith.constant 32 : i32
    } else {
    }
    %eq3A_22 = arith.constant 1 : i32
    %eq3A_23 = arith.cmpi eq, %arg0, %eq3A_22 : i32
    %convert_element_type3A_24 = arith.extui %eq3A_23 : i1 to i32
    %cond3A_25 = arith.constant 0 : i32
    %cond3A_26 = arith.cmpi ne, %convert_element_type3A_24, %cond3A_25 : i32
    scf.if %cond3A_26 {
      "tpu.region"() ({
        %run_scoped3A_97 = tpu.sem_alloc : memref<!tpu.dma_semaphore, #tpu.memory_space<semaphore_mem>>
        %dma_start3A_98 = arith.constant 0 : i32
        %dma_start3A_99 = arith.constant 0 : i32
        %dma_start3A_100 = tpu.memref_slice %arg5[%arg1, %dma_start3A_98, %dma_start3A_99] : memref<16x64x128xi32, #tpu.memory_space<hbm>> -> memref<1x32x128xi32, #tpu.memory_space<hbm>>
        %dma_start3A_101 = tpu.memref_squeeze %dma_start3A_100 : memref<1x32x128xi32, #tpu.memory_space<hbm>> -> memref<32x128xi32, #tpu.memory_space<hbm>>
        %dma_start3A_102 = arith.constant 0 : i32
        %dma_start3A_103 = arith.constant 0 : i32
        %dma_start3A_104 = tpu.memref_slice %arg5[%arg1, %dma_start3A_102, %dma_start3A_103] : memref<16x64x128xi32, #tpu.memory_space<hbm>> -> memref<1x32x128xi32, #tpu.memory_space<hbm>>
        %dma_start3A_105 = tpu.memref_squeeze %dma_start3A_104 : memref<1x32x128xi32, #tpu.memory_space<hbm>> -> memref<32x128xi32, #tpu.memory_space<hbm>>
        tpu.enqueue_dma source(%dma_start3A_105 : memref<32x128xi32, #tpu.memory_space<hbm>>) target(%arg8 : memref<32x128xi32, #tpu.memory_space<vmem>>) target_semaphore(%run_scoped3A_97 : memref<!tpu.dma_semaphore, #tpu.memory_space<semaphore_mem>>)
        %dma_wait3A = arith.constant 0 : i32
        %dma_wait3A_106 = arith.constant 0 : i32
        %dma_wait3A_107 = tpu.memref_slice %arg5[%arg1, %dma_wait3A, %dma_wait3A_106] : memref<16x64x128xi32, #tpu.memory_space<hbm>> -> memref<1x32x128xi32, #tpu.memory_space<hbm>>
        %dma_wait3A_108 = tpu.memref_squeeze %dma_wait3A_107 : memref<1x32x128xi32, #tpu.memory_space<hbm>> -> memref<32x128xi32, #tpu.memory_space<hbm>>
        %dma_wait3A_109 = arith.constant 0 : i32
        %dma_wait3A_110 = arith.constant 0 : i32
        %dma_wait3A_111 = tpu.memref_slice %arg5[%arg1, %dma_wait3A_109, %dma_wait3A_110] : memref<16x64x128xi32, #tpu.memory_space<hbm>> -> memref<1x32x128xi32, #tpu.memory_space<hbm>>
        %dma_wait3A_112 = tpu.memref_squeeze %dma_wait3A_111 : memref<1x32x128xi32, #tpu.memory_space<hbm>> -> memref<32x128xi32, #tpu.memory_space<hbm>>
        tpu.wait_dma2 semaphore(%run_scoped3A_97 : memref<!tpu.dma_semaphore, #tpu.memory_space<semaphore_mem>>) src(%dma_wait3A_112 : memref<32x128xi32, #tpu.memory_space<hbm>>) dst(%arg8 : memref<32x128xi32, #tpu.memory_space<vmem>>)
        tpu.yield
      }) : () -> ()
      "tpu.region"() ({
        %run_scoped3A_97 = tpu.sem_alloc : memref<!tpu.dma_semaphore, #tpu.memory_space<semaphore_mem>>
        %dma_start3A_98 = arith.constant 0 : i32
        %dma_start3A_99 = arith.constant 0 : i32
        %dma_start3A_100 = tpu.memref_slice %arg6[%arg1, %dma_start3A_98, %dma_start3A_99] : memref<16x64x128xi32, #tpu.memory_space<hbm>> -> memref<1x32x128xi32, #tpu.memory_space<hbm>>
        %dma_start3A_101 = tpu.memref_squeeze %dma_start3A_100 : memref<1x32x128xi32, #tpu.memory_space<hbm>> -> memref<32x128xi32, #tpu.memory_space<hbm>>
        %dma_start3A_102 = arith.constant 0 : i32
        %dma_start3A_103 = arith.constant 0 : i32
        %dma_start3A_104 = tpu.memref_slice %arg6[%arg1, %dma_start3A_102, %dma_start3A_103] : memref<16x64x128xi32, #tpu.memory_space<hbm>> -> memref<1x32x128xi32, #tpu.memory_space<hbm>>
        %dma_start3A_105 = tpu.memref_squeeze %dma_start3A_104 : memref<1x32x128xi32, #tpu.memory_space<hbm>> -> memref<32x128xi32, #tpu.memory_space<hbm>>
        tpu.enqueue_dma source(%dma_start3A_105 : memref<32x128xi32, #tpu.memory_space<hbm>>) target(%arg9 : memref<32x128xi32, #tpu.memory_space<vmem>>) target_semaphore(%run_scoped3A_97 : memref<!tpu.dma_semaphore, #tpu.memory_space<semaphore_mem>>)
        %dma_wait3A = arith.constant 0 : i32
        %dma_wait3A_106 = arith.constant 0 : i32
        %dma_wait3A_107 = tpu.memref_slice %arg6[%arg1, %dma_wait3A, %dma_wait3A_106] : memref<16x64x128xi32, #tpu.memory_space<hbm>> -> memref<1x32x128xi32, #tpu.memory_space<hbm>>
        %dma_wait3A_108 = tpu.memref_squeeze %dma_wait3A_107 : memref<1x32x128xi32, #tpu.memory_space<hbm>> -> memref<32x128xi32, #tpu.memory_space<hbm>>
        %dma_wait3A_109 = arith.constant 0 : i32
        %dma_wait3A_110 = arith.constant 0 : i32
        %dma_wait3A_111 = tpu.memref_slice %arg6[%arg1, %dma_wait3A_109, %dma_wait3A_110] : memref<16x64x128xi32, #tpu.memory_space<hbm>> -> memref<1x32x128xi32, #tpu.memory_space<hbm>>
        %dma_wait3A_112 = tpu.memref_squeeze %dma_wait3A_111 : memref<1x32x128xi32, #tpu.memory_space<hbm>> -> memref<32x128xi32, #tpu.memory_space<hbm>>
        tpu.wait_dma2 semaphore(%run_scoped3A_97 : memref<!tpu.dma_semaphore, #tpu.memory_space<semaphore_mem>>) src(%dma_wait3A_112 : memref<32x128xi32, #tpu.memory_space<hbm>>) dst(%arg9 : memref<32x128xi32, #tpu.memory_space<vmem>>)
        tpu.yield
      }) : () -> ()
      %dma_start3A = arith.constant 0 : i32
      %dma_start3A_28 = arith.constant 0 : i32
      %dma_start3A_29 = arith.constant 0 : i32
      %dma_start3A_30 = arith.constant 0 : i32
      %dma_start3A_31 = arith.constant 0 : i32
      %dma_start3A_32 = tpu.memref_slice %arg10[%dma_start3A_28, %dma_start3A_30, %dma_start3A_31] : memref<2x128x128xf32, #tpu.memory_space<vmem>> -> memref<1x128x128xf32, #tpu.memory_space<vmem>>
      %dma_start3A_33 = tpu.memref_squeeze %dma_start3A_32 : memref<1x128x128xf32, #tpu.memory_space<vmem>> -> memref<128x128xf32, #tpu.memory_space<vmem>>
      %dma_start3A_34 = arith.constant 0 : i32
      %dma_start3A_35 = tpu.memref_slice %arg8[%dma_start3A, %dma_start3A_34] : memref<32x128xi32, #tpu.memory_space<vmem>> -> memref<1x128xi32, #tpu.memory_space<vmem>>
      %dma_start3A_36 = tpu.memref_squeeze %dma_start3A_35 : memref<1x128xi32, #tpu.memory_space<vmem>> -> memref<128xi32, #tpu.memory_space<vmem>>
      %dma_start3A_37 = arith.constant 0 : i32
      %dma_start3A_38 = arith.constant 0 : i32
      %dma_start3A_39 = tpu.memref_slice %arg2[%dma_start3A_37, %dma_start3A_38] : memref<10000x128xf32, #tpu.memory_space<hbm>> -> memref<10000x128xf32, #tpu.memory_space<hbm>>
      %dma_start3A_40 = tpu.memref_slice %arg12[%dma_start3A_29] : memref<2x!tpu.dma_semaphore, #tpu.memory_space<semaphore_mem>> -> memref<1x!tpu.dma_semaphore, #tpu.memory_space<semaphore_mem>>
      %dma_start3A_41 = tpu.memref_squeeze %dma_start3A_40 : memref<1x!tpu.dma_semaphore, #tpu.memory_space<semaphore_mem>> -> memref<!tpu.dma_semaphore, #tpu.memory_space<semaphore_mem>>
      tpu.enqueue_indirect_dma source(%dma_start3A_39 : memref<10000x128xf32, #tpu.memory_space<hbm>>) target(%dma_start3A_33 : memref<128x128xf32, #tpu.memory_space<vmem>>) offsets(%dma_start3A_36 : memref<128xi32, #tpu.memory_space<vmem>>) semaphore(%dma_start3A_41 : memref<!tpu.dma_semaphore, #tpu.memory_space<semaphore_mem>>)
      %dma_start3A_42 = arith.constant 1 : i32
      %dma_start3A_43 = arith.constant 1 : i32
      %dma_start3A_44 = arith.constant 1 : i32
      %dma_start3A_45 = arith.constant 0 : i32
      %dma_start3A_46 = arith.constant 0 : i32
      %dma_start3A_47 = tpu.memref_slice %arg10[%dma_start3A_43, %dma_start3A_45, %dma_start3A_46] : memref<2x128x128xf32, #tpu.memory_space<vmem>> -> memref<1x128x128xf32, #tpu.memory_space<vmem>>
      %dma_start3A_48 = tpu.memref_squeeze %dma_start3A_47 : memref<1x128x128xf32, #tpu.memory_space<vmem>> -> memref<128x128xf32, #tpu.memory_space<vmem>>
      %dma_start3A_49 = arith.constant 0 : i32
      %dma_start3A_50 = tpu.memref_slice %arg8[%dma_start3A_42, %dma_start3A_49] : memref<32x128xi32, #tpu.memory_space<vmem>> -> memref<1x128xi32, #tpu.memory_space<vmem>>
      %dma_start3A_51 = tpu.memref_squeeze %dma_start3A_50 : memref<1x128xi32, #tpu.memory_space<vmem>> -> memref<128xi32, #tpu.memory_space<vmem>>
      %dma_start3A_52 = arith.constant 0 : i32
      %dma_start3A_53 = arith.constant 0 : i32
      %dma_start3A_54 = tpu.memref_slice %arg2[%dma_start3A_52, %dma_start3A_53] : memref<10000x128xf32, #tpu.memory_space<hbm>> -> memref<10000x128xf32, #tpu.memory_space<hbm>>
      %dma_start3A_55 = tpu.memref_slice %arg12[%dma_start3A_44] : memref<2x!tpu.dma_semaphore, #tpu.memory_space<semaphore_mem>> -> memref<1x!tpu.dma_semaphore, #tpu.memory_space<semaphore_mem>>
      %dma_start3A_56 = tpu.memref_squeeze %dma_start3A_55 : memref<1x!tpu.dma_semaphore, #tpu.memory_space<semaphore_mem>> -> memref<!tpu.dma_semaphore, #tpu.memory_space<semaphore_mem>>
      tpu.enqueue_indirect_dma source(%dma_start3A_54 : memref<10000x128xf32, #tpu.memory_space<hbm>>) target(%dma_start3A_48 : memref<128x128xf32, #tpu.memory_space<vmem>>) offsets(%dma_start3A_51 : memref<128xi32, #tpu.memory_space<vmem>>) semaphore(%dma_start3A_56 : memref<!tpu.dma_semaphore, #tpu.memory_space<semaphore_mem>>)
      %scan3A_57 = arith.constant 0 : i32
      %scan3A_58 = arith.constant 32 : i32
      %scan3A_59 = arith.addi %scan3A_57, %scan3A_58 : i32
      %scan3A_60 = arith.constant 1 : i32
      scf.for %scan3A_97 = %scan3A_57 to %scan3A_59 step %scan3A_60  : i32 {
        %and3A = arith.constant 1 : i32
        %and3A_98 = arith.andi %scan3A_97, %and3A : i32
        %dma_wait3A = arith.constant 0 : i32
        %dma_wait3A_99 = arith.constant 0 : i32
        %dma_wait3A_100 = tpu.memref_slice %arg10[%and3A_98, %dma_wait3A, %dma_wait3A_99] : memref<2x128x128xf32, #tpu.memory_space<vmem>> -> memref<1x128x128xf32, #tpu.memory_space<vmem>>
        %dma_wait3A_101 = tpu.memref_squeeze %dma_wait3A_100 : memref<1x128x128xf32, #tpu.memory_space<vmem>> -> memref<128x128xf32, #tpu.memory_space<vmem>>
        %dma_wait3A_102 = arith.constant 0 : i32
        %dma_wait3A_103 = tpu.memref_slice %arg8[%scan3A_97, %dma_wait3A_102] : memref<32x128xi32, #tpu.memory_space<vmem>> -> memref<1x128xi32, #tpu.memory_space<vmem>>
        %dma_wait3A_104 = tpu.memref_squeeze %dma_wait3A_103 : memref<1x128xi32, #tpu.memory_space<vmem>> -> memref<128xi32, #tpu.memory_space<vmem>>
        %dma_wait3A_105 = arith.constant 0 : i32
        %dma_wait3A_106 = arith.constant 0 : i32
        %dma_wait3A_107 = tpu.memref_slice %arg2[%dma_wait3A_105, %dma_wait3A_106] : memref<10000x128xf32, #tpu.memory_space<hbm>> -> memref<10000x128xf32, #tpu.memory_space<hbm>>
        %dma_wait3A_108 = tpu.memref_slice %arg12[%and3A_98] : memref<2x!tpu.dma_semaphore, #tpu.memory_space<semaphore_mem>> -> memref<1x!tpu.dma_semaphore, #tpu.memory_space<semaphore_mem>>
        %dma_wait3A_109 = tpu.memref_squeeze %dma_wait3A_108 : memref<1x!tpu.dma_semaphore, #tpu.memory_space<semaphore_mem>> -> memref<!tpu.dma_semaphore, #tpu.memory_space<semaphore_mem>>
        tpu.wait_indirect_dma semaphore(%dma_wait3A_109 : memref<!tpu.dma_semaphore, #tpu.memory_space<semaphore_mem>>) src(%dma_wait3A_107 : memref<10000x128xf32, #tpu.memory_space<hbm>>) dst(%dma_wait3A_101 : memref<128x128xf32, #tpu.memory_space<vmem>>)
        "tpu.region"() ({
          %run_scoped3A_116 = tpu.sem_alloc : memref<!tpu.dma_semaphore, #tpu.memory_space<semaphore_mem>>
          %dma_start3A_117 = arith.constant 0 : i32
          %dma_start3A_118 = arith.constant 0 : i32
          %dma_start3A_119 = tpu.memref_slice %arg10[%and3A_98, %dma_start3A_117, %dma_start3A_118] : memref<2x128x128xf32, #tpu.memory_space<vmem>> -> memref<1x128x128xf32, #tpu.memory_space<vmem>>
          %dma_start3A_120 = tpu.memref_squeeze %dma_start3A_119 : memref<1x128x128xf32, #tpu.memory_space<vmem>> -> memref<128x128xf32, #tpu.memory_space<vmem>>
          %dma_start3A_121 = arith.constant 0 : i32
          %dma_start3A_122 = tpu.memref_slice %arg9[%scan3A_97, %dma_start3A_121] : memref<32x128xi32, #tpu.memory_space<vmem>> -> memref<1x128xi32, #tpu.memory_space<vmem>>
          %dma_start3A_123 = tpu.memref_squeeze %dma_start3A_122 : memref<1x128xi32, #tpu.memory_space<vmem>> -> memref<128xi32, #tpu.memory_space<vmem>>
          %dma_start3A_124 = arith.constant 0 : i32
          %dma_start3A_125 = arith.constant 0 : i32
          %dma_start3A_126 = tpu.memref_slice %arg11[%dma_start3A_124, %dma_start3A_125] : memref<10240x128xf32, #tpu.memory_space<vmem_shared>> -> memref<10240x128xf32, #tpu.memory_space<vmem_shared>>
          tpu.enqueue_indirect_dma source(%dma_start3A_120 : memref<128x128xf32, #tpu.memory_space<vmem>>) target(%dma_start3A_126 : memref<10240x128xf32, #tpu.memory_space<vmem_shared>>) offsets(%dma_start3A_123 : memref<128xi32, #tpu.memory_space<vmem>>) semaphore(%run_scoped3A_116 : memref<!tpu.dma_semaphore, #tpu.memory_space<semaphore_mem>>) {add = true}
          %dma_wait3A_127 = arith.constant 0 : i32
          %dma_wait3A_128 = arith.constant 0 : i32
          %dma_wait3A_129 = tpu.memref_slice %arg10[%and3A_98, %dma_wait3A_127, %dma_wait3A_128] : memref<2x128x128xf32, #tpu.memory_space<vmem>> -> memref<1x128x128xf32, #tpu.memory_space<vmem>>
          %dma_wait3A_130 = tpu.memref_squeeze %dma_wait3A_129 : memref<1x128x128xf32, #tpu.memory_space<vmem>> -> memref<128x128xf32, #tpu.memory_space<vmem>>
          %dma_wait3A_131 = arith.constant 0 : i32
          %dma_wait3A_132 = tpu.memref_slice %arg9[%scan3A_97, %dma_wait3A_131] : memref<32x128xi32, #tpu.memory_space<vmem>> -> memref<1x128xi32, #tpu.memory_space<vmem>>
          %dma_wait3A_133 = tpu.memref_squeeze %dma_wait3A_132 : memref<1x128xi32, #tpu.memory_space<vmem>> -> memref<128xi32, #tpu.memory_space<vmem>>
          %dma_wait3A_134 = arith.constant 0 : i32
          %dma_wait3A_135 = arith.constant 0 : i32
          %dma_wait3A_136 = tpu.memref_slice %arg11[%dma_wait3A_134, %dma_wait3A_135] : memref<10240x128xf32, #tpu.memory_space<vmem_shared>> -> memref<10240x128xf32, #tpu.memory_space<vmem_shared>>
          tpu.wait_indirect_dma semaphore(%run_scoped3A_116 : memref<!tpu.dma_semaphore, #tpu.memory_space<semaphore_mem>>) src(%dma_wait3A_130 : memref<128x128xf32, #tpu.memory_space<vmem>>) dst(%dma_wait3A_136 : memref<10240x128xf32, #tpu.memory_space<vmem_shared>>)
          tpu.yield
        }) : () -> ()
        %add3A_110 = arith.constant 2 : i32
        %add3A_111 = arith.addi %scan3A_97, %add3A_110 : i32
        %lt3A = arith.constant 32 : i32
        %lt3A_112 = arith.cmpi slt, %add3A_111, %lt3A : i32
        %convert_element_type3A_113 = arith.extui %lt3A_112 : i1 to i32
        %cond3A_114 = arith.constant 0 : i32
        %cond3A_115 = arith.cmpi ne, %convert_element_type3A_113, %cond3A_114 : i32
        scf.if %cond3A_115 {
          %dma_start3A_116 = arith.constant 0 : i32
          %dma_start3A_117 = arith.constant 0 : i32
          %dma_start3A_118 = tpu.memref_slice %arg10[%and3A_98, %dma_start3A_116, %dma_start3A_117] : memref<2x128x128xf32, #tpu.memory_space<vmem>> -> memref<1x128x128xf32, #tpu.memory_space<vmem>>
          %dma_start3A_119 = tpu.memref_squeeze %dma_start3A_118 : memref<1x128x128xf32, #tpu.memory_space<vmem>> -> memref<128x128xf32, #tpu.memory_space<vmem>>
          %dma_start3A_120 = arith.constant 0 : i32
          %dma_start3A_121 = tpu.memref_slice %arg8[%add3A_111, %dma_start3A_120] : memref<32x128xi32, #tpu.memory_space<vmem>> -> memref<1x128xi32, #tpu.memory_space<vmem>>
          %dma_start3A_122 = tpu.memref_squeeze %dma_start3A_121 : memref<1x128xi32, #tpu.memory_space<vmem>> -> memref<128xi32, #tpu.memory_space<vmem>>
          %dma_start3A_123 = arith.constant 0 : i32
          %dma_start3A_124 = arith.constant 0 : i32
          %dma_start3A_125 = tpu.memref_slice %arg2[%dma_start3A_123, %dma_start3A_124] : memref<10000x128xf32, #tpu.memory_space<hbm>> -> memref<10000x128xf32, #tpu.memory_space<hbm>>
          %dma_start3A_126 = tpu.memref_slice %arg12[%and3A_98] : memref<2x!tpu.dma_semaphore, #tpu.memory_space<semaphore_mem>> -> memref<1x!tpu.dma_semaphore, #tpu.memory_space<semaphore_mem>>
          %dma_start3A_127 = tpu.memref_squeeze %dma_start3A_126 : memref<1x!tpu.dma_semaphore, #tpu.memory_space<semaphore_mem>> -> memref<!tpu.dma_semaphore, #tpu.memory_space<semaphore_mem>>
          tpu.enqueue_indirect_dma source(%dma_start3A_125 : memref<10000x128xf32, #tpu.memory_space<hbm>>) target(%dma_start3A_119 : memref<128x128xf32, #tpu.memory_space<vmem>>) offsets(%dma_start3A_122 : memref<128xi32, #tpu.memory_space<vmem>>) semaphore(%dma_start3A_127 : memref<!tpu.dma_semaphore, #tpu.memory_space<semaphore_mem>>)
        } else {
        }
      }
      %scan3A_61 = arith.constant 32 : i32
      "tpu.region"() ({
        %run_scoped3A_97 = tpu.sem_alloc : memref<!tpu.dma_semaphore, #tpu.memory_space<semaphore_mem>>
        %dma_start3A_98 = arith.constant 32 : i32
        %dma_start3A_99 = arith.constant 0 : i32
        %dma_start3A_100 = tpu.memref_slice %arg5[%arg1, %dma_start3A_98, %dma_start3A_99] : memref<16x64x128xi32, #tpu.memory_space<hbm>> -> memref<1x32x128xi32, #tpu.memory_space<hbm>>
        %dma_start3A_101 = tpu.memref_squeeze %dma_start3A_100 : memref<1x32x128xi32, #tpu.memory_space<hbm>> -> memref<32x128xi32, #tpu.memory_space<hbm>>
        %dma_start3A_102 = arith.constant 32 : i32
        %dma_start3A_103 = arith.constant 0 : i32
        %dma_start3A_104 = tpu.memref_slice %arg5[%arg1, %dma_start3A_102, %dma_start3A_103] : memref<16x64x128xi32, #tpu.memory_space<hbm>> -> memref<1x32x128xi32, #tpu.memory_space<hbm>>
        %dma_start3A_105 = tpu.memref_squeeze %dma_start3A_104 : memref<1x32x128xi32, #tpu.memory_space<hbm>> -> memref<32x128xi32, #tpu.memory_space<hbm>>
        tpu.enqueue_dma source(%dma_start3A_105 : memref<32x128xi32, #tpu.memory_space<hbm>>) target(%arg8 : memref<32x128xi32, #tpu.memory_space<vmem>>) target_semaphore(%run_scoped3A_97 : memref<!tpu.dma_semaphore, #tpu.memory_space<semaphore_mem>>)
        %dma_wait3A = arith.constant 32 : i32
        %dma_wait3A_106 = arith.constant 0 : i32
        %dma_wait3A_107 = tpu.memref_slice %arg5[%arg1, %dma_wait3A, %dma_wait3A_106] : memref<16x64x128xi32, #tpu.memory_space<hbm>> -> memref<1x32x128xi32, #tpu.memory_space<hbm>>
        %dma_wait3A_108 = tpu.memref_squeeze %dma_wait3A_107 : memref<1x32x128xi32, #tpu.memory_space<hbm>> -> memref<32x128xi32, #tpu.memory_space<hbm>>
        %dma_wait3A_109 = arith.constant 32 : i32
        %dma_wait3A_110 = arith.constant 0 : i32
        %dma_wait3A_111 = tpu.memref_slice %arg5[%arg1, %dma_wait3A_109, %dma_wait3A_110] : memref<16x64x128xi32, #tpu.memory_space<hbm>> -> memref<1x32x128xi32, #tpu.memory_space<hbm>>
        %dma_wait3A_112 = tpu.memref_squeeze %dma_wait3A_111 : memref<1x32x128xi32, #tpu.memory_space<hbm>> -> memref<32x128xi32, #tpu.memory_space<hbm>>
        tpu.wait_dma2 semaphore(%run_scoped3A_97 : memref<!tpu.dma_semaphore, #tpu.memory_space<semaphore_mem>>) src(%dma_wait3A_112 : memref<32x128xi32, #tpu.memory_space<hbm>>) dst(%arg8 : memref<32x128xi32, #tpu.memory_space<vmem>>)
        tpu.yield
      }) : () -> ()
      "tpu.region"() ({
        %run_scoped3A_97 = tpu.sem_alloc : memref<!tpu.dma_semaphore, #tpu.memory_space<semaphore_mem>>
        %dma_start3A_98 = arith.constant 32 : i32
        %dma_start3A_99 = arith.constant 0 : i32
        %dma_start3A_100 = tpu.memref_slice %arg6[%arg1, %dma_start3A_98, %dma_start3A_99] : memref<16x64x128xi32, #tpu.memory_space<hbm>> -> memref<1x32x128xi32, #tpu.memory_space<hbm>>
        %dma_start3A_101 = tpu.memref_squeeze %dma_start3A_100 : memref<1x32x128xi32, #tpu.memory_space<hbm>> -> memref<32x128xi32, #tpu.memory_space<hbm>>
        %dma_start3A_102 = arith.constant 32 : i32
        %dma_start3A_103 = arith.constant 0 : i32
        %dma_start3A_104 = tpu.memref_slice %arg6[%arg1, %dma_start3A_102, %dma_start3A_103] : memref<16x64x128xi32, #tpu.memory_space<hbm>> -> memref<1x32x128xi32, #tpu.memory_space<hbm>>
        %dma_start3A_105 = tpu.memref_squeeze %dma_start3A_104 : memref<1x32x128xi32, #tpu.memory_space<hbm>> -> memref<32x128xi32, #tpu.memory_space<hbm>>
        tpu.enqueue_dma source(%dma_start3A_105 : memref<32x128xi32, #tpu.memory_space<hbm>>) target(%arg9 : memref<32x128xi32, #tpu.memory_space<vmem>>) target_semaphore(%run_scoped3A_97 : memref<!tpu.dma_semaphore, #tpu.memory_space<semaphore_mem>>)
        %dma_wait3A = arith.constant 32 : i32
        %dma_wait3A_106 = arith.constant 0 : i32
        %dma_wait3A_107 = tpu.memref_slice %arg6[%arg1, %dma_wait3A, %dma_wait3A_106] : memref<16x64x128xi32, #tpu.memory_space<hbm>> -> memref<1x32x128xi32, #tpu.memory_space<hbm>>
        %dma_wait3A_108 = tpu.memref_squeeze %dma_wait3A_107 : memref<1x32x128xi32, #tpu.memory_space<hbm>> -> memref<32x128xi32, #tpu.memory_space<hbm>>
        %dma_wait3A_109 = arith.constant 32 : i32
        %dma_wait3A_110 = arith.constant 0 : i32
        %dma_wait3A_111 = tpu.memref_slice %arg6[%arg1, %dma_wait3A_109, %dma_wait3A_110] : memref<16x64x128xi32, #tpu.memory_space<hbm>> -> memref<1x32x128xi32, #tpu.memory_space<hbm>>
        %dma_wait3A_112 = tpu.memref_squeeze %dma_wait3A_111 : memref<1x32x128xi32, #tpu.memory_space<hbm>> -> memref<32x128xi32, #tpu.memory_space<hbm>>
        tpu.wait_dma2 semaphore(%run_scoped3A_97 : memref<!tpu.dma_semaphore, #tpu.memory_space<semaphore_mem>>) src(%dma_wait3A_112 : memref<32x128xi32, #tpu.memory_space<hbm>>) dst(%arg9 : memref<32x128xi32, #tpu.memory_space<vmem>>)
        tpu.yield
      }) : () -> ()
      %dma_start3A_62 = arith.constant 0 : i32
      %dma_start3A_63 = arith.constant 0 : i32
      %dma_start3A_64 = arith.constant 0 : i32
      %dma_start3A_65 = arith.constant 0 : i32
      %dma_start3A_66 = arith.constant 0 : i32
      %dma_start3A_67 = tpu.memref_slice %arg10[%dma_start3A_63, %dma_start3A_65, %dma_start3A_66] : memref<2x128x128xf32, #tpu.memory_space<vmem>> -> memref<1x128x128xf32, #tpu.memory_space<vmem>>
      %dma_start3A_68 = tpu.memref_squeeze %dma_start3A_67 : memref<1x128x128xf32, #tpu.memory_space<vmem>> -> memref<128x128xf32, #tpu.memory_space<vmem>>
      %dma_start3A_69 = arith.constant 0 : i32
      %dma_start3A_70 = tpu.memref_slice %arg8[%dma_start3A_62, %dma_start3A_69] : memref<32x128xi32, #tpu.memory_space<vmem>> -> memref<1x128xi32, #tpu.memory_space<vmem>>
      %dma_start3A_71 = tpu.memref_squeeze %dma_start3A_70 : memref<1x128xi32, #tpu.memory_space<vmem>> -> memref<128xi32, #tpu.memory_space<vmem>>
      %dma_start3A_72 = arith.constant 0 : i32
      %dma_start3A_73 = arith.constant 0 : i32
      %dma_start3A_74 = tpu.memref_slice %arg2[%dma_start3A_72, %dma_start3A_73] : memref<10000x128xf32, #tpu.memory_space<hbm>> -> memref<10000x128xf32, #tpu.memory_space<hbm>>
      %dma_start3A_75 = tpu.memref_slice %arg12[%dma_start3A_64] : memref<2x!tpu.dma_semaphore, #tpu.memory_space<semaphore_mem>> -> memref<1x!tpu.dma_semaphore, #tpu.memory_space<semaphore_mem>>
      %dma_start3A_76 = tpu.memref_squeeze %dma_start3A_75 : memref<1x!tpu.dma_semaphore, #tpu.memory_space<semaphore_mem>> -> memref<!tpu.dma_semaphore, #tpu.memory_space<semaphore_mem>>
      tpu.enqueue_indirect_dma source(%dma_start3A_74 : memref<10000x128xf32, #tpu.memory_space<hbm>>) target(%dma_start3A_68 : memref<128x128xf32, #tpu.memory_space<vmem>>) offsets(%dma_start3A_71 : memref<128xi32, #tpu.memory_space<vmem>>) semaphore(%dma_start3A_76 : memref<!tpu.dma_semaphore, #tpu.memory_space<semaphore_mem>>)
      %dma_start3A_77 = arith.constant 1 : i32
      %dma_start3A_78 = arith.constant 1 : i32
      %dma_start3A_79 = arith.constant 1 : i32
      %dma_start3A_80 = arith.constant 0 : i32
      %dma_start3A_81 = arith.constant 0 : i32
      %dma_start3A_82 = tpu.memref_slice %arg10[%dma_start3A_78, %dma_start3A_80, %dma_start3A_81] : memref<2x128x128xf32, #tpu.memory_space<vmem>> -> memref<1x128x128xf32, #tpu.memory_space<vmem>>
      %dma_start3A_83 = tpu.memref_squeeze %dma_start3A_82 : memref<1x128x128xf32, #tpu.memory_space<vmem>> -> memref<128x128xf32, #tpu.memory_space<vmem>>
      %dma_start3A_84 = arith.constant 0 : i32
      %dma_start3A_85 = tpu.memref_slice %arg8[%dma_start3A_77, %dma_start3A_84] : memref<32x128xi32, #tpu.memory_space<vmem>> -> memref<1x128xi32, #tpu.memory_space<vmem>>
      %dma_start3A_86 = tpu.memref_squeeze %dma_start3A_85 : memref<1x128xi32, #tpu.memory_space<vmem>> -> memref<128xi32, #tpu.memory_space<vmem>>
      %dma_start3A_87 = arith.constant 0 : i32
      %dma_start3A_88 = arith.constant 0 : i32
      %dma_start3A_89 = tpu.memref_slice %arg2[%dma_start3A_87, %dma_start3A_88] : memref<10000x128xf32, #tpu.memory_space<hbm>> -> memref<10000x128xf32, #tpu.memory_space<hbm>>
      %dma_start3A_90 = tpu.memref_slice %arg12[%dma_start3A_79] : memref<2x!tpu.dma_semaphore, #tpu.memory_space<semaphore_mem>> -> memref<1x!tpu.dma_semaphore, #tpu.memory_space<semaphore_mem>>
      %dma_start3A_91 = tpu.memref_squeeze %dma_start3A_90 : memref<1x!tpu.dma_semaphore, #tpu.memory_space<semaphore_mem>> -> memref<!tpu.dma_semaphore, #tpu.memory_space<semaphore_mem>>
      tpu.enqueue_indirect_dma source(%dma_start3A_89 : memref<10000x128xf32, #tpu.memory_space<hbm>>) target(%dma_start3A_83 : memref<128x128xf32, #tpu.memory_space<vmem>>) offsets(%dma_start3A_86 : memref<128xi32, #tpu.memory_space<vmem>>) semaphore(%dma_start3A_91 : memref<!tpu.dma_semaphore, #tpu.memory_space<semaphore_mem>>)
      %scan3A_92 = arith.constant 0 : i32
      %scan3A_93 = arith.constant 32 : i32
      %scan3A_94 = arith.addi %scan3A_92, %scan3A_93 : i32
      %scan3A_95 = arith.constant 1 : i32
      scf.for %scan3A_97 = %scan3A_92 to %scan3A_94 step %scan3A_95  : i32 {
        %and3A = arith.constant 1 : i32
        %and3A_98 = arith.andi %scan3A_97, %and3A : i32
        %dma_wait3A = arith.constant 0 : i32
        %dma_wait3A_99 = arith.constant 0 : i32
        %dma_wait3A_100 = tpu.memref_slice %arg10[%and3A_98, %dma_wait3A, %dma_wait3A_99] : memref<2x128x128xf32, #tpu.memory_space<vmem>> -> memref<1x128x128xf32, #tpu.memory_space<vmem>>
        %dma_wait3A_101 = tpu.memref_squeeze %dma_wait3A_100 : memref<1x128x128xf32, #tpu.memory_space<vmem>> -> memref<128x128xf32, #tpu.memory_space<vmem>>
        %dma_wait3A_102 = arith.constant 0 : i32
        %dma_wait3A_103 = tpu.memref_slice %arg8[%scan3A_97, %dma_wait3A_102] : memref<32x128xi32, #tpu.memory_space<vmem>> -> memref<1x128xi32, #tpu.memory_space<vmem>>
        %dma_wait3A_104 = tpu.memref_squeeze %dma_wait3A_103 : memref<1x128xi32, #tpu.memory_space<vmem>> -> memref<128xi32, #tpu.memory_space<vmem>>
        %dma_wait3A_105 = arith.constant 0 : i32
        %dma_wait3A_106 = arith.constant 0 : i32
        %dma_wait3A_107 = tpu.memref_slice %arg2[%dma_wait3A_105, %dma_wait3A_106] : memref<10000x128xf32, #tpu.memory_space<hbm>> -> memref<10000x128xf32, #tpu.memory_space<hbm>>
        %dma_wait3A_108 = tpu.memref_slice %arg12[%and3A_98] : memref<2x!tpu.dma_semaphore, #tpu.memory_space<semaphore_mem>> -> memref<1x!tpu.dma_semaphore, #tpu.memory_space<semaphore_mem>>
        %dma_wait3A_109 = tpu.memref_squeeze %dma_wait3A_108 : memref<1x!tpu.dma_semaphore, #tpu.memory_space<semaphore_mem>> -> memref<!tpu.dma_semaphore, #tpu.memory_space<semaphore_mem>>
        tpu.wait_indirect_dma semaphore(%dma_wait3A_109 : memref<!tpu.dma_semaphore, #tpu.memory_space<semaphore_mem>>) src(%dma_wait3A_107 : memref<10000x128xf32, #tpu.memory_space<hbm>>) dst(%dma_wait3A_101 : memref<128x128xf32, #tpu.memory_space<vmem>>)
        "tpu.region"() ({
          %run_scoped3A_116 = tpu.sem_alloc : memref<!tpu.dma_semaphore, #tpu.memory_space<semaphore_mem>>
          %dma_start3A_117 = arith.constant 0 : i32
          %dma_start3A_118 = arith.constant 0 : i32
          %dma_start3A_119 = tpu.memref_slice %arg10[%and3A_98, %dma_start3A_117, %dma_start3A_118] : memref<2x128x128xf32, #tpu.memory_space<vmem>> -> memref<1x128x128xf32, #tpu.memory_space<vmem>>
          %dma_start3A_120 = tpu.memref_squeeze %dma_start3A_119 : memref<1x128x128xf32, #tpu.memory_space<vmem>> -> memref<128x128xf32, #tpu.memory_space<vmem>>
          %dma_start3A_121 = arith.constant 0 : i32
          %dma_start3A_122 = tpu.memref_slice %arg9[%scan3A_97, %dma_start3A_121] : memref<32x128xi32, #tpu.memory_space<vmem>> -> memref<1x128xi32, #tpu.memory_space<vmem>>
          %dma_start3A_123 = tpu.memref_squeeze %dma_start3A_122 : memref<1x128xi32, #tpu.memory_space<vmem>> -> memref<128xi32, #tpu.memory_space<vmem>>
          %dma_start3A_124 = arith.constant 0 : i32
          %dma_start3A_125 = arith.constant 0 : i32
          %dma_start3A_126 = tpu.memref_slice %arg11[%dma_start3A_124, %dma_start3A_125] : memref<10240x128xf32, #tpu.memory_space<vmem_shared>> -> memref<10240x128xf32, #tpu.memory_space<vmem_shared>>
          tpu.enqueue_indirect_dma source(%dma_start3A_120 : memref<128x128xf32, #tpu.memory_space<vmem>>) target(%dma_start3A_126 : memref<10240x128xf32, #tpu.memory_space<vmem_shared>>) offsets(%dma_start3A_123 : memref<128xi32, #tpu.memory_space<vmem>>) semaphore(%run_scoped3A_116 : memref<!tpu.dma_semaphore, #tpu.memory_space<semaphore_mem>>) {add = true}
          %dma_wait3A_127 = arith.constant 0 : i32
          %dma_wait3A_128 = arith.constant 0 : i32
          %dma_wait3A_129 = tpu.memref_slice %arg10[%and3A_98, %dma_wait3A_127, %dma_wait3A_128] : memref<2x128x128xf32, #tpu.memory_space<vmem>> -> memref<1x128x128xf32, #tpu.memory_space<vmem>>
          %dma_wait3A_130 = tpu.memref_squeeze %dma_wait3A_129 : memref<1x128x128xf32, #tpu.memory_space<vmem>> -> memref<128x128xf32, #tpu.memory_space<vmem>>
          %dma_wait3A_131 = arith.constant 0 : i32
          %dma_wait3A_132 = tpu.memref_slice %arg9[%scan3A_97, %dma_wait3A_131] : memref<32x128xi32, #tpu.memory_space<vmem>> -> memref<1x128xi32, #tpu.memory_space<vmem>>
          %dma_wait3A_133 = tpu.memref_squeeze %dma_wait3A_132 : memref<1x128xi32, #tpu.memory_space<vmem>> -> memref<128xi32, #tpu.memory_space<vmem>>
          %dma_wait3A_134 = arith.constant 0 : i32
          %dma_wait3A_135 = arith.constant 0 : i32
          %dma_wait3A_136 = tpu.memref_slice %arg11[%dma_wait3A_134, %dma_wait3A_135] : memref<10240x128xf32, #tpu.memory_space<vmem_shared>> -> memref<10240x128xf32, #tpu.memory_space<vmem_shared>>
          tpu.wait_indirect_dma semaphore(%run_scoped3A_116 : memref<!tpu.dma_semaphore, #tpu.memory_space<semaphore_mem>>) src(%dma_wait3A_130 : memref<128x128xf32, #tpu.memory_space<vmem>>) dst(%dma_wait3A_136 : memref<10240x128xf32, #tpu.memory_space<vmem_shared>>)
          tpu.yield
        }) : () -> ()
        %add3A_110 = arith.constant 2 : i32
        %add3A_111 = arith.addi %scan3A_97, %add3A_110 : i32
        %lt3A = arith.constant 32 : i32
        %lt3A_112 = arith.cmpi slt, %add3A_111, %lt3A : i32
        %convert_element_type3A_113 = arith.extui %lt3A_112 : i1 to i32
        %cond3A_114 = arith.constant 0 : i32
        %cond3A_115 = arith.cmpi ne, %convert_element_type3A_113, %cond3A_114 : i32
        scf.if %cond3A_115 {
          %dma_start3A_116 = arith.constant 0 : i32
          %dma_start3A_117 = arith.constant 0 : i32
          %dma_start3A_118 = tpu.memref_slice %arg10[%and3A_98, %dma_start3A_116, %dma_start3A_117] : memref<2x128x128xf32, #tpu.memory_space<vmem>> -> memref<1x128x128xf32, #tpu.memory_space<vmem>>
          %dma_start3A_119 = tpu.memref_squeeze %dma_start3A_118 : memref<1x128x128xf32, #tpu.memory_space<vmem>> -> memref<128x128xf32, #tpu.memory_space<vmem>>
          %dma_start3A_120 = arith.constant 0 : i32
          %dma_start3A_121 = tpu.memref_slice %arg8[%add3A_111, %dma_start3A_120] : memref<32x128xi32, #tpu.memory_space<vmem>> -> memref<1x128xi32, #tpu.memory_space<vmem>>
          %dma_start3A_122 = tpu.memref_squeeze %dma_start3A_121 : memref<1x128xi32, #tpu.memory_space<vmem>> -> memref<128xi32, #tpu.memory_space<vmem>>
          %dma_start3A_123 = arith.constant 0 : i32
          %dma_start3A_124 = arith.constant 0 : i32
          %dma_start3A_125 = tpu.memref_slice %arg2[%dma_start3A_123, %dma_start3A_124] : memref<10000x128xf32, #tpu.memory_space<hbm>> -> memref<10000x128xf32, #tpu.memory_space<hbm>>
          %dma_start3A_126 = tpu.memref_slice %arg12[%and3A_98] : memref<2x!tpu.dma_semaphore, #tpu.memory_space<semaphore_mem>> -> memref<1x!tpu.dma_semaphore, #tpu.memory_space<semaphore_mem>>
          %dma_start3A_127 = tpu.memref_squeeze %dma_start3A_126 : memref<1x!tpu.dma_semaphore, #tpu.memory_space<semaphore_mem>> -> memref<!tpu.dma_semaphore, #tpu.memory_space<semaphore_mem>>
          tpu.enqueue_indirect_dma source(%dma_start3A_125 : memref<10000x128xf32, #tpu.memory_space<hbm>>) target(%dma_start3A_119 : memref<128x128xf32, #tpu.memory_space<vmem>>) offsets(%dma_start3A_122 : memref<128xi32, #tpu.memory_space<vmem>>) semaphore(%dma_start3A_127 : memref<!tpu.dma_semaphore, #tpu.memory_space<semaphore_mem>>)
        } else {
        }
      }
      %scan3A_96 = arith.constant 32 : i32
    } else {
    }
    %barrier3A_27 = arith.constant 0 : index
    tpu.barrier barrier_id(%barrier3A_27)
    "tpu.region"() ({
      %run_scoped3A_28 = tpu.sem_alloc : memref<!tpu.dma_semaphore, #tpu.memory_space<semaphore_mem>>
      %dma_start3A = arith.constant 0 : i32
      %dma_start3A_29 = tpu.memref_slice %arg7[%arg0, %mul3A_0, %dma_start3A] : memref<2x10240x128xf32, #tpu.memory_space<hbm>> -> memref<1x640x128xf32, #tpu.memory_space<hbm>>
      %dma_start3A_30 = tpu.memref_squeeze %dma_start3A_29 : memref<1x640x128xf32, #tpu.memory_space<hbm>> -> memref<640x128xf32, #tpu.memory_space<hbm>>
      %dma_start3A_31 = arith.constant 0 : i32
      %dma_start3A_32 = tpu.memref_slice %arg11[%mul3A_0, %dma_start3A_31] : memref<10240x128xf32, #tpu.memory_space<vmem_shared>> -> memref<640x128xf32, #tpu.memory_space<vmem_shared>>
      tpu.enqueue_dma source(%dma_start3A_32 : memref<640x128xf32, #tpu.memory_space<vmem_shared>>) target(%dma_start3A_30 : memref<640x128xf32, #tpu.memory_space<hbm>>) target_semaphore(%run_scoped3A_28 : memref<!tpu.dma_semaphore, #tpu.memory_space<semaphore_mem>>)
      %dma_wait3A = arith.constant 0 : i32
      %dma_wait3A_33 = tpu.memref_slice %arg7[%arg0, %mul3A_0, %dma_wait3A] : memref<2x10240x128xf32, #tpu.memory_space<hbm>> -> memref<1x640x128xf32, #tpu.memory_space<hbm>>
      %dma_wait3A_34 = tpu.memref_squeeze %dma_wait3A_33 : memref<1x640x128xf32, #tpu.memory_space<hbm>> -> memref<640x128xf32, #tpu.memory_space<hbm>>
      %dma_wait3A_35 = arith.constant 0 : i32
      %dma_wait3A_36 = tpu.memref_slice %arg11[%mul3A_0, %dma_wait3A_35] : memref<10240x128xf32, #tpu.memory_space<vmem_shared>> -> memref<640x128xf32, #tpu.memory_space<vmem_shared>>
      tpu.wait_dma2 semaphore(%run_scoped3A_28 : memref<!tpu.dma_semaphore, #tpu.memory_space<semaphore_mem>>) src(%dma_wait3A_36 : memref<640x128xf32, #tpu.memory_space<vmem_shared>>) dst(%dma_wait3A_34 : memref<640x128xf32, #tpu.memory_space<hbm>>)
      tpu.yield
    }) : () -> ()
    return
  }
}

#map = affine_map<(d0, d1) -> (0, 0, 0)>
module attributes {stable_mosaic.version = 14 : i64} {
  func.func @_deg_kernel(%arg0: i32, %arg1: i32, %arg2: memref<32x80x128xi32, #tpu.memory_space<hbm>>, %arg3: memref<2x10240x128xf32, #tpu.memory_space<hbm>>, %arg4: memref<80x128xi32, #tpu.memory_space<vmem>>, %arg5: memref<128x128xf32, #tpu.memory_space<vmem>>, %arg6: memref<10240x128xf32, #tpu.memory_space<vmem_shared>>, %arg7: memref<4x!tpu.dma_semaphore, #tpu.memory_space<semaphore_mem>>) attributes {dimension_semantics = [#tpu.dimension_semantics<core_parallel>, #tpu.dimension_semantics<subcore_parallel>], iteration_bounds = array<i64: 2, 16>, scalar_prefetch = 0 : i64, scratch_operands = 4 : i64, tpu.core_type = #tpu.core_type<sc_vector_subcore>, window_params = [{transform_indices = #map}, {transform_indices = #map}]} {
    %mul3A = arith.constant 2 : i32
    %mul3A_0 = arith.muli %arg1, %mul3A : i32
    %add3A = arith.addi %mul3A_0, %arg0 : i32
    %mul3A_1 = arith.constant 640 : i32
    %mul3A_2 = arith.muli %arg1, %mul3A_1 : i32
    %broadcast_in_dim3A = arith.constant 0.000000e+00 : f32
    %broadcast_in_dim3A_3 = vector.broadcast %broadcast_in_dim3A : f32 to vector<16xf32>
    %scan3A = arith.constant 0 : i32
    %scan3A_4 = arith.constant 128 : i32
    %scan3A_5 = arith.addi %scan3A, %scan3A_4 : i32
    %scan3A_6 = arith.constant 1 : i32
    scf.for %scan3A_70 = %scan3A to %scan3A_5 step %scan3A_6  : i32 {
      %swap3A = arith.index_cast %scan3A_70 : i32 to index
      %swap3A_71 = arith.constant 0 : index
      %swap3A_72 = tpu.vector_load %arg5[%swap3A, %swap3A_71] {strides = array<i32>} : memref<128x128xf32, #tpu.memory_space<vmem>>, vector<1x16xf32>,
      %swap3A_73 = vector.shape_cast %swap3A_72 : vector<1x16xf32> to vector<16xf32>
      %swap3A_74 = vector.shape_cast %broadcast_in_dim3A_3 : vector<16xf32> to vector<1x16xf32>
      tpu.vector_store %arg5[%swap3A, %swap3A_71], %swap3A_74 {strides = array<i32>} : memref<128x128xf32, #tpu.memory_space<vmem>>, vector<1x16xf32>,
      %swap3A_75 = arith.index_cast %scan3A_70 : i32 to index
      %swap3A_76 = arith.constant 16 : index
      %swap3A_77 = tpu.vector_load %arg5[%swap3A_75, %swap3A_76] {strides = array<i32>} : memref<128x128xf32, #tpu.memory_space<vmem>>, vector<1x16xf32>,
      %swap3A_78 = vector.shape_cast %swap3A_77 : vector<1x16xf32> to vector<16xf32>
      %swap3A_79 = vector.shape_cast %broadcast_in_dim3A_3 : vector<16xf32> to vector<1x16xf32>
      tpu.vector_store %arg5[%swap3A_75, %swap3A_76], %swap3A_79 {strides = array<i32>} : memref<128x128xf32, #tpu.memory_space<vmem>>, vector<1x16xf32>,
      %swap3A_80 = arith.index_cast %scan3A_70 : i32 to index
      %swap3A_81 = arith.constant 32 : index
      %swap3A_82 = tpu.vector_load %arg5[%swap3A_80, %swap3A_81] {strides = array<i32>} : memref<128x128xf32, #tpu.memory_space<vmem>>, vector<1x16xf32>,
      %swap3A_83 = vector.shape_cast %swap3A_82 : vector<1x16xf32> to vector<16xf32>
      %swap3A_84 = vector.shape_cast %broadcast_in_dim3A_3 : vector<16xf32> to vector<1x16xf32>
      tpu.vector_store %arg5[%swap3A_80, %swap3A_81], %swap3A_84 {strides = array<i32>} : memref<128x128xf32, #tpu.memory_space<vmem>>, vector<1x16xf32>,
      %swap3A_85 = arith.index_cast %scan3A_70 : i32 to index
      %swap3A_86 = arith.constant 48 : index
      %swap3A_87 = tpu.vector_load %arg5[%swap3A_85, %swap3A_86] {strides = array<i32>} : memref<128x128xf32, #tpu.memory_space<vmem>>, vector<1x16xf32>,
      %swap3A_88 = vector.shape_cast %swap3A_87 : vector<1x16xf32> to vector<16xf32>
      %swap3A_89 = vector.shape_cast %broadcast_in_dim3A_3 : vector<16xf32> to vector<1x16xf32>
      tpu.vector_store %arg5[%swap3A_85, %swap3A_86], %swap3A_89 {strides = array<i32>} : memref<128x128xf32, #tpu.memory_space<vmem>>, vector<1x16xf32>,
      %swap3A_90 = arith.index_cast %scan3A_70 : i32 to index
      %swap3A_91 = arith.constant 64 : index
      %swap3A_92 = tpu.vector_load %arg5[%swap3A_90, %swap3A_91] {strides = array<i32>} : memref<128x128xf32, #tpu.memory_space<vmem>>, vector<1x16xf32>,
      %swap3A_93 = vector.shape_cast %swap3A_92 : vector<1x16xf32> to vector<16xf32>
      %swap3A_94 = vector.shape_cast %broadcast_in_dim3A_3 : vector<16xf32> to vector<1x16xf32>
      tpu.vector_store %arg5[%swap3A_90, %swap3A_91], %swap3A_94 {strides = array<i32>} : memref<128x128xf32, #tpu.memory_space<vmem>>, vector<1x16xf32>,
      %swap3A_95 = arith.index_cast %scan3A_70 : i32 to index
      %swap3A_96 = arith.constant 80 : index
      %swap3A_97 = tpu.vector_load %arg5[%swap3A_95, %swap3A_96] {strides = array<i32>} : memref<128x128xf32, #tpu.memory_space<vmem>>, vector<1x16xf32>,
      %swap3A_98 = vector.shape_cast %swap3A_97 : vector<1x16xf32> to vector<16xf32>
      %swap3A_99 = vector.shape_cast %broadcast_in_dim3A_3 : vector<16xf32> to vector<1x16xf32>
      tpu.vector_store %arg5[%swap3A_95, %swap3A_96], %swap3A_99 {strides = array<i32>} : memref<128x128xf32, #tpu.memory_space<vmem>>, vector<1x16xf32>,
      %swap3A_100 = arith.index_cast %scan3A_70 : i32 to index
      %swap3A_101 = arith.constant 96 : index
      %swap3A_102 = tpu.vector_load %arg5[%swap3A_100, %swap3A_101] {strides = array<i32>} : memref<128x128xf32, #tpu.memory_space<vmem>>, vector<1x16xf32>,
      %swap3A_103 = vector.shape_cast %swap3A_102 : vector<1x16xf32> to vector<16xf32>
      %swap3A_104 = vector.shape_cast %broadcast_in_dim3A_3 : vector<16xf32> to vector<1x16xf32>
      tpu.vector_store %arg5[%swap3A_100, %swap3A_101], %swap3A_104 {strides = array<i32>} : memref<128x128xf32, #tpu.memory_space<vmem>>, vector<1x16xf32>,
      %swap3A_105 = arith.index_cast %scan3A_70 : i32 to index
      %swap3A_106 = arith.constant 112 : index
      %swap3A_107 = tpu.vector_load %arg5[%swap3A_105, %swap3A_106] {strides = array<i32>} : memref<128x128xf32, #tpu.memory_space<vmem>>, vector<1x16xf32>,
      %swap3A_108 = vector.shape_cast %swap3A_107 : vector<1x16xf32> to vector<16xf32>
      %swap3A_109 = vector.shape_cast %broadcast_in_dim3A_3 : vector<16xf32> to vector<1x16xf32>
      tpu.vector_store %arg5[%swap3A_105, %swap3A_106], %swap3A_109 {strides = array<i32>} : memref<128x128xf32, #tpu.memory_space<vmem>>, vector<1x16xf32>,
    }
    %scan3A_7 = arith.constant 128 : i32
    %add3A_8 = arith.constant 0 : i32
    %add3A_9 = arith.addi %mul3A_2, %add3A_8 : i32
    "tpu.region"() ({
      %run_scoped3A = tpu.sem_alloc : memref<!tpu.dma_semaphore, #tpu.memory_space<semaphore_mem>>
      %dma_start3A = arith.constant 0 : i32
      %dma_start3A_70 = tpu.memref_slice %arg6[%add3A_9, %dma_start3A] : memref<10240x128xf32, #tpu.memory_space<vmem_shared>> -> memref<128x128xf32, #tpu.memory_space<vmem_shared>>
      %dma_start3A_71 = arith.constant 0 : i32
      %dma_start3A_72 = tpu.memref_slice %arg6[%add3A_9, %dma_start3A_71] : memref<10240x128xf32, #tpu.memory_space<vmem_shared>> -> memref<128x128xf32, #tpu.memory_space<vmem_shared>>
      tpu.enqueue_dma source(%arg5 : memref<128x128xf32, #tpu.memory_space<vmem>>) target(%dma_start3A_72 : memref<128x128xf32, #tpu.memory_space<vmem_shared>>) target_semaphore(%run_scoped3A : memref<!tpu.dma_semaphore, #tpu.memory_space<semaphore_mem>>)
      %dma_wait3A_73 = arith.constant 0 : i32
      %dma_wait3A_74 = tpu.memref_slice %arg6[%add3A_9, %dma_wait3A_73] : memref<10240x128xf32, #tpu.memory_space<vmem_shared>> -> memref<128x128xf32, #tpu.memory_space<vmem_shared>>
      %dma_wait3A_75 = arith.constant 0 : i32
      %dma_wait3A_76 = tpu.memref_slice %arg6[%add3A_9, %dma_wait3A_75] : memref<10240x128xf32, #tpu.memory_space<vmem_shared>> -> memref<128x128xf32, #tpu.memory_space<vmem_shared>>
      tpu.wait_dma2 semaphore(%run_scoped3A : memref<!tpu.dma_semaphore, #tpu.memory_space<semaphore_mem>>) src(%arg5 : memref<128x128xf32, #tpu.memory_space<vmem>>) dst(%dma_wait3A_76 : memref<128x128xf32, #tpu.memory_space<vmem_shared>>)
      tpu.yield
    }) : () -> ()
    %add3A_10 = arith.constant 128 : i32
    %add3A_11 = arith.addi %mul3A_2, %add3A_10 : i32
    "tpu.region"() ({
      %run_scoped3A = tpu.sem_alloc : memref<!tpu.dma_semaphore, #tpu.memory_space<semaphore_mem>>
      %dma_start3A = arith.constant 0 : i32
      %dma_start3A_70 = tpu.memref_slice %arg6[%add3A_11, %dma_start3A] : memref<10240x128xf32, #tpu.memory_space<vmem_shared>> -> memref<128x128xf32, #tpu.memory_space<vmem_shared>>
      %dma_start3A_71 = arith.constant 0 : i32
      %dma_start3A_72 = tpu.memref_slice %arg6[%add3A_11, %dma_start3A_71] : memref<10240x128xf32, #tpu.memory_space<vmem_shared>> -> memref<128x128xf32, #tpu.memory_space<vmem_shared>>
      tpu.enqueue_dma source(%arg5 : memref<128x128xf32, #tpu.memory_space<vmem>>) target(%dma_start3A_72 : memref<128x128xf32, #tpu.memory_space<vmem_shared>>) target_semaphore(%run_scoped3A : memref<!tpu.dma_semaphore, #tpu.memory_space<semaphore_mem>>)
      %dma_wait3A_73 = arith.constant 0 : i32
      %dma_wait3A_74 = tpu.memref_slice %arg6[%add3A_11, %dma_wait3A_73] : memref<10240x128xf32, #tpu.memory_space<vmem_shared>> -> memref<128x128xf32, #tpu.memory_space<vmem_shared>>
      %dma_wait3A_75 = arith.constant 0 : i32
      %dma_wait3A_76 = tpu.memref_slice %arg6[%add3A_11, %dma_wait3A_75] : memref<10240x128xf32, #tpu.memory_space<vmem_shared>> -> memref<128x128xf32, #tpu.memory_space<vmem_shared>>
      tpu.wait_dma2 semaphore(%run_scoped3A : memref<!tpu.dma_semaphore, #tpu.memory_space<semaphore_mem>>) src(%arg5 : memref<128x128xf32, #tpu.memory_space<vmem>>) dst(%dma_wait3A_76 : memref<128x128xf32, #tpu.memory_space<vmem_shared>>)
      tpu.yield
    }) : () -> ()
    %add3A_12 = arith.constant 256 : i32
    %add3A_13 = arith.addi %mul3A_2, %add3A_12 : i32
    "tpu.region"() ({
      %run_scoped3A = tpu.sem_alloc : memref<!tpu.dma_semaphore, #tpu.memory_space<semaphore_mem>>
      %dma_start3A = arith.constant 0 : i32
      %dma_start3A_70 = tpu.memref_slice %arg6[%add3A_13, %dma_start3A] : memref<10240x128xf32, #tpu.memory_space<vmem_shared>> -> memref<128x128xf32, #tpu.memory_space<vmem_shared>>
      %dma_start3A_71 = arith.constant 0 : i32
      %dma_start3A_72 = tpu.memref_slice %arg6[%add3A_13, %dma_start3A_71] : memref<10240x128xf32, #tpu.memory_space<vmem_shared>> -> memref<128x128xf32, #tpu.memory_space<vmem_shared>>
      tpu.enqueue_dma source(%arg5 : memref<128x128xf32, #tpu.memory_space<vmem>>) target(%dma_start3A_72 : memref<128x128xf32, #tpu.memory_space<vmem_shared>>) target_semaphore(%run_scoped3A : memref<!tpu.dma_semaphore, #tpu.memory_space<semaphore_mem>>)
      %dma_wait3A_73 = arith.constant 0 : i32
      %dma_wait3A_74 = tpu.memref_slice %arg6[%add3A_13, %dma_wait3A_73] : memref<10240x128xf32, #tpu.memory_space<vmem_shared>> -> memref<128x128xf32, #tpu.memory_space<vmem_shared>>
      %dma_wait3A_75 = arith.constant 0 : i32
      %dma_wait3A_76 = tpu.memref_slice %arg6[%add3A_13, %dma_wait3A_75] : memref<10240x128xf32, #tpu.memory_space<vmem_shared>> -> memref<128x128xf32, #tpu.memory_space<vmem_shared>>
      tpu.wait_dma2 semaphore(%run_scoped3A : memref<!tpu.dma_semaphore, #tpu.memory_space<semaphore_mem>>) src(%arg5 : memref<128x128xf32, #tpu.memory_space<vmem>>) dst(%dma_wait3A_76 : memref<128x128xf32, #tpu.memory_space<vmem_shared>>)
      tpu.yield
    }) : () -> ()
    %add3A_14 = arith.constant 384 : i32
    %add3A_15 = arith.addi %mul3A_2, %add3A_14 : i32
    "tpu.region"() ({
      %run_scoped3A = tpu.sem_alloc : memref<!tpu.dma_semaphore, #tpu.memory_space<semaphore_mem>>
      %dma_start3A = arith.constant 0 : i32
      %dma_start3A_70 = tpu.memref_slice %arg6[%add3A_15, %dma_start3A] : memref<10240x128xf32, #tpu.memory_space<vmem_shared>> -> memref<128x128xf32, #tpu.memory_space<vmem_shared>>
      %dma_start3A_71 = arith.constant 0 : i32
      %dma_start3A_72 = tpu.memref_slice %arg6[%add3A_15, %dma_start3A_71] : memref<10240x128xf32, #tpu.memory_space<vmem_shared>> -> memref<128x128xf32, #tpu.memory_space<vmem_shared>>
      tpu.enqueue_dma source(%arg5 : memref<128x128xf32, #tpu.memory_space<vmem>>) target(%dma_start3A_72 : memref<128x128xf32, #tpu.memory_space<vmem_shared>>) target_semaphore(%run_scoped3A : memref<!tpu.dma_semaphore, #tpu.memory_space<semaphore_mem>>)
      %dma_wait3A_73 = arith.constant 0 : i32
      %dma_wait3A_74 = tpu.memref_slice %arg6[%add3A_15, %dma_wait3A_73] : memref<10240x128xf32, #tpu.memory_space<vmem_shared>> -> memref<128x128xf32, #tpu.memory_space<vmem_shared>>
      %dma_wait3A_75 = arith.constant 0 : i32
      %dma_wait3A_76 = tpu.memref_slice %arg6[%add3A_15, %dma_wait3A_75] : memref<10240x128xf32, #tpu.memory_space<vmem_shared>> -> memref<128x128xf32, #tpu.memory_space<vmem_shared>>
      tpu.wait_dma2 semaphore(%run_scoped3A : memref<!tpu.dma_semaphore, #tpu.memory_space<semaphore_mem>>) src(%arg5 : memref<128x128xf32, #tpu.memory_space<vmem>>) dst(%dma_wait3A_76 : memref<128x128xf32, #tpu.memory_space<vmem_shared>>)
      tpu.yield
    }) : () -> ()
    %add3A_16 = arith.constant 512 : i32
    %add3A_17 = arith.addi %mul3A_2, %add3A_16 : i32
    "tpu.region"() ({
      %run_scoped3A = tpu.sem_alloc : memref<!tpu.dma_semaphore, #tpu.memory_space<semaphore_mem>>
      %dma_start3A = arith.constant 0 : i32
      %dma_start3A_70 = tpu.memref_slice %arg6[%add3A_17, %dma_start3A] : memref<10240x128xf32, #tpu.memory_space<vmem_shared>> -> memref<128x128xf32, #tpu.memory_space<vmem_shared>>
      %dma_start3A_71 = arith.constant 0 : i32
      %dma_start3A_72 = tpu.memref_slice %arg6[%add3A_17, %dma_start3A_71] : memref<10240x128xf32, #tpu.memory_space<vmem_shared>> -> memref<128x128xf32, #tpu.memory_space<vmem_shared>>
      tpu.enqueue_dma source(%arg5 : memref<128x128xf32, #tpu.memory_space<vmem>>) target(%dma_start3A_72 : memref<128x128xf32, #tpu.memory_space<vmem_shared>>) target_semaphore(%run_scoped3A : memref<!tpu.dma_semaphore, #tpu.memory_space<semaphore_mem>>)
      %dma_wait3A_73 = arith.constant 0 : i32
      %dma_wait3A_74 = tpu.memref_slice %arg6[%add3A_17, %dma_wait3A_73] : memref<10240x128xf32, #tpu.memory_space<vmem_shared>> -> memref<128x128xf32, #tpu.memory_space<vmem_shared>>
      %dma_wait3A_75 = arith.constant 0 : i32
      %dma_wait3A_76 = tpu.memref_slice %arg6[%add3A_17, %dma_wait3A_75] : memref<10240x128xf32, #tpu.memory_space<vmem_shared>> -> memref<128x128xf32, #tpu.memory_space<vmem_shared>>
      tpu.wait_dma2 semaphore(%run_scoped3A : memref<!tpu.dma_semaphore, #tpu.memory_space<semaphore_mem>>) src(%arg5 : memref<128x128xf32, #tpu.memory_space<vmem>>) dst(%dma_wait3A_76 : memref<128x128xf32, #tpu.memory_space<vmem_shared>>)
      tpu.yield
    }) : () -> ()
    %broadcast_in_dim3A_18 = arith.constant 1.000000e+00 : f32
    %broadcast_in_dim3A_19 = vector.broadcast %broadcast_in_dim3A_18 : f32 to vector<16xf32>
    %scan3A_20 = arith.constant 0 : i32
    %scan3A_21 = arith.constant 128 : i32
    %scan3A_22 = arith.addi %scan3A_20, %scan3A_21 : i32
    %scan3A_23 = arith.constant 1 : i32
    scf.for %scan3A_70 = %scan3A_20 to %scan3A_22 step %scan3A_23  : i32 {
      %swap3A = arith.index_cast %scan3A_70 : i32 to index
      %swap3A_71 = arith.constant 0 : index
      %swap3A_72 = tpu.vector_load %arg5[%swap3A, %swap3A_71] {strides = array<i32>} : memref<128x128xf32, #tpu.memory_space<vmem>>, vector<1x16xf32>,
      %swap3A_73 = vector.shape_cast %swap3A_72 : vector<1x16xf32> to vector<16xf32>
      %swap3A_74 = vector.shape_cast %broadcast_in_dim3A_19 : vector<16xf32> to vector<1x16xf32>
      tpu.vector_store %arg5[%swap3A, %swap3A_71], %swap3A_74 {strides = array<i32>} : memref<128x128xf32, #tpu.memory_space<vmem>>, vector<1x16xf32>,
      %swap3A_75 = arith.index_cast %scan3A_70 : i32 to index
      %swap3A_76 = arith.constant 16 : index
      %swap3A_77 = tpu.vector_load %arg5[%swap3A_75, %swap3A_76] {strides = array<i32>} : memref<128x128xf32, #tpu.memory_space<vmem>>, vector<1x16xf32>,
      %swap3A_78 = vector.shape_cast %swap3A_77 : vector<1x16xf32> to vector<16xf32>
      %swap3A_79 = vector.shape_cast %broadcast_in_dim3A_19 : vector<16xf32> to vector<1x16xf32>
      tpu.vector_store %arg5[%swap3A_75, %swap3A_76], %swap3A_79 {strides = array<i32>} : memref<128x128xf32, #tpu.memory_space<vmem>>, vector<1x16xf32>,
      %swap3A_80 = arith.index_cast %scan3A_70 : i32 to index
      %swap3A_81 = arith.constant 32 : index
      %swap3A_82 = tpu.vector_load %arg5[%swap3A_80, %swap3A_81] {strides = array<i32>} : memref<128x128xf32, #tpu.memory_space<vmem>>, vector<1x16xf32>,
      %swap3A_83 = vector.shape_cast %swap3A_82 : vector<1x16xf32> to vector<16xf32>
      %swap3A_84 = vector.shape_cast %broadcast_in_dim3A_19 : vector<16xf32> to vector<1x16xf32>
      tpu.vector_store %arg5[%swap3A_80, %swap3A_81], %swap3A_84 {strides = array<i32>} : memref<128x128xf32, #tpu.memory_space<vmem>>, vector<1x16xf32>,
      %swap3A_85 = arith.index_cast %scan3A_70 : i32 to index
      %swap3A_86 = arith.constant 48 : index
      %swap3A_87 = tpu.vector_load %arg5[%swap3A_85, %swap3A_86] {strides = array<i32>} : memref<128x128xf32, #tpu.memory_space<vmem>>, vector<1x16xf32>,
      %swap3A_88 = vector.shape_cast %swap3A_87 : vector<1x16xf32> to vector<16xf32>
      %swap3A_89 = vector.shape_cast %broadcast_in_dim3A_19 : vector<16xf32> to vector<1x16xf32>
      tpu.vector_store %arg5[%swap3A_85, %swap3A_86], %swap3A_89 {strides = array<i32>} : memref<128x128xf32, #tpu.memory_space<vmem>>, vector<1x16xf32>,
      %swap3A_90 = arith.index_cast %scan3A_70 : i32 to index
      %swap3A_91 = arith.constant 64 : index
      %swap3A_92 = tpu.vector_load %arg5[%swap3A_90, %swap3A_91] {strides = array<i32>} : memref<128x128xf32, #tpu.memory_space<vmem>>, vector<1x16xf32>,
      %swap3A_93 = vector.shape_cast %swap3A_92 : vector<1x16xf32> to vector<16xf32>
      %swap3A_94 = vector.shape_cast %broadcast_in_dim3A_19 : vector<16xf32> to vector<1x16xf32>
      tpu.vector_store %arg5[%swap3A_90, %swap3A_91], %swap3A_94 {strides = array<i32>} : memref<128x128xf32, #tpu.memory_space<vmem>>, vector<1x16xf32>,
      %swap3A_95 = arith.index_cast %scan3A_70 : i32 to index
      %swap3A_96 = arith.constant 80 : index
      %swap3A_97 = tpu.vector_load %arg5[%swap3A_95, %swap3A_96] {strides = array<i32>} : memref<128x128xf32, #tpu.memory_space<vmem>>, vector<1x16xf32>,
      %swap3A_98 = vector.shape_cast %swap3A_97 : vector<1x16xf32> to vector<16xf32>
      %swap3A_99 = vector.shape_cast %broadcast_in_dim3A_19 : vector<16xf32> to vector<1x16xf32>
      tpu.vector_store %arg5[%swap3A_95, %swap3A_96], %swap3A_99 {strides = array<i32>} : memref<128x128xf32, #tpu.memory_space<vmem>>, vector<1x16xf32>,
      %swap3A_100 = arith.index_cast %scan3A_70 : i32 to index
      %swap3A_101 = arith.constant 96 : index
      %swap3A_102 = tpu.vector_load %arg5[%swap3A_100, %swap3A_101] {strides = array<i32>} : memref<128x128xf32, #tpu.memory_space<vmem>>, vector<1x16xf32>,
      %swap3A_103 = vector.shape_cast %swap3A_102 : vector<1x16xf32> to vector<16xf32>
      %swap3A_104 = vector.shape_cast %broadcast_in_dim3A_19 : vector<16xf32> to vector<1x16xf32>
      tpu.vector_store %arg5[%swap3A_100, %swap3A_101], %swap3A_104 {strides = array<i32>} : memref<128x128xf32, #tpu.memory_space<vmem>>, vector<1x16xf32>,
      %swap3A_105 = arith.index_cast %scan3A_70 : i32 to index
      %swap3A_106 = arith.constant 112 : index
      %swap3A_107 = tpu.vector_load %arg5[%swap3A_105, %swap3A_106] {strides = array<i32>} : memref<128x128xf32, #tpu.memory_space<vmem>>, vector<1x16xf32>,
      %swap3A_108 = vector.shape_cast %swap3A_107 : vector<1x16xf32> to vector<16xf32>
      %swap3A_109 = vector.shape_cast %broadcast_in_dim3A_19 : vector<16xf32> to vector<1x16xf32>
      tpu.vector_store %arg5[%swap3A_105, %swap3A_106], %swap3A_109 {strides = array<i32>} : memref<128x128xf32, #tpu.memory_space<vmem>>, vector<1x16xf32>,
    }
    %scan3A_24 = arith.constant 128 : i32
    %barrier3A = arith.constant 0 : index
    tpu.barrier barrier_id(%barrier3A)
    "tpu.region"() ({
      %run_scoped3A = tpu.sem_alloc : memref<!tpu.dma_semaphore, #tpu.memory_space<semaphore_mem>>
      %dma_start3A = arith.constant 0 : i32
      %dma_start3A_70 = arith.constant 0 : i32
      %dma_start3A_71 = tpu.memref_slice %arg2[%add3A, %dma_start3A, %dma_start3A_70] : memref<32x80x128xi32, #tpu.memory_space<hbm>> -> memref<1x80x128xi32, #tpu.memory_space<hbm>>
      %dma_start3A_72 = tpu.memref_squeeze %dma_start3A_71 : memref<1x80x128xi32, #tpu.memory_space<hbm>> -> memref<80x128xi32, #tpu.memory_space<hbm>>
      %dma_start3A_73 = arith.constant 0 : i32
      %dma_start3A_74 = arith.constant 0 : i32
      %dma_start3A_75 = tpu.memref_slice %arg2[%add3A, %dma_start3A_73, %dma_start3A_74] : memref<32x80x128xi32, #tpu.memory_space<hbm>> -> memref<1x80x128xi32, #tpu.memory_space<hbm>>
      %dma_start3A_76 = tpu.memref_squeeze %dma_start3A_75 : memref<1x80x128xi32, #tpu.memory_space<hbm>> -> memref<80x128xi32, #tpu.memory_space<hbm>>
      tpu.enqueue_dma source(%dma_start3A_76 : memref<80x128xi32, #tpu.memory_space<hbm>>) target(%arg4 : memref<80x128xi32, #tpu.memory_space<vmem>>) target_semaphore(%run_scoped3A : memref<!tpu.dma_semaphore, #tpu.memory_space<semaphore_mem>>)
      %dma_wait3A_77 = arith.constant 0 : i32
      %dma_wait3A_78 = arith.constant 0 : i32
      %dma_wait3A_79 = tpu.memref_slice %arg2[%add3A, %dma_wait3A_77, %dma_wait3A_78] : memref<32x80x128xi32, #tpu.memory_space<hbm>> -> memref<1x80x128xi32, #tpu.memory_space<hbm>>
      %dma_wait3A_80 = tpu.memref_squeeze %dma_wait3A_79 : memref<1x80x128xi32, #tpu.memory_space<hbm>> -> memref<80x128xi32, #tpu.memory_space<hbm>>
      %dma_wait3A_81 = arith.constant 0 : i32
      %dma_wait3A_82 = arith.constant 0 : i32
      %dma_wait3A_83 = tpu.memref_slice %arg2[%add3A, %dma_wait3A_81, %dma_wait3A_82] : memref<32x80x128xi32, #tpu.memory_space<hbm>> -> memref<1x80x128xi32, #tpu.memory_space<hbm>>
      %dma_wait3A_84 = tpu.memref_squeeze %dma_wait3A_83 : memref<1x80x128xi32, #tpu.memory_space<hbm>> -> memref<80x128xi32, #tpu.memory_space<hbm>>
      tpu.wait_dma2 semaphore(%run_scoped3A : memref<!tpu.dma_semaphore, #tpu.memory_space<semaphore_mem>>) src(%dma_wait3A_84 : memref<80x128xi32, #tpu.memory_space<hbm>>) dst(%arg4 : memref<80x128xi32, #tpu.memory_space<vmem>>)
      tpu.yield
    }) : () -> ()
    %scan3A_25 = arith.constant 0 : i32
    %scan3A_26 = arith.constant 80 : i32
    %scan3A_27 = arith.addi %scan3A_25, %scan3A_26 : i32
    %scan3A_28 = arith.constant 1 : i32
    scf.for %scan3A_70 = %scan3A_25 to %scan3A_27 step %scan3A_28  : i32 {
      %and3A = arith.constant 3 : i32
      %and3A_71 = arith.andi %scan3A_70, %and3A : i32
      %ge3A = arith.constant 4 : i32
      %ge3A_72 = arith.cmpi sge, %scan3A_70, %ge3A : i32
      %convert_element_type3A = arith.extui %ge3A_72 : i1 to i32
      %cond3A = arith.constant 0 : i32
      %cond3A_73 = arith.cmpi ne, %convert_element_type3A, %cond3A : i32
      scf.if %cond3A_73 {
        %sub3A = arith.constant 4 : i32
        %sub3A_81 = arith.subi %scan3A_70, %sub3A : i32
        %dma_wait3A_82 = arith.constant 0 : i32
        %dma_wait3A_83 = tpu.memref_slice %arg4[%sub3A_81, %dma_wait3A_82] : memref<80x128xi32, #tpu.memory_space<vmem>> -> memref<1x128xi32, #tpu.memory_space<vmem>>
        %dma_wait3A_84 = tpu.memref_squeeze %dma_wait3A_83 : memref<1x128xi32, #tpu.memory_space<vmem>> -> memref<128xi32, #tpu.memory_space<vmem>>
        %dma_wait3A_85 = arith.constant 0 : i32
        %dma_wait3A_86 = arith.constant 0 : i32
        %dma_wait3A_87 = tpu.memref_slice %arg6[%dma_wait3A_85, %dma_wait3A_86] : memref<10240x128xf32, #tpu.memory_space<vmem_shared>> -> memref<10240x128xf32, #tpu.memory_space<vmem_shared>>
        %dma_wait3A_88 = tpu.memref_slice %arg7[%and3A_71] : memref<4x!tpu.dma_semaphore, #tpu.memory_space<semaphore_mem>> -> memref<1x!tpu.dma_semaphore, #tpu.memory_space<semaphore_mem>>
        %dma_wait3A_89 = tpu.memref_squeeze %dma_wait3A_88 : memref<1x!tpu.dma_semaphore, #tpu.memory_space<semaphore_mem>> -> memref<!tpu.dma_semaphore, #tpu.memory_space<semaphore_mem>>
        tpu.wait_indirect_dma semaphore(%dma_wait3A_89 : memref<!tpu.dma_semaphore, #tpu.memory_space<semaphore_mem>>) src(%arg5 : memref<128x128xf32, #tpu.memory_space<vmem>>) dst(%dma_wait3A_87 : memref<10240x128xf32, #tpu.memory_space<vmem_shared>>)
      } else {
      }
      %dma_start3A = arith.constant 0 : i32
      %dma_start3A_74 = tpu.memref_slice %arg4[%scan3A_70, %dma_start3A] : memref<80x128xi32, #tpu.memory_space<vmem>> -> memref<1x128xi32, #tpu.memory_space<vmem>>
      %dma_start3A_75 = tpu.memref_squeeze %dma_start3A_74 : memref<1x128xi32, #tpu.memory_space<vmem>> -> memref<128xi32, #tpu.memory_space<vmem>>
      %dma_start3A_76 = arith.constant 0 : i32
      %dma_start3A_77 = arith.constant 0 : i32
      %dma_start3A_78 = tpu.memref_slice %arg6[%dma_start3A_76, %dma_start3A_77] : memref<10240x128xf32, #tpu.memory_space<vmem_shared>> -> memref<10240x128xf32, #tpu.memory_space<vmem_shared>>
      %dma_start3A_79 = tpu.memref_slice %arg7[%and3A_71] : memref<4x!tpu.dma_semaphore, #tpu.memory_space<semaphore_mem>> -> memref<1x!tpu.dma_semaphore, #tpu.memory_space<semaphore_mem>>
      %dma_start3A_80 = tpu.memref_squeeze %dma_start3A_79 : memref<1x!tpu.dma_semaphore, #tpu.memory_space<semaphore_mem>> -> memref<!tpu.dma_semaphore, #tpu.memory_space<semaphore_mem>>
      tpu.enqueue_indirect_dma source(%arg5 : memref<128x128xf32, #tpu.memory_space<vmem>>) target(%dma_start3A_78 : memref<10240x128xf32, #tpu.memory_space<vmem_shared>>) offsets(%dma_start3A_75 : memref<128xi32, #tpu.memory_space<vmem>>) semaphore(%dma_start3A_80 : memref<!tpu.dma_semaphore, #tpu.memory_space<semaphore_mem>>) {add = true}
    }
    %scan3A_29 = arith.constant 80 : i32
    %dma_wait3A = arith.constant 76 : i32
    %dma_wait3A_30 = arith.constant 0 : i32
    %dma_wait3A_31 = arith.constant 0 : i32
    %dma_wait3A_32 = tpu.memref_slice %arg4[%dma_wait3A, %dma_wait3A_31] : memref<80x128xi32, #tpu.memory_space<vmem>> -> memref<1x128xi32, #tpu.memory_space<vmem>>
    %dma_wait3A_33 = tpu.memref_squeeze %dma_wait3A_32 : memref<1x128xi32, #tpu.memory_space<vmem>> -> memref<128xi32, #tpu.memory_space<vmem>>
    %dma_wait3A_34 = arith.constant 0 : i32
    %dma_wait3A_35 = arith.constant 0 : i32
    %dma_wait3A_36 = tpu.memref_slice %arg6[%dma_wait3A_34, %dma_wait3A_35] : memref<10240x128xf32, #tpu.memory_space<vmem_shared>> -> memref<10240x128xf32, #tpu.memory_space<vmem_shared>>
    %dma_wait3A_37 = tpu.memref_slice %arg7[%dma_wait3A_30] : memref<4x!tpu.dma_semaphore, #tpu.memory_space<semaphore_mem>> -> memref<1x!tpu.dma_semaphore, #tpu.memory_space<semaphore_mem>>
    %dma_wait3A_38 = tpu.memref_squeeze %dma_wait3A_37 : memref<1x!tpu.dma_semaphore, #tpu.memory_space<semaphore_mem>> -> memref<!tpu.dma_semaphore, #tpu.memory_space<semaphore_mem>>
    tpu.wait_indirect_dma semaphore(%dma_wait3A_38 : memref<!tpu.dma_semaphore, #tpu.memory_space<semaphore_mem>>) src(%arg5 : memref<128x128xf32, #tpu.memory_space<vmem>>) dst(%dma_wait3A_36 : memref<10240x128xf32, #tpu.memory_space<vmem_shared>>)
    %dma_wait3A_39 = arith.constant 77 : i32
    %dma_wait3A_40 = arith.constant 1 : i32
    %dma_wait3A_41 = arith.constant 0 : i32
    %dma_wait3A_42 = tpu.memref_slice %arg4[%dma_wait3A_39, %dma_wait3A_41] : memref<80x128xi32, #tpu.memory_space<vmem>> -> memref<1x128xi32, #tpu.memory_space<vmem>>
    %dma_wait3A_43 = tpu.memref_squeeze %dma_wait3A_42 : memref<1x128xi32, #tpu.memory_space<vmem>> -> memref<128xi32, #tpu.memory_space<vmem>>
    %dma_wait3A_44 = arith.constant 0 : i32
    %dma_wait3A_45 = arith.constant 0 : i32
    %dma_wait3A_46 = tpu.memref_slice %arg6[%dma_wait3A_44, %dma_wait3A_45] : memref<10240x128xf32, #tpu.memory_space<vmem_shared>> -> memref<10240x128xf32, #tpu.memory_space<vmem_shared>>
    %dma_wait3A_47 = tpu.memref_slice %arg7[%dma_wait3A_40] : memref<4x!tpu.dma_semaphore, #tpu.memory_space<semaphore_mem>> -> memref<1x!tpu.dma_semaphore, #tpu.memory_space<semaphore_mem>>
    %dma_wait3A_48 = tpu.memref_squeeze %dma_wait3A_47 : memref<1x!tpu.dma_semaphore, #tpu.memory_space<semaphore_mem>> -> memref<!tpu.dma_semaphore, #tpu.memory_space<semaphore_mem>>
    tpu.wait_indirect_dma semaphore(%dma_wait3A_48 : memref<!tpu.dma_semaphore, #tpu.memory_space<semaphore_mem>>) src(%arg5 : memref<128x128xf32, #tpu.memory_space<vmem>>) dst(%dma_wait3A_46 : memref<10240x128xf32, #tpu.memory_space<vmem_shared>>)
    %dma_wait3A_49 = arith.constant 78 : i32
    %dma_wait3A_50 = arith.constant 2 : i32
    %dma_wait3A_51 = arith.constant 0 : i32
    %dma_wait3A_52 = tpu.memref_slice %arg4[%dma_wait3A_49, %dma_wait3A_51] : memref<80x128xi32, #tpu.memory_space<vmem>> -> memref<1x128xi32, #tpu.memory_space<vmem>>
    %dma_wait3A_53 = tpu.memref_squeeze %dma_wait3A_52 : memref<1x128xi32, #tpu.memory_space<vmem>> -> memref<128xi32, #tpu.memory_space<vmem>>
    %dma_wait3A_54 = arith.constant 0 : i32
    %dma_wait3A_55 = arith.constant 0 : i32
    %dma_wait3A_56 = tpu.memref_slice %arg6[%dma_wait3A_54, %dma_wait3A_55] : memref<10240x128xf32, #tpu.memory_space<vmem_shared>> -> memref<10240x128xf32, #tpu.memory_space<vmem_shared>>
    %dma_wait3A_57 = tpu.memref_slice %arg7[%dma_wait3A_50] : memref<4x!tpu.dma_semaphore, #tpu.memory_space<semaphore_mem>> -> memref<1x!tpu.dma_semaphore, #tpu.memory_space<semaphore_mem>>
    %dma_wait3A_58 = tpu.memref_squeeze %dma_wait3A_57 : memref<1x!tpu.dma_semaphore, #tpu.memory_space<semaphore_mem>> -> memref<!tpu.dma_semaphore, #tpu.memory_space<semaphore_mem>>
    tpu.wait_indirect_dma semaphore(%dma_wait3A_58 : memref<!tpu.dma_semaphore, #tpu.memory_space<semaphore_mem>>) src(%arg5 : memref<128x128xf32, #tpu.memory_space<vmem>>) dst(%dma_wait3A_56 : memref<10240x128xf32, #tpu.memory_space<vmem_shared>>)
    %dma_wait3A_59 = arith.constant 79 : i32
    %dma_wait3A_60 = arith.constant 3 : i32
    %dma_wait3A_61 = arith.constant 0 : i32
    %dma_wait3A_62 = tpu.memref_slice %arg4[%dma_wait3A_59, %dma_wait3A_61] : memref<80x128xi32, #tpu.memory_space<vmem>> -> memref<1x128xi32, #tpu.memory_space<vmem>>
    %dma_wait3A_63 = tpu.memref_squeeze %dma_wait3A_62 : memref<1x128xi32, #tpu.memory_space<vmem>> -> memref<128xi32, #tpu.memory_space<vmem>>
    %dma_wait3A_64 = arith.constant 0 : i32
    %dma_wait3A_65 = arith.constant 0 : i32
    %dma_wait3A_66 = tpu.memref_slice %arg6[%dma_wait3A_64, %dma_wait3A_65] : memref<10240x128xf32, #tpu.memory_space<vmem_shared>> -> memref<10240x128xf32, #tpu.memory_space<vmem_shared>>
    %dma_wait3A_67 = tpu.memref_slice %arg7[%dma_wait3A_60] : memref<4x!tpu.dma_semaphore, #tpu.memory_space<semaphore_mem>> -> memref<1x!tpu.dma_semaphore, #tpu.memory_space<semaphore_mem>>
    %dma_wait3A_68 = tpu.memref_squeeze %dma_wait3A_67 : memref<1x!tpu.dma_semaphore, #tpu.memory_space<semaphore_mem>> -> memref<!tpu.dma_semaphore, #tpu.memory_space<semaphore_mem>>
    tpu.wait_indirect_dma semaphore(%dma_wait3A_68 : memref<!tpu.dma_semaphore, #tpu.memory_space<semaphore_mem>>) src(%arg5 : memref<128x128xf32, #tpu.memory_space<vmem>>) dst(%dma_wait3A_66 : memref<10240x128xf32, #tpu.memory_space<vmem_shared>>)
    %barrier3A_69 = arith.constant 0 : index
    tpu.barrier barrier_id(%barrier3A_69)
    "tpu.region"() ({
      %run_scoped3A = tpu.sem_alloc : memref<!tpu.dma_semaphore, #tpu.memory_space<semaphore_mem>>
      %dma_start3A = arith.constant 0 : i32
      %dma_start3A_70 = tpu.memref_slice %arg3[%arg0, %mul3A_2, %dma_start3A] : memref<2x10240x128xf32, #tpu.memory_space<hbm>> -> memref<1x640x128xf32, #tpu.memory_space<hbm>>
      %dma_start3A_71 = tpu.memref_squeeze %dma_start3A_70 : memref<1x640x128xf32, #tpu.memory_space<hbm>> -> memref<640x128xf32, #tpu.memory_space<hbm>>
      %dma_start3A_72 = arith.constant 0 : i32
      %dma_start3A_73 = tpu.memref_slice %arg6[%mul3A_2, %dma_start3A_72] : memref<10240x128xf32, #tpu.memory_space<vmem_shared>> -> memref<640x128xf32, #tpu.memory_space<vmem_shared>>
      tpu.enqueue_dma source(%dma_start3A_73 : memref<640x128xf32, #tpu.memory_space<vmem_shared>>) target(%dma_start3A_71 : memref<640x128xf32, #tpu.memory_space<hbm>>) target_semaphore(%run_scoped3A : memref<!tpu.dma_semaphore, #tpu.memory_space<semaphore_mem>>)
      %dma_wait3A_74 = arith.constant 0 : i32
      %dma_wait3A_75 = tpu.memref_slice %arg3[%arg0, %mul3A_2, %dma_wait3A_74] : memref<2x10240x128xf32, #tpu.memory_space<hbm>> -> memref<1x640x128xf32, #tpu.memory_space<hbm>>
      %dma_wait3A_76 = tpu.memref_squeeze %dma_wait3A_75 : memref<1x640x128xf32, #tpu.memory_space<hbm>> -> memref<640x128xf32, #tpu.memory_space<hbm>>
      %dma_wait3A_77 = arith.constant 0 : i32
      %dma_wait3A_78 = tpu.memref_slice %arg6[%mul3A_2, %dma_wait3A_77] : memref<10240x128xf32, #tpu.memory_space<vmem_shared>> -> memref<640x128xf32, #tpu.memory_space<vmem_shared>>
      tpu.wait_dma2 semaphore(%run_scoped3A : memref<!tpu.dma_semaphore, #tpu.memory_space<semaphore_mem>>) src(%dma_wait3A_78 : memref<640x128xf32, #tpu.memory_space<vmem_shared>>) dst(%dma_wait3A_76 : memref<640x128xf32, #tpu.memory_space<hbm>>)
      tpu.yield
    }) : () -> ()
    return
  }
}

#map = affine_map<(d0, d1) -> (0, 0, 0)>
module attributes {stable_mosaic.version = 14 : i64} {
  func.func @_deg_kernel(%arg0: i32, %arg1: i32, %arg2: memref<32x80x128xi32, #tpu.memory_space<hbm>>, %arg3: memref<2x10240x128xf32, #tpu.memory_space<hbm>>, %arg4: memref<80x128xi32, #tpu.memory_space<vmem>>, %arg5: memref<128x128xf32, #tpu.memory_space<vmem>>, %arg6: memref<10240x128xf32, #tpu.memory_space<vmem_shared>>, %arg7: memref<4x!tpu.dma_semaphore, #tpu.memory_space<semaphore_mem>>) attributes {dimension_semantics = [#tpu.dimension_semantics<core_parallel>, #tpu.dimension_semantics<subcore_parallel>], iteration_bounds = array<i64: 2, 16>, scalar_prefetch = 0 : i64, scratch_operands = 4 : i64, tpu.core_type = #tpu.core_type<sc_vector_subcore>, window_params = [{transform_indices = #map}, {transform_indices = #map}]} {
    %mul3A = arith.constant 2 : i32
    %mul3A_0 = arith.muli %arg1, %mul3A : i32
    %add3A = arith.addi %mul3A_0, %arg0 : i32
    %mul3A_1 = arith.constant 640 : i32
    %mul3A_2 = arith.muli %arg1, %mul3A_1 : i32
    %broadcast_in_dim3A = arith.constant 0.000000e+00 : f32
    %broadcast_in_dim3A_3 = vector.broadcast %broadcast_in_dim3A : f32 to vector<16xf32>
    %scan3A = arith.constant 0 : i32
    %scan3A_4 = arith.constant 128 : i32
    %scan3A_5 = arith.addi %scan3A, %scan3A_4 : i32
    %scan3A_6 = arith.constant 1 : i32
    scf.for %scan3A_70 = %scan3A to %scan3A_5 step %scan3A_6  : i32 {
      %swap3A = arith.index_cast %scan3A_70 : i32 to index
      %swap3A_71 = arith.constant 0 : index
      %swap3A_72 = tpu.vector_load %arg5[%swap3A, %swap3A_71] {strides = array<i32>} : memref<128x128xf32, #tpu.memory_space<vmem>>, vector<1x16xf32>,
      %swap3A_73 = vector.shape_cast %swap3A_72 : vector<1x16xf32> to vector<16xf32>
      %swap3A_74 = vector.shape_cast %broadcast_in_dim3A_3 : vector<16xf32> to vector<1x16xf32>
      tpu.vector_store %arg5[%swap3A, %swap3A_71], %swap3A_74 {strides = array<i32>} : memref<128x128xf32, #tpu.memory_space<vmem>>, vector<1x16xf32>,
      %swap3A_75 = arith.index_cast %scan3A_70 : i32 to index
      %swap3A_76 = arith.constant 16 : index
      %swap3A_77 = tpu.vector_load %arg5[%swap3A_75, %swap3A_76] {strides = array<i32>} : memref<128x128xf32, #tpu.memory_space<vmem>>, vector<1x16xf32>,
      %swap3A_78 = vector.shape_cast %swap3A_77 : vector<1x16xf32> to vector<16xf32>
      %swap3A_79 = vector.shape_cast %broadcast_in_dim3A_3 : vector<16xf32> to vector<1x16xf32>
      tpu.vector_store %arg5[%swap3A_75, %swap3A_76], %swap3A_79 {strides = array<i32>} : memref<128x128xf32, #tpu.memory_space<vmem>>, vector<1x16xf32>,
      %swap3A_80 = arith.index_cast %scan3A_70 : i32 to index
      %swap3A_81 = arith.constant 32 : index
      %swap3A_82 = tpu.vector_load %arg5[%swap3A_80, %swap3A_81] {strides = array<i32>} : memref<128x128xf32, #tpu.memory_space<vmem>>, vector<1x16xf32>,
      %swap3A_83 = vector.shape_cast %swap3A_82 : vector<1x16xf32> to vector<16xf32>
      %swap3A_84 = vector.shape_cast %broadcast_in_dim3A_3 : vector<16xf32> to vector<1x16xf32>
      tpu.vector_store %arg5[%swap3A_80, %swap3A_81], %swap3A_84 {strides = array<i32>} : memref<128x128xf32, #tpu.memory_space<vmem>>, vector<1x16xf32>,
      %swap3A_85 = arith.index_cast %scan3A_70 : i32 to index
      %swap3A_86 = arith.constant 48 : index
      %swap3A_87 = tpu.vector_load %arg5[%swap3A_85, %swap3A_86] {strides = array<i32>} : memref<128x128xf32, #tpu.memory_space<vmem>>, vector<1x16xf32>,
      %swap3A_88 = vector.shape_cast %swap3A_87 : vector<1x16xf32> to vector<16xf32>
      %swap3A_89 = vector.shape_cast %broadcast_in_dim3A_3 : vector<16xf32> to vector<1x16xf32>
      tpu.vector_store %arg5[%swap3A_85, %swap3A_86], %swap3A_89 {strides = array<i32>} : memref<128x128xf32, #tpu.memory_space<vmem>>, vector<1x16xf32>,
      %swap3A_90 = arith.index_cast %scan3A_70 : i32 to index
      %swap3A_91 = arith.constant 64 : index
      %swap3A_92 = tpu.vector_load %arg5[%swap3A_90, %swap3A_91] {strides = array<i32>} : memref<128x128xf32, #tpu.memory_space<vmem>>, vector<1x16xf32>,
      %swap3A_93 = vector.shape_cast %swap3A_92 : vector<1x16xf32> to vector<16xf32>
      %swap3A_94 = vector.shape_cast %broadcast_in_dim3A_3 : vector<16xf32> to vector<1x16xf32>
      tpu.vector_store %arg5[%swap3A_90, %swap3A_91], %swap3A_94 {strides = array<i32>} : memref<128x128xf32, #tpu.memory_space<vmem>>, vector<1x16xf32>,
      %swap3A_95 = arith.index_cast %scan3A_70 : i32 to index
      %swap3A_96 = arith.constant 80 : index
      %swap3A_97 = tpu.vector_load %arg5[%swap3A_95, %swap3A_96] {strides = array<i32>} : memref<128x128xf32, #tpu.memory_space<vmem>>, vector<1x16xf32>,
      %swap3A_98 = vector.shape_cast %swap3A_97 : vector<1x16xf32> to vector<16xf32>
      %swap3A_99 = vector.shape_cast %broadcast_in_dim3A_3 : vector<16xf32> to vector<1x16xf32>
      tpu.vector_store %arg5[%swap3A_95, %swap3A_96], %swap3A_99 {strides = array<i32>} : memref<128x128xf32, #tpu.memory_space<vmem>>, vector<1x16xf32>,
      %swap3A_100 = arith.index_cast %scan3A_70 : i32 to index
      %swap3A_101 = arith.constant 96 : index
      %swap3A_102 = tpu.vector_load %arg5[%swap3A_100, %swap3A_101] {strides = array<i32>} : memref<128x128xf32, #tpu.memory_space<vmem>>, vector<1x16xf32>,
      %swap3A_103 = vector.shape_cast %swap3A_102 : vector<1x16xf32> to vector<16xf32>
      %swap3A_104 = vector.shape_cast %broadcast_in_dim3A_3 : vector<16xf32> to vector<1x16xf32>
      tpu.vector_store %arg5[%swap3A_100, %swap3A_101], %swap3A_104 {strides = array<i32>} : memref<128x128xf32, #tpu.memory_space<vmem>>, vector<1x16xf32>,
      %swap3A_105 = arith.index_cast %scan3A_70 : i32 to index
      %swap3A_106 = arith.constant 112 : index
      %swap3A_107 = tpu.vector_load %arg5[%swap3A_105, %swap3A_106] {strides = array<i32>} : memref<128x128xf32, #tpu.memory_space<vmem>>, vector<1x16xf32>,
      %swap3A_108 = vector.shape_cast %swap3A_107 : vector<1x16xf32> to vector<16xf32>
      %swap3A_109 = vector.shape_cast %broadcast_in_dim3A_3 : vector<16xf32> to vector<1x16xf32>
      tpu.vector_store %arg5[%swap3A_105, %swap3A_106], %swap3A_109 {strides = array<i32>} : memref<128x128xf32, #tpu.memory_space<vmem>>, vector<1x16xf32>,
    }
    %scan3A_7 = arith.constant 128 : i32
    %add3A_8 = arith.constant 0 : i32
    %add3A_9 = arith.addi %mul3A_2, %add3A_8 : i32
    "tpu.region"() ({
      %run_scoped3A = tpu.sem_alloc : memref<!tpu.dma_semaphore, #tpu.memory_space<semaphore_mem>>
      %dma_start3A = arith.constant 0 : i32
      %dma_start3A_70 = tpu.memref_slice %arg6[%add3A_9, %dma_start3A] : memref<10240x128xf32, #tpu.memory_space<vmem_shared>> -> memref<128x128xf32, #tpu.memory_space<vmem_shared>>
      %dma_start3A_71 = arith.constant 0 : i32
      %dma_start3A_72 = tpu.memref_slice %arg6[%add3A_9, %dma_start3A_71] : memref<10240x128xf32, #tpu.memory_space<vmem_shared>> -> memref<128x128xf32, #tpu.memory_space<vmem_shared>>
      tpu.enqueue_dma source(%arg5 : memref<128x128xf32, #tpu.memory_space<vmem>>) target(%dma_start3A_72 : memref<128x128xf32, #tpu.memory_space<vmem_shared>>) target_semaphore(%run_scoped3A : memref<!tpu.dma_semaphore, #tpu.memory_space<semaphore_mem>>)
      %dma_wait3A_73 = arith.constant 0 : i32
      %dma_wait3A_74 = tpu.memref_slice %arg6[%add3A_9, %dma_wait3A_73] : memref<10240x128xf32, #tpu.memory_space<vmem_shared>> -> memref<128x128xf32, #tpu.memory_space<vmem_shared>>
      %dma_wait3A_75 = arith.constant 0 : i32
      %dma_wait3A_76 = tpu.memref_slice %arg6[%add3A_9, %dma_wait3A_75] : memref<10240x128xf32, #tpu.memory_space<vmem_shared>> -> memref<128x128xf32, #tpu.memory_space<vmem_shared>>
      tpu.wait_dma2 semaphore(%run_scoped3A : memref<!tpu.dma_semaphore, #tpu.memory_space<semaphore_mem>>) src(%arg5 : memref<128x128xf32, #tpu.memory_space<vmem>>) dst(%dma_wait3A_76 : memref<128x128xf32, #tpu.memory_space<vmem_shared>>)
      tpu.yield
    }) : () -> ()
    %add3A_10 = arith.constant 128 : i32
    %add3A_11 = arith.addi %mul3A_2, %add3A_10 : i32
    "tpu.region"() ({
      %run_scoped3A = tpu.sem_alloc : memref<!tpu.dma_semaphore, #tpu.memory_space<semaphore_mem>>
      %dma_start3A = arith.constant 0 : i32
      %dma_start3A_70 = tpu.memref_slice %arg6[%add3A_11, %dma_start3A] : memref<10240x128xf32, #tpu.memory_space<vmem_shared>> -> memref<128x128xf32, #tpu.memory_space<vmem_shared>>
      %dma_start3A_71 = arith.constant 0 : i32
      %dma_start3A_72 = tpu.memref_slice %arg6[%add3A_11, %dma_start3A_71] : memref<10240x128xf32, #tpu.memory_space<vmem_shared>> -> memref<128x128xf32, #tpu.memory_space<vmem_shared>>
      tpu.enqueue_dma source(%arg5 : memref<128x128xf32, #tpu.memory_space<vmem>>) target(%dma_start3A_72 : memref<128x128xf32, #tpu.memory_space<vmem_shared>>) target_semaphore(%run_scoped3A : memref<!tpu.dma_semaphore, #tpu.memory_space<semaphore_mem>>)
      %dma_wait3A_73 = arith.constant 0 : i32
      %dma_wait3A_74 = tpu.memref_slice %arg6[%add3A_11, %dma_wait3A_73] : memref<10240x128xf32, #tpu.memory_space<vmem_shared>> -> memref<128x128xf32, #tpu.memory_space<vmem_shared>>
      %dma_wait3A_75 = arith.constant 0 : i32
      %dma_wait3A_76 = tpu.memref_slice %arg6[%add3A_11, %dma_wait3A_75] : memref<10240x128xf32, #tpu.memory_space<vmem_shared>> -> memref<128x128xf32, #tpu.memory_space<vmem_shared>>
      tpu.wait_dma2 semaphore(%run_scoped3A : memref<!tpu.dma_semaphore, #tpu.memory_space<semaphore_mem>>) src(%arg5 : memref<128x128xf32, #tpu.memory_space<vmem>>) dst(%dma_wait3A_76 : memref<128x128xf32, #tpu.memory_space<vmem_shared>>)
      tpu.yield
    }) : () -> ()
    %add3A_12 = arith.constant 256 : i32
    %add3A_13 = arith.addi %mul3A_2, %add3A_12 : i32
    "tpu.region"() ({
      %run_scoped3A = tpu.sem_alloc : memref<!tpu.dma_semaphore, #tpu.memory_space<semaphore_mem>>
      %dma_start3A = arith.constant 0 : i32
      %dma_start3A_70 = tpu.memref_slice %arg6[%add3A_13, %dma_start3A] : memref<10240x128xf32, #tpu.memory_space<vmem_shared>> -> memref<128x128xf32, #tpu.memory_space<vmem_shared>>
      %dma_start3A_71 = arith.constant 0 : i32
      %dma_start3A_72 = tpu.memref_slice %arg6[%add3A_13, %dma_start3A_71] : memref<10240x128xf32, #tpu.memory_space<vmem_shared>> -> memref<128x128xf32, #tpu.memory_space<vmem_shared>>
      tpu.enqueue_dma source(%arg5 : memref<128x128xf32, #tpu.memory_space<vmem>>) target(%dma_start3A_72 : memref<128x128xf32, #tpu.memory_space<vmem_shared>>) target_semaphore(%run_scoped3A : memref<!tpu.dma_semaphore, #tpu.memory_space<semaphore_mem>>)
      %dma_wait3A_73 = arith.constant 0 : i32
      %dma_wait3A_74 = tpu.memref_slice %arg6[%add3A_13, %dma_wait3A_73] : memref<10240x128xf32, #tpu.memory_space<vmem_shared>> -> memref<128x128xf32, #tpu.memory_space<vmem_shared>>
      %dma_wait3A_75 = arith.constant 0 : i32
      %dma_wait3A_76 = tpu.memref_slice %arg6[%add3A_13, %dma_wait3A_75] : memref<10240x128xf32, #tpu.memory_space<vmem_shared>> -> memref<128x128xf32, #tpu.memory_space<vmem_shared>>
      tpu.wait_dma2 semaphore(%run_scoped3A : memref<!tpu.dma_semaphore, #tpu.memory_space<semaphore_mem>>) src(%arg5 : memref<128x128xf32, #tpu.memory_space<vmem>>) dst(%dma_wait3A_76 : memref<128x128xf32, #tpu.memory_space<vmem_shared>>)
      tpu.yield
    }) : () -> ()
    %add3A_14 = arith.constant 384 : i32
    %add3A_15 = arith.addi %mul3A_2, %add3A_14 : i32
    "tpu.region"() ({
      %run_scoped3A = tpu.sem_alloc : memref<!tpu.dma_semaphore, #tpu.memory_space<semaphore_mem>>
      %dma_start3A = arith.constant 0 : i32
      %dma_start3A_70 = tpu.memref_slice %arg6[%add3A_15, %dma_start3A] : memref<10240x128xf32, #tpu.memory_space<vmem_shared>> -> memref<128x128xf32, #tpu.memory_space<vmem_shared>>
      %dma_start3A_71 = arith.constant 0 : i32
      %dma_start3A_72 = tpu.memref_slice %arg6[%add3A_15, %dma_start3A_71] : memref<10240x128xf32, #tpu.memory_space<vmem_shared>> -> memref<128x128xf32, #tpu.memory_space<vmem_shared>>
      tpu.enqueue_dma source(%arg5 : memref<128x128xf32, #tpu.memory_space<vmem>>) target(%dma_start3A_72 : memref<128x128xf32, #tpu.memory_space<vmem_shared>>) target_semaphore(%run_scoped3A : memref<!tpu.dma_semaphore, #tpu.memory_space<semaphore_mem>>)
      %dma_wait3A_73 = arith.constant 0 : i32
      %dma_wait3A_74 = tpu.memref_slice %arg6[%add3A_15, %dma_wait3A_73] : memref<10240x128xf32, #tpu.memory_space<vmem_shared>> -> memref<128x128xf32, #tpu.memory_space<vmem_shared>>
      %dma_wait3A_75 = arith.constant 0 : i32
      %dma_wait3A_76 = tpu.memref_slice %arg6[%add3A_15, %dma_wait3A_75] : memref<10240x128xf32, #tpu.memory_space<vmem_shared>> -> memref<128x128xf32, #tpu.memory_space<vmem_shared>>
      tpu.wait_dma2 semaphore(%run_scoped3A : memref<!tpu.dma_semaphore, #tpu.memory_space<semaphore_mem>>) src(%arg5 : memref<128x128xf32, #tpu.memory_space<vmem>>) dst(%dma_wait3A_76 : memref<128x128xf32, #tpu.memory_space<vmem_shared>>)
      tpu.yield
    }) : () -> ()
    %add3A_16 = arith.constant 512 : i32
    %add3A_17 = arith.addi %mul3A_2, %add3A_16 : i32
    "tpu.region"() ({
      %run_scoped3A = tpu.sem_alloc : memref<!tpu.dma_semaphore, #tpu.memory_space<semaphore_mem>>
      %dma_start3A = arith.constant 0 : i32
      %dma_start3A_70 = tpu.memref_slice %arg6[%add3A_17, %dma_start3A] : memref<10240x128xf32, #tpu.memory_space<vmem_shared>> -> memref<128x128xf32, #tpu.memory_space<vmem_shared>>
      %dma_start3A_71 = arith.constant 0 : i32
      %dma_start3A_72 = tpu.memref_slice %arg6[%add3A_17, %dma_start3A_71] : memref<10240x128xf32, #tpu.memory_space<vmem_shared>> -> memref<128x128xf32, #tpu.memory_space<vmem_shared>>
      tpu.enqueue_dma source(%arg5 : memref<128x128xf32, #tpu.memory_space<vmem>>) target(%dma_start3A_72 : memref<128x128xf32, #tpu.memory_space<vmem_shared>>) target_semaphore(%run_scoped3A : memref<!tpu.dma_semaphore, #tpu.memory_space<semaphore_mem>>)
      %dma_wait3A_73 = arith.constant 0 : i32
      %dma_wait3A_74 = tpu.memref_slice %arg6[%add3A_17, %dma_wait3A_73] : memref<10240x128xf32, #tpu.memory_space<vmem_shared>> -> memref<128x128xf32, #tpu.memory_space<vmem_shared>>
      %dma_wait3A_75 = arith.constant 0 : i32
      %dma_wait3A_76 = tpu.memref_slice %arg6[%add3A_17, %dma_wait3A_75] : memref<10240x128xf32, #tpu.memory_space<vmem_shared>> -> memref<128x128xf32, #tpu.memory_space<vmem_shared>>
      tpu.wait_dma2 semaphore(%run_scoped3A : memref<!tpu.dma_semaphore, #tpu.memory_space<semaphore_mem>>) src(%arg5 : memref<128x128xf32, #tpu.memory_space<vmem>>) dst(%dma_wait3A_76 : memref<128x128xf32, #tpu.memory_space<vmem_shared>>)
      tpu.yield
    }) : () -> ()
    %broadcast_in_dim3A_18 = arith.constant 1.000000e+00 : f32
    %broadcast_in_dim3A_19 = vector.broadcast %broadcast_in_dim3A_18 : f32 to vector<16xf32>
    %scan3A_20 = arith.constant 0 : i32
    %scan3A_21 = arith.constant 128 : i32
    %scan3A_22 = arith.addi %scan3A_20, %scan3A_21 : i32
    %scan3A_23 = arith.constant 1 : i32
    scf.for %scan3A_70 = %scan3A_20 to %scan3A_22 step %scan3A_23  : i32 {
      %swap3A = arith.index_cast %scan3A_70 : i32 to index
      %swap3A_71 = arith.constant 0 : index
      %swap3A_72 = tpu.vector_load %arg5[%swap3A, %swap3A_71] {strides = array<i32>} : memref<128x128xf32, #tpu.memory_space<vmem>>, vector<1x16xf32>,
      %swap3A_73 = vector.shape_cast %swap3A_72 : vector<1x16xf32> to vector<16xf32>
      %swap3A_74 = vector.shape_cast %broadcast_in_dim3A_19 : vector<16xf32> to vector<1x16xf32>
      tpu.vector_store %arg5[%swap3A, %swap3A_71], %swap3A_74 {strides = array<i32>} : memref<128x128xf32, #tpu.memory_space<vmem>>, vector<1x16xf32>,
      %swap3A_75 = arith.index_cast %scan3A_70 : i32 to index
      %swap3A_76 = arith.constant 16 : index
      %swap3A_77 = tpu.vector_load %arg5[%swap3A_75, %swap3A_76] {strides = array<i32>} : memref<128x128xf32, #tpu.memory_space<vmem>>, vector<1x16xf32>,
      %swap3A_78 = vector.shape_cast %swap3A_77 : vector<1x16xf32> to vector<16xf32>
      %swap3A_79 = vector.shape_cast %broadcast_in_dim3A_19 : vector<16xf32> to vector<1x16xf32>
      tpu.vector_store %arg5[%swap3A_75, %swap3A_76], %swap3A_79 {strides = array<i32>} : memref<128x128xf32, #tpu.memory_space<vmem>>, vector<1x16xf32>,
      %swap3A_80 = arith.index_cast %scan3A_70 : i32 to index
      %swap3A_81 = arith.constant 32 : index
      %swap3A_82 = tpu.vector_load %arg5[%swap3A_80, %swap3A_81] {strides = array<i32>} : memref<128x128xf32, #tpu.memory_space<vmem>>, vector<1x16xf32>,
      %swap3A_83 = vector.shape_cast %swap3A_82 : vector<1x16xf32> to vector<16xf32>
      %swap3A_84 = vector.shape_cast %broadcast_in_dim3A_19 : vector<16xf32> to vector<1x16xf32>
      tpu.vector_store %arg5[%swap3A_80, %swap3A_81], %swap3A_84 {strides = array<i32>} : memref<128x128xf32, #tpu.memory_space<vmem>>, vector<1x16xf32>,
      %swap3A_85 = arith.index_cast %scan3A_70 : i32 to index
      %swap3A_86 = arith.constant 48 : index
      %swap3A_87 = tpu.vector_load %arg5[%swap3A_85, %swap3A_86] {strides = array<i32>} : memref<128x128xf32, #tpu.memory_space<vmem>>, vector<1x16xf32>,
      %swap3A_88 = vector.shape_cast %swap3A_87 : vector<1x16xf32> to vector<16xf32>
      %swap3A_89 = vector.shape_cast %broadcast_in_dim3A_19 : vector<16xf32> to vector<1x16xf32>
      tpu.vector_store %arg5[%swap3A_85, %swap3A_86], %swap3A_89 {strides = array<i32>} : memref<128x128xf32, #tpu.memory_space<vmem>>, vector<1x16xf32>,
      %swap3A_90 = arith.index_cast %scan3A_70 : i32 to index
      %swap3A_91 = arith.constant 64 : index
      %swap3A_92 = tpu.vector_load %arg5[%swap3A_90, %swap3A_91] {strides = array<i32>} : memref<128x128xf32, #tpu.memory_space<vmem>>, vector<1x16xf32>,
      %swap3A_93 = vector.shape_cast %swap3A_92 : vector<1x16xf32> to vector<16xf32>
      %swap3A_94 = vector.shape_cast %broadcast_in_dim3A_19 : vector<16xf32> to vector<1x16xf32>
      tpu.vector_store %arg5[%swap3A_90, %swap3A_91], %swap3A_94 {strides = array<i32>} : memref<128x128xf32, #tpu.memory_space<vmem>>, vector<1x16xf32>,
      %swap3A_95 = arith.index_cast %scan3A_70 : i32 to index
      %swap3A_96 = arith.constant 80 : index
      %swap3A_97 = tpu.vector_load %arg5[%swap3A_95, %swap3A_96] {strides = array<i32>} : memref<128x128xf32, #tpu.memory_space<vmem>>, vector<1x16xf32>,
      %swap3A_98 = vector.shape_cast %swap3A_97 : vector<1x16xf32> to vector<16xf32>
      %swap3A_99 = vector.shape_cast %broadcast_in_dim3A_19 : vector<16xf32> to vector<1x16xf32>
      tpu.vector_store %arg5[%swap3A_95, %swap3A_96], %swap3A_99 {strides = array<i32>} : memref<128x128xf32, #tpu.memory_space<vmem>>, vector<1x16xf32>,
      %swap3A_100 = arith.index_cast %scan3A_70 : i32 to index
      %swap3A_101 = arith.constant 96 : index
      %swap3A_102 = tpu.vector_load %arg5[%swap3A_100, %swap3A_101] {strides = array<i32>} : memref<128x128xf32, #tpu.memory_space<vmem>>, vector<1x16xf32>,
      %swap3A_103 = vector.shape_cast %swap3A_102 : vector<1x16xf32> to vector<16xf32>
      %swap3A_104 = vector.shape_cast %broadcast_in_dim3A_19 : vector<16xf32> to vector<1x16xf32>
      tpu.vector_store %arg5[%swap3A_100, %swap3A_101], %swap3A_104 {strides = array<i32>} : memref<128x128xf32, #tpu.memory_space<vmem>>, vector<1x16xf32>,
      %swap3A_105 = arith.index_cast %scan3A_70 : i32 to index
      %swap3A_106 = arith.constant 112 : index
      %swap3A_107 = tpu.vector_load %arg5[%swap3A_105, %swap3A_106] {strides = array<i32>} : memref<128x128xf32, #tpu.memory_space<vmem>>, vector<1x16xf32>,
      %swap3A_108 = vector.shape_cast %swap3A_107 : vector<1x16xf32> to vector<16xf32>
      %swap3A_109 = vector.shape_cast %broadcast_in_dim3A_19 : vector<16xf32> to vector<1x16xf32>
      tpu.vector_store %arg5[%swap3A_105, %swap3A_106], %swap3A_109 {strides = array<i32>} : memref<128x128xf32, #tpu.memory_space<vmem>>, vector<1x16xf32>,
    }
    %scan3A_24 = arith.constant 128 : i32
    %barrier3A = arith.constant 0 : index
    tpu.barrier barrier_id(%barrier3A)
    "tpu.region"() ({
      %run_scoped3A = tpu.sem_alloc : memref<!tpu.dma_semaphore, #tpu.memory_space<semaphore_mem>>
      %dma_start3A = arith.constant 0 : i32
      %dma_start3A_70 = arith.constant 0 : i32
      %dma_start3A_71 = tpu.memref_slice %arg2[%add3A, %dma_start3A, %dma_start3A_70] : memref<32x80x128xi32, #tpu.memory_space<hbm>> -> memref<1x80x128xi32, #tpu.memory_space<hbm>>
      %dma_start3A_72 = tpu.memref_squeeze %dma_start3A_71 : memref<1x80x128xi32, #tpu.memory_space<hbm>> -> memref<80x128xi32, #tpu.memory_space<hbm>>
      %dma_start3A_73 = arith.constant 0 : i32
      %dma_start3A_74 = arith.constant 0 : i32
      %dma_start3A_75 = tpu.memref_slice %arg2[%add3A, %dma_start3A_73, %dma_start3A_74] : memref<32x80x128xi32, #tpu.memory_space<hbm>> -> memref<1x80x128xi32, #tpu.memory_space<hbm>>
      %dma_start3A_76 = tpu.memref_squeeze %dma_start3A_75 : memref<1x80x128xi32, #tpu.memory_space<hbm>> -> memref<80x128xi32, #tpu.memory_space<hbm>>
      tpu.enqueue_dma source(%dma_start3A_76 : memref<80x128xi32, #tpu.memory_space<hbm>>) target(%arg4 : memref<80x128xi32, #tpu.memory_space<vmem>>) target_semaphore(%run_scoped3A : memref<!tpu.dma_semaphore, #tpu.memory_space<semaphore_mem>>)
      %dma_wait3A_77 = arith.constant 0 : i32
      %dma_wait3A_78 = arith.constant 0 : i32
      %dma_wait3A_79 = tpu.memref_slice %arg2[%add3A, %dma_wait3A_77, %dma_wait3A_78] : memref<32x80x128xi32, #tpu.memory_space<hbm>> -> memref<1x80x128xi32, #tpu.memory_space<hbm>>
      %dma_wait3A_80 = tpu.memref_squeeze %dma_wait3A_79 : memref<1x80x128xi32, #tpu.memory_space<hbm>> -> memref<80x128xi32, #tpu.memory_space<hbm>>
      %dma_wait3A_81 = arith.constant 0 : i32
      %dma_wait3A_82 = arith.constant 0 : i32
      %dma_wait3A_83 = tpu.memref_slice %arg2[%add3A, %dma_wait3A_81, %dma_wait3A_82] : memref<32x80x128xi32, #tpu.memory_space<hbm>> -> memref<1x80x128xi32, #tpu.memory_space<hbm>>
      %dma_wait3A_84 = tpu.memref_squeeze %dma_wait3A_83 : memref<1x80x128xi32, #tpu.memory_space<hbm>> -> memref<80x128xi32, #tpu.memory_space<hbm>>
      tpu.wait_dma2 semaphore(%run_scoped3A : memref<!tpu.dma_semaphore, #tpu.memory_space<semaphore_mem>>) src(%dma_wait3A_84 : memref<80x128xi32, #tpu.memory_space<hbm>>) dst(%arg4 : memref<80x128xi32, #tpu.memory_space<vmem>>)
      tpu.yield
    }) : () -> ()
    %scan3A_25 = arith.constant 0 : i32
    %scan3A_26 = arith.constant 80 : i32
    %scan3A_27 = arith.addi %scan3A_25, %scan3A_26 : i32
    %scan3A_28 = arith.constant 1 : i32
    scf.for %scan3A_70 = %scan3A_25 to %scan3A_27 step %scan3A_28  : i32 {
      %and3A = arith.constant 3 : i32
      %and3A_71 = arith.andi %scan3A_70, %and3A : i32
      %ge3A = arith.constant 4 : i32
      %ge3A_72 = arith.cmpi sge, %scan3A_70, %ge3A : i32
      %convert_element_type3A = arith.extui %ge3A_72 : i1 to i32
      %cond3A = arith.constant 0 : i32
      %cond3A_73 = arith.cmpi ne, %convert_element_type3A, %cond3A : i32
      scf.if %cond3A_73 {
        %sub3A = arith.constant 4 : i32
        %sub3A_81 = arith.subi %scan3A_70, %sub3A : i32
        %dma_wait3A_82 = arith.constant 0 : i32
        %dma_wait3A_83 = tpu.memref_slice %arg4[%sub3A_81, %dma_wait3A_82] : memref<80x128xi32, #tpu.memory_space<vmem>> -> memref<1x128xi32, #tpu.memory_space<vmem>>
        %dma_wait3A_84 = tpu.memref_squeeze %dma_wait3A_83 : memref<1x128xi32, #tpu.memory_space<vmem>> -> memref<128xi32, #tpu.memory_space<vmem>>
        %dma_wait3A_85 = arith.constant 0 : i32
        %dma_wait3A_86 = arith.constant 0 : i32
        %dma_wait3A_87 = tpu.memref_slice %arg6[%dma_wait3A_85, %dma_wait3A_86] : memref<10240x128xf32, #tpu.memory_space<vmem_shared>> -> memref<10240x128xf32, #tpu.memory_space<vmem_shared>>
        %dma_wait3A_88 = tpu.memref_slice %arg7[%and3A_71] : memref<4x!tpu.dma_semaphore, #tpu.memory_space<semaphore_mem>> -> memref<1x!tpu.dma_semaphore, #tpu.memory_space<semaphore_mem>>
        %dma_wait3A_89 = tpu.memref_squeeze %dma_wait3A_88 : memref<1x!tpu.dma_semaphore, #tpu.memory_space<semaphore_mem>> -> memref<!tpu.dma_semaphore, #tpu.memory_space<semaphore_mem>>
        tpu.wait_indirect_dma semaphore(%dma_wait3A_89 : memref<!tpu.dma_semaphore, #tpu.memory_space<semaphore_mem>>) src(%arg5 : memref<128x128xf32, #tpu.memory_space<vmem>>) dst(%dma_wait3A_87 : memref<10240x128xf32, #tpu.memory_space<vmem_shared>>)
      } else {
      }
      %dma_start3A = arith.constant 0 : i32
      %dma_start3A_74 = tpu.memref_slice %arg4[%scan3A_70, %dma_start3A] : memref<80x128xi32, #tpu.memory_space<vmem>> -> memref<1x128xi32, #tpu.memory_space<vmem>>
      %dma_start3A_75 = tpu.memref_squeeze %dma_start3A_74 : memref<1x128xi32, #tpu.memory_space<vmem>> -> memref<128xi32, #tpu.memory_space<vmem>>
      %dma_start3A_76 = arith.constant 0 : i32
      %dma_start3A_77 = arith.constant 0 : i32
      %dma_start3A_78 = tpu.memref_slice %arg6[%dma_start3A_76, %dma_start3A_77] : memref<10240x128xf32, #tpu.memory_space<vmem_shared>> -> memref<10240x128xf32, #tpu.memory_space<vmem_shared>>
      %dma_start3A_79 = tpu.memref_slice %arg7[%and3A_71] : memref<4x!tpu.dma_semaphore, #tpu.memory_space<semaphore_mem>> -> memref<1x!tpu.dma_semaphore, #tpu.memory_space<semaphore_mem>>
      %dma_start3A_80 = tpu.memref_squeeze %dma_start3A_79 : memref<1x!tpu.dma_semaphore, #tpu.memory_space<semaphore_mem>> -> memref<!tpu.dma_semaphore, #tpu.memory_space<semaphore_mem>>
      tpu.enqueue_indirect_dma source(%arg5 : memref<128x128xf32, #tpu.memory_space<vmem>>) target(%dma_start3A_78 : memref<10240x128xf32, #tpu.memory_space<vmem_shared>>) offsets(%dma_start3A_75 : memref<128xi32, #tpu.memory_space<vmem>>) semaphore(%dma_start3A_80 : memref<!tpu.dma_semaphore, #tpu.memory_space<semaphore_mem>>) {add = true}
    }
    %scan3A_29 = arith.constant 80 : i32
    %dma_wait3A = arith.constant 76 : i32
    %dma_wait3A_30 = arith.constant 0 : i32
    %dma_wait3A_31 = arith.constant 0 : i32
    %dma_wait3A_32 = tpu.memref_slice %arg4[%dma_wait3A, %dma_wait3A_31] : memref<80x128xi32, #tpu.memory_space<vmem>> -> memref<1x128xi32, #tpu.memory_space<vmem>>
    %dma_wait3A_33 = tpu.memref_squeeze %dma_wait3A_32 : memref<1x128xi32, #tpu.memory_space<vmem>> -> memref<128xi32, #tpu.memory_space<vmem>>
    %dma_wait3A_34 = arith.constant 0 : i32
    %dma_wait3A_35 = arith.constant 0 : i32
    %dma_wait3A_36 = tpu.memref_slice %arg6[%dma_wait3A_34, %dma_wait3A_35] : memref<10240x128xf32, #tpu.memory_space<vmem_shared>> -> memref<10240x128xf32, #tpu.memory_space<vmem_shared>>
    %dma_wait3A_37 = tpu.memref_slice %arg7[%dma_wait3A_30] : memref<4x!tpu.dma_semaphore, #tpu.memory_space<semaphore_mem>> -> memref<1x!tpu.dma_semaphore, #tpu.memory_space<semaphore_mem>>
    %dma_wait3A_38 = tpu.memref_squeeze %dma_wait3A_37 : memref<1x!tpu.dma_semaphore, #tpu.memory_space<semaphore_mem>> -> memref<!tpu.dma_semaphore, #tpu.memory_space<semaphore_mem>>
    tpu.wait_indirect_dma semaphore(%dma_wait3A_38 : memref<!tpu.dma_semaphore, #tpu.memory_space<semaphore_mem>>) src(%arg5 : memref<128x128xf32, #tpu.memory_space<vmem>>) dst(%dma_wait3A_36 : memref<10240x128xf32, #tpu.memory_space<vmem_shared>>)
    %dma_wait3A_39 = arith.constant 77 : i32
    %dma_wait3A_40 = arith.constant 1 : i32
    %dma_wait3A_41 = arith.constant 0 : i32
    %dma_wait3A_42 = tpu.memref_slice %arg4[%dma_wait3A_39, %dma_wait3A_41] : memref<80x128xi32, #tpu.memory_space<vmem>> -> memref<1x128xi32, #tpu.memory_space<vmem>>
    %dma_wait3A_43 = tpu.memref_squeeze %dma_wait3A_42 : memref<1x128xi32, #tpu.memory_space<vmem>> -> memref<128xi32, #tpu.memory_space<vmem>>
    %dma_wait3A_44 = arith.constant 0 : i32
    %dma_wait3A_45 = arith.constant 0 : i32
    %dma_wait3A_46 = tpu.memref_slice %arg6[%dma_wait3A_44, %dma_wait3A_45] : memref<10240x128xf32, #tpu.memory_space<vmem_shared>> -> memref<10240x128xf32, #tpu.memory_space<vmem_shared>>
    %dma_wait3A_47 = tpu.memref_slice %arg7[%dma_wait3A_40] : memref<4x!tpu.dma_semaphore, #tpu.memory_space<semaphore_mem>> -> memref<1x!tpu.dma_semaphore, #tpu.memory_space<semaphore_mem>>
    %dma_wait3A_48 = tpu.memref_squeeze %dma_wait3A_47 : memref<1x!tpu.dma_semaphore, #tpu.memory_space<semaphore_mem>> -> memref<!tpu.dma_semaphore, #tpu.memory_space<semaphore_mem>>
    tpu.wait_indirect_dma semaphore(%dma_wait3A_48 : memref<!tpu.dma_semaphore, #tpu.memory_space<semaphore_mem>>) src(%arg5 : memref<128x128xf32, #tpu.memory_space<vmem>>) dst(%dma_wait3A_46 : memref<10240x128xf32, #tpu.memory_space<vmem_shared>>)
    %dma_wait3A_49 = arith.constant 78 : i32
    %dma_wait3A_50 = arith.constant 2 : i32
    %dma_wait3A_51 = arith.constant 0 : i32
    %dma_wait3A_52 = tpu.memref_slice %arg4[%dma_wait3A_49, %dma_wait3A_51] : memref<80x128xi32, #tpu.memory_space<vmem>> -> memref<1x128xi32, #tpu.memory_space<vmem>>
    %dma_wait3A_53 = tpu.memref_squeeze %dma_wait3A_52 : memref<1x128xi32, #tpu.memory_space<vmem>> -> memref<128xi32, #tpu.memory_space<vmem>>
    %dma_wait3A_54 = arith.constant 0 : i32
    %dma_wait3A_55 = arith.constant 0 : i32
    %dma_wait3A_56 = tpu.memref_slice %arg6[%dma_wait3A_54, %dma_wait3A_55] : memref<10240x128xf32, #tpu.memory_space<vmem_shared>> -> memref<10240x128xf32, #tpu.memory_space<vmem_shared>>
    %dma_wait3A_57 = tpu.memref_slice %arg7[%dma_wait3A_50] : memref<4x!tpu.dma_semaphore, #tpu.memory_space<semaphore_mem>> -> memref<1x!tpu.dma_semaphore, #tpu.memory_space<semaphore_mem>>
    %dma_wait3A_58 = tpu.memref_squeeze %dma_wait3A_57 : memref<1x!tpu.dma_semaphore, #tpu.memory_space<semaphore_mem>> -> memref<!tpu.dma_semaphore, #tpu.memory_space<semaphore_mem>>
    tpu.wait_indirect_dma semaphore(%dma_wait3A_58 : memref<!tpu.dma_semaphore, #tpu.memory_space<semaphore_mem>>) src(%arg5 : memref<128x128xf32, #tpu.memory_space<vmem>>) dst(%dma_wait3A_56 : memref<10240x128xf32, #tpu.memory_space<vmem_shared>>)
    %dma_wait3A_59 = arith.constant 79 : i32
    %dma_wait3A_60 = arith.constant 3 : i32
    %dma_wait3A_61 = arith.constant 0 : i32
    %dma_wait3A_62 = tpu.memref_slice %arg4[%dma_wait3A_59, %dma_wait3A_61] : memref<80x128xi32, #tpu.memory_space<vmem>> -> memref<1x128xi32, #tpu.memory_space<vmem>>
    %dma_wait3A_63 = tpu.memref_squeeze %dma_wait3A_62 : memref<1x128xi32, #tpu.memory_space<vmem>> -> memref<128xi32, #tpu.memory_space<vmem>>
    %dma_wait3A_64 = arith.constant 0 : i32
    %dma_wait3A_65 = arith.constant 0 : i32
    %dma_wait3A_66 = tpu.memref_slice %arg6[%dma_wait3A_64, %dma_wait3A_65] : memref<10240x128xf32, #tpu.memory_space<vmem_shared>> -> memref<10240x128xf32, #tpu.memory_space<vmem_shared>>
    %dma_wait3A_67 = tpu.memref_slice %arg7[%dma_wait3A_60] : memref<4x!tpu.dma_semaphore, #tpu.memory_space<semaphore_mem>> -> memref<1x!tpu.dma_semaphore, #tpu.memory_space<semaphore_mem>>
    %dma_wait3A_68 = tpu.memref_squeeze %dma_wait3A_67 : memref<1x!tpu.dma_semaphore, #tpu.memory_space<semaphore_mem>> -> memref<!tpu.dma_semaphore, #tpu.memory_space<semaphore_mem>>
    tpu.wait_indirect_dma semaphore(%dma_wait3A_68 : memref<!tpu.dma_semaphore, #tpu.memory_space<semaphore_mem>>) src(%arg5 : memref<128x128xf32, #tpu.memory_space<vmem>>) dst(%dma_wait3A_66 : memref<10240x128xf32, #tpu.memory_space<vmem_shared>>)
    %barrier3A_69 = arith.constant 0 : index
    tpu.barrier barrier_id(%barrier3A_69)
    "tpu.region"() ({
      %run_scoped3A = tpu.sem_alloc : memref<!tpu.dma_semaphore, #tpu.memory_space<semaphore_mem>>
      %dma_start3A = arith.constant 0 : i32
      %dma_start3A_70 = tpu.memref_slice %arg3[%arg0, %mul3A_2, %dma_start3A] : memref<2x10240x128xf32, #tpu.memory_space<hbm>> -> memref<1x640x128xf32, #tpu.memory_space<hbm>>
      %dma_start3A_71 = tpu.memref_squeeze %dma_start3A_70 : memref<1x640x128xf32, #tpu.memory_space<hbm>> -> memref<640x128xf32, #tpu.memory_space<hbm>>
      %dma_start3A_72 = arith.constant 0 : i32
      %dma_start3A_73 = tpu.memref_slice %arg6[%mul3A_2, %dma_start3A_72] : memref<10240x128xf32, #tpu.memory_space<vmem_shared>> -> memref<640x128xf32, #tpu.memory_space<vmem_shared>>
      tpu.enqueue_dma source(%dma_start3A_73 : memref<640x128xf32, #tpu.memory_space<vmem_shared>>) target(%dma_start3A_71 : memref<640x128xf32, #tpu.memory_space<hbm>>) target_semaphore(%run_scoped3A : memref<!tpu.dma_semaphore, #tpu.memory_space<semaphore_mem>>)
      %dma_wait3A_74 = arith.constant 0 : i32
      %dma_wait3A_75 = tpu.memref_slice %arg3[%arg0, %mul3A_2, %dma_wait3A_74] : memref<2x10240x128xf32, #tpu.memory_space<hbm>> -> memref<1x640x128xf32, #tpu.memory_space<hbm>>
      %dma_wait3A_76 = tpu.memref_squeeze %dma_wait3A_75 : memref<1x640x128xf32, #tpu.memory_space<hbm>> -> memref<640x128xf32, #tpu.memory_space<hbm>>
      %dma_wait3A_77 = arith.constant 0 : i32
      %dma_wait3A_78 = tpu.memref_slice %arg6[%mul3A_2, %dma_wait3A_77] : memref<10240x128xf32, #tpu.memory_space<vmem_shared>> -> memref<640x128xf32, #tpu.memory_space<vmem_shared>>
      tpu.wait_dma2 semaphore(%run_scoped3A : memref<!tpu.dma_semaphore, #tpu.memory_space<semaphore_mem>>) src(%dma_wait3A_78 : memref<640x128xf32, #tpu.memory_space<vmem_shared>>) dst(%dma_wait3A_76 : memref<640x128xf32, #tpu.memory_space<hbm>>)
      tpu.yield
    }) : () -> ()
    return
  }
}

module attributes {stable_mosaic.version = 14 : i64} {
  func.func @_prescale_body(%arg0: i32, %arg1: memref<2000x128xf32, #tpu.memory_space<vmem>>, %arg2: memref<2000x2xf32, #tpu.memory_space<vmem>>, %arg3: memref<2000x128xf32, #tpu.memory_space<vmem>>) attributes {dimension_semantics = [#tpu.dimension_semantics<arbitrary>], iteration_bounds = array<i64: 5>, scalar_prefetch = 0 : i64, scratch_operands = 0 : i64, tpu.core_type = #tpu.core_type<tc>, window_params = [{transform_indices = @transform_0, window_bounds = array<i64: 2000, 128>}, {transform_indices = @transform_1, window_bounds = array<i64: 2000, 2>}, {transform_indices = @transform_2, window_bounds = array<i64: 2000, 128>}]} {
    %get3A = arith.constant 0 : index
    %get3A_0 = arith.constant 0 : index
    %get3A_1 = vector.load %arg1[%get3A, %get3A_0] : memref<2000x128xf32, #tpu.memory_space<vmem>>, vector<2000x128xf32>
    %get3A_2 = arith.constant 0 : index
    %get3A_3 = arith.constant 0 : index
    %get3A_4 = vector.load %arg2[%get3A_2, %get3A_3] : memref<2000x2xf32, #tpu.memory_space<vmem>>, vector<2000x2xf32>
    %slice3A = vector.extract_strided_slice %get3A_4 {offsets = [0, 0], sizes = [2000, 1], strides = [1, 1]} : vector<2000x2xf32> to vector<2000x1xf32>
    %slice3A_5 = vector.extract_strided_slice %get3A_4 {offsets = [0, 1], sizes = [2000, 1], strides = [1, 1]} : vector<2000x2xf32> to vector<2000x1xf32>
    %add3A = arith.addf %slice3A, %slice3A_5 : vector<2000x1xf32>
    %gt3A = arith.constant 0.000000e+00 : f32
    %gt3A_6 = vector.broadcast %gt3A : f32 to vector<2000x1xf32>
    %gt3A_7 = arith.cmpf ogt, %add3A, %gt3A_6 : vector<2000x1xf32>
    %jit3A = arith.constant 1.000000e+00 : f32
    %broadcast_in_dim3A = vector.broadcast %jit3A : f32 to vector<2000x1xf32>
    %select_n3A = arith.select %gt3A_7, %add3A, %broadcast_in_dim3A : vector<2000x1xi1>, vector<2000x1xf32>
    %rsqrt3A = math.rsqrt %select_n3A : vector<2000x1xf32>
    %mul3A = vector.broadcast %rsqrt3A : vector<2000x1xf32> to vector<2000x128xf32>
    %mul3A_8 = arith.mulf %get3A_1, %mul3A : vector<2000x128xf32>
    %swap3A = arith.constant 0 : index
    %swap3A_9 = arith.constant 0 : index
    %swap3A_10 = vector.load %arg3[%swap3A, %swap3A_9] : memref<2000x128xf32, #tpu.memory_space<vmem>>, vector<2000x128xf32>
    tpu.vector_store %arg3[%swap3A, %swap3A_9], %mul3A_8 {strides = array<i32>} : memref<2000x128xf32, #tpu.memory_space<vmem>>, vector<2000x128xf32>,
    return
  }
  func.func @transform_0(%arg0: i32) -> (i32, i32) {
    %c0_i32 = arith.constant 0 : i32
    %c0_i32_0 = arith.constant 0 : i32
    return %arg0, %c0_i32 : i32, i32
  }
  func.func @transform_1(%arg0: i32) -> (i32, i32) {
    %c0_i32 = arith.constant 0 : i32
    %c0_i32_0 = arith.constant 0 : i32
    return %arg0, %c0_i32 : i32, i32
  }
  func.func @transform_2(%arg0: i32) -> (i32, i32) {
    %c0_i32 = arith.constant 0 : i32
    %c0_i32_0 = arith.constant 0 : i32
    return %arg0, %c0_i32 : i32, i32
  }
}

module attributes {stable_mosaic.version = 14 : i64} {
  func.func @body(%arg0: i32, %arg1: memref<2x2000x128xf32, #tpu.memory_space<vmem>>, %arg2: memref<2000x2xf32, #tpu.memory_space<vmem>>, %arg3: memref<2000x2xf32, #tpu.memory_space<vmem>>, %arg4: memref<128x128xf32, #tpu.memory_space<vmem>>, %arg5: memref<1x128xf32, #tpu.memory_space<vmem>>, %arg6: memref<2000x128xf32, #tpu.memory_space<vmem>>) attributes {dimension_semantics = [#tpu.dimension_semantics<arbitrary>], iteration_bounds = array<i64: 5>, scalar_prefetch = 0 : i64, scratch_operands = 0 : i64, tpu.core_type = #tpu.core_type<tc>, window_params = [{transform_indices = @transform_0, window_bounds = array<i64: 2, 2000, 128>}, {transform_indices = @transform_1, window_bounds = array<i64: 2000, 2>}, {transform_indices = @transform_2, window_bounds = array<i64: 2000, 2>}, {pipeline_mode = #tpu.pipeline_mode<synchronous>, transform_indices = @transform_3, window_bounds = array<i64: 128, 128>}, {pipeline_mode = #tpu.pipeline_mode<synchronous>, transform_indices = @transform_4, window_bounds = array<i64: 1, 128>}, {transform_indices = @transform_5, window_bounds = array<i64: 2000, 128>}]} {
    %get3A = arith.constant 0 : index
    %get3A_0 = arith.constant 0 : index
    %get3A_1 = arith.constant 0 : index
    %get3A_2 = vector.load %arg1[%get3A, %get3A_0, %get3A_1] : memref<2x2000x128xf32, #tpu.memory_space<vmem>>, vector<1x2000x128xf32>
    %get3A_3 = vector.shape_cast %get3A_2 : vector<1x2000x128xf32> to vector<2000x128xf32>
    %get3A_4 = arith.constant 1 : index
    %get3A_5 = arith.constant 0 : index
    %get3A_6 = arith.constant 0 : index
    %get3A_7 = vector.load %arg1[%get3A_4, %get3A_5, %get3A_6] : memref<2x2000x128xf32, #tpu.memory_space<vmem>>, vector<1x2000x128xf32>
    %get3A_8 = vector.shape_cast %get3A_7 : vector<1x2000x128xf32> to vector<2000x128xf32>
    %add3A = arith.addf %get3A_3, %get3A_8 : vector<2000x128xf32>
    %get3A_9 = arith.constant 0 : index
    %get3A_10 = arith.constant 0 : index
    %get3A_11 = vector.load %arg2[%get3A_9, %get3A_10] : memref<2000x2xf32, #tpu.memory_space<vmem>>, vector<2000x2xf32>
    %slice3A = vector.extract_strided_slice %get3A_11 {offsets = [0, 0], sizes = [2000, 1], strides = [1, 1]} : vector<2000x2xf32> to vector<2000x1xf32>
    %slice3A_12 = vector.extract_strided_slice %get3A_11 {offsets = [0, 1], sizes = [2000, 1], strides = [1, 1]} : vector<2000x2xf32> to vector<2000x1xf32>
    %add3A_13 = arith.addf %slice3A, %slice3A_12 : vector<2000x1xf32>
    %gt3A = arith.constant 0.000000e+00 : f32
    %gt3A_14 = vector.broadcast %gt3A : f32 to vector<2000x1xf32>
    %gt3A_15 = arith.cmpf ogt, %add3A_13, %gt3A_14 : vector<2000x1xf32>
    %jit3A = arith.constant 1.000000e+00 : f32
    %broadcast_in_dim3A = vector.broadcast %jit3A : f32 to vector<2000x1xf32>
    %select_n3A = arith.select %gt3A_15, %add3A_13, %broadcast_in_dim3A : vector<2000x1xi1>, vector<2000x1xf32>
    %rsqrt3A = math.rsqrt %select_n3A : vector<2000x1xf32>
    %mul3A = vector.broadcast %rsqrt3A : vector<2000x1xf32> to vector<2000x128xf32>
    %mul3A_16 = arith.mulf %add3A, %mul3A : vector<2000x128xf32>
    %get3A_17 = arith.constant 0 : index
    %get3A_18 = arith.constant 0 : index
    %get3A_19 = vector.load %arg4[%get3A_17, %get3A_18] : memref<128x128xf32, #tpu.memory_space<vmem>>, vector<128x128xf32>
    %dot_general3A = arith.constant dense<0.000000e+00> : vector<2000x128xf32>
    %dot_general3A_20 = tpu.matmul %mul3A_16, %get3A_19, %dot_general3A {dimension_numbers = #tpu.dot_dimension_numbers<[1], [0], [0], [1], [0, 0, 1, 1], [], []>, transpose_lhs_hint = false} : vector<2000x128xf32>, vector<128x128xf32>, vector<2000x128xf32> -> vector<2000x128xf32>
    %get3A_21 = arith.constant 0 : index
    %get3A_22 = arith.constant 0 : index
    %get3A_23 = vector.load %arg5[%get3A_21, %get3A_22] : memref<1x128xf32, #tpu.memory_space<vmem>>, vector<1x128xf32>
    %add3A_24 = vector.broadcast %get3A_23 : vector<1x128xf32> to vector<2000x128xf32>
    %add3A_25 = arith.addf %dot_general3A_20, %add3A_24 : vector<2000x128xf32>
    %get3A_26 = arith.constant 0 : index
    %get3A_27 = arith.constant 0 : index
    %get3A_28 = vector.load %arg3[%get3A_26, %get3A_27] : memref<2000x2xf32, #tpu.memory_space<vmem>>, vector<2000x2xf32>
    %slice3A_29 = vector.extract_strided_slice %get3A_28 {offsets = [0, 0], sizes = [2000, 1], strides = [1, 1]} : vector<2000x2xf32> to vector<2000x1xf32>
    %slice3A_30 = vector.extract_strided_slice %get3A_28 {offsets = [0, 1], sizes = [2000, 1], strides = [1, 1]} : vector<2000x2xf32> to vector<2000x1xf32>
    %add3A_31 = arith.addf %slice3A_29, %slice3A_30 : vector<2000x1xf32>
    %gt3A_32 = arith.constant 0.000000e+00 : f32
    %gt3A_33 = vector.broadcast %gt3A_32 : f32 to vector<2000x1xf32>
    %gt3A_34 = arith.cmpf ogt, %add3A_31, %gt3A_33 : vector<2000x1xf32>
    %jit3A_35 = arith.constant 1.000000e+00 : f32
    %broadcast_in_dim3A_36 = vector.broadcast %jit3A_35 : f32 to vector<2000x1xf32>
    %select_n3A_37 = arith.select %gt3A_34, %add3A_31, %broadcast_in_dim3A_36 : vector<2000x1xi1>, vector<2000x1xf32>
    %rsqrt3A_38 = math.rsqrt %select_n3A_37 : vector<2000x1xf32>
    %mul3A_39 = vector.broadcast %rsqrt3A_38 : vector<2000x1xf32> to vector<2000x128xf32>
    %mul3A_40 = arith.mulf %add3A_25, %mul3A_39 : vector<2000x128xf32>
    %swap3A = arith.constant 0 : index
    %swap3A_41 = arith.constant 0 : index
    %swap3A_42 = vector.load %arg6[%swap3A, %swap3A_41] : memref<2000x128xf32, #tpu.memory_space<vmem>>, vector<2000x128xf32>
    tpu.vector_store %arg6[%swap3A, %swap3A_41], %mul3A_40 {strides = array<i32>} : memref<2000x128xf32, #tpu.memory_space<vmem>>, vector<2000x128xf32>,
    return
  }
  func.func @transform_0(%arg0: i32) -> (i32, i32, i32) {
    %c0_i32 = arith.constant 0 : i32
    %c0_i32_0 = arith.constant 0 : i32
    %c0_i32_1 = arith.constant 0 : i32
    return %c0_i32, %arg0, %c0_i32_0 : i32, i32, i32
  }
  func.func @transform_1(%arg0: i32) -> (i32, i32) {
    %c0_i32 = arith.constant 0 : i32
    %c0_i32_0 = arith.constant 0 : i32
    return %arg0, %c0_i32 : i32, i32
  }
  func.func @transform_2(%arg0: i32) -> (i32, i32) {
    %c0_i32 = arith.constant 0 : i32
    %c0_i32_0 = arith.constant 0 : i32
    return %arg0, %c0_i32 : i32, i32
  }
  func.func @transform_3(%arg0: i32) -> (i32, i32) {
    %c0_i32 = arith.constant 0 : i32
    %c0_i32_0 = arith.constant 0 : i32
    %c0_i32_1 = arith.constant 0 : i32
    return %c0_i32, %c0_i32_0 : i32, i32
  }
  func.func @transform_4(%arg0: i32) -> (i32, i32) {
    %c0_i32 = arith.constant 0 : i32
    %c0_i32_0 = arith.constant 0 : i32
    %c0_i32_1 = arith.constant 0 : i32
    return %c0_i32, %c0_i32_0 : i32, i32
  }
  func.func @transform_5(%arg0: i32) -> (i32, i32) {
    %c0_i32 = arith.constant 0 : i32
    %c0_i32_0 = arith.constant 0 : i32
    return %arg0, %c0_i32 : i32, i32
  }
}

module attributes {stable_mosaic.version = 14 : i64} {
  func.func @body(%arg0: i32, %arg1: memref<2x2000x128xf32, #tpu.memory_space<vmem>>, %arg2: memref<2000x2xf32, #tpu.memory_space<vmem>>, %arg3: memref<2000x2xf32, #tpu.memory_space<vmem>>, %arg4: memref<128x128xf32, #tpu.memory_space<vmem>>, %arg5: memref<1x128xf32, #tpu.memory_space<vmem>>, %arg6: memref<2000x128xf32, #tpu.memory_space<vmem>>) attributes {dimension_semantics = [#tpu.dimension_semantics<arbitrary>], iteration_bounds = array<i64: 5>, scalar_prefetch = 0 : i64, scratch_operands = 0 : i64, tpu.core_type = #tpu.core_type<tc>, window_params = [{transform_indices = @transform_0, window_bounds = array<i64: 2, 2000, 128>}, {transform_indices = @transform_1, window_bounds = array<i64: 2000, 2>}, {transform_indices = @transform_2, window_bounds = array<i64: 2000, 2>}, {pipeline_mode = #tpu.pipeline_mode<synchronous>, transform_indices = @transform_3, window_bounds = array<i64: 128, 128>}, {pipeline_mode = #tpu.pipeline_mode<synchronous>, transform_indices = @transform_4, window_bounds = array<i64: 1, 128>}, {transform_indices = @transform_5, window_bounds = array<i64: 2000, 128>}]} {
    %get3A = arith.constant 0 : index
    %get3A_0 = arith.constant 0 : index
    %get3A_1 = arith.constant 0 : index
    %get3A_2 = vector.load %arg1[%get3A, %get3A_0, %get3A_1] : memref<2x2000x128xf32, #tpu.memory_space<vmem>>, vector<1x2000x128xf32>
    %get3A_3 = vector.shape_cast %get3A_2 : vector<1x2000x128xf32> to vector<2000x128xf32>
    %get3A_4 = arith.constant 1 : index
    %get3A_5 = arith.constant 0 : index
    %get3A_6 = arith.constant 0 : index
    %get3A_7 = vector.load %arg1[%get3A_4, %get3A_5, %get3A_6] : memref<2x2000x128xf32, #tpu.memory_space<vmem>>, vector<1x2000x128xf32>
    %get3A_8 = vector.shape_cast %get3A_7 : vector<1x2000x128xf32> to vector<2000x128xf32>
    %add3A = arith.addf %get3A_3, %get3A_8 : vector<2000x128xf32>
    %get3A_9 = arith.constant 0 : index
    %get3A_10 = arith.constant 0 : index
    %get3A_11 = vector.load %arg2[%get3A_9, %get3A_10] : memref<2000x2xf32, #tpu.memory_space<vmem>>, vector<2000x2xf32>
    %slice3A = vector.extract_strided_slice %get3A_11 {offsets = [0, 0], sizes = [2000, 1], strides = [1, 1]} : vector<2000x2xf32> to vector<2000x1xf32>
    %slice3A_12 = vector.extract_strided_slice %get3A_11 {offsets = [0, 1], sizes = [2000, 1], strides = [1, 1]} : vector<2000x2xf32> to vector<2000x1xf32>
    %add3A_13 = arith.addf %slice3A, %slice3A_12 : vector<2000x1xf32>
    %gt3A = arith.constant 0.000000e+00 : f32
    %gt3A_14 = vector.broadcast %gt3A : f32 to vector<2000x1xf32>
    %gt3A_15 = arith.cmpf ogt, %add3A_13, %gt3A_14 : vector<2000x1xf32>
    %jit3A = arith.constant 1.000000e+00 : f32
    %broadcast_in_dim3A = vector.broadcast %jit3A : f32 to vector<2000x1xf32>
    %select_n3A = arith.select %gt3A_15, %add3A_13, %broadcast_in_dim3A : vector<2000x1xi1>, vector<2000x1xf32>
    %rsqrt3A = math.rsqrt %select_n3A : vector<2000x1xf32>
    %mul3A = vector.broadcast %rsqrt3A : vector<2000x1xf32> to vector<2000x128xf32>
    %mul3A_16 = arith.mulf %add3A, %mul3A : vector<2000x128xf32>
    %get3A_17 = arith.constant 0 : index
    %get3A_18 = arith.constant 0 : index
    %get3A_19 = vector.load %arg4[%get3A_17, %get3A_18] : memref<128x128xf32, #tpu.memory_space<vmem>>, vector<128x128xf32>
    %dot_general3A = arith.constant dense<0.000000e+00> : vector<2000x128xf32>
    %dot_general3A_20 = tpu.matmul %mul3A_16, %get3A_19, %dot_general3A {dimension_numbers = #tpu.dot_dimension_numbers<[1], [0], [0], [1], [0, 0, 1, 1], [], []>, transpose_lhs_hint = false} : vector<2000x128xf32>, vector<128x128xf32>, vector<2000x128xf32> -> vector<2000x128xf32>
    %get3A_21 = arith.constant 0 : index
    %get3A_22 = arith.constant 0 : index
    %get3A_23 = vector.load %arg5[%get3A_21, %get3A_22] : memref<1x128xf32, #tpu.memory_space<vmem>>, vector<1x128xf32>
    %add3A_24 = vector.broadcast %get3A_23 : vector<1x128xf32> to vector<2000x128xf32>
    %add3A_25 = arith.addf %dot_general3A_20, %add3A_24 : vector<2000x128xf32>
    %swap3A = arith.constant 0 : index
    %swap3A_26 = arith.constant 0 : index
    %swap3A_27 = vector.load %arg6[%swap3A, %swap3A_26] : memref<2000x128xf32, #tpu.memory_space<vmem>>, vector<2000x128xf32>
    tpu.vector_store %arg6[%swap3A, %swap3A_26], %add3A_25 {strides = array<i32>} : memref<2000x128xf32, #tpu.memory_space<vmem>>, vector<2000x128xf32>,
    return
  }
  func.func @transform_0(%arg0: i32) -> (i32, i32, i32) {
    %c0_i32 = arith.constant 0 : i32
    %c0_i32_0 = arith.constant 0 : i32
    %c0_i32_1 = arith.constant 0 : i32
    return %c0_i32, %arg0, %c0_i32_0 : i32, i32, i32
  }
  func.func @transform_1(%arg0: i32) -> (i32, i32) {
    %c0_i32 = arith.constant 0 : i32
    %c0_i32_0 = arith.constant 0 : i32
    return %arg0, %c0_i32 : i32, i32
  }
  func.func @transform_2(%arg0: i32) -> (i32, i32) {
    %c0_i32 = arith.constant 0 : i32
    %c0_i32_0 = arith.constant 0 : i32
    return %arg0, %c0_i32 : i32, i32
  }
  func.func @transform_3(%arg0: i32) -> (i32, i32) {
    %c0_i32 = arith.constant 0 : i32
    %c0_i32_0 = arith.constant 0 : i32
    %c0_i32_1 = arith.constant 0 : i32
    return %c0_i32, %c0_i32_0 : i32, i32
  }
  func.func @transform_4(%arg0: i32) -> (i32, i32) {
    %c0_i32 = arith.constant 0 : i32
    %c0_i32_0 = arith.constant 0 : i32
    %c0_i32_1 = arith.constant 0 : i32
    return %c0_i32, %c0_i32_0 : i32, i32
  }
  func.func @transform_5(%arg0: i32) -> (i32, i32) {
    %c0_i32 = arith.constant 0 : i32
    %c0_i32_0 = arith.constant 0 : i32
    return %arg0, %c0_i32 : i32, i32
  }
}

</mosaic_0001>

<sc_bundles>
// kernel: kernel.12.cloned.1.call-start
scs
__scs_entry_jumppad:
0x0: {  	(pc) =	sbr.rel $0x88, $3  }
0x1: {  	(tag) =	ssettag $0x0;
	lr =	simm.s32 $0x1  }
0x2: {  	[smem:$0x3F9B] =	sst lr;
	_ =	strace $0xD0000000  }
0x3: {  	_ = 	snop  }
0x4: {  	_ = 	snop  }
0x5: {  	_ = 	snop  }
0x6: {  	_ = 	snop  }
0x7: {  	_ = 	snop  }
__scs_overlays_trampoline_lowered:
0x8: {  	[smem:$0x3FAA] =	sst s0  }
0x9: {  	[smem:$0x3FAB] =	sst s1  }
0xa: {  	[smem:$0x3FAC] =	sst s2  }
0xb: {  	[smem:$0x3FAD] =	sst s3  }
0xc: {  	[smem:$0x3FAE] =	sst s4  }
0xd: {  	[smem:$0x3FAF] =	sst s5  }
0xe: {  	[smem:$0x3FB0] =	sst s6  }
0xf: {  	[smem:$0x3FB1] =	sst s7  }
0x10: {  	[smem:$0x3FB2] =	sst s8  }
0x11: {  	[smem:$0x3FB3] =	sst s9;
	s0 =	simm.s32 @!p0 $0x0  }
0x12: {  	s1 =	sld [smem:$0x3F99];
	s0 =	simm.s32 @p0 $0x1  }
0x13: {  	[smem:$0x3FB4] =	sst s0;
	s0 =	simm.s32 @!p1 $0x0  }
0x14: {  	s2 =	sld [smem:$0x3F98];
	s0 =	simm.s32 @p1 $0x1  }
0x15: {  	[smem:$0x3FB5] =	sst s0;
	s0 =	simm.s32 @!p2 $0x0  }
0x16: {  	s3 =	sld [smem:$0x3FDB];
	s0 =	simm.s32 @p2 $0x1  }
0x17: {  	s4 =	simm.s32 $0x1BF5;
	[smem:$0x3FB7] =	sst s0  }
0x18: {  	s0 =	sld [smem:$0x3F9A];
	_ =	swait.ge [sflag:s4], $0x0  }
0x19: {  	s7 =	sld [smem:$0x3F9B]  }
0x1a: {  	s8 =	sadd.s32 $0xFFFFE003, lr  }
0x1b: {  	s9 =	sadd.s32 $0xFFFFFEF7, lr;
	s5 =	simm.s32 $0xFFFFFFFF;
	p2 =	slt.u32 s8, $0xFFFFF086  }
0x1c: {  	p1 =	slt.u32 s9, $0xF7A;
	s5 =	simm.s32 @!p2 $0x0  }
0x1d: {  	s5 =	simm.s32 @p1 $0x1;
	p0 =	seq.s32 s7, s2  }
0x1e: {  	s7 =	smul.u32 @!p0 $0xF7A, s2;
	p2 =	seq.s32 @!p0 s5, $0x0  }
0x1f: {  	s9 =	smul.u32 $0xF7A, s1;
	s8 =	simm.s32 @!p0 $0x1BF5;
	p2 =	por !p2, p0  }
0x20: {  	[sflag:s8] =	ssyncset.s32 @!p0 $0xFFFFF086;
	s6 =	sadd.s32 @!p0 s3, s7;
	s7 =	simm.s32 @!p0 $0x108  }
0x21: {  	s3 =	sadd.s32 s3, s9;
	s6 =	sadd.s32 @!p0 $0x88, s6;
	s7 =	simm.s32 @p2 $0x1082  }
0x22: {  	[simem:s7], [sflag:s8] =	dma.local @!p0 [hbm:s6], $0xF7A  }
0x23: {  	s9 =	sor.u32 $0xD0000000, s2;
	s6 =	simm.s32 $0x108;
	_ =	swait.ge @!p0 [sflag:s8], $0x0  }
0x24: {  	s3 =	sadd.s32 $0x88, s3;
	s6 =	simm.s32 @!p1 $0x1082;
	[sflag:s4] =	ssyncset.s32 $0xFFFFF086  }
0x25: {  	[simem:s6], [sflag:s4] =	dma.local [hbm:s3], $0xF7A  }
0x26: {  	[smem:$0x3F9B] =	sst s1;
	(tag) =	ssettag s2;
	_ =	strace s9  }
0x27: {  	s1 =	sld [smem:$0x3FAB]  }
0x28: {  	s2 =	sld [smem:$0x3FAC]  }
0x29: {  	s4 =	sld [smem:$0x3FAE]  }
0x2a: {  	p0 =	seq.s32 s5, $0x0;
	s5 =	sld [smem:$0x3FAF]  }
0x2b: {  	s6 =	sld [smem:$0x3FB0]  }
0x2c: {  	s7 =	sld [smem:$0x3FB1]  }
0x2d: {  	s3 =	simm.s32 $0x108;
	s8 =	sld [smem:$0x3FB2]  }
0x2e: {  	s3 =	simm.s32 @!p0 $0x1082;
	s9 =	sld [smem:$0x3FB3]  }
0x2f: {  	lr =	sadd.s32 s0, s3;
	s0 =	sld [smem:$0x3FAA]  }
0x30: {  	s3 =	sld [smem:$0x3FAD]  }
0x31: {  	[smem:$0x3FB6] =	sst s10  }
0x32: {  	s10 =	sld [smem:$0x3FB4];
	_ =	sdelay $0x3  }
0x33: {  	p0 =	seq.s32 s10, $0x1;
	s10 =	sld [smem:$0x3FB6];
	_ =	sdelay $0x3  }
0x34: {  	[smem:$0x3FB6] =	sst s10  }
0x35: {  	s10 =	sld [smem:$0x3FB5];
	_ =	sdelay $0x3  }
0x36: {  	p1 =	seq.s32 s10, $0x1;
	s10 =	sld [smem:$0x3FB6];
	_ =	sdelay $0x3  }
0x37: {  	[smem:$0x3FB6] =	sst s10  }
0x38: {  	s10 =	sld [smem:$0x3FB7]  }
0x39: {  	_ = 	snop;
	(pc) =	sbr.ind lr, $3  }
0x3a: {  	_ = 	snop  }
0x3b: {  	_ = 	snop  }
0x3c: {  	p2 =	seq.s32 s10, $0x1;
	s10 =	sld [smem:$0x3FB6]  }
0x3d: {  	_ =	shalt  }
0x3e: {  	_ =	shalt  }
0x3f: {  	_ =	shalt  }
0x40: {  	_ =	shalt  }
0x41: {  	_ =	shalt  }
0x42: {  	_ =	shalt  }
0x43: {  	_ =	shalt  }
0x44: {  	_ =	shalt  }
0x45: {  	_ =	shalt  }
0x46: {  	_ =	shalt  }
0x47: {  	_ =	shalt  }
0x48: {  	_ =	shalt  }
0x49: {  	_ =	shalt  }
0x4a: {  	_ =	shalt  }
0x4b: {  	_ =	shalt  }
0x4c: {  	_ =	shalt  }
0x4d: {  	_ =	shalt  }
0x4e: {  	_ =	shalt  }
0x4f: {  	_ =	shalt  }
0x50: {  	_ =	shalt  }
0x51: {  	_ =	shalt  }
0x52: {  	_ =	shalt  }
0x53: {  	_ =	shalt  }
0x54: {  	_ =	shalt  }
0x55: {  	_ =	shalt  }
0x56: {  	_ =	shalt  }
0x57: {  	_ =	shalt  }
0x58: {  	_ =	shalt  }
0x59: {  	_ =	shalt  }
0x5a: {  	_ =	shalt  }
0x5b: {  	_ =	shalt  }
0x5c: {  	_ =	shalt  }
0x5d: {  	_ =	shalt  }
0x5e: {  	_ =	shalt  }
0x5f: {  	_ =	shalt  }
0x60: {  	_ =	shalt  }
0x61: {  	_ =	shalt  }
0x62: {  	_ =	shalt  }
0x63: {  	_ =	shalt  }
0x64: {  	_ =	shalt  }
0x65: {  	_ =	shalt  }
0x66: {  	_ =	shalt  }
0x67: {  	_ =	shalt  }
0x68: {  	_ =	shalt  }
0x69: {  	_ =	shalt  }
0x6a: {  	_ =	shalt  }
0x6b: {  	_ =	shalt  }
0x6c: {  	_ =	shalt  }
0x6d: {  	_ =	shalt  }
0x6e: {  	_ =	shalt  }
0x6f: {  	_ =	shalt  }
0x70: {  	_ =	shalt  }
0x71: {  	_ =	shalt  }
0x72: {  	_ =	shalt  }
0x73: {  	_ =	shalt  }
0x74: {  	_ =	shalt  }
0x75: {  	_ =	shalt  }
0x76: {  	_ =	shalt  }
0x77: {  	_ =	shalt  }
0x78: {  	_ =	shalt  }
0x79: {  	_ =	shalt  }
0x7a: {  	_ =	shalt  }
0x7b: {  	_ =	shalt  }
0x7c: {  	_ =	shalt  }
0x7d: {  	_ =	shalt  }
0x7e: {  	_ =	shalt  }
0x7f: {  	_ =	shalt  }
0x80: {  	_ =	shalt  }
0x81: {  	_ =	shalt  }
0x82: {  	_ =	shalt  }
0x83: {  	_ =	shalt  }
0x84: {  	_ =	shalt  }
0x85: {  	_ =	shalt  }
0x86: {  	_ =	shalt  }
0x87: {  	_ =	shalt  }
.Lfunc_end0:
.L_simem_size_0:
called_computation.1_lowered:
.L_overlay_start_0:
0x88: {  	s2 =	sld [smem:$0x3FD9]  }
0x89: {  	s3 =	sld [smem:$0x3FFE];
	_ =	sdelay $0x1  }
0x8a: {  	s1 =	srdreg.scid  }
0x8b: {  	s0 =	sand.u32 $0x1, s1  }
0x8c: {  	s17 =	sshll.u32 s0, $0xA;
	s2 =	sadd.s32 s3, s2  }
0x8d: {  	s2 =	sadd.s32 s2, s17  }
0x8e: {  	[smem:$0x3FC2] =	sst s2  }
0x8f: {  	_ = 	snop  }
0x90: {  	(tm) =	ssettm $0x1  }
0x91: {  	s18 =	sld [smem:$0x3FFB];
	_ =	sdelay $0x3  }
0x92: {  	_ =	strace s18  }
0x93: {  	s2 =	sld [smem:$0x3FFC];
	_ =	sdelay $0x3  }
0x94: {  	_ =	strace s2  }
0x95: {  	s2 =	sld [smem:$0x3FFD];
	_ =	sdelay $0x3  }
0x96: {  	_ =	strace s2  }
0x97: {  	_ =	strace $0x8FFFFFFF  }
0x98: {  	s19 =	sld [smem:$0x3FDB];
	_ =	sdelay $0x1  }
0x99: {  	s20 =	simm.s32 $_scs_section_size  }
0x9a: {  	s4 =	simm.s32 $_size__tile_overlayer_lowered;
	s5 =	simm.s32 $_tile_overlayer_lowered  }
0x9b: {  	s6 =	simm.s32 $0x1BFF;
	s21 =	sshll.u32 s5, $0x1;
	s3 =	sadd.s32 s20, s19  }
0x9c: {  	s22 =	simm.s32 $0x0;
	s4 =	sshll.u32 s4, $0x1;
	s5 =	sadd.s32 s21, s3  }
0x9d: {  	[timem:s22], [sflag:s6] =	dma.local [hbm:s5], s4  }
0x9e: {  	_ =	swait.ge [sflag:s6], s4  }
0x9f: {  	s4 =	ssub.s32 $0x0, s4;
	[sflag:s6] =	ssyncset.done $0x0  }
0xa0: {  	[sflag:s6] =	ssyncadd.s32 s4;
	_ =	sdelay $0x1  }
0xa1: {  	s23 =	simm.s32 $0x1B8B  }
0xa2: {  	_ =	swait.ge [sflag:s23], $0x1  }
0xa3: {  	[sflag:s23] =	ssyncset.done $0x0  }
0xa4: {  	[sflag:s23] =	ssyncadd.s32 $0xFFFFFFFF  }
0xa5: {  	s4 =	sld [smem:$0x0]  }
0xa6: {  	s5 =	sand.u32 $0xFFFFFFFE, s1  }
0xa7: {  	p0 =	sne.s32 s1, s5  }
0xa8: {  	s5 =	sshll.u32 @p0 s5, $0xE  }
0xa9: {  	s5 =	sadd.s32 @p0 $0x11B8D, s5;
	s6 =	sshll.u32 @p0 s4, $0x11  }
0xaa: {  	s5 =	sor.u32 @p0 s6, s5  }
0xab: {  	[sflag:s5] =	ssyncadd.remote.s32 @p0 $0x1;
	_ =	sdelay $0x1  }
0xac: {  	s5 =	simm.s32 @p0 $0x1B8D  }
0xad: {  	_ =	swait.eq @p0 [sflag:s5], $0x1  }
0xae: {  	[sflag:s5] =	ssyncadd.s32 @p0 $0xFFFFFFFF  }
0xaf: {  	s6 =	sshll.u32 @!p0 s1, $0xE  }
0xb0: {  	s6 =	sor.u32 @!p0 $0x4000, s6;
	s5 =	simm.s32 @!p0 $0x1B8D  }
0xb1: {  	s4 =	sshll.u32 @!p0 s4, $0x11;
	s6 =	sadd.s32 @!p0 $0x11B8D, s6;
	_ =	swait.eq @!p0 [sflag:s5], $0x1  }
0xb2: {  	s4 =	sor.u32 @!p0 s4, s6;
	[sflag:s5] =	ssyncadd.s32 @!p0 $0xFFFFFFFF  }
0xb3: {  	s25 =	simm.s32 $0x1B8E;
	s24 =	sld [smem:$0x3FFE];
	[sflag:s4] =	ssyncadd.remote.s32 @!p0 $0x1  }
0xb4: {  	s26 =	simm.s32 $execute0_lowered;
	[smem:$0x3FD2] =	sst s25  }
0xb5: {  	s5 =	sshll.u32 s26, $0x1;
	_ =	strace $0x80000049;
	[dreg:$0x1] =	wrdreg $0xFFFFFFFF  }
0xb6: {  	s28 =	simm.s32 $_size_execute0_lowered;
	s3 =	sadd.s32 s3, s5;
	[dreg:$0x0] =	wrdreg $0x0  }
0xb7: {  	s5 =	sshll.u32 s28, $0x1;
	[dreg:$0x2] =	wrdreg s3  }
0xb8: {  	[dreg:$0x3] =	wrdreg s5  }
0xb9: {  	[dreg:$0x4] =	wrdreg $0xC0  }
0xba: {  	_ =	task [dreg:s22], $0x5FFFF  }
0xbb: {  	[dreg:$0x1] =	wrdreg $0xFFFFFFFF  }
0xbc: {  	[dreg:$0x0] =	wrdreg $0x60  }
0xbd: {  	[dreg:$0x2] =	wrdreg s24  }
0xbe: {  	[dreg:$0x3] =	wrdreg $0x68000  }
0xbf: {  	[dreg:$0x4] =	wrdreg $0x9  }
0xc0: {  	_ =	task.clear_ibuf [dreg:s22], $0x5FFFF;
	_ =	strace $0x90000049  }
0xc1: {  	s29 =	simm.s32 $0x9;
	_ =	strace $0x8000004B  }
0xc2: {  	_ =	swait.ge [sflag:s29], $0x1  }
0xc3: {  	[sflag:s29] =	ssyncadd.s32 $0xFFFFFFFF  }
0xc4: {  	_ =	strace $0x9000004B  }
0xc5: {  	_ =	sfence  }
0xc6: {  	s30 =	sld [smem:$0x0];
	_ =	sdelay $0x2  }
0xc7: {  	s31 =	sshll.u32 s1, $0xD;
	s1 =	sshrl.u32 s1, $0x2  }
0xc8: {  	s4 =	sand.u32 $0x4000, s31;
	s1 =	sadd.s32 s1, s30  }
0xc9: {  	s0 =	sor.u32 s4, s0;
	s1 =	sshll.u32 s1, $0x11  }
0xca: {  	s0 =	sor.u32 s1, s0  }
0xcb: {  	s0 =	sadd.s32 $0x8F2B, s0  }
0xcc: {  	[sflag:s0] =	ssyncadd.remote.s32 $0x1  }
0xcd: {  	_ =	sfence.sel $0xFFFF  }
0xce: {  	[dreg:$0x0] =	wrdreg $0xFFFFFFFF;
	(pc) =	sbr.abs _section_cstart, $3  }
0xcf: {  	[dreg:$0x1] =	wrdreg $0xFFFFFFFF  }
0xd0: {  	_ =	task.clear_ibuf [dreg:s22], $0x2FFFF;
	_ =	strace $0x9FFFFFFF  }
0xd1: {  	(tm) =	ssettm $0x7FFFFFFF  }
tec
execute0_lowered:
.L_overlay_start_1:
0x0: {  	(tag) =	ssettag $0x1  }
0x1: {  	s1 =	srdreg.scid;
	s5 =	rddreg [dreg:$0x0]  }
0x2: {  	s0 =	stileid.u32;
	s2 =	rddreg [dreg:$0x1];
	s3 =	simm.s32 $0x0  }
0x3: {  	s13 =	simm.s32 $0x5;
	s14 =	simm.s32 $0x80;
	s15 =	simm.s32 $0x100  }
0x4: {  	s16 =	simm.s32 $0x180;
	s17 =	simm.s32 $0x1;
	s18 =	simm.s32 $0x2  }
0x5: {  	s19 =	simm.s32 $0x3;
	s20 =	simm.s32 $0x4;
	s8 =	smul.u32 $0x14000, s0  }
0x6: {  	s4 =	sand.u32 $0x1, s1;
	s26 =	sshll.u32 s0, $0x1;
	s9 =	smul.u32 $0x50000, s0  }
0x7: {  	s21 =	simm.s32 $0x0;
	s1 =	sor.u32 s4, s26;
	s7 =	smul.u32 $0x140000, s4  }
0x8: {  	[smem:$0x7FF] =	sst s3;
	s29 =	ssub.s32 $0x2, s4;
	s6 =	smul.u32 $0x500, s1  }
0x9: {  	s1 =	rddreg [dreg:$0x2];
	_ =	strace $0x8000004A;
	s30 =	sshrl.u32 s9, $0x2  }
0xa: {  	s31 =	sshrl.u32 s29, $0x1;
	s28 =	sadd.s32 s8, s7;
	s4 =	sadd.s32 s30, s2  }
0xb: {  	s12 =	ssub.s32 s29, s31;
	s10 =	sadd.s32 s6, s5;
	s6 =	sshrl.u32 s28, $0x3  }
0xc: {  	s7 =	sadd.s32 $0xC000, s4;
	s8 =	sadd.s32 $0x10000, s4;
	s11 =	sadd.s32 s6, s5  }
0xd: {  	s5 =	sadd.s32 $0x4000, s4;
	s6 =	sadd.s32 $0x8000, s4;
	s9 =	sadd.s32 $0x2400, s10  }
0xe: {  	v0 =	vimm.f32 $0.0e+00;
	v1 =	vimm.f32 $1.000000000e+00;
	s10 =	sadd.s32 $0x5C400, s11;
	s11 =	smax.u32 s12, $0x1;
	s12 =	simm.s32 $0x2800  }
.LBB2_1:
0xf: {  	s22 =	simm.s32 $0x0;
	s23 =	simm.s32 $0x200  }
.LBB2_2:
0x10: {  	p0 =	sne.s32 s23, $0xFE00;
	[tilespmem:s22+$0x2870] =	vst v0  }
0x11: {  	[tilespmem:s22+$0x2800] =	vst v0  }
0x12: {  	[tilespmem:s22+$0x2810] =	vst v0  }
.Ltmp0:
0x13: {  	[tilespmem:s22+$0x2820] =	vst v0;
	(pc) =	sbr.rel @p0 .LBB2_2-.Ltmp0, $4  }
0x14: {  	[tilespmem:s22+$0x2830] =	vst v0  }
0x15: {  	[tilespmem:s22+$0x2840] =	vst v0  }
0x16: {  	[tilespmem:s22+$0x2850] =	vst v0  }
0x17: {  	[tilespmem:s22+$0x2860] =	vst v0;
	s22 =	sshra.s32 s23, $0x2;
	s23 =	sadd.s32 $0x200, s23  }
0x18: {  	[tilespmem:s22+$0x2870] =	vst v0  }
0x19: {  	[tilespmem:s22+$0x2800] =	vst v0  }
0x1a: {  	[tilespmem:s22+$0x2810] =	vst v0  }
0x1b: {  	[tilespmem:s22+$0x2820] =	vst v0  }
0x1c: {  	[tilespmem:s22+$0x2830] =	vst v0  }
0x1d: {  	[tilespmem:s22+$0x2840] =	vst v0  }
0x1e: {  	[tilespmem:s22+$0x2850] =	vst v0  }
0x1f: {  	[tilespmem:s22+$0x2860] =	vst v0  }
0x20: {  	[spmem:s4] =	stream.linear.scatter [tilespmem:s12], [sflag:$0x5], $0x4000, $0x38;
	[tilespmem:$0x1A800] =	vst v63  }
0x21: {  	_ =	swait.ge [sflag:s13], $0x4000  }
0x22: {  	[sflag:s13] =	ssyncset.done $0x0  }
0x23: {  	[sflag:s13] =	ssyncadd.s32 $0xFFFFC000  }
0x24: {  	[spmem:s5] =	stream.linear.scatter [tilespmem:s12], [sflag:$0x5], $0x4000, $0x38;
	[tilespmem:$0x1A800] =	vst v63  }
0x25: {  	_ =	swait.ge [sflag:s13], $0x4000  }
0x26: {  	[sflag:s13] =	ssyncset.done $0x0  }
0x27: {  	[sflag:s13] =	ssyncadd.s32 $0xFFFFC000  }
0x28: {  	[spmem:s6] =	stream.linear.scatter [tilespmem:s12], [sflag:$0x5], $0x4000, $0x38;
	[tilespmem:$0x1A800] =	vst v63  }
0x29: {  	_ =	swait.ge [sflag:s13], $0x4000  }
0x2a: {  	[sflag:s13] =	ssyncset.done $0x0  }
0x2b: {  	[sflag:s13] =	ssyncadd.s32 $0xFFFFC000  }
0x2c: {  	[spmem:s7] =	stream.linear.scatter [tilespmem:s12], [sflag:$0x5], $0x4000, $0x38;
	[tilespmem:$0x1A800] =	vst v63  }
0x2d: {  	_ =	swait.ge [sflag:s13], $0x4000  }
0x2e: {  	[sflag:s13] =	ssyncset.done $0x0  }
0x2f: {  	[sflag:s13] =	ssyncadd.s32 $0xFFFFC000  }
0x30: {  	[spmem:s8] =	stream.linear.scatter [tilespmem:s12], [sflag:$0x5], $0x4000, $0x38;
	[tilespmem:$0x1A800] =	vst v63  }
0x31: {  	_ =	swait.ge [sflag:s13], $0x4000  }
0x32: {  	[sflag:s13] =	ssyncset.done $0x0  }
0x33: {  	s22 =	simm.s32 $0x0;
	s23 =	simm.s32 $0x200;
	[sflag:s13] =	ssyncadd.s32 $0xFFFFC000  }
.LBB2_4:
0x34: {  	p0 =	sne.s32 s23, $0xFE00;
	[tilespmem:s22+$0x2870] =	vst v1  }
0x35: {  	[tilespmem:s22+$0x2800] =	vst v1  }
0x36: {  	[tilespmem:s22+$0x2810] =	vst v1  }
.Ltmp1:
0x37: {  	[tilespmem:s22+$0x2820] =	vst v1;
	(pc) =	sbr.rel @p0 .LBB2_4-.Ltmp1, $4  }
0x38: {  	[tilespmem:s22+$0x2830] =	vst v1  }
0x39: {  	[tilespmem:s22+$0x2840] =	vst v1  }
0x3a: {  	[tilespmem:s22+$0x2850] =	vst v1  }
0x3b: {  	[tilespmem:s22+$0x2860] =	vst v1;
	s22 =	sshra.s32 s23, $0x2;
	s23 =	sadd.s32 $0x200, s23  }
0x3c: {  	[tilespmem:s22+$0x2870] =	vst v1  }
0x3d: {  	[tilespmem:s22+$0x2800] =	vst v1  }
0x3e: {  	[tilespmem:s22+$0x2810] =	vst v1  }
0x3f: {  	[tilespmem:s22+$0x2820] =	vst v1  }
0x40: {  	[tilespmem:s22+$0x2830] =	vst v1  }
0x41: {  	[tilespmem:s22+$0x2840] =	vst v1  }
0x42: {  	[tilespmem:s22+$0x2850] =	vst v1  }
0x43: {  	[tilespmem:s22+$0x2860] =	vst v1  }
0x44: {  	[bflag:$0x0] =	sbarrier.arrive $0xFFFF  }
0x45: {  	[tilespmem:s3], [sflag:$0x5] =	stream.linear.gather [hbm4b:s9+s3], $0x2800, $0x38;
	[tilespmem:$0x1A800] =	vst v63  }
0x46: {  	_ =	swait.ge [sflag:s13], $0x2800  }
0x47: {  	[sflag:s13] =	ssyncset.done $0x0  }
0x48: {  	[sflag:s13] =	ssyncadd.s32 $0xFFFFD800  }
0x49: {  	[spmem:s2] =	stream.indirect.scatter.add.f32 [tilespmem:s12], [sflag:$0x1], $0x80, s3, s14, $0xb8;
	[tilespmem:$0x1A800] =	vst v63  }
0x4a: {  	s31 =	simm.s32 $0x4  }
0x4b: {  	[spmem:s2] =	stream.indirect.scatter.add.f32 [tilespmem:s12], [sflag:$0x2], $0x80, s14, s14, $0xb8;
	[tilespmem:$0x1A800] =	vst v63  }
0x4c: {  	s22 =	sand.u32 $0x3, s31  }
0x4d: {  	[spmem:s2] =	stream.indirect.scatter.add.f32 [tilespmem:s12], [sflag:$0x3], $0x80, s15, s14, $0xb8;
	[tilespmem:$0x1A800] =	vst v63  }
0x4e: {  	s23 =	sadd.s32 $0x1, s22  }
0x4f: {  	[spmem:s2] =	stream.indirect.scatter.add.f32 [tilespmem:s12], [sflag:$0x4], $0x80, s16, s14, $0xb8;
	[tilespmem:$0x1A800] =	vst v63  }
0x50: {  	_ =	swait.ge [sflag:s23], $0x4000  }
0x51: {  	s24 =	simm.s32 $0x5;
	[sflag:s23] =	ssyncset.done $0x0  }
0x52: {  	s24 =	sand.u32 $0x3, s24;
	s22 =	simm.s32 $0x200;
	[sflag:s23] =	ssyncadd.s32 $0xFFFFC000  }
0x53: {  	[spmem:s2] =	stream.indirect.scatter.add.f32 [tilespmem:s12], [sflag:s23], $0x80, s22, s14, $0xb8;
	[tilespmem:$0x1A800] =	vst v63  }
0x54: {  	s23 =	sadd.s32 $0x1, s24  }
0x55: {  	s24 =	simm.s32 $0x6;
	_ =	swait.ge [sflag:s23], $0x4000  }
.LBB2_6:
0x56: {  	s25 =	sand.u32 $0x3, s24  }
0x57: {  	[sflag:s23] =	ssyncset.done $0x0;
	s22 =	sadd.s32 $0x80, s22;
	p0 =	sne.s32 s24, $0x4F  }
.Ltmp2:
0x58: {  	s25 =	sadd.s32 $0x1, s25;
	[sflag:s23] =	ssyncadd.s32 $0xFFFFC000;
	(pc) =	sbr.rel @p0 .LBB2_6-.Ltmp2, $3  }
0x59: {  	[spmem:s2] =	stream.indirect.scatter.add.f32 [tilespmem:s12], [sflag:s23], $0x80, s22, s14, $0xb8;
	[tilespmem:$0x1A800] =	vst v63  }
0x5a: {  	s23 =	smov.u32 s25;
	_ =	swait.ge [sflag:s25], $0x4000;
	_ =	sdelay $0x1  }
0x5b: {  	s24 =	sadd.s32 $0x1, s24  }
0x5c: {  	[sflag:s23] =	ssyncset.done $0x0  }
0x5d: {  	s22 =	sadd.s32 $0x80, s22;
	[sflag:s23] =	ssyncadd.s32 $0xFFFFC000  }
0x5e: {  	[spmem:s2] =	stream.indirect.scatter.add.f32 [tilespmem:s12], [sflag:s23], $0x80, s22, s14, $0xb8;
	[tilespmem:$0x1A800] =	vst v63  }
0x5f: {  	_ =	swait.ge [sflag:s17], $0x4000  }
0x60: {  	[sflag:s17] =	ssyncset.done $0x0  }
0x61: {  	[sflag:s17] =	ssyncadd.s32 $0xFFFFC000  }
0x62: {  	_ =	swait.ge [sflag:s18], $0x4000  }
0x63: {  	[sflag:s18] =	ssyncset.done $0x0  }
0x64: {  	[sflag:s18] =	ssyncadd.s32 $0xFFFFC000  }
0x65: {  	_ =	swait.ge [sflag:s19], $0x4000  }
0x66: {  	[sflag:s19] =	ssyncset.done $0x0  }
0x67: {  	[sflag:s19] =	ssyncadd.s32 $0xFFFFC000  }
0x68: {  	_ =	swait.ge [sflag:s20], $0x4000  }
0x69: {  	s30 =	sshll.u32 s0, $0x6;
	s21 =	sadd.s32 $0x1, s21;
	[sflag:s20] =	ssyncset.done $0x0  }
0x6a: {  	s31 =	sshrl.u32 s4, $0x3;
	p0 =	sne.s32 s21, s11;
	[sflag:s20] =	ssyncadd.s32 $0xFFFFC000  }
.Ltmp3:
0x6b: {  	s22 =	sor.u32 $0x1C05, s30;
	[bflag:$0x0] =	sbarrier.arrive $0xFFFF;
	(pc) =	sbr.rel @p0 .LBB2_1-.Ltmp3, $4  }
0x6c: {  	[hbm:s10], [sflag:s22] =	dma.local [spmem:s31], $0x2800  }
0x6d: {  	_ =	swait.ge [sflag:s13], $0x2800  }
0x6e: {  	[sflag:s13] =	ssyncset.done $0x0  }
0x6f: {  	[sflag:s13] =	ssyncadd.s32 $0xFFFFD800  }
0x70: {  	_ =	sfence.sel $0x180000  }
0x71: {  	[bflag:$0x0] =	sbarrier.arrive $0xFFFF  }
0x72: {  	p0 =	sne.s32 s0, $0x0;
	_ =	strace $0x9000004A  }
0x73: {  	s0 =	sadd.s32 @!p0 $0x100000, s1;
	[bflag:$0x2] =	sbarrier.arrive $0xFFFF  }
0x74: {  	[sflag:s0] =	ssyncadd.tile.s32 @!p0 $0x1;
	_ =	shalt  }
.Lfunc_end2:
_tile_overlayer_lowered:
.L_overlay_start_2:
0x75: {  	(tag) =	ssettag $0x2  }
0x76: {  	s0 =	rddreg [dreg:$0x0];
	s2 =	stileid.u32  }
0x77: {  	s1 =	rddreg [dreg:$0x1];
	p0 =	sne.s32 s2, $0x0  }
0x78: {  	s3 =	rddreg [dreg:$0x2];
	[bflag:$0x3] =	sbarrier.arrive $0xFFFF;
	s2 =	simm.s32 @!p0 $0x1C05  }
0x79: {  	[timem:s3], [sflag:s2] =	dma.local @!p0 [hbm:s0], s1  }
0x7a: {  	s0 =	simm.s32 @!p0 $0x5  }
0x7b: {  	_ =	swait.ge @!p0 [sflag:s0], s1  }
0x7c: {  	s1 =	ssub.s32 @!p0 $0x0, s1;
	[sflag:s0] =	ssyncset.done @!p0 $0x0  }
0x7d: {  	[sflag:s0] =	ssyncadd.s32 @!p0 s1  }
0x7e: {  	[bflag:$0x3] =	sbarrier.arrive $0xFFFF  }
0x7f: {  	_ =	shalt  }

// kernel: kernel.15.cloned.1.call-start
scs
__scs_entry_jumppad:
0x0: {  	(pc) =	sbr.rel $0x88, $3  }
0x1: {  	(tag) =	ssettag $0x0;
	lr =	simm.s32 $0x1  }
0x2: {  	[smem:$0x3F9B] =	sst lr;
	_ =	strace $0xD0000000  }
0x3: {  	_ = 	snop  }
0x4: {  	_ = 	snop  }
0x5: {  	_ = 	snop  }
0x6: {  	_ = 	snop  }
0x7: {  	_ = 	snop  }
__scs_overlays_trampoline_lowered:
0x8: {  	[smem:$0x3FAA] =	sst s0  }
0x9: {  	[smem:$0x3FAB] =	sst s1  }
0xa: {  	[smem:$0x3FAC] =	sst s2  }
0xb: {  	[smem:$0x3FAD] =	sst s3  }
0xc: {  	[smem:$0x3FAE] =	sst s4  }
0xd: {  	[smem:$0x3FAF] =	sst s5  }
0xe: {  	[smem:$0x3FB0] =	sst s6  }
0xf: {  	[smem:$0x3FB1] =	sst s7  }
0x10: {  	[smem:$0x3FB2] =	sst s8  }
0x11: {  	[smem:$0x3FB3] =	sst s9;
	s0 =	simm.s32 @!p0 $0x0  }
0x12: {  	s1 =	sld [smem:$0x3F99];
	s0 =	simm.s32 @p0 $0x1  }
0x13: {  	[smem:$0x3FB4] =	sst s0;
	s0 =	simm.s32 @!p1 $0x0  }
0x14: {  	s2 =	sld [smem:$0x3F98];
	s0 =	simm.s32 @p1 $0x1  }
0x15: {  	[smem:$0x3FB5] =	sst s0;
	s0 =	simm.s32 @!p2 $0x0  }
0x16: {  	s3 =	sld [smem:$0x3FDB];
	s0 =	simm.s32 @p2 $0x1  }
0x17: {  	s4 =	simm.s32 $0x1BF5;
	[smem:$0x3FB7] =	sst s0  }
0x18: {  	s0 =	sld [smem:$0x3F9A];
	_ =	swait.ge [sflag:s4], $0x0  }
0x19: {  	s7 =	sld [smem:$0x3F9B]  }
0x1a: {  	s8 =	sadd.s32 $0xFFFFE003, lr  }
0x1b: {  	s9 =	sadd.s32 $0xFFFFFEF7, lr;
	s5 =	simm.s32 $0xFFFFFFFF;
	p2 =	slt.u32 s8, $0xFFFFF086  }
0x1c: {  	p1 =	slt.u32 s9, $0xF7A;
	s5 =	simm.s32 @!p2 $0x0  }
0x1d: {  	s5 =	simm.s32 @p1 $0x1;
	p0 =	seq.s32 s7, s2  }
0x1e: {  	s7 =	smul.u32 @!p0 $0xF7A, s2;
	p2 =	seq.s32 @!p0 s5, $0x0  }
0x1f: {  	s9 =	smul.u32 $0xF7A, s1;
	s8 =	simm.s32 @!p0 $0x1BF5;
	p2 =	por !p2, p0  }
0x20: {  	[sflag:s8] =	ssyncset.s32 @!p0 $0xFFFFF086;
	s6 =	sadd.s32 @!p0 s3, s7;
	s7 =	simm.s32 @!p0 $0x108  }
0x21: {  	s3 =	sadd.s32 s3, s9;
	s6 =	sadd.s32 @!p0 $0x88, s6;
	s7 =	simm.s32 @p2 $0x1082  }
0x22: {  	[simem:s7], [sflag:s8] =	dma.local @!p0 [hbm:s6], $0xF7A  }
0x23: {  	s9 =	sor.u32 $0xD0000000, s2;
	s6 =	simm.s32 $0x108;
	_ =	swait.ge @!p0 [sflag:s8], $0x0  }
0x24: {  	s3 =	sadd.s32 $0x88, s3;
	s6 =	simm.s32 @!p1 $0x1082;
	[sflag:s4] =	ssyncset.s32 $0xFFFFF086  }
0x25: {  	[simem:s6], [sflag:s4] =	dma.local [hbm:s3], $0xF7A  }
0x26: {  	[smem:$0x3F9B] =	sst s1;
	(tag) =	ssettag s2;
	_ =	strace s9  }
0x27: {  	s1 =	sld [smem:$0x3FAB]  }
0x28: {  	s2 =	sld [smem:$0x3FAC]  }
0x29: {  	s4 =	sld [smem:$0x3FAE]  }
0x2a: {  	p0 =	seq.s32 s5, $0x0;
	s5 =	sld [smem:$0x3FAF]  }
0x2b: {  	s6 =	sld [smem:$0x3FB0]  }
0x2c: {  	s7 =	sld [smem:$0x3FB1]  }
0x2d: {  	s3 =	simm.s32 $0x108;
	s8 =	sld [smem:$0x3FB2]  }
0x2e: {  	s3 =	simm.s32 @!p0 $0x1082;
	s9 =	sld [smem:$0x3FB3]  }
0x2f: {  	lr =	sadd.s32 s0, s3;
	s0 =	sld [smem:$0x3FAA]  }
0x30: {  	s3 =	sld [smem:$0x3FAD]  }
0x31: {  	[smem:$0x3FB6] =	sst s10  }
0x32: {  	s10 =	sld [smem:$0x3FB4];
	_ =	sdelay $0x3  }
0x33: {  	p0 =	seq.s32 s10, $0x1;
	s10 =	sld [smem:$0x3FB6];
	_ =	sdelay $0x3  }
0x34: {  	[smem:$0x3FB6] =	sst s10  }
0x35: {  	s10 =	sld [smem:$0x3FB5];
	_ =	sdelay $0x3  }
0x36: {  	p1 =	seq.s32 s10, $0x1;
	s10 =	sld [smem:$0x3FB6];
	_ =	sdelay $0x3  }
0x37: {  	[smem:$0x3FB6] =	sst s10  }
0x38: {  	s10 =	sld [smem:$0x3FB7]  }
0x39: {  	_ = 	snop;
	(pc) =	sbr.ind lr, $3  }
0x3a: {  	_ = 	snop  }
0x3b: {  	_ = 	snop  }
0x3c: {  	p2 =	seq.s32 s10, $0x1;
	s10 =	sld [smem:$0x3FB6]  }
0x3d: {  	_ =	shalt  }
0x3e: {  	_ =	shalt  }
0x3f: {  	_ =	shalt  }
0x40: {  	_ =	shalt  }
0x41: {  	_ =	shalt  }
0x42: {  	_ =	shalt  }
0x43: {  	_ =	shalt  }
0x44: {  	_ =	shalt  }
0x45: {  	_ =	shalt  }
0x46: {  	_ =	shalt  }
0x47: {  	_ =	shalt  }
0x48: {  	_ =	shalt  }
0x49: {  	_ =	shalt  }
0x4a: {  	_ =	shalt  }
0x4b: {  	_ =	shalt  }
0x4c: {  	_ =	shalt  }
0x4d: {  	_ =	shalt  }
0x4e: {  	_ =	shalt  }
0x4f: {  	_ =	shalt  }
0x50: {  	_ =	shalt  }
0x51: {  	_ =	shalt  }
0x52: {  	_ =	shalt  }
0x53: {  	_ =	shalt  }
0x54: {  	_ =	shalt  }
0x55: {  	_ =	shalt  }
0x56: {  	_ =	shalt  }
0x57: {  	_ =	shalt  }
0x58: {  	_ =	shalt  }
0x59: {  	_ =	shalt  }
0x5a: {  	_ =	shalt  }
0x5b: {  	_ =	shalt  }
0x5c: {  	_ =	shalt  }
0x5d: {  	_ =	shalt  }
0x5e: {  	_ =	shalt  }
0x5f: {  	_ =	shalt  }
0x60: {  	_ =	shalt  }
0x61: {  	_ =	shalt  }
0x62: {  	_ =	shalt  }
0x63: {  	_ =	shalt  }
0x64: {  	_ =	shalt  }
0x65: {  	_ =	shalt  }
0x66: {  	_ =	shalt  }
0x67: {  	_ =	shalt  }
0x68: {  	_ =	shalt  }
0x69: {  	_ =	shalt  }
0x6a: {  	_ =	shalt  }
0x6b: {  	_ =	shalt  }
0x6c: {  	_ =	shalt  }
0x6d: {  	_ =	shalt  }
0x6e: {  	_ =	shalt  }
0x6f: {  	_ =	shalt  }
0x70: {  	_ =	shalt  }
0x71: {  	_ =	shalt  }
0x72: {  	_ =	shalt  }
0x73: {  	_ =	shalt  }
0x74: {  	_ =	shalt  }
0x75: {  	_ =	shalt  }
0x76: {  	_ =	shalt  }
0x77: {  	_ =	shalt  }
0x78: {  	_ =	shalt  }
0x79: {  	_ =	shalt  }
0x7a: {  	_ =	shalt  }
0x7b: {  	_ =	shalt  }
0x7c: {  	_ =	shalt  }
0x7d: {  	_ =	shalt  }
0x7e: {  	_ =	shalt  }
0x7f: {  	_ =	shalt  }
0x80: {  	_ =	shalt  }
0x81: {  	_ =	shalt  }
0x82: {  	_ =	shalt  }
0x83: {  	_ =	shalt  }
0x84: {  	_ =	shalt  }
0x85: {  	_ =	shalt  }
0x86: {  	_ =	shalt  }
0x87: {  	_ =	shalt  }
.Lfunc_end0:
.L_simem_size_0:
called_computation.2_lowered:
.L_overlay_start_0:
0x88: {  	s2 =	sld [smem:$0x3FD9]  }
0x89: {  	s3 =	sld [smem:$0x3FFE];
	_ =	sdelay $0x1  }
0x8a: {  	s1 =	srdreg.scid  }
0x8b: {  	s0 =	sand.u32 $0x1, s1  }
0x8c: {  	s17 =	sshll.u32 s0, $0xA;
	s2 =	sadd.s32 s3, s2  }
0x8d: {  	s2 =	sadd.s32 s2, s17  }
0x8e: {  	[smem:$0x3FC2] =	sst s2  }
0x8f: {  	_ = 	snop  }
0x90: {  	s18 =	sld [smem:$0x3FD0];
	(tm) =	ssettm $0x1  }
0x91: {  	s19 =	sld [smem:$0x3FFB];
	_ =	sdelay $0x3  }
0x92: {  	_ =	strace s19  }
0x93: {  	s2 =	sld [smem:$0x3FFC];
	_ =	sdelay $0x3  }
0x94: {  	_ =	strace s2  }
0x95: {  	s2 =	sld [smem:$0x3FFD];
	_ =	sdelay $0x3  }
0x96: {  	_ =	strace s2  }
0x97: {  	_ =	strace $0x8FFFFFFF  }
0x98: {  	s20 =	sld [smem:$0x3FDB];
	_ =	sdelay $0x1  }
0x99: {  	s4 =	simm.s32 $_scs_section_size  }
0x9a: {  	s5 =	simm.s32 $_size__tile_overlayer_lowered;
	s6 =	simm.s32 $_tile_overlayer_lowered  }
0x9b: {  	s7 =	simm.s32 $0x1BFF;
	s21 =	sshll.u32 s6, $0x1;
	s4 =	sadd.s32 s4, s20  }
0x9c: {  	s22 =	simm.s32 $0x0;
	s5 =	sshll.u32 s5, $0x1;
	s6 =	sadd.s32 s21, s4  }
0x9d: {  	[timem:s22], [sflag:s7] =	dma.local [hbm:s6], s5  }
0x9e: {  	_ =	swait.ge [sflag:s7], s5  }
0x9f: {  	s5 =	ssub.s32 $0x0, s5;
	[sflag:s7] =	ssyncset.done $0x0  }
0xa0: {  	[sflag:s7] =	ssyncadd.s32 s5;
	_ =	sdelay $0x1  }
0xa1: {  	s23 =	simm.s32 $0x1B8B  }
0xa2: {  	_ =	swait.ge [sflag:s23], $0x1  }
0xa3: {  	[sflag:s23] =	ssyncset.done $0x0  }
0xa4: {  	[sflag:s23] =	ssyncadd.s32 $0xFFFFFFFF  }
0xa5: {  	s5 =	sld [smem:$0x0]  }
0xa6: {  	s6 =	sand.u32 $0xFFFFFFFE, s1  }
0xa7: {  	p0 =	sne.s32 s1, s6  }
0xa8: {  	s6 =	sshll.u32 @p0 s6, $0xE  }
0xa9: {  	s6 =	sadd.s32 @p0 $0x11B8D, s6;
	s7 =	sshll.u32 @p0 s5, $0x11  }
0xaa: {  	s6 =	sor.u32 @p0 s7, s6  }
0xab: {  	[sflag:s6] =	ssyncadd.remote.s32 @p0 $0x1;
	_ =	sdelay $0x1  }
0xac: {  	s6 =	simm.s32 @p0 $0x1B8D  }
0xad: {  	_ =	swait.eq @p0 [sflag:s6], $0x1  }
0xae: {  	[sflag:s6] =	ssyncadd.s32 @p0 $0xFFFFFFFF  }
0xaf: {  	s7 =	sshll.u32 @!p0 s1, $0xE  }
0xb0: {  	s7 =	sor.u32 @!p0 $0x4000, s7;
	s6 =	simm.s32 @!p0 $0x1B8D  }
0xb1: {  	s5 =	sshll.u32 @!p0 s5, $0x11;
	s7 =	sadd.s32 @!p0 $0x11B8D, s7;
	_ =	swait.eq @!p0 [sflag:s6], $0x1  }
0xb2: {  	s5 =	sor.u32 @!p0 s5, s7;
	[sflag:s6] =	ssyncadd.s32 @!p0 $0xFFFFFFFF  }
0xb3: {  	s25 =	simm.s32 $0x1B8E;
	s24 =	sld [smem:$0x3FFE];
	[sflag:s5] =	ssyncadd.remote.s32 @!p0 $0x1  }
0xb4: {  	s26 =	simm.s32 $execute0_lowered;
	[smem:$0x3FD2] =	sst s25  }
0xb5: {  	s6 =	sshll.u32 s26, $0x1;
	_ =	strace $0x8000004C;
	[dreg:$0x1] =	wrdreg $0xFFFFFFFF  }
0xb6: {  	s28 =	simm.s32 $_size_execute0_lowered;
	s4 =	sadd.s32 s4, s6;
	[dreg:$0x0] =	wrdreg $0x0  }
0xb7: {  	s6 =	sshll.u32 s28, $0x1;
	[dreg:$0x2] =	wrdreg s4  }
0xb8: {  	[dreg:$0x3] =	wrdreg s6  }
0xb9: {  	[dreg:$0x4] =	wrdreg $0xC0  }
0xba: {  	_ =	task [dreg:s22], $0x5FFFF  }
0xbb: {  	[dreg:$0x1] =	wrdreg $0xFFFFFFFF  }
0xbc: {  	[dreg:$0x0] =	wrdreg $0x60  }
0xbd: {  	[dreg:$0x2] =	wrdreg s18  }
0xbe: {  	[dreg:$0x3] =	wrdreg s24  }
0xbf: {  	[dreg:$0x4] =	wrdreg $0xA0000  }
0xc0: {  	[dreg:$0x5] =	wrdreg $0xA  }
0xc1: {  	_ =	task.clear_ibuf [dreg:s22], $0x6FFFF;
	_ =	strace $0x9000004C  }
0xc2: {  	s29 =	simm.s32 $0xA;
	_ =	strace $0x8000004E  }
0xc3: {  	_ =	swait.ge [sflag:s29], $0x1  }
0xc4: {  	[sflag:s29] =	ssyncadd.s32 $0xFFFFFFFF  }
0xc5: {  	_ =	strace $0x9000004E  }
0xc6: {  	_ =	sfence  }
0xc7: {  	s30 =	sld [smem:$0x0];
	_ =	sdelay $0x2  }
0xc8: {  	s31 =	sshll.u32 s1, $0xD;
	s1 =	sshrl.u32 s1, $0x2  }
0xc9: {  	s4 =	sand.u32 $0x4000, s31;
	s1 =	sadd.s32 s1, s30  }
0xca: {  	s0 =	sor.u32 s4, s0;
	s1 =	sshll.u32 s1, $0x11  }
0xcb: {  	s0 =	sor.u32 s1, s0  }
0xcc: {  	s0 =	sadd.s32 $0x8F2B, s0  }
0xcd: {  	[sflag:s0] =	ssyncadd.remote.s32 $0x1  }
0xce: {  	_ =	sfence.sel $0xFFFF  }
0xcf: {  	[dreg:$0x0] =	wrdreg $0xFFFFFFFF;
	(pc) =	sbr.abs _section_cstart, $3  }
0xd0: {  	[dreg:$0x1] =	wrdreg $0xFFFFFFFF  }
0xd1: {  	_ =	task.clear_ibuf [dreg:s22], $0x2FFFF;
	_ =	strace $0x9FFFFFFF  }
0xd2: {  	(tm) =	ssettm $0x7FFFFFFF  }
0xd3: {  	_ =	shalt  }
tec
execute0_lowered:
.L_overlay_start_1:
0x0: {  	(tag) =	ssettag $0x1  }
0x1: {  	s1 =	rddreg [dreg:$0x0]  }
0x2: {  	s0 =	rddreg [dreg:$0x1]  }
0x3: {  	s2 =	rddreg [dreg:$0x2];
	s3 =	srdreg.scid  }
0x4: {  	s4 =	simm.s32 $0x0;
	s10 =	sand.u32 $0x1, s3;
	s3 =	stileid.u32  }
0x5: {  	[smem:$0x7FF] =	sst s4;
	s5 =	smul.u32 $0x140000, s10  }
0x6: {  	s11 =	sadd.s32 $0xBA400, s0;
	s12 =	sadd.s32 $0xB4400, s0;
	s6 =	smul.u32 $0x14000, s3  }
0x7: {  	s13 =	sadd.s32 $0xAC400, s0;
	s19 =	sadd.s32 $0xB0400, s0;
	s21 =	smul.u32 $0x50000, s3  }
0x8: {  	_ =	strace $0x8000004D;
	s7 =	ssub.s32 $0x2, s10;
	s14 =	smul.u32 $0x3000, s3  }
0x9: {  	p0 =	seq.s32 s10, $0x1;
	s30 =	sshll.u32 s3, $0xA;
	s23 =	sshrl.u32 s7, $0x1  }
0xa: {  	s16 =	sadd.s32 s13, s30;
	s31 =	sor.u32 $0x200, s30;
	s17 =	sadd.s32 s19, s30  }
0xb: {  	s5 =	sadd.s32 s6, s5;
	s22 =	sshrl.u32 s21, $0x2;
	s21 =	ssub.s32 s7, s23  }
0xc: {  	s14 =	sshrl.u32 s14, $0x3;
	s18 =	sadd.s32 s13, s31;
	s19 =	sadd.s32 s19, s31  }
0xd: {  	s23 =	simm.s32 $0x3;
	s5 =	sshrl.u32 s5, $0x3;
	s24 =	sadd.s32 s11, s14  }
0xe: {  	s25 =	sadd.s32 $0x200, s14;
	s15 =	sadd.s32 s12, s14;
	s28 =	sadd.s32 $0x400, s14  }
0xf: {  	s21 =	smax.u32 s21, $0x1;
	s0 =	sadd.s32 s5, s0;
	[dreg:$0x4] =	wrdreg s24  }
0x10: {  	s5 =	sadd.s32 s22, s2;
	[dreg:$0x5] =	wrdreg s15;
	s26 =	sadd.s32 s11, s25  }
.Ltmp0:
0x11: {  	s10 =	sadd.s32 s12, s25;
	s29 =	sadd.s32 s11, s28;
	(pc) =	sbr.rel .LBB2_1-.Ltmp0, $4  }
0x12: {  	s15 =	sadd.s32 s12, s28;
	s22 =	simm.s32 $0x2000;
	s24 =	simm.s32 $0x80  }
0x13: {  	s25 =	simm.s32 $0x6000;
	s6 =	sadd.s32 $0x4000, s5;
	[dreg:$0x6] =	wrdreg s26  }
0x14: {  	s7 =	sadd.s32 $0x8000, s5;
	s8 =	sadd.s32 $0xC000, s5;
	[dreg:$0x7] =	wrdreg s10  }
0x15: {  	v0 =	vimm.f32 $0.0e+00;
	s9 =	sadd.s32 $0x10000, s5;
	[dreg:$0x8] =	wrdreg s29;
	s20 =	sadd.s32 $0xC400, s0  }
.LBB2_10:
0x16: {  	[tilespmem:s12], [sflag:s29] =	stream.indirect.gather @!p2 [hbm4b:s1+s13], $0x80, s28, s13, $0xb8;
	[tilespmem:$0x1E000] =	vst v63  }
0x17: {  	s10 =	sadd.s32 $0x1, s31  }
0x18: {  	_ =	swait.ge [sflag:s10], $0x4000  }
0x19: {  	[sflag:s10] =	ssyncset.done $0x0  }
0x1a: {  	s11 =	sor.u32 $0x2000, s11;
	[sflag:s10] =	ssyncadd.s32 $0xFFFFC000  }
0x1b: {  	[spmem:s2] =	stream.indirect.scatter.add.f32 [tilespmem:s11], [sflag:$0x3], $0x80, s0, s24, $0xb8;
	[tilespmem:$0x1E000] =	vst v63  }
0x1c: {  	_ =	swait.ge [sflag:s23], $0x4000  }
0x1d: {  	p1 =	sgt.u32 s26, $0x1D;
	[sflag:s23] =	ssyncset.done $0x0  }
0x1e: {  	s0 =	simm.s32 @!p1 $0x80;
	[sflag:s23] =	ssyncadd.s32 $0xFFFFC000  }
0x1f: {  	[tilespmem:s11], [sflag:s10] =	stream.indirect.gather @!p1 [hbm4b:s1+s0], $0x80, s30, s0, $0xb8;
	[tilespmem:$0x1E000] =	vst v63  }
.LBB2_16:
0x20: {  	s4 =	sadd.s32 $0x1, s4  }
0x21: {  	s0 =	sshll.u32 s3, $0x6;
	[bflag:$0x0] =	sbarrier.arrive $0xFFFF;
	p1 =	sne.s32 s4, s21  }
.Ltmp1:
0x22: {  	s10 =	sshrl.u32 s5, $0x3;
	s0 =	sor.u32 $0x1C03, s0;
	(pc) =	sbr.rel @!p1 .LBB2_17-.Ltmp1, $4  }
0x23: {  	[hbm:s20], [sflag:s0] =	dma.local [spmem:s10], $0x2800  }
0x24: {  	_ =	swait.ge [sflag:s23], $0x2800  }
0x25: {  	[sflag:s23] =	ssyncset.done $0x0  }
0x26: {  	[sflag:s23] =	ssyncadd.s32 $0xFFFFD800  }
.LBB2_1:
0x27: {  	s0 =	simm.s32 $0x0;
	s10 =	simm.s32 $0x200  }
.LBB2_2:
0x28: {  	p1 =	sne.s32 s10, $0xFE00;
	[tilespmem:s0+$0x2070] =	vst v0  }
0x29: {  	[tilespmem:s0+$0x2000] =	vst v0  }
0x2a: {  	[tilespmem:s0+$0x2010] =	vst v0  }
.Ltmp2:
0x2b: {  	[tilespmem:s0+$0x2020] =	vst v0;
	(pc) =	sbr.rel @p1 .LBB2_2-.Ltmp2, $4  }
0x2c: {  	[tilespmem:s0+$0x2030] =	vst v0  }
0x2d: {  	[tilespmem:s0+$0x2040] =	vst v0  }
0x2e: {  	[tilespmem:s0+$0x2050] =	vst v0  }
0x2f: {  	[tilespmem:s0+$0x2060] =	vst v0;
	s0 =	sshra.s32 s10, $0x2;
	s10 =	sadd.s32 $0x200, s10  }
0x30: {  	[tilespmem:s0+$0x2070] =	vst v0  }
0x31: {  	[tilespmem:s0+$0x2000] =	vst v0  }
0x32: {  	[tilespmem:s0+$0x2010] =	vst v0  }
0x33: {  	[tilespmem:s0+$0x2020] =	vst v0  }
0x34: {  	[tilespmem:s0+$0x2030] =	vst v0  }
0x35: {  	[tilespmem:s0+$0x2040] =	vst v0  }
0x36: {  	[tilespmem:s0+$0x2050] =	vst v0  }
0x37: {  	[tilespmem:s0+$0x2060] =	vst v0  }
0x38: {  	[spmem:s5] =	stream.linear.scatter [tilespmem:s22], [sflag:$0x3], $0x4000, $0x38;
	[tilespmem:$0x1E000] =	vst v63  }
0x39: {  	_ =	swait.ge [sflag:s23], $0x4000  }
0x3a: {  	[sflag:s23] =	ssyncset.done $0x0  }
0x3b: {  	[sflag:s23] =	ssyncadd.s32 $0xFFFFC000  }
0x3c: {  	[spmem:s6] =	stream.linear.scatter [tilespmem:s22], [sflag:$0x3], $0x4000, $0x38;
	[tilespmem:$0x1E000] =	vst v63  }
0x3d: {  	_ =	swait.ge [sflag:s23], $0x4000  }
0x3e: {  	[sflag:s23] =	ssyncset.done $0x0  }
0x3f: {  	[sflag:s23] =	ssyncadd.s32 $0xFFFFC000  }
0x40: {  	[spmem:s7] =	stream.linear.scatter [tilespmem:s22], [sflag:$0x3], $0x4000, $0x38;
	[tilespmem:$0x1E000] =	vst v63  }
0x41: {  	_ =	swait.ge [sflag:s23], $0x4000  }
0x42: {  	[sflag:s23] =	ssyncset.done $0x0  }
0x43: {  	[sflag:s23] =	ssyncadd.s32 $0xFFFFC000  }
0x44: {  	[spmem:s8] =	stream.linear.scatter [tilespmem:s22], [sflag:$0x3], $0x4000, $0x38;
	[tilespmem:$0x1E000] =	vst v63  }
0x45: {  	_ =	swait.ge [sflag:s23], $0x4000  }
0x46: {  	[sflag:s23] =	ssyncset.done $0x0  }
0x47: {  	[sflag:s23] =	ssyncadd.s32 $0xFFFFC000  }
0x48: {  	[spmem:s9] =	stream.linear.scatter [tilespmem:s22], [sflag:$0x3], $0x4000, $0x38;
	[tilespmem:$0x1E000] =	vst v63  }
.Ltmp3:
0x49: {  	_ =	swait.ge [sflag:s23], $0x4000;
	(pc) =	sbr.rel @!p0 .LBB2_4-.Ltmp3, $4  }
0x4a: {  	[sflag:s23] =	ssyncset.done $0x0  }
0x4b: {  	[sflag:s23] =	ssyncadd.s32 $0xFFFFC000  }
0x4c: {  	[bflag:$0x0] =	sbarrier.arrive $0xFFFF  }
0x4d: {  	s0 =	simm.s32 $0x0  }
0x4e: {  	[tilespmem:s0], [sflag:$0x3] =	stream.linear.gather [hbm4b:s16+s0], $0x1000, $0x38;
	[tilespmem:$0x1E000] =	vst v63  }
0x4f: {  	_ =	swait.ge [sflag:s23], $0x1000  }
0x50: {  	[sflag:s23] =	ssyncset.done $0x0  }
0x51: {  	s10 =	simm.s32 $0x1000;
	[sflag:s23] =	ssyncadd.s32 $0xFFFFF000  }
0x52: {  	[tilespmem:s10], [sflag:$0x3] =	stream.linear.gather [hbm4b:s17+s0], $0x1000, $0x38;
	[tilespmem:$0x1E000] =	vst v63  }
0x53: {  	_ =	swait.ge [sflag:s23], $0x1000  }
0x54: {  	[sflag:s23] =	ssyncset.done $0x0  }
0x55: {  	s14 =	sand.u32 $0x1, s0;
	[sflag:s23] =	ssyncadd.s32 $0xFFFFF000  }
0x56: {  	[tilespmem:s22], [sflag:$0x1] =	stream.indirect.gather [hbm4b:s1+s24], $0x80, s0, s24, $0xb8;
	[tilespmem:$0x1E000] =	vst v63  }
0x57: {  	s29 =	sadd.s32 $0x1, s14  }
0x58: {  	[tilespmem:s25], [sflag:$0x2] =	stream.indirect.gather [hbm4b:s1+s24], $0x80, s24, s24, $0xb8;
	[tilespmem:$0x1E000] =	vst v63  }
0x59: {  	s28 =	simm.s32 $0x100;
	_ =	swait.ge [sflag:s29], $0x4000  }
0x5a: {  	s26 =	simm.s32 $0x1;
	s0 =	sshll.u32 s14, $0xE;
	[sflag:s29] =	ssyncset.done $0x0  }
0x5b: {  	p2 =	por $0x0, $0x0;
	s12 =	sor.u32 $0x2000, s0;
	[sflag:s29] =	ssyncadd.s32 $0xFFFFC000  }
0x5c: {  	[spmem:s2] =	stream.indirect.scatter.add.f32 [tilespmem:s12], [sflag:$0x3], $0x80, s10, s24, $0xb8;
	[tilespmem:$0x1E000] =	vst v63  }
0x5d: {  	s30 =	simm.s32 $0x180;
	s31 =	sand.u32 $0x1, s26;
	_ =	swait.ge [sflag:s23], $0x4000  }
0x5e: {  	s13 =	simm.s32 @!p2 $0x80;
	s11 =	sshll.u32 s31, $0xE;
	[sflag:s23] =	ssyncset.done $0x0  }
0x5f: {  	s0 =	simm.s32 $0x1080;
	s10 =	simm.s32 $0x2;
	[sflag:s23] =	ssyncadd.s32 $0xFFFFC000  }
.LBB2_12:
0x60: {  	[tilespmem:s12], [sflag:s29] =	stream.indirect.gather @!p2 [hbm4b:s1+s13], $0x80, s28, s13, $0xb8;
	[tilespmem:$0x1E000] =	vst v63  }
0x61: {  	s13 =	smov.u32 s26;
	s26 =	smov.u32 s10;
	s28 =	smov.u32 s30  }
0x62: {  	s10 =	sadd.s32 $0x1, s10;
	s29 =	sadd.s32 $0x1, s31;
	s31 =	sand.u32 $0x1, s26  }
0x63: {  	p1 =	sne.s32 s10, $0x20;
	s14 =	sshll.u32 s31, $0xE;
	_ =	swait.ge [sflag:s29], $0x4000  }
0x64: {  	[sflag:s29] =	ssyncset.done $0x0  }
.Ltmp4:
0x65: {  	s12 =	sor.u32 $0x2000, s11;
	[sflag:s29] =	ssyncadd.s32 $0xFFFFC000;
	(pc) =	sbr.rel @p1 .LBB2_12-.Ltmp4, $4  }
0x66: {  	[spmem:s2] =	stream.indirect.scatter.add.f32 [tilespmem:s12], [sflag:$0x3], $0x80, s0, s24, $0xb8;
	[tilespmem:$0x1E000] =	vst v63  }
0x67: {  	s11 =	smov.u32 s14;
	_ =	swait.ge [sflag:s23], $0x4000  }
0x68: {  	p2 =	sgt.u32 s13, $0x1D;
	s0 =	sadd.s32 $0x80, s0;
	[sflag:s23] =	ssyncset.done $0x0  }
0x69: {  	s30 =	sadd.s32 $0x80, s30;
	s13 =	simm.s32 @!p2 $0x80;
	[sflag:s23] =	ssyncadd.s32 $0xFFFFC000  }
0x6a: {  	[tilespmem:s12], [sflag:s29] =	stream.indirect.gather @!p2 [hbm4b:s1+s13], $0x80, s28, s13, $0xb8;
	[tilespmem:$0x1E000] =	vst v63  }
0x6b: {  	s10 =	sadd.s32 $0x1, s31  }
0x6c: {  	_ =	swait.ge [sflag:s10], $0x4000  }
0x6d: {  	[sflag:s10] =	ssyncset.done $0x0  }
0x6e: {  	s11 =	sor.u32 $0x2000, s11;
	[sflag:s10] =	ssyncadd.s32 $0xFFFFC000  }
0x6f: {  	[spmem:s2] =	stream.indirect.scatter.add.f32 [tilespmem:s11], [sflag:$0x3], $0x80, s0, s24, $0xb8;
	[tilespmem:$0x1E000] =	vst v63  }
0x70: {  	_ =	swait.ge [sflag:s23], $0x4000  }
0x71: {  	p1 =	sgt.u32 s26, $0x1D;
	[sflag:s23] =	ssyncset.done $0x0  }
0x72: {  	s0 =	simm.s32 @!p1 $0x80;
	[sflag:s23] =	ssyncadd.s32 $0xFFFFC000  }
0x73: {  	[tilespmem:s11], [sflag:s10] =	stream.indirect.gather @!p1 [hbm4b:s1+s0], $0x80, s30, s0, $0xb8;
	[tilespmem:$0x1E000] =	vst v63  }
0x74: {  	s13 =	simm.s32 $0x0  }
0x75: {  	[tilespmem:s13], [sflag:$0x3] =	stream.linear.gather [hbm4b:s18+s13], $0x1000, $0x38;
	[tilespmem:$0x1E000] =	vst v63  }
0x76: {  	_ =	swait.ge [sflag:s23], $0x1000  }
0x77: {  	[sflag:s23] =	ssyncset.done $0x0  }
0x78: {  	s14 =	simm.s32 $0x1000;
	[sflag:s23] =	ssyncadd.s32 $0xFFFFF000  }
0x79: {  	[tilespmem:s14], [sflag:$0x3] =	stream.linear.gather [hbm4b:s19+s13], $0x1000, $0x38;
	[tilespmem:$0x1E000] =	vst v63  }
0x7a: {  	_ =	swait.ge [sflag:s23], $0x1000  }
0x7b: {  	[sflag:s23] =	ssyncset.done $0x0  }
0x7c: {  	s0 =	sand.u32 $0x1, s13;
	[sflag:s23] =	ssyncadd.s32 $0xFFFFF000  }
0x7d: {  	[tilespmem:s22], [sflag:$0x1] =	stream.indirect.gather [hbm4b:s1+s24], $0x80, s13, s24, $0xb8;
	[tilespmem:$0x1E000] =	vst v63  }
0x7e: {  	s29 =	sadd.s32 $0x1, s0  }
0x7f: {  	[tilespmem:s25], [sflag:$0x2] =	stream.indirect.gather [hbm4b:s1+s24], $0x80, s24, s24, $0xb8;
	[tilespmem:$0x1E000] =	vst v63  }
0x80: {  	s28 =	simm.s32 $0x100;
	_ =	swait.ge [sflag:s29], $0x4000  }
0x81: {  	s26 =	simm.s32 $0x1;
	s0 =	sshll.u32 s0, $0xE;
	[sflag:s29] =	ssyncset.done $0x0  }
0x82: {  	p2 =	por $0x0, $0x0;
	s12 =	sor.u32 $0x2000, s0;
	[sflag:s29] =	ssyncadd.s32 $0xFFFFC000  }
0x83: {  	[spmem:s2] =	stream.indirect.scatter.add.f32 [tilespmem:s12], [sflag:$0x3], $0x80, s14, s24, $0xb8;
	[tilespmem:$0x1E000] =	vst v63  }
0x84: {  	s31 =	sand.u32 $0x1, s26;
	s10 =	simm.s32 $0x2;
	_ =	swait.ge [sflag:s23], $0x4000  }
0x85: {  	s11 =	sshll.u32 s31, $0xE;
	s30 =	simm.s32 $0x180;
	[sflag:s23] =	ssyncset.done $0x0  }
0x86: {  	s0 =	simm.s32 $0x1080;
	s13 =	simm.s32 @!p2 $0x80;
	[sflag:s23] =	ssyncadd.s32 $0xFFFFC000  }
.LBB2_14:
0x87: {  	[tilespmem:s12], [sflag:s29] =	stream.indirect.gather @!p2 [hbm4b:s1+s13], $0x80, s28, s13, $0xb8;
	[tilespmem:$0x1E000] =	vst v63  }
0x88: {  	s13 =	smov.u32 s26;
	s26 =	smov.u32 s10;
	s28 =	smov.u32 s30  }
0x89: {  	s10 =	sadd.s32 $0x1, s10;
	s29 =	sadd.s32 $0x1, s31;
	s31 =	sand.u32 $0x1, s26  }
0x8a: {  	p1 =	sne.s32 s10, $0x20;
	s14 =	sshll.u32 s31, $0xE;
	_ =	swait.ge [sflag:s29], $0x4000  }
0x8b: {  	[sflag:s29] =	ssyncset.done $0x0  }
.Ltmp5:
0x8c: {  	s12 =	sor.u32 $0x2000, s11;
	[sflag:s29] =	ssyncadd.s32 $0xFFFFC000;
	(pc) =	sbr.rel @p1 .LBB2_14-.Ltmp5, $4  }
0x8d: {  	[spmem:s2] =	stream.indirect.scatter.add.f32 [tilespmem:s12], [sflag:$0x3], $0x80, s0, s24, $0xb8;
	[tilespmem:$0x1E000] =	vst v63  }
0x8e: {  	s11 =	smov.u32 s14;
	_ =	swait.ge [sflag:s23], $0x4000  }
0x8f: {  	p2 =	sgt.u32 s13, $0x1D;
	s0 =	sadd.s32 $0x80, s0;
	[sflag:s23] =	ssyncset.done $0x0  }
0x90: {  	s30 =	sadd.s32 $0x80, s30;
	s13 =	simm.s32 @!p2 $0x80;
	[sflag:s23] =	ssyncadd.s32 $0xFFFFC000  }
0x91: {  	[tilespmem:s12], [sflag:s29] =	stream.indirect.gather @!p2 [hbm4b:s1+s13], $0x80, s28, s13, $0xb8;
	[tilespmem:$0x1E000] =	vst v63  }
0x92: {  	s10 =	sadd.s32 $0x1, s31  }
0x93: {  	_ =	swait.ge [sflag:s10], $0x4000  }
0x94: {  	[sflag:s10] =	ssyncset.done $0x0  }
0x95: {  	s11 =	sor.u32 $0x2000, s11;
	[sflag:s10] =	ssyncadd.s32 $0xFFFFC000  }
0x96: {  	[spmem:s2] =	stream.indirect.scatter.add.f32 [tilespmem:s11], [sflag:$0x3], $0x80, s0, s24, $0xb8;
	[tilespmem:$0x1E000] =	vst v63  }
.Ltmp6:
0x97: {  	_ = 	snop;
	(pc) =	sbr.rel .LBB2_16-.Ltmp6, $4  }
0x98: {  	_ =	swait.ge [sflag:s23], $0x4000  }
0x99: {  	p1 =	sgt.u32 s26, $0x1D;
	[sflag:s23] =	ssyncset.done $0x0  }
0x9a: {  	s0 =	simm.s32 @!p1 $0x80;
	[sflag:s23] =	ssyncadd.s32 $0xFFFFC000  }
0x9b: {  	[tilespmem:s11], [sflag:s10] =	stream.indirect.gather @!p1 [hbm4b:s1+s0], $0x80, s30, s0, $0xb8;
	[tilespmem:$0x1E000] =	vst v63  }
.LBB2_4:
0x9c: {  	s10 =	rddreg [dreg:$0x4]  }
0x9d: {  	[tilespmem:s0], [sflag:$0x3] =	stream.linear.gather [hbm4b:s10+s0], $0x1000, $0x38;
	[tilespmem:$0x1E000] =	vst v63  }
0x9e: {  	_ =	swait.ge [sflag:s23], $0x1000  }
0x9f: {  	[sflag:s23] =	ssyncset.done $0x0  }
0xa0: {  	s13 =	simm.s32 $0x1000;
	s11 =	rddreg [dreg:$0x5];
	[sflag:s23] =	ssyncadd.s32 $0xFFFFF000  }
0xa1: {  	[tilespmem:s13], [sflag:$0x3] =	stream.linear.gather [hbm4b:s11+s0], $0x1000, $0x38;
	[tilespmem:$0x1E000] =	vst v63  }
0xa2: {  	_ =	swait.ge [sflag:s23], $0x1000  }
0xa3: {  	[sflag:s23] =	ssyncset.done $0x0  }
0xa4: {  	s14 =	sand.u32 $0x1, s0;
	[sflag:s23] =	ssyncadd.s32 $0xFFFFF000  }
0xa5: {  	[tilespmem:s22], [sflag:$0x1] =	stream.indirect.gather [hbm4b:s1+s24], $0x80, s0, s24, $0xb8;
	[tilespmem:$0x1E000] =	vst v63  }
0xa6: {  	s29 =	sadd.s32 $0x1, s14  }
0xa7: {  	[tilespmem:s25], [sflag:$0x2] =	stream.indirect.gather [hbm4b:s1+s24], $0x80, s24, s24, $0xb8;
	[tilespmem:$0x1E000] =	vst v63  }
0xa8: {  	s28 =	simm.s32 $0x100;
	_ =	swait.ge [sflag:s29], $0x4000  }
0xa9: {  	s26 =	simm.s32 $0x1;
	s0 =	sshll.u32 s14, $0xE;
	[sflag:s29] =	ssyncset.done $0x0  }
0xaa: {  	p2 =	por $0x0, $0x0;
	s12 =	sor.u32 $0x2000, s0;
	[sflag:s29] =	ssyncadd.s32 $0xFFFFC000  }
0xab: {  	[spmem:s2] =	stream.indirect.scatter.add.f32 [tilespmem:s12], [sflag:$0x3], $0x80, s13, s24, $0xb8;
	[tilespmem:$0x1E000] =	vst v63  }
0xac: {  	s30 =	simm.s32 $0x180;
	s31 =	sand.u32 $0x1, s26;
	_ =	swait.ge [sflag:s23], $0x4000  }
0xad: {  	s10 =	simm.s32 $0x2;
	s11 =	sshll.u32 s31, $0xE;
	[sflag:s23] =	ssyncset.done $0x0  }
0xae: {  	s0 =	simm.s32 $0x1080;
	s13 =	simm.s32 @!p2 $0x80;
	[sflag:s23] =	ssyncadd.s32 $0xFFFFC000  }
.LBB2_5:
0xaf: {  	[tilespmem:s12], [sflag:s29] =	stream.indirect.gather @!p2 [hbm4b:s1+s13], $0x80, s28, s13, $0xb8;
	[tilespmem:$0x1E000] =	vst v63  }
0xb0: {  	s13 =	smov.u32 s26;
	s26 =	smov.u32 s10;
	s28 =	smov.u32 s30  }
0xb1: {  	s10 =	sadd.s32 $0x1, s10;
	s29 =	sadd.s32 $0x1, s31;
	s31 =	sand.u32 $0x1, s26  }
0xb2: {  	p1 =	sne.s32 s10, $0x20;
	s14 =	sshll.u32 s31, $0xE;
	_ =	swait.ge [sflag:s29], $0x4000  }
0xb3: {  	[sflag:s29] =	ssyncset.done $0x0  }
.Ltmp7:
0xb4: {  	s12 =	sor.u32 $0x2000, s11;
	[sflag:s29] =	ssyncadd.s32 $0xFFFFC000;
	(pc) =	sbr.rel @p1 .LBB2_5-.Ltmp7, $4  }
0xb5: {  	[spmem:s2] =	stream.indirect.scatter.add.f32 [tilespmem:s12], [sflag:$0x3], $0x80, s0, s24, $0xb8;
	[tilespmem:$0x1E000] =	vst v63  }
0xb6: {  	s11 =	smov.u32 s14;
	_ =	swait.ge [sflag:s23], $0x4000  }
0xb7: {  	p2 =	sgt.u32 s13, $0x1D;
	s0 =	sadd.s32 $0x80, s0;
	[sflag:s23] =	ssyncset.done $0x0  }
0xb8: {  	s30 =	sadd.s32 $0x80, s30;
	s13 =	simm.s32 @!p2 $0x80;
	[sflag:s23] =	ssyncadd.s32 $0xFFFFC000  }
0xb9: {  	[tilespmem:s12], [sflag:s29] =	stream.indirect.gather @!p2 [hbm4b:s1+s13], $0x80, s28, s13, $0xb8;
	[tilespmem:$0x1E000] =	vst v63  }
0xba: {  	s10 =	sadd.s32 $0x1, s31  }
0xbb: {  	_ =	swait.ge [sflag:s10], $0x4000  }
0xbc: {  	[sflag:s10] =	ssyncset.done $0x0  }
0xbd: {  	s11 =	sor.u32 $0x2000, s11;
	[sflag:s10] =	ssyncadd.s32 $0xFFFFC000  }
0xbe: {  	[spmem:s2] =	stream.indirect.scatter.add.f32 [tilespmem:s11], [sflag:$0x3], $0x80, s0, s24, $0xb8;
	[tilespmem:$0x1E000] =	vst v63  }
0xbf: {  	_ =	swait.ge [sflag:s23], $0x4000  }
0xc0: {  	p1 =	sgt.u32 s26, $0x1D;
	[sflag:s23] =	ssyncset.done $0x0  }
0xc1: {  	s0 =	simm.s32 @!p1 $0x80;
	[sflag:s23] =	ssyncadd.s32 $0xFFFFC000  }
0xc2: {  	[tilespmem:s11], [sflag:s10] =	stream.indirect.gather @!p1 [hbm4b:s1+s0], $0x80, s30, s0, $0xb8;
	[tilespmem:$0x1E000] =	vst v63  }
0xc3: {  	s12 =	simm.s32 $0x0;
	s13 =	rddreg [dreg:$0x6]  }
0xc4: {  	[tilespmem:s12], [sflag:$0x3] =	stream.linear.gather [hbm4b:s13+s12], $0x1000, $0x38;
	[tilespmem:$0x1E000] =	vst v63  }
0xc5: {  	_ =	swait.ge [sflag:s23], $0x1000  }
0xc6: {  	[sflag:s23] =	ssyncset.done $0x0  }
0xc7: {  	s14 =	simm.s32 $0x1000;
	s26 =	rddreg [dreg:$0x7];
	[sflag:s23] =	ssyncadd.s32 $0xFFFFF000  }
0xc8: {  	[tilespmem:s14], [sflag:$0x3] =	stream.linear.gather [hbm4b:s26+s12], $0x1000, $0x38;
	[tilespmem:$0x1E000] =	vst v63  }
0xc9: {  	_ =	swait.ge [sflag:s23], $0x1000  }
0xca: {  	[sflag:s23] =	ssyncset.done $0x0  }
0xcb: {  	s0 =	sand.u32 $0x1, s12;
	[sflag:s23] =	ssyncadd.s32 $0xFFFFF000  }
0xcc: {  	[tilespmem:s22], [sflag:$0x1] =	stream.indirect.gather [hbm4b:s1+s24], $0x80, s12, s24, $0xb8;
	[tilespmem:$0x1E000] =	vst v63  }
0xcd: {  	s29 =	sadd.s32 $0x1, s0  }
0xce: {  	[tilespmem:s25], [sflag:$0x2] =	stream.indirect.gather [hbm4b:s1+s24], $0x80, s24, s24, $0xb8;
	[tilespmem:$0x1E000] =	vst v63  }
0xcf: {  	s28 =	simm.s32 $0x100;
	_ =	swait.ge [sflag:s29], $0x4000  }
0xd0: {  	p2 =	por $0x0, $0x0;
	s0 =	sshll.u32 s0, $0xE;
	[sflag:s29] =	ssyncset.done $0x0  }
0xd1: {  	s10 =	simm.s32 $0x2;
	s12 =	sor.u32 $0x2000, s0;
	[sflag:s29] =	ssyncadd.s32 $0xFFFFC000  }
0xd2: {  	[spmem:s2] =	stream.indirect.scatter.add.f32 [tilespmem:s12], [sflag:$0x3], $0x80, s14, s24, $0xb8;
	[tilespmem:$0x1E000] =	vst v63  }
0xd3: {  	s30 =	simm.s32 $0x180;
	s26 =	simm.s32 $0x1;
	_ =	swait.ge [sflag:s23], $0x4000  }
0xd4: {  	s13 =	simm.s32 @!p2 $0x80;
	s31 =	sand.u32 $0x1, s26;
	[sflag:s23] =	ssyncset.done $0x0  }
0xd5: {  	s11 =	sshll.u32 s31, $0xE;
	s0 =	simm.s32 $0x1080;
	[sflag:s23] =	ssyncadd.s32 $0xFFFFC000  }
.LBB2_7:
0xd6: {  	[tilespmem:s12], [sflag:s29] =	stream.indirect.gather @!p2 [hbm4b:s1+s13], $0x80, s28, s13, $0xb8;
	[tilespmem:$0x1E000] =	vst v63  }
0xd7: {  	s13 =	smov.u32 s26;
	s26 =	smov.u32 s10;
	s28 =	smov.u32 s30  }
0xd8: {  	s10 =	sadd.s32 $0x1, s10;
	s29 =	sadd.s32 $0x1, s31;
	s31 =	sand.u32 $0x1, s26  }
0xd9: {  	p1 =	sne.s32 s10, $0x20;
	s14 =	sshll.u32 s31, $0xE;
	_ =	swait.ge [sflag:s29], $0x4000  }
0xda: {  	[sflag:s29] =	ssyncset.done $0x0  }
.Ltmp8:
0xdb: {  	s12 =	sor.u32 $0x2000, s11;
	[sflag:s29] =	ssyncadd.s32 $0xFFFFC000;
	(pc) =	sbr.rel @p1 .LBB2_7-.Ltmp8, $4  }
0xdc: {  	[spmem:s2] =	stream.indirect.scatter.add.f32 [tilespmem:s12], [sflag:$0x3], $0x80, s0, s24, $0xb8;
	[tilespmem:$0x1E000] =	vst v63  }
0xdd: {  	s11 =	smov.u32 s14;
	_ =	swait.ge [sflag:s23], $0x4000  }
0xde: {  	p2 =	sgt.u32 s13, $0x1D;
	s0 =	sadd.s32 $0x80, s0;
	[sflag:s23] =	ssyncset.done $0x0  }
0xdf: {  	s30 =	sadd.s32 $0x80, s30;
	s13 =	simm.s32 @!p2 $0x80;
	[sflag:s23] =	ssyncadd.s32 $0xFFFFC000  }
0xe0: {  	[tilespmem:s12], [sflag:s29] =	stream.indirect.gather @!p2 [hbm4b:s1+s13], $0x80, s28, s13, $0xb8;
	[tilespmem:$0x1E000] =	vst v63  }
0xe1: {  	s10 =	sadd.s32 $0x1, s31  }
0xe2: {  	_ =	swait.ge [sflag:s10], $0x4000  }
0xe3: {  	[sflag:s10] =	ssyncset.done $0x0  }
0xe4: {  	s11 =	sor.u32 $0x2000, s11;
	[sflag:s10] =	ssyncadd.s32 $0xFFFFC000  }
0xe5: {  	[spmem:s2] =	stream.indirect.scatter.add.f32 [tilespmem:s11], [sflag:$0x3], $0x80, s0, s24, $0xb8;
	[tilespmem:$0x1E000] =	vst v63  }
0xe6: {  	_ =	swait.ge [sflag:s23], $0x4000  }
0xe7: {  	p1 =	sgt.u32 s26, $0x1D;
	[sflag:s23] =	ssyncset.done $0x0  }
0xe8: {  	s0 =	simm.s32 @!p1 $0x80;
	[sflag:s23] =	ssyncadd.s32 $0xFFFFC000  }
0xe9: {  	[tilespmem:s11], [sflag:s10] =	stream.indirect.gather @!p1 [hbm4b:s1+s0], $0x80, s30, s0, $0xb8;
	[tilespmem:$0x1E000] =	vst v63  }
0xea: {  	s12 =	simm.s32 $0x0;
	s13 =	rddreg [dreg:$0x8]  }
0xeb: {  	[tilespmem:s12], [sflag:$0x3] =	stream.linear.gather [hbm4b:s13+s12], $0x1000, $0x38;
	[tilespmem:$0x1E000] =	vst v63  }
0xec: {  	_ =	swait.ge [sflag:s23], $0x1000  }
0xed: {  	[sflag:s23] =	ssyncset.done $0x0  }
0xee: {  	s14 =	simm.s32 $0x1000;
	[sflag:s23] =	ssyncadd.s32 $0xFFFFF000  }
0xef: {  	[tilespmem:s14], [sflag:$0x3] =	stream.linear.gather [hbm4b:s15+s12], $0x1000, $0x38;
	[tilespmem:$0x1E000] =	vst v63  }
0xf0: {  	_ =	swait.ge [sflag:s23], $0x1000  }
0xf1: {  	[sflag:s23] =	ssyncset.done $0x0  }
0xf2: {  	s0 =	sand.u32 $0x1, s12;
	[sflag:s23] =	ssyncadd.s32 $0xFFFFF000  }
0xf3: {  	[tilespmem:s22], [sflag:$0x1] =	stream.indirect.gather [hbm4b:s1+s24], $0x80, s12, s24, $0xb8;
	[tilespmem:$0x1E000] =	vst v63  }
0xf4: {  	s29 =	sadd.s32 $0x1, s0  }
0xf5: {  	[tilespmem:s25], [sflag:$0x2] =	stream.indirect.gather [hbm4b:s1+s24], $0x80, s24, s24, $0xb8;
	[tilespmem:$0x1E000] =	vst v63  }
0xf6: {  	s28 =	simm.s32 $0x100;
	_ =	swait.ge [sflag:s29], $0x4000  }
0xf7: {  	s26 =	simm.s32 $0x1;
	s0 =	sshll.u32 s0, $0xE;
	[sflag:s29] =	ssyncset.done $0x0  }
0xf8: {  	p2 =	por $0x0, $0x0;
	s12 =	sor.u32 $0x2000, s0;
	[sflag:s29] =	ssyncadd.s32 $0xFFFFC000  }
0xf9: {  	[spmem:s2] =	stream.indirect.scatter.add.f32 [tilespmem:s12], [sflag:$0x3], $0x80, s14, s24, $0xb8;
	[tilespmem:$0x1E000] =	vst v63  }
0xfa: {  	s31 =	sand.u32 $0x1, s26;
	s10 =	simm.s32 $0x2;
	_ =	swait.ge [sflag:s23], $0x4000  }
0xfb: {  	s11 =	sshll.u32 s31, $0xE;
	s30 =	simm.s32 $0x180;
	[sflag:s23] =	ssyncset.done $0x0  }
0xfc: {  	s13 =	simm.s32 @!p2 $0x80;
	s0 =	simm.s32 $0x1080;
	[sflag:s23] =	ssyncadd.s32 $0xFFFFC000  }
.LBB2_9:
0xfd: {  	[tilespmem:s12], [sflag:s29] =	stream.indirect.gather @!p2 [hbm4b:s1+s13], $0x80, s28, s13, $0xb8;
	[tilespmem:$0x1E000] =	vst v63  }
0xfe: {  	s13 =	smov.u32 s26;
	s26 =	smov.u32 s10;
	s28 =	smov.u32 s30  }
0xff: {  	s10 =	sadd.s32 $0x1, s10;
	s29 =	sadd.s32 $0x1, s31;
	s31 =	sand.u32 $0x1, s26  }
0x100: {  	p1 =	seq.s32 s10, $0x20;
	s14 =	sshll.u32 s31, $0xE;
	_ =	swait.ge [sflag:s29], $0x4000  }
0x101: {  	[sflag:s29] =	ssyncset.done $0x0  }
.Ltmp9:
0x102: {  	s12 =	sor.u32 $0x2000, s11;
	[sflag:s29] =	ssyncadd.s32 $0xFFFFC000;
	(pc) =	sbr.rel @!p1 .LBB2_9-.Ltmp9, $4  }
0x103: {  	[spmem:s2] =	stream.indirect.scatter.add.f32 [tilespmem:s12], [sflag:$0x3], $0x80, s0, s24, $0xb8;
	[tilespmem:$0x1E000] =	vst v63  }
0x104: {  	s11 =	smov.u32 s14;
	_ =	swait.ge [sflag:s23], $0x4000  }
0x105: {  	p2 =	sgt.u32 s13, $0x1D;
	s0 =	sadd.s32 $0x80, s0;
	[sflag:s23] =	ssyncset.done $0x0  }
0x106: {  	s30 =	sadd.s32 $0x80, s30;
	s13 =	simm.s32 @!p2 $0x80;
	[sflag:s23] =	ssyncadd.s32 $0xFFFFC000  }
.Ltmp10:
0x107: {  	_ = 	snop;
	(pc) =	sbr.rel .LBB2_10-.Ltmp10, $1  }
0x108: {  	_ =	sdelay $0x3  }
.LBB2_17:
0x109: {  	_ =	sfence.sel $0x180000  }
0x10a: {  	[bflag:$0x0] =	sbarrier.arrive $0xFFFF  }
0x10b: {  	_ =	strace $0x9000004D  }
0x10c: {  	[bflag:$0x2] =	sbarrier.arrive $0xFFFF  }
0x10d: {  	p0 =	sne.s32 s3, $0x0;
	s0 =	rddreg [dreg:$0x3]  }
0x10e: {  	s0 =	sadd.s32 @!p0 $0x100000, s0  }
0x10f: {  	[sflag:s0] =	ssyncadd.tile.s32 @!p0 $0x1;
	_ =	shalt  }
.Lfunc_end2:
_tile_overlayer_lowered:
.L_overlay_start_2:
0x110: {  	(tag) =	ssettag $0x2  }
0x111: {  	s0 =	rddreg [dreg:$0x0];
	s2 =	stileid.u32  }
0x112: {  	s1 =	rddreg [dreg:$0x1];
	p0 =	sne.s32 s2, $0x0  }
0x113: {  	s3 =	rddreg [dreg:$0x2];
	[bflag:$0x3] =	sbarrier.arrive $0xFFFF;
	s2 =	simm.s32 @!p0 $0x1C03  }
0x114: {  	[timem:s3], [sflag:s2] =	dma.local @!p0 [hbm:s0], s1  }
0x115: {  	s0 =	simm.s32 @!p0 $0x3  }
0x116: {  	_ =	swait.ge @!p0 [sflag:s0], s1  }
0x117: {  	s1 =	ssub.s32 @!p0 $0x0, s1;
	[sflag:s0] =	ssyncset.done @!p0 $0x0  }
0x118: {  	[sflag:s0] =	ssyncadd.s32 @!p0 s1  }
0x119: {  	[bflag:$0x3] =	sbarrier.arrive $0xFFFF  }
0x11a: {  	_ =	shalt  }

// kernel: kernel.18.cloned.1.call-start
scs
__scs_entry_jumppad:
0x0: {  	(pc) =	sbr.rel $0x88, $3  }
0x1: {  	(tag) =	ssettag $0x0;
	lr =	simm.s32 $0x1  }
0x2: {  	[smem:$0x3F9B] =	sst lr;
	_ =	strace $0xD0000000  }
0x3: {  	_ = 	snop  }
0x4: {  	_ = 	snop  }
0x5: {  	_ = 	snop  }
0x6: {  	_ = 	snop  }
0x7: {  	_ = 	snop  }
__scs_overlays_trampoline_lowered:
0x8: {  	[smem:$0x3FAA] =	sst s0  }
0x9: {  	[smem:$0x3FAB] =	sst s1  }
0xa: {  	[smem:$0x3FAC] =	sst s2  }
0xb: {  	[smem:$0x3FAD] =	sst s3  }
0xc: {  	[smem:$0x3FAE] =	sst s4  }
0xd: {  	[smem:$0x3FAF] =	sst s5  }
0xe: {  	[smem:$0x3FB0] =	sst s6  }
0xf: {  	[smem:$0x3FB1] =	sst s7  }
0x10: {  	[smem:$0x3FB2] =	sst s8  }
0x11: {  	[smem:$0x3FB3] =	sst s9;
	s0 =	simm.s32 @!p0 $0x0  }
0x12: {  	s1 =	sld [smem:$0x3F99];
	s0 =	simm.s32 @p0 $0x1  }
0x13: {  	[smem:$0x3FB4] =	sst s0;
	s0 =	simm.s32 @!p1 $0x0  }
0x14: {  	s2 =	sld [smem:$0x3F98];
	s0 =	simm.s32 @p1 $0x1  }
0x15: {  	[smem:$0x3FB5] =	sst s0;
	s0 =	simm.s32 @!p2 $0x0  }
0x16: {  	s3 =	sld [smem:$0x3FDB];
	s0 =	simm.s32 @p2 $0x1  }
0x17: {  	s4 =	simm.s32 $0x1BF5;
	[smem:$0x3FB7] =	sst s0  }
0x18: {  	s0 =	sld [smem:$0x3F9A];
	_ =	swait.ge [sflag:s4], $0x0  }
0x19: {  	s7 =	sld [smem:$0x3F9B]  }
0x1a: {  	s8 =	sadd.s32 $0xFFFFE003, lr  }
0x1b: {  	s9 =	sadd.s32 $0xFFFFFEF7, lr;
	s5 =	simm.s32 $0xFFFFFFFF;
	p2 =	slt.u32 s8, $0xFFFFF086  }
0x1c: {  	p1 =	slt.u32 s9, $0xF7A;
	s5 =	simm.s32 @!p2 $0x0  }
0x1d: {  	s5 =	simm.s32 @p1 $0x1;
	p0 =	seq.s32 s7, s2  }
0x1e: {  	s7 =	smul.u32 @!p0 $0xF7A, s2;
	p2 =	seq.s32 @!p0 s5, $0x0  }
0x1f: {  	s9 =	smul.u32 $0xF7A, s1;
	s8 =	simm.s32 @!p0 $0x1BF5;
	p2 =	por !p2, p0  }
0x20: {  	[sflag:s8] =	ssyncset.s32 @!p0 $0xFFFFF086;
	s6 =	sadd.s32 @!p0 s3, s7;
	s7 =	simm.s32 @!p0 $0x108  }
0x21: {  	s3 =	sadd.s32 s3, s9;
	s6 =	sadd.s32 @!p0 $0x88, s6;
	s7 =	simm.s32 @p2 $0x1082  }
0x22: {  	[simem:s7], [sflag:s8] =	dma.local @!p0 [hbm:s6], $0xF7A  }
0x23: {  	s9 =	sor.u32 $0xD0000000, s2;
	s6 =	simm.s32 $0x108;
	_ =	swait.ge @!p0 [sflag:s8], $0x0  }
0x24: {  	s3 =	sadd.s32 $0x88, s3;
	s6 =	simm.s32 @!p1 $0x1082;
	[sflag:s4] =	ssyncset.s32 $0xFFFFF086  }
0x25: {  	[simem:s6], [sflag:s4] =	dma.local [hbm:s3], $0xF7A  }
0x26: {  	[smem:$0x3F9B] =	sst s1;
	(tag) =	ssettag s2;
	_ =	strace s9  }
0x27: {  	s1 =	sld [smem:$0x3FAB]  }
0x28: {  	s2 =	sld [smem:$0x3FAC]  }
0x29: {  	s4 =	sld [smem:$0x3FAE]  }
0x2a: {  	p0 =	seq.s32 s5, $0x0;
	s5 =	sld [smem:$0x3FAF]  }
0x2b: {  	s6 =	sld [smem:$0x3FB0]  }
0x2c: {  	s7 =	sld [smem:$0x3FB1]  }
0x2d: {  	s3 =	simm.s32 $0x108;
	s8 =	sld [smem:$0x3FB2]  }
0x2e: {  	s3 =	simm.s32 @!p0 $0x1082;
	s9 =	sld [smem:$0x3FB3]  }
0x2f: {  	lr =	sadd.s32 s0, s3;
	s0 =	sld [smem:$0x3FAA]  }
0x30: {  	s3 =	sld [smem:$0x3FAD]  }
0x31: {  	[smem:$0x3FB6] =	sst s10  }
0x32: {  	s10 =	sld [smem:$0x3FB4];
	_ =	sdelay $0x3  }
0x33: {  	p0 =	seq.s32 s10, $0x1;
	s10 =	sld [smem:$0x3FB6];
	_ =	sdelay $0x3  }
0x34: {  	[smem:$0x3FB6] =	sst s10  }
0x35: {  	s10 =	sld [smem:$0x3FB5];
	_ =	sdelay $0x3  }
0x36: {  	p1 =	seq.s32 s10, $0x1;
	s10 =	sld [smem:$0x3FB6];
	_ =	sdelay $0x3  }
0x37: {  	[smem:$0x3FB6] =	sst s10  }
0x38: {  	s10 =	sld [smem:$0x3FB7]  }
0x39: {  	_ = 	snop;
	(pc) =	sbr.ind lr, $3  }
0x3a: {  	_ = 	snop  }
0x3b: {  	_ = 	snop  }
0x3c: {  	p2 =	seq.s32 s10, $0x1;
	s10 =	sld [smem:$0x3FB6]  }
0x3d: {  	_ =	shalt  }
0x3e: {  	_ =	shalt  }
0x3f: {  	_ =	shalt  }
0x40: {  	_ =	shalt  }
0x41: {  	_ =	shalt  }
0x42: {  	_ =	shalt  }
0x43: {  	_ =	shalt  }
0x44: {  	_ =	shalt  }
0x45: {  	_ =	shalt  }
0x46: {  	_ =	shalt  }
0x47: {  	_ =	shalt  }
0x48: {  	_ =	shalt  }
0x49: {  	_ =	shalt  }
0x4a: {  	_ =	shalt  }
0x4b: {  	_ =	shalt  }
0x4c: {  	_ =	shalt  }
0x4d: {  	_ =	shalt  }
0x4e: {  	_ =	shalt  }
0x4f: {  	_ =	shalt  }
0x50: {  	_ =	shalt  }
0x51: {  	_ =	shalt  }
0x52: {  	_ =	shalt  }
0x53: {  	_ =	shalt  }
0x54: {  	_ =	shalt  }
0x55: {  	_ =	shalt  }
0x56: {  	_ =	shalt  }
0x57: {  	_ =	shalt  }
0x58: {  	_ =	shalt  }
0x59: {  	_ =	shalt  }
0x5a: {  	_ =	shalt  }
0x5b: {  	_ =	shalt  }
0x5c: {  	_ =	shalt  }
0x5d: {  	_ =	shalt  }
0x5e: {  	_ =	shalt  }
0x5f: {  	_ =	shalt  }
0x60: {  	_ =	shalt  }
0x61: {  	_ =	shalt  }
0x62: {  	_ =	shalt  }
0x63: {  	_ =	shalt  }
0x64: {  	_ =	shalt  }
0x65: {  	_ =	shalt  }
0x66: {  	_ =	shalt  }
0x67: {  	_ =	shalt  }
0x68: {  	_ =	shalt  }
0x69: {  	_ =	shalt  }
0x6a: {  	_ =	shalt  }
0x6b: {  	_ =	shalt  }
0x6c: {  	_ =	shalt  }
0x6d: {  	_ =	shalt  }
0x6e: {  	_ =	shalt  }
0x6f: {  	_ =	shalt  }
0x70: {  	_ =	shalt  }
0x71: {  	_ =	shalt  }
0x72: {  	_ =	shalt  }
0x73: {  	_ =	shalt  }
0x74: {  	_ =	shalt  }
0x75: {  	_ =	shalt  }
0x76: {  	_ =	shalt  }
0x77: {  	_ =	shalt  }
0x78: {  	_ =	shalt  }
0x79: {  	_ =	shalt  }
0x7a: {  	_ =	shalt  }
0x7b: {  	_ =	shalt  }
0x7c: {  	_ =	shalt  }
0x7d: {  	_ =	shalt  }
0x7e: {  	_ =	shalt  }
0x7f: {  	_ =	shalt  }
0x80: {  	_ =	shalt  }
0x81: {  	_ =	shalt  }
0x82: {  	_ =	shalt  }
0x83: {  	_ =	shalt  }
0x84: {  	_ =	shalt  }
0x85: {  	_ =	shalt  }
0x86: {  	_ =	shalt  }
0x87: {  	_ =	shalt  }
.Lfunc_end0:
.L_simem_size_0:
called_computation.3_lowered:
.L_overlay_start_0:
0x88: {  	s2 =	sld [smem:$0x3FD9]  }
0x89: {  	s3 =	sld [smem:$0x3FFE];
	_ =	sdelay $0x1  }
0x8a: {  	s1 =	srdreg.scid  }
0x8b: {  	s0 =	sand.u32 $0x1, s1  }
0x8c: {  	s17 =	sshll.u32 s0, $0xA;
	s2 =	sadd.s32 s3, s2  }
0x8d: {  	s2 =	sadd.s32 s2, s17  }
0x8e: {  	[smem:$0x3FC2] =	sst s2  }
0x8f: {  	_ = 	snop  }
0x90: {  	s2 =	sld [smem:$0x3FD0];
	(tm) =	ssettm $0x1  }
0x91: {  	s18 =	sld [smem:$0x3FFB];
	_ =	sdelay $0x3  }
0x92: {  	_ =	strace s18  }
0x93: {  	s3 =	sld [smem:$0x3FFC];
	_ =	sdelay $0x3  }
0x94: {  	_ =	strace s3  }
0x95: {  	s3 =	sld [smem:$0x3FFD];
	_ =	sdelay $0x3  }
0x96: {  	_ =	strace s3  }
0x97: {  	_ =	strace $0x8FFFFFFF  }
0x98: {  	s19 =	sld [smem:$0x3FDB];
	_ =	sdelay $0x1  }
0x99: {  	s4 =	simm.s32 $_scs_section_size  }
0x9a: {  	s5 =	simm.s32 $_size__tile_overlayer_lowered;
	s6 =	simm.s32 $_tile_overlayer_lowered  }
0x9b: {  	s22 =	simm.s32 $0x1BFF;
	s21 =	sshll.u32 s6, $0x1;
	s3 =	sadd.s32 s4, s19  }
0x9c: {  	s7 =	simm.s32 $0x0;
	s20 =	sshll.u32 s5, $0x1;
	s5 =	sadd.s32 s21, s3  }
0x9d: {  	[timem:s7], [sflag:s22] =	dma.local [hbm:s5], s20  }
0x9e: {  	_ =	swait.ge [sflag:s22], s20  }
0x9f: {  	s4 =	ssub.s32 $0x0, s20;
	[sflag:s22] =	ssyncset.done $0x0  }
0xa0: {  	[sflag:s22] =	ssyncadd.s32 s4;
	_ =	sdelay $0x1  }
0xa1: {  	s23 =	simm.s32 $0x1B8B  }
0xa2: {  	_ =	swait.ge [sflag:s23], $0x1  }
0xa3: {  	[sflag:s23] =	ssyncset.done $0x0  }
0xa4: {  	s25 =	simm.s32 $0x1B8E;
	s24 =	sld [smem:$0x3FFE];
	[sflag:s23] =	ssyncadd.s32 $0xFFFFFFFF  }
0xa5: {  	s26 =	simm.s32 $execute0_lowered;
	[smem:$0x3FD2] =	sst s25  }
0xa6: {  	s5 =	sshll.u32 s26, $0x1;
	_ =	strace $0x8000004F;
	[dreg:$0x1] =	wrdreg $0xFFFFFFFF  }
0xa7: {  	s28 =	simm.s32 $_size_execute0_lowered;
	s3 =	sadd.s32 s3, s5;
	[dreg:$0x0] =	wrdreg $0x0  }
0xa8: {  	s5 =	sshll.u32 s28, $0x1;
	[dreg:$0x2] =	wrdreg s3  }
0xa9: {  	[dreg:$0x3] =	wrdreg s5  }
0xaa: {  	[dreg:$0x4] =	wrdreg $0xC0  }
0xab: {  	_ =	task [dreg:s7], $0x5FFFF  }
0xac: {  	[dreg:$0x1] =	wrdreg $0xFFFFFFFF  }
0xad: {  	[dreg:$0x0] =	wrdreg $0x60  }
0xae: {  	[dreg:$0x2] =	wrdreg s2  }
0xaf: {  	[dreg:$0x3] =	wrdreg s24  }
0xb0: {  	[dreg:$0x4] =	wrdreg $0xA0000  }
0xb1: {  	[dreg:$0x5] =	wrdreg $0x9  }
0xb2: {  	_ =	task.clear_ibuf [dreg:s7], $0x6FFFF;
	_ =	strace $0x9000004F  }
0xb3: {  	s29 =	simm.s32 $0x9;
	_ =	strace $0x80000051  }
0xb4: {  	_ =	swait.ge [sflag:s29], $0x1  }
0xb5: {  	[sflag:s29] =	ssyncadd.s32 $0xFFFFFFFF  }
0xb6: {  	_ =	strace $0x90000051  }
0xb7: {  	_ =	sfence  }
0xb8: {  	s30 =	sld [smem:$0x0];
	_ =	sdelay $0x2  }
0xb9: {  	s31 =	sshll.u32 s1, $0xD;
	s1 =	sshrl.u32 s1, $0x2  }
0xba: {  	s3 =	sand.u32 $0x4000, s31;
	s1 =	sadd.s32 s1, s30  }
0xbb: {  	s0 =	sor.u32 s3, s0;
	s1 =	sshll.u32 s1, $0x11  }
0xbc: {  	s0 =	sor.u32 s1, s0  }
0xbd: {  	s0 =	sadd.s32 $0x8F2B, s0  }
0xbe: {  	[sflag:s0] =	ssyncadd.remote.s32 $0x1  }
0xbf: {  	_ =	sfence.sel $0xFFFF  }
0xc0: {  	[dreg:$0x0] =	wrdreg $0xFFFFFFFF;
	(pc) =	sbr.abs _section_cstart, $3  }
0xc1: {  	[dreg:$0x1] =	wrdreg $0xFFFFFFFF  }
0xc2: {  	_ =	task.clear_ibuf [dreg:s7], $0x2FFFF;
	_ =	strace $0x9FFFFFFF  }
0xc3: {  	(tm) =	ssettm $0x7FFFFFFF  }
tec
execute0_lowered:
.L_overlay_start_1:
0x0: {  	(tag) =	ssettag $0x1  }
0x1: {  	s1 =	rddreg [dreg:$0x0]  }
0x2: {  	s0 =	rddreg [dreg:$0x1]  }
0x3: {  	s2 =	rddreg [dreg:$0x2];
	s3 =	srdreg.scid  }
0x4: {  	s4 =	simm.s32 $0x0;
	s10 =	sand.u32 $0x1, s3;
	s3 =	stileid.u32  }
0x5: {  	[smem:$0x7FF] =	sst s4;
	s5 =	smul.u32 $0x140000, s10  }
0x6: {  	s11 =	sadd.s32 $0xBA400, s0;
	s12 =	sadd.s32 $0xB4400, s0;
	s6 =	smul.u32 $0x14000, s3  }
0x7: {  	s13 =	sadd.s32 $0xAC400, s0;
	s19 =	sadd.s32 $0xB0400, s0;
	s21 =	smul.u32 $0x50000, s3  }
0x8: {  	_ =	strace $0x80000050;
	s7 =	ssub.s32 $0x2, s10;
	s14 =	smul.u32 $0x3000, s3  }
0x9: {  	p0 =	seq.s32 s10, $0x1;
	s30 =	sshll.u32 s3, $0xA;
	s23 =	sshrl.u32 s7, $0x1  }
0xa: {  	s16 =	sadd.s32 s13, s30;
	s31 =	sor.u32 $0x200, s30;
	s17 =	sadd.s32 s19, s30  }
0xb: {  	s5 =	sadd.s32 s6, s5;
	s22 =	sshrl.u32 s21, $0x2;
	s21 =	ssub.s32 s7, s23  }
0xc: {  	s14 =	sshrl.u32 s14, $0x3;
	s18 =	sadd.s32 s13, s31;
	s19 =	sadd.s32 s19, s31  }
0xd: {  	s23 =	simm.s32 $0x3;
	s5 =	sshrl.u32 s5, $0x3;
	s24 =	sadd.s32 s11, s14  }
0xe: {  	s25 =	sadd.s32 $0x200, s14;
	s15 =	sadd.s32 s12, s14;
	s28 =	sadd.s32 $0x400, s14  }
0xf: {  	s21 =	smax.u32 s21, $0x1;
	s0 =	sadd.s32 s5, s0;
	[dreg:$0x4] =	wrdreg s24  }
0x10: {  	s5 =	sadd.s32 s22, s2;
	[dreg:$0x5] =	wrdreg s15;
	s26 =	sadd.s32 s11, s25  }
.Ltmp0:
0x11: {  	s10 =	sadd.s32 s12, s25;
	s29 =	sadd.s32 s11, s28;
	(pc) =	sbr.rel .LBB2_1-.Ltmp0, $4  }
0x12: {  	s15 =	sadd.s32 s12, s28;
	s22 =	simm.s32 $0x2000;
	s24 =	simm.s32 $0x80  }
0x13: {  	s25 =	simm.s32 $0x6000;
	s6 =	sadd.s32 $0x4000, s5;
	[dreg:$0x6] =	wrdreg s26  }
0x14: {  	s7 =	sadd.s32 $0x8000, s5;
	s8 =	sadd.s32 $0xC000, s5;
	[dreg:$0x7] =	wrdreg s10  }
0x15: {  	v0 =	vimm.f32 $0.0e+00;
	s9 =	sadd.s32 $0x10000, s5;
	[dreg:$0x8] =	wrdreg s29;
	s20 =	sadd.s32 $0x2400, s0  }
.LBB2_10:
0x16: {  	[tilespmem:s12], [sflag:s29] =	stream.indirect.gather @!p2 [hbm4b:s1+s13], $0x80, s28, s13, $0xb8;
	[tilespmem:$0x1E000] =	vst v63  }
0x17: {  	s10 =	sadd.s32 $0x1, s31  }
0x18: {  	_ =	swait.ge [sflag:s10], $0x4000  }
0x19: {  	[sflag:s10] =	ssyncset.done $0x0  }
0x1a: {  	s11 =	sor.u32 $0x2000, s11;
	[sflag:s10] =	ssyncadd.s32 $0xFFFFC000  }
0x1b: {  	[spmem:s2] =	stream.indirect.scatter.add.f32 [tilespmem:s11], [sflag:$0x3], $0x80, s0, s24, $0xb8;
	[tilespmem:$0x1E000] =	vst v63  }
0x1c: {  	_ =	swait.ge [sflag:s23], $0x4000  }
0x1d: {  	p1 =	sgt.u32 s26, $0x1D;
	[sflag:s23] =	ssyncset.done $0x0  }
0x1e: {  	s0 =	simm.s32 @!p1 $0x80;
	[sflag:s23] =	ssyncadd.s32 $0xFFFFC000  }
0x1f: {  	[tilespmem:s11], [sflag:s10] =	stream.indirect.gather @!p1 [hbm4b:s1+s0], $0x80, s30, s0, $0xb8;
	[tilespmem:$0x1E000] =	vst v63  }
.LBB2_16:
0x20: {  	s4 =	sadd.s32 $0x1, s4  }
0x21: {  	s0 =	sshll.u32 s3, $0x6;
	[bflag:$0x0] =	sbarrier.arrive $0xFFFF;
	p1 =	sne.s32 s4, s21  }
.Ltmp1:
0x22: {  	s10 =	sshrl.u32 s5, $0x3;
	s0 =	sor.u32 $0x1C03, s0;
	(pc) =	sbr.rel @!p1 .LBB2_17-.Ltmp1, $4  }
0x23: {  	[hbm:s20], [sflag:s0] =	dma.local [spmem:s10], $0x2800  }
0x24: {  	_ =	swait.ge [sflag:s23], $0x2800  }
0x25: {  	[sflag:s23] =	ssyncset.done $0x0  }
0x26: {  	[sflag:s23] =	ssyncadd.s32 $0xFFFFD800  }
.LBB2_1:
0x27: {  	s0 =	simm.s32 $0x0;
	s10 =	simm.s32 $0x200  }
.LBB2_2:
0x28: {  	p1 =	sne.s32 s10, $0xFE00;
	[tilespmem:s0+$0x2070] =	vst v0  }
0x29: {  	[tilespmem:s0+$0x2000] =	vst v0  }
0x2a: {  	[tilespmem:s0+$0x2010] =	vst v0  }
.Ltmp2:
0x2b: {  	[tilespmem:s0+$0x2020] =	vst v0;
	(pc) =	sbr.rel @p1 .LBB2_2-.Ltmp2, $4  }
0x2c: {  	[tilespmem:s0+$0x2030] =	vst v0  }
0x2d: {  	[tilespmem:s0+$0x2040] =	vst v0  }
0x2e: {  	[tilespmem:s0+$0x2050] =	vst v0  }
0x2f: {  	[tilespmem:s0+$0x2060] =	vst v0;
	s0 =	sshra.s32 s10, $0x2;
	s10 =	sadd.s32 $0x200, s10  }
0x30: {  	[tilespmem:s0+$0x2070] =	vst v0  }
0x31: {  	[tilespmem:s0+$0x2000] =	vst v0  }
0x32: {  	[tilespmem:s0+$0x2010] =	vst v0  }
0x33: {  	[tilespmem:s0+$0x2020] =	vst v0  }
0x34: {  	[tilespmem:s0+$0x2030] =	vst v0  }
0x35: {  	[tilespmem:s0+$0x2040] =	vst v0  }
0x36: {  	[tilespmem:s0+$0x2050] =	vst v0  }
0x37: {  	[tilespmem:s0+$0x2060] =	vst v0  }
0x38: {  	[spmem:s5] =	stream.linear.scatter [tilespmem:s22], [sflag:$0x3], $0x4000, $0x38;
	[tilespmem:$0x1E000] =	vst v63  }
0x39: {  	_ =	swait.ge [sflag:s23], $0x4000  }
0x3a: {  	[sflag:s23] =	ssyncset.done $0x0  }
0x3b: {  	[sflag:s23] =	ssyncadd.s32 $0xFFFFC000  }
0x3c: {  	[spmem:s6] =	stream.linear.scatter [tilespmem:s22], [sflag:$0x3], $0x4000, $0x38;
	[tilespmem:$0x1E000] =	vst v63  }
0x3d: {  	_ =	swait.ge [sflag:s23], $0x4000  }
0x3e: {  	[sflag:s23] =	ssyncset.done $0x0  }
0x3f: {  	[sflag:s23] =	ssyncadd.s32 $0xFFFFC000  }
0x40: {  	[spmem:s7] =	stream.linear.scatter [tilespmem:s22], [sflag:$0x3], $0x4000, $0x38;
	[tilespmem:$0x1E000] =	vst v63  }
0x41: {  	_ =	swait.ge [sflag:s23], $0x4000  }
0x42: {  	[sflag:s23] =	ssyncset.done $0x0  }
0x43: {  	[sflag:s23] =	ssyncadd.s32 $0xFFFFC000  }
0x44: {  	[spmem:s8] =	stream.linear.scatter [tilespmem:s22], [sflag:$0x3], $0x4000, $0x38;
	[tilespmem:$0x1E000] =	vst v63  }
0x45: {  	_ =	swait.ge [sflag:s23], $0x4000  }
0x46: {  	[sflag:s23] =	ssyncset.done $0x0  }
0x47: {  	[sflag:s23] =	ssyncadd.s32 $0xFFFFC000  }
0x48: {  	[spmem:s9] =	stream.linear.scatter [tilespmem:s22], [sflag:$0x3], $0x4000, $0x38;
	[tilespmem:$0x1E000] =	vst v63  }
.Ltmp3:
0x49: {  	_ =	swait.ge [sflag:s23], $0x4000;
	(pc) =	sbr.rel @!p0 .LBB2_4-.Ltmp3, $4  }
0x4a: {  	[sflag:s23] =	ssyncset.done $0x0  }
0x4b: {  	[sflag:s23] =	ssyncadd.s32 $0xFFFFC000  }
0x4c: {  	[bflag:$0x0] =	sbarrier.arrive $0xFFFF  }
0x4d: {  	s0 =	simm.s32 $0x0  }
0x4e: {  	[tilespmem:s0], [sflag:$0x3] =	stream.linear.gather [hbm4b:s16+s0], $0x1000, $0x38;
	[tilespmem:$0x1E000] =	vst v63  }
0x4f: {  	_ =	swait.ge [sflag:s23], $0x1000  }
0x50: {  	[sflag:s23] =	ssyncset.done $0x0  }
0x51: {  	s10 =	simm.s32 $0x1000;
	[sflag:s23] =	ssyncadd.s32 $0xFFFFF000  }
0x52: {  	[tilespmem:s10], [sflag:$0x3] =	stream.linear.gather [hbm4b:s17+s0], $0x1000, $0x38;
	[tilespmem:$0x1E000] =	vst v63  }
0x53: {  	_ =	swait.ge [sflag:s23], $0x1000  }
0x54: {  	[sflag:s23] =	ssyncset.done $0x0  }
0x55: {  	s14 =	sand.u32 $0x1, s0;
	[sflag:s23] =	ssyncadd.s32 $0xFFFFF000  }
0x56: {  	[tilespmem:s22], [sflag:$0x1] =	stream.indirect.gather [hbm4b:s1+s24], $0x80, s0, s24, $0xb8;
	[tilespmem:$0x1E000] =	vst v63  }
0x57: {  	s29 =	sadd.s32 $0x1, s14  }
0x58: {  	[tilespmem:s25], [sflag:$0x2] =	stream.indirect.gather [hbm4b:s1+s24], $0x80, s24, s24, $0xb8;
	[tilespmem:$0x1E000] =	vst v63  }
0x59: {  	s28 =	simm.s32 $0x100;
	_ =	swait.ge [sflag:s29], $0x4000  }
0x5a: {  	s26 =	simm.s32 $0x1;
	s0 =	sshll.u32 s14, $0xE;
	[sflag:s29] =	ssyncset.done $0x0  }
0x5b: {  	p2 =	por $0x0, $0x0;
	s12 =	sor.u32 $0x2000, s0;
	[sflag:s29] =	ssyncadd.s32 $0xFFFFC000  }
0x5c: {  	[spmem:s2] =	stream.indirect.scatter.add.f32 [tilespmem:s12], [sflag:$0x3], $0x80, s10, s24, $0xb8;
	[tilespmem:$0x1E000] =	vst v63  }
0x5d: {  	s30 =	simm.s32 $0x180;
	s31 =	sand.u32 $0x1, s26;
	_ =	swait.ge [sflag:s23], $0x4000  }
0x5e: {  	s13 =	simm.s32 @!p2 $0x80;
	s11 =	sshll.u32 s31, $0xE;
	[sflag:s23] =	ssyncset.done $0x0  }
0x5f: {  	s0 =	simm.s32 $0x1080;
	s10 =	simm.s32 $0x2;
	[sflag:s23] =	ssyncadd.s32 $0xFFFFC000  }
.LBB2_12:
0x60: {  	[tilespmem:s12], [sflag:s29] =	stream.indirect.gather @!p2 [hbm4b:s1+s13], $0x80, s28, s13, $0xb8;
	[tilespmem:$0x1E000] =	vst v63  }
0x61: {  	s13 =	smov.u32 s26;
	s26 =	smov.u32 s10;
	s28 =	smov.u32 s30  }
0x62: {  	s10 =	sadd.s32 $0x1, s10;
	s29 =	sadd.s32 $0x1, s31;
	s31 =	sand.u32 $0x1, s26  }
0x63: {  	p1 =	sne.s32 s10, $0x20;
	s14 =	sshll.u32 s31, $0xE;
	_ =	swait.ge [sflag:s29], $0x4000  }
0x64: {  	[sflag:s29] =	ssyncset.done $0x0  }
.Ltmp4:
0x65: {  	s12 =	sor.u32 $0x2000, s11;
	[sflag:s29] =	ssyncadd.s32 $0xFFFFC000;
	(pc) =	sbr.rel @p1 .LBB2_12-.Ltmp4, $4  }
0x66: {  	[spmem:s2] =	stream.indirect.scatter.add.f32 [tilespmem:s12], [sflag:$0x3], $0x80, s0, s24, $0xb8;
	[tilespmem:$0x1E000] =	vst v63  }
0x67: {  	s11 =	smov.u32 s14;
	_ =	swait.ge [sflag:s23], $0x4000  }
0x68: {  	p2 =	sgt.u32 s13, $0x1D;
	s0 =	sadd.s32 $0x80, s0;
	[sflag:s23] =	ssyncset.done $0x0  }
0x69: {  	s30 =	sadd.s32 $0x80, s30;
	s13 =	simm.s32 @!p2 $0x80;
	[sflag:s23] =	ssyncadd.s32 $0xFFFFC000  }
0x6a: {  	[tilespmem:s12], [sflag:s29] =	stream.indirect.gather @!p2 [hbm4b:s1+s13], $0x80, s28, s13, $0xb8;
	[tilespmem:$0x1E000] =	vst v63  }
0x6b: {  	s10 =	sadd.s32 $0x1, s31  }
0x6c: {  	_ =	swait.ge [sflag:s10], $0x4000  }
0x6d: {  	[sflag:s10] =	ssyncset.done $0x0  }
0x6e: {  	s11 =	sor.u32 $0x2000, s11;
	[sflag:s10] =	ssyncadd.s32 $0xFFFFC000  }
0x6f: {  	[spmem:s2] =	stream.indirect.scatter.add.f32 [tilespmem:s11], [sflag:$0x3], $0x80, s0, s24, $0xb8;
	[tilespmem:$0x1E000] =	vst v63  }
0x70: {  	_ =	swait.ge [sflag:s23], $0x4000  }
0x71: {  	p1 =	sgt.u32 s26, $0x1D;
	[sflag:s23] =	ssyncset.done $0x0  }
0x72: {  	s0 =	simm.s32 @!p1 $0x80;
	[sflag:s23] =	ssyncadd.s32 $0xFFFFC000  }
0x73: {  	[tilespmem:s11], [sflag:s10] =	stream.indirect.gather @!p1 [hbm4b:s1+s0], $0x80, s30, s0, $0xb8;
	[tilespmem:$0x1E000] =	vst v63  }
0x74: {  	s13 =	simm.s32 $0x0  }
0x75: {  	[tilespmem:s13], [sflag:$0x3] =	stream.linear.gather [hbm4b:s18+s13], $0x1000, $0x38;
	[tilespmem:$0x1E000] =	vst v63  }
0x76: {  	_ =	swait.ge [sflag:s23], $0x1000  }
0x77: {  	[sflag:s23] =	ssyncset.done $0x0  }
0x78: {  	s14 =	simm.s32 $0x1000;
	[sflag:s23] =	ssyncadd.s32 $0xFFFFF000  }
0x79: {  	[tilespmem:s14], [sflag:$0x3] =	stream.linear.gather [hbm4b:s19+s13], $0x1000, $0x38;
	[tilespmem:$0x1E000] =	vst v63  }
0x7a: {  	_ =	swait.ge [sflag:s23], $0x1000  }
0x7b: {  	[sflag:s23] =	ssyncset.done $0x0  }
0x7c: {  	s0 =	sand.u32 $0x1, s13;
	[sflag:s23] =	ssyncadd.s32 $0xFFFFF000  }
0x7d: {  	[tilespmem:s22], [sflag:$0x1] =	stream.indirect.gather [hbm4b:s1+s24], $0x80, s13, s24, $0xb8;
	[tilespmem:$0x1E000] =	vst v63  }
0x7e: {  	s29 =	sadd.s32 $0x1, s0  }
0x7f: {  	[tilespmem:s25], [sflag:$0x2] =	stream.indirect.gather [hbm4b:s1+s24], $0x80, s24, s24, $0xb8;
	[tilespmem:$0x1E000] =	vst v63  }
0x80: {  	s28 =	simm.s32 $0x100;
	_ =	swait.ge [sflag:s29], $0x4000  }
0x81: {  	s26 =	simm.s32 $0x1;
	s0 =	sshll.u32 s0, $0xE;
	[sflag:s29] =	ssyncset.done $0x0  }
0x82: {  	p2 =	por $0x0, $0x0;
	s12 =	sor.u32 $0x2000, s0;
	[sflag:s29] =	ssyncadd.s32 $0xFFFFC000  }
0x83: {  	[spmem:s2] =	stream.indirect.scatter.add.f32 [tilespmem:s12], [sflag:$0x3], $0x80, s14, s24, $0xb8;
	[tilespmem:$0x1E000] =	vst v63  }
0x84: {  	s31 =	sand.u32 $0x1, s26;
	s10 =	simm.s32 $0x2;
	_ =	swait.ge [sflag:s23], $0x4000  }
0x85: {  	s11 =	sshll.u32 s31, $0xE;
	s30 =	simm.s32 $0x180;
	[sflag:s23] =	ssyncset.done $0x0  }
0x86: {  	s0 =	simm.s32 $0x1080;
	s13 =	simm.s32 @!p2 $0x80;
	[sflag:s23] =	ssyncadd.s32 $0xFFFFC000  }
.LBB2_14:
0x87: {  	[tilespmem:s12], [sflag:s29] =	stream.indirect.gather @!p2 [hbm4b:s1+s13], $0x80, s28, s13, $0xb8;
	[tilespmem:$0x1E000] =	vst v63  }
0x88: {  	s13 =	smov.u32 s26;
	s26 =	smov.u32 s10;
	s28 =	smov.u32 s30  }
0x89: {  	s10 =	sadd.s32 $0x1, s10;
	s29 =	sadd.s32 $0x1, s31;
	s31 =	sand.u32 $0x1, s26  }
0x8a: {  	p1 =	sne.s32 s10, $0x20;
	s14 =	sshll.u32 s31, $0xE;
	_ =	swait.ge [sflag:s29], $0x4000  }
0x8b: {  	[sflag:s29] =	ssyncset.done $0x0  }
.Ltmp5:
0x8c: {  	s12 =	sor.u32 $0x2000, s11;
	[sflag:s29] =	ssyncadd.s32 $0xFFFFC000;
	(pc) =	sbr.rel @p1 .LBB2_14-.Ltmp5, $4  }
0x8d: {  	[spmem:s2] =	stream.indirect.scatter.add.f32 [tilespmem:s12], [sflag:$0x3], $0x80, s0, s24, $0xb8;
	[tilespmem:$0x1E000] =	vst v63  }
0x8e: {  	s11 =	smov.u32 s14;
	_ =	swait.ge [sflag:s23], $0x4000  }
0x8f: {  	p2 =	sgt.u32 s13, $0x1D;
	s0 =	sadd.s32 $0x80, s0;
	[sflag:s23] =	ssyncset.done $0x0  }
0x90: {  	s30 =	sadd.s32 $0x80, s30;
	s13 =	simm.s32 @!p2 $0x80;
	[sflag:s23] =	ssyncadd.s32 $0xFFFFC000  }
0x91: {  	[tilespmem:s12], [sflag:s29] =	stream.indirect.gather @!p2 [hbm4b:s1+s13], $0x80, s28, s13, $0xb8;
	[tilespmem:$0x1E000] =	vst v63  }
0x92: {  	s10 =	sadd.s32 $0x1, s31  }
0x93: {  	_ =	swait.ge [sflag:s10], $0x4000  }
0x94: {  	[sflag:s10] =	ssyncset.done $0x0  }
0x95: {  	s11 =	sor.u32 $0x2000, s11;
	[sflag:s10] =	ssyncadd.s32 $0xFFFFC000  }
0x96: {  	[spmem:s2] =	stream.indirect.scatter.add.f32 [tilespmem:s11], [sflag:$0x3], $0x80, s0, s24, $0xb8;
	[tilespmem:$0x1E000] =	vst v63  }
.Ltmp6:
0x97: {  	_ = 	snop;
	(pc) =	sbr.rel .LBB2_16-.Ltmp6, $4  }
0x98: {  	_ =	swait.ge [sflag:s23], $0x4000  }
0x99: {  	p1 =	sgt.u32 s26, $0x1D;
	[sflag:s23] =	ssyncset.done $0x0  }
0x9a: {  	s0 =	simm.s32 @!p1 $0x80;
	[sflag:s23] =	ssyncadd.s32 $0xFFFFC000  }
0x9b: {  	[tilespmem:s11], [sflag:s10] =	stream.indirect.gather @!p1 [hbm4b:s1+s0], $0x80, s30, s0, $0xb8;
	[tilespmem:$0x1E000] =	vst v63  }
.LBB2_4:
0x9c: {  	s10 =	rddreg [dreg:$0x4]  }
0x9d: {  	[tilespmem:s0], [sflag:$0x3] =	stream.linear.gather [hbm4b:s10+s0], $0x1000, $0x38;
	[tilespmem:$0x1E000] =	vst v63  }
0x9e: {  	_ =	swait.ge [sflag:s23], $0x1000  }
0x9f: {  	[sflag:s23] =	ssyncset.done $0x0  }
0xa0: {  	s13 =	simm.s32 $0x1000;
	s11 =	rddreg [dreg:$0x5];
	[sflag:s23] =	ssyncadd.s32 $0xFFFFF000  }
0xa1: {  	[tilespmem:s13], [sflag:$0x3] =	stream.linear.gather [hbm4b:s11+s0], $0x1000, $0x38;
	[tilespmem:$0x1E000] =	vst v63  }
0xa2: {  	_ =	swait.ge [sflag:s23], $0x1000  }
0xa3: {  	[sflag:s23] =	ssyncset.done $0x0  }
0xa4: {  	s14 =	sand.u32 $0x1, s0;
	[sflag:s23] =	ssyncadd.s32 $0xFFFFF000  }
0xa5: {  	[tilespmem:s22], [sflag:$0x1] =	stream.indirect.gather [hbm4b:s1+s24], $0x80, s0, s24, $0xb8;
	[tilespmem:$0x1E000] =	vst v63  }
0xa6: {  	s29 =	sadd.s32 $0x1, s14  }
0xa7: {  	[tilespmem:s25], [sflag:$0x2] =	stream.indirect.gather [hbm4b:s1+s24], $0x80, s24, s24, $0xb8;
	[tilespmem:$0x1E000] =	vst v63  }
0xa8: {  	s28 =	simm.s32 $0x100;
	_ =	swait.ge [sflag:s29], $0x4000  }
0xa9: {  	s26 =	simm.s32 $0x1;
	s0 =	sshll.u32 s14, $0xE;
	[sflag:s29] =	ssyncset.done $0x0  }
0xaa: {  	p2 =	por $0x0, $0x0;
	s12 =	sor.u32 $0x2000, s0;
	[sflag:s29] =	ssyncadd.s32 $0xFFFFC000  }
0xab: {  	[spmem:s2] =	stream.indirect.scatter.add.f32 [tilespmem:s12], [sflag:$0x3], $0x80, s13, s24, $0xb8;
	[tilespmem:$0x1E000] =	vst v63  }
0xac: {  	s30 =	simm.s32 $0x180;
	s31 =	sand.u32 $0x1, s26;
	_ =	swait.ge [sflag:s23], $0x4000  }
0xad: {  	s10 =	simm.s32 $0x2;
	s11 =	sshll.u32 s31, $0xE;
	[sflag:s23] =	ssyncset.done $0x0  }
0xae: {  	s0 =	simm.s32 $0x1080;
	s13 =	simm.s32 @!p2 $0x80;
	[sflag:s23] =	ssyncadd.s32 $0xFFFFC000  }
.LBB2_5:
0xaf: {  	[tilespmem:s12], [sflag:s29] =	stream.indirect.gather @!p2 [hbm4b:s1+s13], $0x80, s28, s13, $0xb8;
	[tilespmem:$0x1E000] =	vst v63  }
0xb0: {  	s13 =	smov.u32 s26;
	s26 =	smov.u32 s10;
	s28 =	smov.u32 s30  }
0xb1: {  	s10 =	sadd.s32 $0x1, s10;
	s29 =	sadd.s32 $0x1, s31;
	s31 =	sand.u32 $0x1, s26  }
0xb2: {  	p1 =	sne.s32 s10, $0x20;
	s14 =	sshll.u32 s31, $0xE;
	_ =	swait.ge [sflag:s29], $0x4000  }
0xb3: {  	[sflag:s29] =	ssyncset.done $0x0  }
.Ltmp7:
0xb4: {  	s12 =	sor.u32 $0x2000, s11;
	[sflag:s29] =	ssyncadd.s32 $0xFFFFC000;
	(pc) =	sbr.rel @p1 .LBB2_5-.Ltmp7, $4  }
0xb5: {  	[spmem:s2] =	stream.indirect.scatter.add.f32 [tilespmem:s12], [sflag:$0x3], $0x80, s0, s24, $0xb8;
	[tilespmem:$0x1E000] =	vst v63  }
0xb6: {  	s11 =	smov.u32 s14;
	_ =	swait.ge [sflag:s23], $0x4000  }
0xb7: {  	p2 =	sgt.u32 s13, $0x1D;
	s0 =	sadd.s32 $0x80, s0;
	[sflag:s23] =	ssyncset.done $0x0  }
0xb8: {  	s30 =	sadd.s32 $0x80, s30;
	s13 =	simm.s32 @!p2 $0x80;
	[sflag:s23] =	ssyncadd.s32 $0xFFFFC000  }
0xb9: {  	[tilespmem:s12], [sflag:s29] =	stream.indirect.gather @!p2 [hbm4b:s1+s13], $0x80, s28, s13, $0xb8;
	[tilespmem:$0x1E000] =	vst v63  }
0xba: {  	s10 =	sadd.s32 $0x1, s31  }
0xbb: {  	_ =	swait.ge [sflag:s10], $0x4000  }
0xbc: {  	[sflag:s10] =	ssyncset.done $0x0  }
0xbd: {  	s11 =	sor.u32 $0x2000, s11;
	[sflag:s10] =	ssyncadd.s32 $0xFFFFC000  }
0xbe: {  	[spmem:s2] =	stream.indirect.scatter.add.f32 [tilespmem:s11], [sflag:$0x3], $0x80, s0, s24, $0xb8;
	[tilespmem:$0x1E000] =	vst v63  }
0xbf: {  	_ =	swait.ge [sflag:s23], $0x4000  }
0xc0: {  	p1 =	sgt.u32 s26, $0x1D;
	[sflag:s23] =	ssyncset.done $0x0  }
0xc1: {  	s0 =	simm.s32 @!p1 $0x80;
	[sflag:s23] =	ssyncadd.s32 $0xFFFFC000  }
0xc2: {  	[tilespmem:s11], [sflag:s10] =	stream.indirect.gather @!p1 [hbm4b:s1+s0], $0x80, s30, s0, $0xb8;
	[tilespmem:$0x1E000] =	vst v63  }
0xc3: {  	s12 =	simm.s32 $0x0;
	s13 =	rddreg [dreg:$0x6]  }
0xc4: {  	[tilespmem:s12], [sflag:$0x3] =	stream.linear.gather [hbm4b:s13+s12], $0x1000, $0x38;
	[tilespmem:$0x1E000] =	vst v63  }
0xc5: {  	_ =	swait.ge [sflag:s23], $0x1000  }
0xc6: {  	[sflag:s23] =	ssyncset.done $0x0  }
0xc7: {  	s14 =	simm.s32 $0x1000;
	s26 =	rddreg [dreg:$0x7];
	[sflag:s23] =	ssyncadd.s32 $0xFFFFF000  }
0xc8: {  	[tilespmem:s14], [sflag:$0x3] =	stream.linear.gather [hbm4b:s26+s12], $0x1000, $0x38;
	[tilespmem:$0x1E000] =	vst v63  }
0xc9: {  	_ =	swait.ge [sflag:s23], $0x1000  }
0xca: {  	[sflag:s23] =	ssyncset.done $0x0  }
0xcb: {  	s0 =	sand.u32 $0x1, s12;
	[sflag:s23] =	ssyncadd.s32 $0xFFFFF000  }
0xcc: {  	[tilespmem:s22], [sflag:$0x1] =	stream.indirect.gather [hbm4b:s1+s24], $0x80, s12, s24, $0xb8;
	[tilespmem:$0x1E000] =	vst v63  }
0xcd: {  	s29 =	sadd.s32 $0x1, s0  }
0xce: {  	[tilespmem:s25], [sflag:$0x2] =	stream.indirect.gather [hbm4b:s1+s24], $0x80, s24, s24, $0xb8;
	[tilespmem:$0x1E000] =	vst v63  }
0xcf: {  	s28 =	simm.s32 $0x100;
	_ =	swait.ge [sflag:s29], $0x4000  }
0xd0: {  	p2 =	por $0x0, $0x0;
	s0 =	sshll.u32 s0, $0xE;
	[sflag:s29] =	ssyncset.done $0x0  }
0xd1: {  	s10 =	simm.s32 $0x2;
	s12 =	sor.u32 $0x2000, s0;
	[sflag:s29] =	ssyncadd.s32 $0xFFFFC000  }
0xd2: {  	[spmem:s2] =	stream.indirect.scatter.add.f32 [tilespmem:s12], [sflag:$0x3], $0x80, s14, s24, $0xb8;
	[tilespmem:$0x1E000] =	vst v63  }
0xd3: {  	s30 =	simm.s32 $0x180;
	s26 =	simm.s32 $0x1;
	_ =	swait.ge [sflag:s23], $0x4000  }
0xd4: {  	s13 =	simm.s32 @!p2 $0x80;
	s31 =	sand.u32 $0x1, s26;
	[sflag:s23] =	ssyncset.done $0x0  }
0xd5: {  	s11 =	sshll.u32 s31, $0xE;
	s0 =	simm.s32 $0x1080;
	[sflag:s23] =	ssyncadd.s32 $0xFFFFC000  }
.LBB2_7:
0xd6: {  	[tilespmem:s12], [sflag:s29] =	stream.indirect.gather @!p2 [hbm4b:s1+s13], $0x80, s28, s13, $0xb8;
	[tilespmem:$0x1E000] =	vst v63  }
0xd7: {  	s13 =	smov.u32 s26;
	s26 =	smov.u32 s10;
	s28 =	smov.u32 s30  }
0xd8: {  	s10 =	sadd.s32 $0x1, s10;
	s29 =	sadd.s32 $0x1, s31;
	s31 =	sand.u32 $0x1, s26  }
0xd9: {  	p1 =	sne.s32 s10, $0x20;
	s14 =	sshll.u32 s31, $0xE;
	_ =	swait.ge [sflag:s29], $0x4000  }
0xda: {  	[sflag:s29] =	ssyncset.done $0x0  }
.Ltmp8:
0xdb: {  	s12 =	sor.u32 $0x2000, s11;
	[sflag:s29] =	ssyncadd.s32 $0xFFFFC000;
	(pc) =	sbr.rel @p1 .LBB2_7-.Ltmp8, $4  }
0xdc: {  	[spmem:s2] =	stream.indirect.scatter.add.f32 [tilespmem:s12], [sflag:$0x3], $0x80, s0, s24, $0xb8;
	[tilespmem:$0x1E000] =	vst v63  }
0xdd: {  	s11 =	smov.u32 s14;
	_ =	swait.ge [sflag:s23], $0x4000  }
0xde: {  	p2 =	sgt.u32 s13, $0x1D;
	s0 =	sadd.s32 $0x80, s0;
	[sflag:s23] =	ssyncset.done $0x0  }
0xdf: {  	s30 =	sadd.s32 $0x80, s30;
	s13 =	simm.s32 @!p2 $0x80;
	[sflag:s23] =	ssyncadd.s32 $0xFFFFC000  }
0xe0: {  	[tilespmem:s12], [sflag:s29] =	stream.indirect.gather @!p2 [hbm4b:s1+s13], $0x80, s28, s13, $0xb8;
	[tilespmem:$0x1E000] =	vst v63  }
0xe1: {  	s10 =	sadd.s32 $0x1, s31  }
0xe2: {  	_ =	swait.ge [sflag:s10], $0x4000  }
0xe3: {  	[sflag:s10] =	ssyncset.done $0x0  }
0xe4: {  	s11 =	sor.u32 $0x2000, s11;
	[sflag:s10] =	ssyncadd.s32 $0xFFFFC000  }
0xe5: {  	[spmem:s2] =	stream.indirect.scatter.add.f32 [tilespmem:s11], [sflag:$0x3], $0x80, s0, s24, $0xb8;
	[tilespmem:$0x1E000] =	vst v63  }
0xe6: {  	_ =	swait.ge [sflag:s23], $0x4000  }
0xe7: {  	p1 =	sgt.u32 s26, $0x1D;
	[sflag:s23] =	ssyncset.done $0x0  }
0xe8: {  	s0 =	simm.s32 @!p1 $0x80;
	[sflag:s23] =	ssyncadd.s32 $0xFFFFC000  }
0xe9: {  	[tilespmem:s11], [sflag:s10] =	stream.indirect.gather @!p1 [hbm4b:s1+s0], $0x80, s30, s0, $0xb8;
	[tilespmem:$0x1E000] =	vst v63  }
0xea: {  	s12 =	simm.s32 $0x0;
	s13 =	rddreg [dreg:$0x8]  }
0xeb: {  	[tilespmem:s12], [sflag:$0x3] =	stream.linear.gather [hbm4b:s13+s12], $0x1000, $0x38;
	[tilespmem:$0x1E000] =	vst v63  }
0xec: {  	_ =	swait.ge [sflag:s23], $0x1000  }
0xed: {  	[sflag:s23] =	ssyncset.done $0x0  }
0xee: {  	s14 =	simm.s32 $0x1000;
	[sflag:s23] =	ssyncadd.s32 $0xFFFFF000  }
0xef: {  	[tilespmem:s14], [sflag:$0x3] =	stream.linear.gather [hbm4b:s15+s12], $0x1000, $0x38;
	[tilespmem:$0x1E000] =	vst v63  }
0xf0: {  	_ =	swait.ge [sflag:s23], $0x1000  }
0xf1: {  	[sflag:s23] =	ssyncset.done $0x0  }
0xf2: {  	s0 =	sand.u32 $0x1, s12;
	[sflag:s23] =	ssyncadd.s32 $0xFFFFF000  }
0xf3: {  	[tilespmem:s22], [sflag:$0x1] =	stream.indirect.gather [hbm4b:s1+s24], $0x80, s12, s24, $0xb8;
	[tilespmem:$0x1E000] =	vst v63  }
0xf4: {  	s29 =	sadd.s32 $0x1, s0  }
0xf5: {  	[tilespmem:s25], [sflag:$0x2] =	stream.indirect.gather [hbm4b:s1+s24], $0x80, s24, s24, $0xb8;
	[tilespmem:$0x1E000] =	vst v63  }
0xf6: {  	s28 =	simm.s32 $0x100;
	_ =	swait.ge [sflag:s29], $0x4000  }
0xf7: {  	s26 =	simm.s32 $0x1;
	s0 =	sshll.u32 s0, $0xE;
	[sflag:s29] =	ssyncset.done $0x0  }
0xf8: {  	p2 =	por $0x0, $0x0;
	s12 =	sor.u32 $0x2000, s0;
	[sflag:s29] =	ssyncadd.s32 $0xFFFFC000  }
0xf9: {  	[spmem:s2] =	stream.indirect.scatter.add.f32 [tilespmem:s12], [sflag:$0x3], $0x80, s14, s24, $0xb8;
	[tilespmem:$0x1E000] =	vst v63  }
0xfa: {  	s31 =	sand.u32 $0x1, s26;
	s10 =	simm.s32 $0x2;
	_ =	swait.ge [sflag:s23], $0x4000  }
0xfb: {  	s11 =	sshll.u32 s31, $0xE;
	s30 =	simm.s32 $0x180;
	[sflag:s23] =	ssyncset.done $0x0  }
0xfc: {  	s13 =	simm.s32 @!p2 $0x80;
	s0 =	simm.s32 $0x1080;
	[sflag:s23] =	ssyncadd.s32 $0xFFFFC000  }
.LBB2_9:
0xfd: {  	[tilespmem:s12], [sflag:s29] =	stream.indirect.gather @!p2 [hbm4b:s1+s13], $0x80, s28, s13, $0xb8;
	[tilespmem:$0x1E000] =	vst v63  }
0xfe: {  	s13 =	smov.u32 s26;
	s26 =	smov.u32 s10;
	s28 =	smov.u32 s30  }
0xff: {  	s10 =	sadd.s32 $0x1, s10;
	s29 =	sadd.s32 $0x1, s31;
	s31 =	sand.u32 $0x1, s26  }
0x100: {  	p1 =	seq.s32 s10, $0x20;
	s14 =	sshll.u32 s31, $0xE;
	_ =	swait.ge [sflag:s29], $0x4000  }
0x101: {  	[sflag:s29] =	ssyncset.done $0x0  }
.Ltmp9:
0x102: {  	s12 =	sor.u32 $0x2000, s11;
	[sflag:s29] =	ssyncadd.s32 $0xFFFFC000;
	(pc) =	sbr.rel @!p1 .LBB2_9-.Ltmp9, $4  }
0x103: {  	[spmem:s2] =	stream.indirect.scatter.add.f32 [tilespmem:s12], [sflag:$0x3], $0x80, s0, s24, $0xb8;
	[tilespmem:$0x1E000] =	vst v63  }
0x104: {  	s11 =	smov.u32 s14;
	_ =	swait.ge [sflag:s23], $0x4000  }
0x105: {  	p2 =	sgt.u32 s13, $0x1D;
	s0 =	sadd.s32 $0x80, s0;
	[sflag:s23] =	ssyncset.done $0x0  }
0x106: {  	s30 =	sadd.s32 $0x80, s30;
	s13 =	simm.s32 @!p2 $0x80;
	[sflag:s23] =	ssyncadd.s32 $0xFFFFC000  }
.Ltmp10:
0x107: {  	_ = 	snop;
	(pc) =	sbr.rel .LBB2_10-.Ltmp10, $1  }
0x108: {  	_ =	sdelay $0x3  }
.LBB2_17:
0x109: {  	_ =	sfence.sel $0x180000  }
0x10a: {  	[bflag:$0x0] =	sbarrier.arrive $0xFFFF  }
0x10b: {  	_ =	strace $0x90000050  }
0x10c: {  	[bflag:$0x2] =	sbarrier.arrive $0xFFFF  }
0x10d: {  	p0 =	sne.s32 s3, $0x0;
	s0 =	rddreg [dreg:$0x3]  }
0x10e: {  	s0 =	sadd.s32 @!p0 $0x100000, s0  }
0x10f: {  	[sflag:s0] =	ssyncadd.tile.s32 @!p0 $0x1;
	_ =	shalt  }
.Lfunc_end2:
_tile_overlayer_lowered:
.L_overlay_start_2:
0x110: {  	(tag) =	ssettag $0x2  }
0x111: {  	s0 =	rddreg [dreg:$0x0];
	s2 =	stileid.u32  }
0x112: {  	s1 =	rddreg [dreg:$0x1];
	p0 =	sne.s32 s2, $0x0  }
0x113: {  	s3 =	rddreg [dreg:$0x2];
	[bflag:$0x3] =	sbarrier.arrive $0xFFFF;
	s2 =	simm.s32 @!p0 $0x1C03  }
0x114: {  	[timem:s3], [sflag:s2] =	dma.local @!p0 [hbm:s0], s1  }
0x115: {  	s0 =	simm.s32 @!p0 $0x3  }
0x116: {  	_ =	swait.ge @!p0 [sflag:s0], s1  }
0x117: {  	s1 =	ssub.s32 @!p0 $0x0, s1;
	[sflag:s0] =	ssyncset.done @!p0 $0x0  }
0x118: {  	[sflag:s0] =	ssyncadd.s32 @!p0 s1  }
0x119: {  	[bflag:$0x3] =	sbarrier.arrive $0xFFFF  }
0x11a: {  	_ =	shalt  }

// kernel: kernel.9.cloned.1.call-start
scs
__scs_entry_jumppad:
0x0: {  	(pc) =	sbr.rel $0x88, $3  }
0x1: {  	(tag) =	ssettag $0x0;
	lr =	simm.s32 $0x1  }
0x2: {  	[smem:$0x3F9B] =	sst lr;
	_ =	strace $0xD0000000  }
0x3: {  	_ = 	snop  }
0x4: {  	_ = 	snop  }
0x5: {  	_ = 	snop  }
0x6: {  	_ = 	snop  }
0x7: {  	_ = 	snop  }
__scs_overlays_trampoline_lowered:
0x8: {  	[smem:$0x3FAA] =	sst s0  }
0x9: {  	[smem:$0x3FAB] =	sst s1  }
0xa: {  	[smem:$0x3FAC] =	sst s2  }
0xb: {  	[smem:$0x3FAD] =	sst s3  }
0xc: {  	[smem:$0x3FAE] =	sst s4  }
0xd: {  	[smem:$0x3FAF] =	sst s5  }
0xe: {  	[smem:$0x3FB0] =	sst s6  }
0xf: {  	[smem:$0x3FB1] =	sst s7  }
0x10: {  	[smem:$0x3FB2] =	sst s8  }
0x11: {  	[smem:$0x3FB3] =	sst s9;
	s0 =	simm.s32 @!p0 $0x0  }
0x12: {  	s1 =	sld [smem:$0x3F99];
	s0 =	simm.s32 @p0 $0x1  }
0x13: {  	[smem:$0x3FB4] =	sst s0;
	s0 =	simm.s32 @!p1 $0x0  }
0x14: {  	s2 =	sld [smem:$0x3F98];
	s0 =	simm.s32 @p1 $0x1  }
0x15: {  	[smem:$0x3FB5] =	sst s0;
	s0 =	simm.s32 @!p2 $0x0  }
0x16: {  	s3 =	sld [smem:$0x3FDB];
	s0 =	simm.s32 @p2 $0x1  }
0x17: {  	s4 =	simm.s32 $0x1BF5;
	[smem:$0x3FB7] =	sst s0  }
0x18: {  	s0 =	sld [smem:$0x3F9A];
	_ =	swait.ge [sflag:s4], $0x0  }
0x19: {  	s7 =	sld [smem:$0x3F9B]  }
0x1a: {  	s8 =	sadd.s32 $0xFFFFE003, lr  }
0x1b: {  	s9 =	sadd.s32 $0xFFFFFEF7, lr;
	s5 =	simm.s32 $0xFFFFFFFF;
	p2 =	slt.u32 s8, $0xFFFFF086  }
0x1c: {  	p1 =	slt.u32 s9, $0xF7A;
	s5 =	simm.s32 @!p2 $0x0  }
0x1d: {  	s5 =	simm.s32 @p1 $0x1;
	p0 =	seq.s32 s7, s2  }
0x1e: {  	s7 =	smul.u32 @!p0 $0xF7A, s2;
	p2 =	seq.s32 @!p0 s5, $0x0  }
0x1f: {  	s9 =	smul.u32 $0xF7A, s1;
	s8 =	simm.s32 @!p0 $0x1BF5;
	p2 =	por !p2, p0  }
0x20: {  	[sflag:s8] =	ssyncset.s32 @!p0 $0xFFFFF086;
	s6 =	sadd.s32 @!p0 s3, s7;
	s7 =	simm.s32 @!p0 $0x108  }
0x21: {  	s3 =	sadd.s32 s3, s9;
	s6 =	sadd.s32 @!p0 $0x88, s6;
	s7 =	simm.s32 @p2 $0x1082  }
0x22: {  	[simem:s7], [sflag:s8] =	dma.local @!p0 [hbm:s6], $0xF7A  }
0x23: {  	s9 =	sor.u32 $0xD0000000, s2;
	s6 =	simm.s32 $0x108;
	_ =	swait.ge @!p0 [sflag:s8], $0x0  }
0x24: {  	s3 =	sadd.s32 $0x88, s3;
	s6 =	simm.s32 @!p1 $0x1082;
	[sflag:s4] =	ssyncset.s32 $0xFFFFF086  }
0x25: {  	[simem:s6], [sflag:s4] =	dma.local [hbm:s3], $0xF7A  }
0x26: {  	[smem:$0x3F9B] =	sst s1;
	(tag) =	ssettag s2;
	_ =	strace s9  }
0x27: {  	s1 =	sld [smem:$0x3FAB]  }
0x28: {  	s2 =	sld [smem:$0x3FAC]  }
0x29: {  	s4 =	sld [smem:$0x3FAE]  }
0x2a: {  	p0 =	seq.s32 s5, $0x0;
	s5 =	sld [smem:$0x3FAF]  }
0x2b: {  	s6 =	sld [smem:$0x3FB0]  }
0x2c: {  	s7 =	sld [smem:$0x3FB1]  }
0x2d: {  	s3 =	simm.s32 $0x108;
	s8 =	sld [smem:$0x3FB2]  }
0x2e: {  	s3 =	simm.s32 @!p0 $0x1082;
	s9 =	sld [smem:$0x3FB3]  }
0x2f: {  	lr =	sadd.s32 s0, s3;
	s0 =	sld [smem:$0x3FAA]  }
0x30: {  	s3 =	sld [smem:$0x3FAD]  }
0x31: {  	[smem:$0x3FB6] =	sst s10  }
0x32: {  	s10 =	sld [smem:$0x3FB4];
	_ =	sdelay $0x3  }
0x33: {  	p0 =	seq.s32 s10, $0x1;
	s10 =	sld [smem:$0x3FB6];
	_ =	sdelay $0x3  }
0x34: {  	[smem:$0x3FB6] =	sst s10  }
0x35: {  	s10 =	sld [smem:$0x3FB5];
	_ =	sdelay $0x3  }
0x36: {  	p1 =	seq.s32 s10, $0x1;
	s10 =	sld [smem:$0x3FB6];
	_ =	sdelay $0x3  }
0x37: {  	[smem:$0x3FB6] =	sst s10  }
0x38: {  	s10 =	sld [smem:$0x3FB7]  }
0x39: {  	_ = 	snop;
	(pc) =	sbr.ind lr, $3  }
0x3a: {  	_ = 	snop  }
0x3b: {  	_ = 	snop  }
0x3c: {  	p2 =	seq.s32 s10, $0x1;
	s10 =	sld [smem:$0x3FB6]  }
0x3d: {  	_ =	shalt  }
0x3e: {  	_ =	shalt  }
0x3f: {  	_ =	shalt  }
0x40: {  	_ =	shalt  }
0x41: {  	_ =	shalt  }
0x42: {  	_ =	shalt  }
0x43: {  	_ =	shalt  }
0x44: {  	_ =	shalt  }
0x45: {  	_ =	shalt  }
0x46: {  	_ =	shalt  }
0x47: {  	_ =	shalt  }
0x48: {  	_ =	shalt  }
0x49: {  	_ =	shalt  }
0x4a: {  	_ =	shalt  }
0x4b: {  	_ =	shalt  }
0x4c: {  	_ =	shalt  }
0x4d: {  	_ =	shalt  }
0x4e: {  	_ =	shalt  }
0x4f: {  	_ =	shalt  }
0x50: {  	_ =	shalt  }
0x51: {  	_ =	shalt  }
0x52: {  	_ =	shalt  }
0x53: {  	_ =	shalt  }
0x54: {  	_ =	shalt  }
0x55: {  	_ =	shalt  }
0x56: {  	_ =	shalt  }
0x57: {  	_ =	shalt  }
0x58: {  	_ =	shalt  }
0x59: {  	_ =	shalt  }
0x5a: {  	_ =	shalt  }
0x5b: {  	_ =	shalt  }
0x5c: {  	_ =	shalt  }
0x5d: {  	_ =	shalt  }
0x5e: {  	_ =	shalt  }
0x5f: {  	_ =	shalt  }
0x60: {  	_ =	shalt  }
0x61: {  	_ =	shalt  }
0x62: {  	_ =	shalt  }
0x63: {  	_ =	shalt  }
0x64: {  	_ =	shalt  }
0x65: {  	_ =	shalt  }
0x66: {  	_ =	shalt  }
0x67: {  	_ =	shalt  }
0x68: {  	_ =	shalt  }
0x69: {  	_ =	shalt  }
0x6a: {  	_ =	shalt  }
0x6b: {  	_ =	shalt  }
0x6c: {  	_ =	shalt  }
0x6d: {  	_ =	shalt  }
0x6e: {  	_ =	shalt  }
0x6f: {  	_ =	shalt  }
0x70: {  	_ =	shalt  }
0x71: {  	_ =	shalt  }
0x72: {  	_ =	shalt  }
0x73: {  	_ =	shalt  }
0x74: {  	_ =	shalt  }
0x75: {  	_ =	shalt  }
0x76: {  	_ =	shalt  }
0x77: {  	_ =	shalt  }
0x78: {  	_ =	shalt  }
0x79: {  	_ =	shalt  }
0x7a: {  	_ =	shalt  }
0x7b: {  	_ =	shalt  }
0x7c: {  	_ =	shalt  }
0x7d: {  	_ =	shalt  }
0x7e: {  	_ =	shalt  }
0x7f: {  	_ =	shalt  }
0x80: {  	_ =	shalt  }
0x81: {  	_ =	shalt  }
0x82: {  	_ =	shalt  }
0x83: {  	_ =	shalt  }
0x84: {  	_ =	shalt  }
0x85: {  	_ =	shalt  }
0x86: {  	_ =	shalt  }
0x87: {  	_ =	shalt  }
.Lfunc_end0:
.L_simem_size_0:
called_computation_lowered:
.L_overlay_start_0:
0x88: {  	s2 =	sld [smem:$0x3FD9]  }
0x89: {  	s3 =	sld [smem:$0x3FFE];
	_ =	sdelay $0x1  }
0x8a: {  	s1 =	srdreg.scid  }
0x8b: {  	s0 =	sand.u32 $0x1, s1  }
0x8c: {  	s17 =	sshll.u32 s0, $0xA;
	s2 =	sadd.s32 s3, s2  }
0x8d: {  	s2 =	sadd.s32 s2, s17  }
0x8e: {  	[smem:$0x3FC2] =	sst s2  }
0x8f: {  	_ = 	snop  }
0x90: {  	s2 =	sld [smem:$0x3FD0];
	(tm) =	ssettm $0x1  }
0x91: {  	s18 =	sld [smem:$0x3FFB];
	_ =	sdelay $0x3  }
0x92: {  	_ =	strace s18  }
0x93: {  	s3 =	sld [smem:$0x3FFC];
	_ =	sdelay $0x3  }
0x94: {  	_ =	strace s3  }
0x95: {  	s3 =	sld [smem:$0x3FFD];
	_ =	sdelay $0x3  }
0x96: {  	_ =	strace s3  }
0x97: {  	_ =	strace $0x8FFFFFFF  }
0x98: {  	s19 =	sld [smem:$0x3FDB];
	_ =	sdelay $0x1  }
0x99: {  	s4 =	simm.s32 $_scs_section_size  }
0x9a: {  	s5 =	simm.s32 $_size__tile_overlayer_lowered;
	s6 =	simm.s32 $_tile_overlayer_lowered  }
0x9b: {  	s22 =	simm.s32 $0x1BFF;
	s21 =	sshll.u32 s6, $0x1;
	s3 =	sadd.s32 s4, s19  }
0x9c: {  	s7 =	simm.s32 $0x0;
	s20 =	sshll.u32 s5, $0x1;
	s5 =	sadd.s32 s21, s3  }
0x9d: {  	[timem:s7], [sflag:s22] =	dma.local [hbm:s5], s20  }
0x9e: {  	_ =	swait.ge [sflag:s22], s20  }
0x9f: {  	s4 =	ssub.s32 $0x0, s20;
	[sflag:s22] =	ssyncset.done $0x0  }
0xa0: {  	[sflag:s22] =	ssyncadd.s32 s4;
	_ =	sdelay $0x1  }
0xa1: {  	s23 =	simm.s32 $0x1B8B  }
0xa2: {  	_ =	swait.ge [sflag:s23], $0x1  }
0xa3: {  	[sflag:s23] =	ssyncset.done $0x0  }
0xa4: {  	s25 =	simm.s32 $0x1B8E;
	s24 =	sld [smem:$0x3FFE];
	[sflag:s23] =	ssyncadd.s32 $0xFFFFFFFF  }
0xa5: {  	s26 =	simm.s32 $execute0_lowered;
	[smem:$0x3FD2] =	sst s25  }
0xa6: {  	s5 =	sshll.u32 s26, $0x1;
	_ =	strace $0x80000046;
	[dreg:$0x1] =	wrdreg $0xFFFFFFFF  }
0xa7: {  	s28 =	simm.s32 $_size_execute0_lowered;
	s3 =	sadd.s32 s3, s5;
	[dreg:$0x0] =	wrdreg $0x0  }
0xa8: {  	s5 =	sshll.u32 s28, $0x1;
	[dreg:$0x2] =	wrdreg s3  }
0xa9: {  	[dreg:$0x3] =	wrdreg s5  }
0xaa: {  	[dreg:$0x4] =	wrdreg $0xC0  }
0xab: {  	_ =	task [dreg:s7], $0x5FFFF  }
0xac: {  	[dreg:$0x1] =	wrdreg $0xFFFFFFFF  }
0xad: {  	[dreg:$0x0] =	wrdreg $0x60  }
0xae: {  	[dreg:$0x2] =	wrdreg s2  }
0xaf: {  	[dreg:$0x3] =	wrdreg s24  }
0xb0: {  	[dreg:$0x4] =	wrdreg $0x68000  }
0xb1: {  	[dreg:$0x5] =	wrdreg $0xA  }
0xb2: {  	_ =	task.clear_ibuf [dreg:s7], $0x6FFFF;
	_ =	strace $0x90000046  }
0xb3: {  	s29 =	simm.s32 $0xA;
	_ =	strace $0x80000048  }
0xb4: {  	_ =	swait.ge [sflag:s29], $0x1  }
0xb5: {  	[sflag:s29] =	ssyncadd.s32 $0xFFFFFFFF  }
0xb6: {  	_ =	strace $0x90000048  }
0xb7: {  	_ =	sfence  }
0xb8: {  	s30 =	sld [smem:$0x0];
	_ =	sdelay $0x2  }
0xb9: {  	s31 =	sshll.u32 s1, $0xD;
	s1 =	sshrl.u32 s1, $0x2  }
0xba: {  	s3 =	sand.u32 $0x4000, s31;
	s1 =	sadd.s32 s1, s30  }
0xbb: {  	s0 =	sor.u32 s3, s0;
	s1 =	sshll.u32 s1, $0x11  }
0xbc: {  	s0 =	sor.u32 s1, s0  }
0xbd: {  	s0 =	sadd.s32 $0x8F2B, s0  }
0xbe: {  	[sflag:s0] =	ssyncadd.remote.s32 $0x1  }
0xbf: {  	_ =	sfence.sel $0xFFFF  }
0xc0: {  	[dreg:$0x0] =	wrdreg $0xFFFFFFFF;
	(pc) =	sbr.abs _section_cstart, $3  }
0xc1: {  	[dreg:$0x1] =	wrdreg $0xFFFFFFFF  }
0xc2: {  	_ =	task.clear_ibuf [dreg:s7], $0x2FFFF;
	_ =	strace $0x9FFFFFFF  }
0xc3: {  	(tm) =	ssettm $0x7FFFFFFF  }
tec
execute0_lowered:
.L_overlay_start_1:
0x0: {  	(tag) =	ssettag $0x1  }
0x1: {  	s9 =	rddreg [dreg:$0x0]  }
0x2: {  	s6 =	rddreg [dreg:$0x1]  }
0x3: {  	s2 =	rddreg [dreg:$0x2]  }
0x4: {  	s0 =	srdreg.scid;
	s1 =	rddreg [dreg:$0x3]  }
0x5: {  	s3 =	simm.s32 $0x0;
	s13 =	simm.s32 $0x5;
	s14 =	simm.s32 $0x80  }
0x6: {  	s15 =	simm.s32 $0x100;
	s16 =	simm.s32 $0x180;
	s17 =	simm.s32 $0x1  }
0x7: {  	s18 =	simm.s32 $0x2;
	s19 =	simm.s32 $0x3;
	s4 =	sand.u32 $0x1, s0  }
0x8: {  	s20 =	simm.s32 $0x4;
	s0 =	stileid.u32;
	s5 =	smul.u32 $0x140000, s4  }
0x9: {  	s21 =	simm.s32 $0x0;
	[smem:$0x7FF] =	sst s3;
	s7 =	smul.u32 $0x14000, s0  }
0xa: {  	s26 =	smul.u32 $0x50000, s0;
	_ =	strace $0x80000047;
	s29 =	ssub.s32 $0x2, s4  }
0xb: {  	s28 =	sshll.u32 s0, $0x1;
	s31 =	sshrl.u32 s29, $0x1;
	s5 =	sadd.s32 s7, s5  }
0xc: {  	s30 =	sshrl.u32 s26, $0x2;
	s12 =	ssub.s32 s29, s31;
	s5 =	sshrl.u32 s5, $0x3  }
0xd: {  	s10 =	sadd.s32 s5, s6;
	s5 =	sor.u32 s4, s28;
	s4 =	sadd.s32 s30, s2  }
0xe: {  	s11 =	smul.u32 $0x500, s5;
	s5 =	sadd.s32 $0x4000, s4;
	s6 =	sadd.s32 $0x8000, s4  }
0xf: {  	s7 =	sadd.s32 $0xC000, s4;
	s8 =	sadd.s32 $0x10000, s4;
	s10 =	sadd.s32 $0xC400, s10  }
0x10: {  	v0 =	vimm.f32 $0.0e+00;
	v1 =	vimm.f32 $1.000000000e+00;
	s9 =	sadd.s32 s9, s11;
	s11 =	smax.u32 s12, $0x1;
	s12 =	simm.s32 $0x2800  }
.LBB2_1:
0x11: {  	s22 =	simm.s32 $0x0;
	s23 =	simm.s32 $0x200  }
.LBB2_2:
0x12: {  	p0 =	sne.s32 s23, $0xFE00;
	[tilespmem:s22+$0x2870] =	vst v0  }
0x13: {  	[tilespmem:s22+$0x2800] =	vst v0  }
0x14: {  	[tilespmem:s22+$0x2810] =	vst v0  }
.Ltmp0:
0x15: {  	[tilespmem:s22+$0x2820] =	vst v0;
	(pc) =	sbr.rel @p0 .LBB2_2-.Ltmp0, $4  }
0x16: {  	[tilespmem:s22+$0x2830] =	vst v0  }
0x17: {  	[tilespmem:s22+$0x2840] =	vst v0  }
0x18: {  	[tilespmem:s22+$0x2850] =	vst v0  }
0x19: {  	[tilespmem:s22+$0x2860] =	vst v0;
	s22 =	sshra.s32 s23, $0x2;
	s23 =	sadd.s32 $0x200, s23  }
0x1a: {  	[tilespmem:s22+$0x2870] =	vst v0  }
0x1b: {  	[tilespmem:s22+$0x2800] =	vst v0  }
0x1c: {  	[tilespmem:s22+$0x2810] =	vst v0  }
0x1d: {  	[tilespmem:s22+$0x2820] =	vst v0  }
0x1e: {  	[tilespmem:s22+$0x2830] =	vst v0  }
0x1f: {  	[tilespmem:s22+$0x2840] =	vst v0  }
0x20: {  	[tilespmem:s22+$0x2850] =	vst v0  }
0x21: {  	[tilespmem:s22+$0x2860] =	vst v0  }
0x22: {  	[spmem:s4] =	stream.linear.scatter [tilespmem:s12], [sflag:$0x5], $0x4000, $0x38;
	[tilespmem:$0x1A800] =	vst v63  }
0x23: {  	_ =	swait.ge [sflag:s13], $0x4000  }
0x24: {  	[sflag:s13] =	ssyncset.done $0x0  }
0x25: {  	[sflag:s13] =	ssyncadd.s32 $0xFFFFC000  }
0x26: {  	[spmem:s5] =	stream.linear.scatter [tilespmem:s12], [sflag:$0x5], $0x4000, $0x38;
	[tilespmem:$0x1A800] =	vst v63  }
0x27: {  	_ =	swait.ge [sflag:s13], $0x4000  }
0x28: {  	[sflag:s13] =	ssyncset.done $0x0  }
0x29: {  	[sflag:s13] =	ssyncadd.s32 $0xFFFFC000  }
0x2a: {  	[spmem:s6] =	stream.linear.scatter [tilespmem:s12], [sflag:$0x5], $0x4000, $0x38;
	[tilespmem:$0x1A800] =	vst v63  }
0x2b: {  	_ =	swait.ge [sflag:s13], $0x4000  }
0x2c: {  	[sflag:s13] =	ssyncset.done $0x0  }
0x2d: {  	[sflag:s13] =	ssyncadd.s32 $0xFFFFC000  }
0x2e: {  	[spmem:s7] =	stream.linear.scatter [tilespmem:s12], [sflag:$0x5], $0x4000, $0x38;
	[tilespmem:$0x1A800] =	vst v63  }
0x2f: {  	_ =	swait.ge [sflag:s13], $0x4000  }
0x30: {  	[sflag:s13] =	ssyncset.done $0x0  }
0x31: {  	[sflag:s13] =	ssyncadd.s32 $0xFFFFC000  }
0x32: {  	[spmem:s8] =	stream.linear.scatter [tilespmem:s12], [sflag:$0x5], $0x4000, $0x38;
	[tilespmem:$0x1A800] =	vst v63  }
0x33: {  	_ =	swait.ge [sflag:s13], $0x4000  }
0x34: {  	[sflag:s13] =	ssyncset.done $0x0  }
0x35: {  	s22 =	simm.s32 $0x0;
	s23 =	simm.s32 $0x200;
	[sflag:s13] =	ssyncadd.s32 $0xFFFFC000  }
.LBB2_4:
0x36: {  	p0 =	sne.s32 s23, $0xFE00;
	[tilespmem:s22+$0x2870] =	vst v1  }
0x37: {  	[tilespmem:s22+$0x2800] =	vst v1  }
0x38: {  	[tilespmem:s22+$0x2810] =	vst v1  }
.Ltmp1:
0x39: {  	[tilespmem:s22+$0x2820] =	vst v1;
	(pc) =	sbr.rel @p0 .LBB2_4-.Ltmp1, $4  }
0x3a: {  	[tilespmem:s22+$0x2830] =	vst v1  }
0x3b: {  	[tilespmem:s22+$0x2840] =	vst v1  }
0x3c: {  	[tilespmem:s22+$0x2850] =	vst v1  }
0x3d: {  	[tilespmem:s22+$0x2860] =	vst v1;
	s22 =	sshra.s32 s23, $0x2;
	s23 =	sadd.s32 $0x200, s23  }
0x3e: {  	[tilespmem:s22+$0x2870] =	vst v1  }
0x3f: {  	[tilespmem:s22+$0x2800] =	vst v1  }
0x40: {  	[tilespmem:s22+$0x2810] =	vst v1  }
0x41: {  	[tilespmem:s22+$0x2820] =	vst v1  }
0x42: {  	[tilespmem:s22+$0x2830] =	vst v1  }
0x43: {  	[tilespmem:s22+$0x2840] =	vst v1  }
0x44: {  	[tilespmem:s22+$0x2850] =	vst v1  }
0x45: {  	[tilespmem:s22+$0x2860] =	vst v1  }
0x46: {  	[bflag:$0x0] =	sbarrier.arrive $0xFFFF  }
0x47: {  	[tilespmem:s3], [sflag:$0x5] =	stream.linear.gather [hbm4b:s9+s3], $0x2800, $0x38;
	[tilespmem:$0x1A800] =	vst v63  }
0x48: {  	_ =	swait.ge [sflag:s13], $0x2800  }
0x49: {  	[sflag:s13] =	ssyncset.done $0x0  }
0x4a: {  	[sflag:s13] =	ssyncadd.s32 $0xFFFFD800  }
0x4b: {  	[spmem:s2] =	stream.indirect.scatter.add.f32 [tilespmem:s12], [sflag:$0x1], $0x80, s3, s14, $0xb8;
	[tilespmem:$0x1A800] =	vst v63  }
0x4c: {  	s31 =	simm.s32 $0x4  }
0x4d: {  	[spmem:s2] =	stream.indirect.scatter.add.f32 [tilespmem:s12], [sflag:$0x2], $0x80, s14, s14, $0xb8;
	[tilespmem:$0x1A800] =	vst v63  }
0x4e: {  	s22 =	sand.u32 $0x3, s31  }
0x4f: {  	[spmem:s2] =	stream.indirect.scatter.add.f32 [tilespmem:s12], [sflag:$0x3], $0x80, s15, s14, $0xb8;
	[tilespmem:$0x1A800] =	vst v63  }
0x50: {  	s23 =	sadd.s32 $0x1, s22  }
0x51: {  	[spmem:s2] =	stream.indirect.scatter.add.f32 [tilespmem:s12], [sflag:$0x4], $0x80, s16, s14, $0xb8;
	[tilespmem:$0x1A800] =	vst v63  }
0x52: {  	_ =	swait.ge [sflag:s23], $0x4000  }
0x53: {  	s24 =	simm.s32 $0x5;
	[sflag:s23] =	ssyncset.done $0x0  }
0x54: {  	s24 =	sand.u32 $0x3, s24;
	s22 =	simm.s32 $0x200;
	[sflag:s23] =	ssyncadd.s32 $0xFFFFC000  }
0x55: {  	[spmem:s2] =	stream.indirect.scatter.add.f32 [tilespmem:s12], [sflag:s23], $0x80, s22, s14, $0xb8;
	[tilespmem:$0x1A800] =	vst v63  }
0x56: {  	s23 =	sadd.s32 $0x1, s24  }
0x57: {  	s24 =	simm.s32 $0x6;
	_ =	swait.ge [sflag:s23], $0x4000  }
.LBB2_6:
0x58: {  	s25 =	sand.u32 $0x3, s24  }
0x59: {  	[sflag:s23] =	ssyncset.done $0x0;
	s22 =	sadd.s32 $0x80, s22;
	p0 =	sne.s32 s24, $0x4F  }
.Ltmp2:
0x5a: {  	s25 =	sadd.s32 $0x1, s25;
	[sflag:s23] =	ssyncadd.s32 $0xFFFFC000;
	(pc) =	sbr.rel @p0 .LBB2_6-.Ltmp2, $3  }
0x5b: {  	[spmem:s2] =	stream.indirect.scatter.add.f32 [tilespmem:s12], [sflag:s23], $0x80, s22, s14, $0xb8;
	[tilespmem:$0x1A800] =	vst v63  }
0x5c: {  	s23 =	smov.u32 s25;
	_ =	swait.ge [sflag:s25], $0x4000;
	_ =	sdelay $0x1  }
0x5d: {  	s24 =	sadd.s32 $0x1, s24  }
0x5e: {  	[sflag:s23] =	ssyncset.done $0x0  }
0x5f: {  	s22 =	sadd.s32 $0x80, s22;
	[sflag:s23] =	ssyncadd.s32 $0xFFFFC000  }
0x60: {  	[spmem:s2] =	stream.indirect.scatter.add.f32 [tilespmem:s12], [sflag:s23], $0x80, s22, s14, $0xb8;
	[tilespmem:$0x1A800] =	vst v63  }
0x61: {  	_ =	swait.ge [sflag:s17], $0x4000  }
0x62: {  	[sflag:s17] =	ssyncset.done $0x0  }
0x63: {  	[sflag:s17] =	ssyncadd.s32 $0xFFFFC000  }
0x64: {  	_ =	swait.ge [sflag:s18], $0x4000  }
0x65: {  	[sflag:s18] =	ssyncset.done $0x0  }
0x66: {  	[sflag:s18] =	ssyncadd.s32 $0xFFFFC000  }
0x67: {  	_ =	swait.ge [sflag:s19], $0x4000  }
0x68: {  	[sflag:s19] =	ssyncset.done $0x0  }
0x69: {  	[sflag:s19] =	ssyncadd.s32 $0xFFFFC000  }
0x6a: {  	_ =	swait.ge [sflag:s20], $0x4000  }
0x6b: {  	s30 =	sshll.u32 s0, $0x6;
	s21 =	sadd.s32 $0x1, s21;
	[sflag:s20] =	ssyncset.done $0x0  }
0x6c: {  	s31 =	sshrl.u32 s4, $0x3;
	p0 =	sne.s32 s21, s11;
	[sflag:s20] =	ssyncadd.s32 $0xFFFFC000  }
.Ltmp3:
0x6d: {  	s22 =	sor.u32 $0x1C05, s30;
	[bflag:$0x0] =	sbarrier.arrive $0xFFFF;
	(pc) =	sbr.rel @p0 .LBB2_1-.Ltmp3, $4  }
0x6e: {  	[hbm:s10], [sflag:s22] =	dma.local [spmem:s31], $0x2800  }
0x6f: {  	_ =	swait.ge [sflag:s13], $0x2800  }
0x70: {  	[sflag:s13] =	ssyncset.done $0x0  }
0x71: {  	[sflag:s13] =	ssyncadd.s32 $0xFFFFD800  }
0x72: {  	_ =	sfence.sel $0x180000  }
0x73: {  	[bflag:$0x0] =	sbarrier.arrive $0xFFFF  }
0x74: {  	p0 =	sne.s32 s0, $0x0;
	_ =	strace $0x90000047  }
0x75: {  	s0 =	sadd.s32 @!p0 $0x100000, s1;
	[bflag:$0x2] =	sbarrier.arrive $0xFFFF  }
0x76: {  	[sflag:s0] =	ssyncadd.tile.s32 @!p0 $0x1;
	_ =	shalt  }
.Lfunc_end2:
_tile_overlayer_lowered:
.L_overlay_start_2:
0x77: {  	(tag) =	ssettag $0x2  }
0x78: {  	s0 =	rddreg [dreg:$0x0];
	s2 =	stileid.u32  }
0x79: {  	s1 =	rddreg [dreg:$0x1];
	p0 =	sne.s32 s2, $0x0  }
0x7a: {  	s3 =	rddreg [dreg:$0x2];
	[bflag:$0x3] =	sbarrier.arrive $0xFFFF;
	s2 =	simm.s32 @!p0 $0x1C05  }
0x7b: {  	[timem:s3], [sflag:s2] =	dma.local @!p0 [hbm:s0], s1  }
0x7c: {  	s0 =	simm.s32 @!p0 $0x5  }
0x7d: {  	_ =	swait.ge @!p0 [sflag:s0], s1  }
0x7e: {  	s1 =	ssub.s32 @!p0 $0x0, s1;
	[sflag:s0] =	ssyncset.done @!p0 $0x0  }
0x7f: {  	[sflag:s0] =	ssyncadd.s32 @!p0 s1  }
0x80: {  	[bflag:$0x3] =	sbarrier.arrive $0xFFFF  }
0x81: {  	_ =	shalt  }

</sc_bundles>
